<compile_context>
chip_gen: v7x
topology: tpu7x:2x2x1
jax: 0.10.2.dev20260603
libtpu: 0.0.44.dev20260713+nightly
codegen_flags: <defaults>
</compile_context>

<pallas_src>
import functools

import jax
import jax.numpy as jnp
from jax import lax
from jax.experimental import pallas as pl
from jax.experimental.pallas import tpu as pltpu
from jax.experimental.pallas import tpu_sc as plsc

_EPS = 1e-5
_K = 16
_ROWS = 256
_G = 512
_CH = 128


def _knn_call(points, ptsT, features, DW):
    B, N, _ = points.shape
    C = features.shape[2]

    def body(pts_ref, ptsT_ref, f_ref, idx_ref, tab_ref):
        b = pl.program_id(0)
        pr = pts_ref[0]
        pt = ptsT_ref[0]
        tab_ref[:, 0:C] = f_ref[0]
        tab_ref[:, C:C + 3] = pr
        tab_ref[:, C + 3:DW] = jnp.zeros((pr.shape[0], DW - C - 3), jnp.float32)
        sqr = jnp.sum(pr * pr, axis=1, keepdims=True)
        sqc = jnp.sum(pt * pt, axis=0, keepdims=True)
        d = sqr + sqc - 2.0 * jnp.dot(pr, pt, preferred_element_type=jnp.float32)
        iota = lax.broadcasted_iota(jnp.int32, d.shape, 1)
        i32 = jnp.int32
        f32 = jnp.float32
        hmask = i32(-4096)

        d0 = jnp.maximum(d, 0.0) + f32(1.1754944e-38)
        key = lax.bitcast_convert_type(
            (lax.bitcast_convert_type(d0, i32) & hmask) | iota, f32)
        ms = []
        prev = jnp.full((d.shape[0], 1), -jnp.inf, f32)
        for _ in range(_K):
            prev = jnp.min(jnp.where(key > prev, key, jnp.inf), axis=1,
                           keepdims=True)
            ms.append(prev)
        mbits = lax.bitcast_convert_type(jnp.concatenate(ms, axis=1), i32)
        dpart = mbits & hmask
        idx_sel = mbits & i32(0xFFF)

        q = dpart[:, _K - 1:_K]
        clsn = dpart == q
        r_row = jnp.sum(clsn.astype(i32), axis=1, keepdims=True)
        ranks = []
        acc = jnp.zeros_like(r_row)
        for t in range(_K):
            ranks.append(acc)
            acc = acc + clsn[:, t:t + 1].astype(i32)
        rank = jnp.concatenate(ranks, axis=1)
        qlo = lax.bitcast_convert_type(q, f32)
        qhi = lax.bitcast_convert_type(q | i32(0xFFF), f32)
        dc = jnp.where((key >= qlo) & (key <= qhi), d0, jnp.inf)
        maxr = jnp.max(r_row)
        rshape = (d.shape[0], 1)

        def fix_body(carry):
            i, pd, pidx, oidx = carry
            live = (dc > pd) | ((dc == pd) & (iota > pidx))
            md = jnp.min(jnp.where(live, dc, jnp.inf), axis=1, keepdims=True)
            mi = jnp.min(jnp.where(live & (dc == md), iota, N), axis=1,
                         keepdims=True)
            oidx = jnp.where(clsn & (rank == i) & (r_row > i), mi, oidx)
            return i + 1, md, mi, oidx

        _, _, _, idx_fix = lax.while_loop(
            lambda c: c[0] < maxr, fix_body,
            (i32(0), jnp.full(rshape, -jnp.inf, f32),
             jnp.full(rshape, -1, i32), idx_sel))
        idx_ref[0] = idx_fix + b * N

    return pl.pallas_call(
        body,
        grid=(B, N // _ROWS),
        in_specs=[
            pl.BlockSpec((1, _ROWS, 3), lambda b, i: (b, i, 0)),
            pl.BlockSpec((1, 3, N), lambda b, i: (b, 0, 0)),
            pl.BlockSpec((1, _ROWS, C), lambda b, i: (b, i, 0)),
        ],
        out_specs=[
            pl.BlockSpec((1, _ROWS, _K), lambda b, i: (b, i, 0)),
            pl.BlockSpec((_ROWS, DW), lambda b, i: (b * (N // _ROWS) + i, 0)),
        ],
        out_shape=[
            jax.ShapeDtypeStruct((B, N, _K), jnp.int32),
            jax.ShapeDtypeStruct((B * N, DW), jnp.float32),
        ],
    )(points, ptsT, features)


def _sc_gather(tab, idxf):
    _, DW = tab.shape
    T = idxf.shape[0]
    info = plsc.get_sparse_core_info()
    nw = info.num_cores * info.num_subcores
    q = T // nw
    nch = q // _CH
    mesh = plsc.VectorSubcoreMesh(core_axis_name="c", subcore_axis_name="s")

    NB = 4
    assert nch % NB == 0

    @functools.partial(
        pl.kernel, mesh=mesh,
        compiler_params=pltpu.CompilerParams(use_tc_tiling_on_sc=False),
        out_type=jax.ShapeDtypeStruct((T, DW), jnp.float32),
        scratch_types=[
            pltpu.VMEM((NB, _CH), jnp.int32),
            pltpu.VMEM((NB, _CH, DW), jnp.float32),
            pltpu.SemaphoreType.DMA,
            pltpu.SemaphoreType.DMA,
            pltpu.SemaphoreType.DMA,
            pltpu.SemaphoreType.DMA,
        ],
    )
    def k(tab_hbm, idx_hbm, out_hbm, idx_v, rows_v, sem0, sem1, sem2, sem3):
        wid = lax.axis_index("s") * info.num_cores + lax.axis_index("c")
        base = wid * q
        sems = (sem0, sem1, sem2, sem3)

        def start(ci, bb):
            off = base + ci * _CH
            pltpu.sync_copy(idx_hbm.at[pl.ds(off, _CH)], idx_v.at[bb])
            pltpu.async_copy(tab_hbm.at[idx_v.at[bb]], rows_v.at[bb], sems[bb])

        def finish(ci, bb):
            pltpu.make_async_copy(tab_hbm.at[idx_v.at[bb]], rows_v.at[bb],
                                  sems[bb]).wait()
            off = base + ci * _CH
            pltpu.sync_copy(rows_v.at[bb], out_hbm.at[pl.ds(off, _CH)])

        for bb in range(NB):
            start(bb, bb)

        def body(cb, carry):
            ci = NB * cb
            for bb in range(NB):
                finish(ci + bb, bb)
                start(ci + bb + NB, bb)
            return carry

        lax.fori_loop(0, nch // NB - 1, body, 0)
        for bb in range(NB):
            finish(nch - NB + bb, bb)

    return k(tab, idxf)


def kernel(points, features, W_geom, g_geom, b_geom, W_sem, g_sem, b_sem,
           W_fuse, g_fuse, b_fuse):
    B, N, _ = points.shape
    C = features.shape[2]
    O = W_geom.shape[0]
    BN = B * N
    M = float(BN * _K)
    f32 = jnp.float32

    DW = 48
    ptsT = jnp.transpose(points, (0, 2, 1))
    idx_g, tab = _knn_call(points, ptsT, features, DW)

    idxT = idx_g.reshape(BN, _K).T.reshape(_K * BN)
    gath = _sc_gather(tab, idxT).reshape(_K, BN, DW)

    cp = points.reshape(BN, 3)
    cf = features.reshape(BN, C)

    wg2 = W_geom[:, 3:6].T
    wg12 = (W_geom[:, 0:3] - W_geom[:, 3:6]).T
    ws2 = W_sem[:, C:2 * C].T
    ws12 = (W_sem[:, 0:C] - W_sem[:, C:2 * C]).T
    wf1 = W_fuse[:, 0:O].T
    wf2 = W_fuse[:, O:2 * O].T

    gath_spec = pl.BlockSpec((_K, _G, DW), lambda i: (0, i, 0))
    row_spec3 = pl.BlockSpec((_G, 3), lambda i: (i, 0))
    row_specC = pl.BlockSpec((_G, C), lambda i: (i, 0))
    full = lambda *shape: pl.BlockSpec(shape, lambda i: tuple(0 for _ in shape))
    nsteps = BN // _G

    def _y12(g_ref, wg2_ref, ws2_ref, j, t1, t2):
        gf = g_ref[j, :, 0:C]
        gp = g_ref[j, :, C:C + 3]
        y1 = jnp.dot(gp, wg2_ref[...], preferred_element_type=f32) + t1
        y2 = jnp.dot(gf, ws2_ref[...], preferred_element_type=f32) + t2
        return y1, y2

    def _t12(cp_ref, cf_ref, wg12_ref, ws12_ref):
        t1 = jnp.dot(cp_ref[...], wg12_ref[...], preferred_element_type=f32)
        t2 = jnp.dot(cf_ref[...], ws12_ref[...], preferred_element_type=f32)
        return t1, t2

    def p1(g_ref, cp_ref, cf_ref, wg2_ref, wg12_ref, ws2_ref, ws12_ref, mom_ref):
        t1, t2 = _t12(cp_ref, cf_ref, wg12_ref, ws12_ref)
        ay1 = jnp.zeros_like(t1)
        aq1 = jnp.zeros_like(t1)
        ay2 = jnp.zeros_like(t2)
        aq2 = jnp.zeros_like(t2)
        for j in range(_K):
            y1, y2 = _y12(g_ref, wg2_ref, ws2_ref, j, t1, t2)
            ay1 += y1
            aq1 += y1 * y1
            ay2 += y2
            aq2 += y2 * y2
        rows = jnp.concatenate(
            [jnp.sum(a, axis=0, keepdims=True) for a in (ay1, aq1, ay2, aq2)],
            axis=0)

        @pl.when(pl.program_id(0) == 0)
        def _():
            mom_ref[...] = jnp.zeros_like(mom_ref)

        mom_ref[0:4, :] = mom_ref[0:4, :] + rows

    mom = pl.pallas_call(
        p1,
        grid=(nsteps,),
        in_specs=[gath_spec, row_spec3, row_specC, full(3, O), full(3, O),
                  full(C, O), full(C, O)],
        out_specs=full(8, O),
        out_shape=jax.ShapeDtypeStruct((8, O), f32),
    )(gath, cp, cf, wg2, wg12, ws2, ws12)

    mean1 = mom[0] / M
    var1 = mom[1] / M - mean1 * mean1
    a1 = g_geom / jnp.sqrt(var1 + _EPS)
    c1 = b_geom - mean1 * a1
    mean2 = mom[2] / M
    var2 = mom[3] / M - mean2 * mean2
    a2 = g_sem / jnp.sqrt(var2 + _EPS)
    c2 = b_sem - mean2 * a2
    coef12 = jnp.zeros((8, O), f32).at[0].set(a1).at[1].set(c1).at[2].set(a2).at[3].set(c2)

    def p2(g_ref, cp_ref, cf_ref, wg2_ref, wg12_ref, ws2_ref, ws12_ref,
           wf1_ref, wf2_ref, coef_ref, mom_ref):
        t1, t2 = _t12(cp_ref, cf_ref, wg12_ref, ws12_ref)
        va1 = coef_ref[0:1, :]
        vc1 = coef_ref[1:2, :]
        va2 = coef_ref[2:3, :]
        vc2 = coef_ref[3:4, :]
        ay3 = jnp.zeros((t1.shape[0], O), f32)
        aq3 = jnp.zeros((t1.shape[0], O), f32)
        for j in range(_K):
            y1, y2 = _y12(g_ref, wg2_ref, ws2_ref, j, t1, t2)
            h1 = jnp.maximum(y1 * va1 + vc1, 0.0)
            h2 = jnp.maximum(y2 * va2 + vc2, 0.0)
            y3 = (jnp.dot(h1, wf1_ref[...], preferred_element_type=f32)
                  + jnp.dot(h2, wf2_ref[...], preferred_element_type=f32))
            ay3 += y3
            aq3 += y3 * y3
        rows = jnp.concatenate(
            [jnp.sum(a, axis=0, keepdims=True) for a in (ay3, aq3)], axis=0)

        @pl.when(pl.program_id(0) == 0)
        def _():
            mom_ref[...] = jnp.zeros_like(mom_ref)

        mom_ref[0:2, :] = mom_ref[0:2, :] + rows

    mom3 = pl.pallas_call(
        p2,
        grid=(nsteps,),
        in_specs=[gath_spec, row_spec3, row_specC, full(3, O), full(3, O),
                  full(C, O), full(C, O), full(O, O), full(O, O), full(8, O)],
        out_specs=full(8, O),
        out_shape=jax.ShapeDtypeStruct((8, O), f32),
    )(gath, cp, cf, wg2, wg12, ws2, ws12, wf1, wf2, coef12)

    mean3 = mom3[0] / M
    var3 = mom3[1] / M - mean3 * mean3
    a3 = g_fuse / jnp.sqrt(var3 + _EPS)
    c3 = b_fuse - mean3 * a3
    coef = coef12.at[4].set(a3).at[5].set(c3)

    def p3(g_ref, cp_ref, cf_ref, wg2_ref, wg12_ref, ws2_ref, ws12_ref,
           wf1_ref, wf2_ref, coef_ref, out_ref):
        t1, t2 = _t12(cp_ref, cf_ref, wg12_ref, ws12_ref)
        va1 = coef_ref[0:1, :]
        vc1 = coef_ref[1:2, :]
        va2 = coef_ref[2:3, :]
        vc2 = coef_ref[3:4, :]
        va3 = coef_ref[4:5, :]
        vc3 = coef_ref[5:6, :]
        acc = jnp.full((t1.shape[0], O), -jnp.inf, f32)
        for j in range(_K):
            y1, y2 = _y12(g_ref, wg2_ref, ws2_ref, j, t1, t2)
            h1 = jnp.maximum(y1 * va1 + vc1, 0.0)
            h2 = jnp.maximum(y2 * va2 + vc2, 0.0)
            y3 = (jnp.dot(h1, wf1_ref[...], preferred_element_type=f32)
                  + jnp.dot(h2, wf2_ref[...], preferred_element_type=f32))
            acc = jnp.maximum(acc, jnp.maximum(y3 * va3 + vc3, 0.0))
        out_ref[...] = acc

    out = pl.pallas_call(
        p3,
        grid=(nsteps,),
        in_specs=[gath_spec, row_spec3, row_specC, full(3, O), full(3, O),
                  full(C, O), full(C, O), full(O, O), full(O, O), full(8, O)],
        out_specs=pl.BlockSpec((_G, O), lambda i: (i, 0)),
        out_shape=jax.ShapeDtypeStruct((BN, O), f32),
    )(gath, cp, cf, wg2, wg12, ws2, ws12, wf1, wf2, coef)

    return out.reshape(B, N, O)

# --- scband reference (transcript-rebuilt; emitter-appended) ---
"""Pipeline reference for scband-local-feature-aggregation-1606317769121 (READ-ONLY COPY).

The authoritative reference and input builder live on the scoring server;
editing this copy changes nothing except your own understanding.
"""

import jax, jax.numpy as jnp
import numpy as np

EPS = 1e-5
K = 16


def knn_indices(points, k):
    sq = jnp.sum(points * points, axis=-1)
    dist = sq[:, :, None] + sq[:, None, :] - 2.0 * jnp.einsum('bnd,bmd->bnm', points, points)
    _, idx = jax.lax.top_k(-dist, k)
    return idx


def index_points(x, idx):
    # x: (B, N, C), idx: (B, N, K) -> (B, N, K, C)
    return jax.vmap(lambda a, i: a[i])(x, idx)


def conv_bn_relu(x, W, gamma, beta):
    # 1x1 Conv2d (no bias) + BatchNorm2d (training-mode batch stats) + ReLU
    # x: (B, C_in, N, K), W: (C_out, C_in)
    y = jnp.einsum('oc,bcnk->bonk', W, x)
    mean = jnp.mean(y, axis=(0, 2, 3), keepdims=True)
    var = jnp.var(y, axis=(0, 2, 3), keepdims=True)
    y = (y - mean) / jnp.sqrt(var + EPS)
    y = y * gamma[None, :, None, None] + beta[None, :, None, None]
    return jax.nn.relu(y)


def setup_inputs(seed: int = 0) -> dict:
    key = jax.random.key(seed)
    ks = jax.random.split(key, 8)
    B, N, C, O = 4, 4096, 32, 64
    points = jax.random.normal(ks[0], (B, N, 3), dtype=jnp.float32)
    features = jax.random.normal(ks[1], (B, N, C), dtype=jnp.float32)
    W_geom = jax.random.normal(ks[2], (O, 6), dtype=jnp.float32) * 0.1
    W_sem = jax.random.normal(ks[3], (O, 2 * C), dtype=jnp.float32) * 0.1
    W_fuse = jax.random.normal(ks[4], (O, 2 * O), dtype=jnp.float32) * 0.1
    g_geom = jnp.ones((O,), dtype=jnp.float32)
    b_geom = jnp.zeros((O,), dtype=jnp.float32)
    g_sem = jnp.ones((O,), dtype=jnp.float32)
    b_sem = jnp.zeros((O,), dtype=jnp.float32)
    g_fuse = jnp.ones((O,), dtype=jnp.float32)
    b_fuse = jnp.zeros((O,), dtype=jnp.float32)
    return {"points": points, "features": features,
            "W_geom": W_geom, "g_geom": g_geom, "b_geom": b_geom,
            "W_sem": W_sem, "g_sem": g_sem, "b_sem": b_sem,
            "W_fuse": W_fuse, "g_fuse": g_fuse, "b_fuse": b_fuse}


def reference(points, features, W_geom, g_geom, b_geom, W_sem, g_sem, b_sem, W_fuse, g_fuse, b_fuse):
    idx = knn_indices(points, K)
    neighbor_points = index_points(points, idx)
    neighbor_features = index_points(features, idx)
    center_p = points[:, :, None, :]
    center_f = features[:, :, None, :]
    geom = jnp.concatenate([jnp.broadcast_to(center_p, neighbor_points.shape),
                            neighbor_points - center_p], axis=-1)
    sem = jnp.concatenate([jnp.broadcast_to(center_f, neighbor_features.shape),
                           neighbor_features - center_f], axis=-1)
    geom = jnp.transpose(geom, (0, 3, 1, 2))
    sem = jnp.transpose(sem, (0, 3, 1, 2))
    geom_feat = conv_bn_relu(geom, W_geom, g_geom, b_geom)
    sem_feat = conv_bn_relu(sem, W_sem, g_sem, b_sem)
    fused = jnp.concatenate([geom_feat, sem_feat], axis=1)
    fused = conv_bn_relu(fused, W_fuse, g_fuse, b_fuse)
    fused = jnp.max(fused, axis=-1)
    return jnp.transpose(fused, (0, 2, 1))

if __name__ == "__main__":
    import jax
    _d = setup_inputs()
    print(jax.jit(kernel)(*tuple(_d.values())))

</pallas_src>

<mosaic_0001>
#map = affine_map<(d0, d1) -> (0, 0)>
#map1 = affine_map<(d0, d1) -> (0)>
module attributes {stable_mosaic.version = 14 : i64} {
  func.func @k(%arg0: i32, %arg1: i32, %arg2: memref<16384x48xf32, #tpu.memory_space<hbm>>, %arg3: memref<262144xi32, #tpu.memory_space<hbm>>, %arg4: memref<262144x48xf32, #tpu.memory_space<hbm>>, %arg5: memref<4x128xi32, #tpu.memory_space<vmem>>, %arg6: memref<4x128x48xf32, #tpu.memory_space<vmem>>, %arg7: memref<!tpu.dma_semaphore, #tpu.memory_space<semaphore_mem>>, %arg8: memref<!tpu.dma_semaphore, #tpu.memory_space<semaphore_mem>>, %arg9: memref<!tpu.dma_semaphore, #tpu.memory_space<semaphore_mem>>, %arg10: memref<!tpu.dma_semaphore, #tpu.memory_space<semaphore_mem>>) attributes {dimension_semantics = [#tpu.dimension_semantics<core_parallel>, #tpu.dimension_semantics<subcore_parallel>], iteration_bounds = array<i64: 2, 16>, scalar_prefetch = 0 : i64, scratch_operands = 6 : i64, tpu.core_type = #tpu.core_type<sc_vector_subcore>, window_params = [{transform_indices = #map}, {transform_indices = #map1}, {transform_indices = #map}]} {
    %mul3A = arith.constant 2 : i32
    %mul3A_0 = arith.muli %arg1, %mul3A : i32
    %add3A = arith.addi %mul3A_0, %arg0 : i32
    %mul3A_1 = arith.constant 8192 : i32
    %mul3A_2 = arith.muli %add3A, %mul3A_1 : i32
    %add3A_3 = arith.constant 0 : i32
    %add3A_4 = arith.addi %mul3A_2, %add3A_3 : i32
    %run_scoped3A = arith.constant 0 : i32
    "tpu.region"() ({
      %run_scoped3A_125 = tpu.sem_alloc : memref<!tpu.dma_semaphore, #tpu.memory_space<semaphore_mem>>
      %dma_start3A_126 = arith.constant 0 : i32
      %dma_start3A_127 = tpu.memref_slice %arg5[%run_scoped3A, %dma_start3A_126] : memref<4x128xi32, #tpu.memory_space<vmem>> -> memref<1x128xi32, #tpu.memory_space<vmem>>
      %dma_start3A_128 = tpu.memref_squeeze %dma_start3A_127 : memref<1x128xi32, #tpu.memory_space<vmem>> -> memref<128xi32, #tpu.memory_space<vmem>>
      %dma_start3A_129 = tpu.memref_slice %arg3[%add3A_4] : memref<262144xi32, #tpu.memory_space<hbm>> -> memref<128xi32, #tpu.memory_space<hbm>>
      %dma_start3A_130 = arith.constant 0 : i32
      %dma_start3A_131 = tpu.memref_slice %arg5[%run_scoped3A, %dma_start3A_130] : memref<4x128xi32, #tpu.memory_space<vmem>> -> memref<1x128xi32, #tpu.memory_space<vmem>>
      %dma_start3A_132 = tpu.memref_squeeze %dma_start3A_131 : memref<1x128xi32, #tpu.memory_space<vmem>> -> memref<128xi32, #tpu.memory_space<vmem>>
      %dma_start3A_133 = tpu.memref_slice %arg3[%add3A_4] : memref<262144xi32, #tpu.memory_space<hbm>> -> memref<128xi32, #tpu.memory_space<hbm>>
      tpu.enqueue_dma source(%dma_start3A_133 : memref<128xi32, #tpu.memory_space<hbm>>) target(%dma_start3A_132 : memref<128xi32, #tpu.memory_space<vmem>>) target_semaphore(%run_scoped3A_125 : memref<!tpu.dma_semaphore, #tpu.memory_space<semaphore_mem>>)
      %dma_wait3A_134 = arith.constant 0 : i32
      %dma_wait3A_135 = tpu.memref_slice %arg5[%run_scoped3A, %dma_wait3A_134] : memref<4x128xi32, #tpu.memory_space<vmem>> -> memref<1x128xi32, #tpu.memory_space<vmem>>
      %dma_wait3A_136 = tpu.memref_squeeze %dma_wait3A_135 : memref<1x128xi32, #tpu.memory_space<vmem>> -> memref<128xi32, #tpu.memory_space<vmem>>
      %dma_wait3A_137 = tpu.memref_slice %arg3[%add3A_4] : memref<262144xi32, #tpu.memory_space<hbm>> -> memref<128xi32, #tpu.memory_space<hbm>>
      %dma_wait3A_138 = arith.constant 0 : i32
      %dma_wait3A_139 = tpu.memref_slice %arg5[%run_scoped3A, %dma_wait3A_138] : memref<4x128xi32, #tpu.memory_space<vmem>> -> memref<1x128xi32, #tpu.memory_space<vmem>>
      %dma_wait3A_140 = tpu.memref_squeeze %dma_wait3A_139 : memref<1x128xi32, #tpu.memory_space<vmem>> -> memref<128xi32, #tpu.memory_space<vmem>>
      %dma_wait3A_141 = tpu.memref_slice %arg3[%add3A_4] : memref<262144xi32, #tpu.memory_space<hbm>> -> memref<128xi32, #tpu.memory_space<hbm>>
      tpu.wait_dma2 semaphore(%run_scoped3A_125 : memref<!tpu.dma_semaphore, #tpu.memory_space<semaphore_mem>>) src(%dma_wait3A_141 : memref<128xi32, #tpu.memory_space<hbm>>) dst(%dma_wait3A_140 : memref<128xi32, #tpu.memory_space<vmem>>)
      tpu.yield
    }) : () -> ()
    %dma_start3A = arith.constant 0 : i32
    %dma_start3A_5 = arith.constant 0 : i32
    %dma_start3A_6 = arith.constant 0 : i32
    %dma_start3A_7 = arith.constant 0 : i32
    %dma_start3A_8 = tpu.memref_slice %arg6[%dma_start3A_5, %dma_start3A_6, %dma_start3A_7] : memref<4x128x48xf32, #tpu.memory_space<vmem>> -> memref<1x128x48xf32, #tpu.memory_space<vmem>>
    %dma_start3A_9 = tpu.memref_squeeze %dma_start3A_8 : memref<1x128x48xf32, #tpu.memory_space<vmem>> -> memref<128x48xf32, #tpu.memory_space<vmem>>
    %dma_start3A_10 = arith.constant 0 : i32
    %dma_start3A_11 = tpu.memref_slice %arg5[%dma_start3A, %dma_start3A_10] : memref<4x128xi32, #tpu.memory_space<vmem>> -> memref<1x128xi32, #tpu.memory_space<vmem>>
    %dma_start3A_12 = tpu.memref_squeeze %dma_start3A_11 : memref<1x128xi32, #tpu.memory_space<vmem>> -> memref<128xi32, #tpu.memory_space<vmem>>
    %dma_start3A_13 = arith.constant 0 : i32
    %dma_start3A_14 = arith.constant 0 : i32
    %dma_start3A_15 = tpu.memref_slice %arg2[%dma_start3A_13, %dma_start3A_14] : memref<16384x48xf32, #tpu.memory_space<hbm>> -> memref<16384x48xf32, #tpu.memory_space<hbm>>
    tpu.enqueue_indirect_dma source(%dma_start3A_15 : memref<16384x48xf32, #tpu.memory_space<hbm>>) target(%dma_start3A_9 : memref<128x48xf32, #tpu.memory_space<vmem>>) offsets(%dma_start3A_12 : memref<128xi32, #tpu.memory_space<vmem>>) semaphore(%arg7 : memref<!tpu.dma_semaphore, #tpu.memory_space<semaphore_mem>>)
    %add3A_16 = arith.constant 128 : i32
    %add3A_17 = arith.addi %mul3A_2, %add3A_16 : i32
    %run_scoped3A_18 = arith.constant 1 : i32
    "tpu.region"() ({
      %run_scoped3A_125 = tpu.sem_alloc : memref<!tpu.dma_semaphore, #tpu.memory_space<semaphore_mem>>
      %dma_start3A_126 = arith.constant 0 : i32
      %dma_start3A_127 = tpu.memref_slice %arg5[%run_scoped3A_18, %dma_start3A_126] : memref<4x128xi32, #tpu.memory_space<vmem>> -> memref<1x128xi32, #tpu.memory_space<vmem>>
      %dma_start3A_128 = tpu.memref_squeeze %dma_start3A_127 : memref<1x128xi32, #tpu.memory_space<vmem>> -> memref<128xi32, #tpu.memory_space<vmem>>
      %dma_start3A_129 = tpu.memref_slice %arg3[%add3A_17] : memref<262144xi32, #tpu.memory_space<hbm>> -> memref<128xi32, #tpu.memory_space<hbm>>
      %dma_start3A_130 = arith.constant 0 : i32
      %dma_start3A_131 = tpu.memref_slice %arg5[%run_scoped3A_18, %dma_start3A_130] : memref<4x128xi32, #tpu.memory_space<vmem>> -> memref<1x128xi32, #tpu.memory_space<vmem>>
      %dma_start3A_132 = tpu.memref_squeeze %dma_start3A_131 : memref<1x128xi32, #tpu.memory_space<vmem>> -> memref<128xi32, #tpu.memory_space<vmem>>
      %dma_start3A_133 = tpu.memref_slice %arg3[%add3A_17] : memref<262144xi32, #tpu.memory_space<hbm>> -> memref<128xi32, #tpu.memory_space<hbm>>
      tpu.enqueue_dma source(%dma_start3A_133 : memref<128xi32, #tpu.memory_space<hbm>>) target(%dma_start3A_132 : memref<128xi32, #tpu.memory_space<vmem>>) target_semaphore(%run_scoped3A_125 : memref<!tpu.dma_semaphore, #tpu.memory_space<semaphore_mem>>)
      %dma_wait3A_134 = arith.constant 0 : i32
      %dma_wait3A_135 = tpu.memref_slice %arg5[%run_scoped3A_18, %dma_wait3A_134] : memref<4x128xi32, #tpu.memory_space<vmem>> -> memref<1x128xi32, #tpu.memory_space<vmem>>
      %dma_wait3A_136 = tpu.memref_squeeze %dma_wait3A_135 : memref<1x128xi32, #tpu.memory_space<vmem>> -> memref<128xi32, #tpu.memory_space<vmem>>
      %dma_wait3A_137 = tpu.memref_slice %arg3[%add3A_17] : memref<262144xi32, #tpu.memory_space<hbm>> -> memref<128xi32, #tpu.memory_space<hbm>>
      %dma_wait3A_138 = arith.constant 0 : i32
      %dma_wait3A_139 = tpu.memref_slice %arg5[%run_scoped3A_18, %dma_wait3A_138] : memref<4x128xi32, #tpu.memory_space<vmem>> -> memref<1x128xi32, #tpu.memory_space<vmem>>
      %dma_wait3A_140 = tpu.memref_squeeze %dma_wait3A_139 : memref<1x128xi32, #tpu.memory_space<vmem>> -> memref<128xi32, #tpu.memory_space<vmem>>
      %dma_wait3A_141 = tpu.memref_slice %arg3[%add3A_17] : memref<262144xi32, #tpu.memory_space<hbm>> -> memref<128xi32, #tpu.memory_space<hbm>>
      tpu.wait_dma2 semaphore(%run_scoped3A_125 : memref<!tpu.dma_semaphore, #tpu.memory_space<semaphore_mem>>) src(%dma_wait3A_141 : memref<128xi32, #tpu.memory_space<hbm>>) dst(%dma_wait3A_140 : memref<128xi32, #tpu.memory_space<vmem>>)
      tpu.yield
    }) : () -> ()
    %dma_start3A_19 = arith.constant 1 : i32
    %dma_start3A_20 = arith.constant 1 : i32
    %dma_start3A_21 = arith.constant 0 : i32
    %dma_start3A_22 = arith.constant 0 : i32
    %dma_start3A_23 = tpu.memref_slice %arg6[%dma_start3A_20, %dma_start3A_21, %dma_start3A_22] : memref<4x128x48xf32, #tpu.memory_space<vmem>> -> memref<1x128x48xf32, #tpu.memory_space<vmem>>
    %dma_start3A_24 = tpu.memref_squeeze %dma_start3A_23 : memref<1x128x48xf32, #tpu.memory_space<vmem>> -> memref<128x48xf32, #tpu.memory_space<vmem>>
    %dma_start3A_25 = arith.constant 0 : i32
    %dma_start3A_26 = tpu.memref_slice %arg5[%dma_start3A_19, %dma_start3A_25] : memref<4x128xi32, #tpu.memory_space<vmem>> -> memref<1x128xi32, #tpu.memory_space<vmem>>
    %dma_start3A_27 = tpu.memref_squeeze %dma_start3A_26 : memref<1x128xi32, #tpu.memory_space<vmem>> -> memref<128xi32, #tpu.memory_space<vmem>>
    %dma_start3A_28 = arith.constant 0 : i32
    %dma_start3A_29 = arith.constant 0 : i32
    %dma_start3A_30 = tpu.memref_slice %arg2[%dma_start3A_28, %dma_start3A_29] : memref<16384x48xf32, #tpu.memory_space<hbm>> -> memref<16384x48xf32, #tpu.memory_space<hbm>>
    tpu.enqueue_indirect_dma source(%dma_start3A_30 : memref<16384x48xf32, #tpu.memory_space<hbm>>) target(%dma_start3A_24 : memref<128x48xf32, #tpu.memory_space<vmem>>) offsets(%dma_start3A_27 : memref<128xi32, #tpu.memory_space<vmem>>) semaphore(%arg8 : memref<!tpu.dma_semaphore, #tpu.memory_space<semaphore_mem>>)
    %add3A_31 = arith.constant 256 : i32
    %add3A_32 = arith.addi %mul3A_2, %add3A_31 : i32
    %run_scoped3A_33 = arith.constant 2 : i32
    "tpu.region"() ({
      %run_scoped3A_125 = tpu.sem_alloc : memref<!tpu.dma_semaphore, #tpu.memory_space<semaphore_mem>>
      %dma_start3A_126 = arith.constant 0 : i32
      %dma_start3A_127 = tpu.memref_slice %arg5[%run_scoped3A_33, %dma_start3A_126] : memref<4x128xi32, #tpu.memory_space<vmem>> -> memref<1x128xi32, #tpu.memory_space<vmem>>
      %dma_start3A_128 = tpu.memref_squeeze %dma_start3A_127 : memref<1x128xi32, #tpu.memory_space<vmem>> -> memref<128xi32, #tpu.memory_space<vmem>>
      %dma_start3A_129 = tpu.memref_slice %arg3[%add3A_32] : memref<262144xi32, #tpu.memory_space<hbm>> -> memref<128xi32, #tpu.memory_space<hbm>>
      %dma_start3A_130 = arith.constant 0 : i32
      %dma_start3A_131 = tpu.memref_slice %arg5[%run_scoped3A_33, %dma_start3A_130] : memref<4x128xi32, #tpu.memory_space<vmem>> -> memref<1x128xi32, #tpu.memory_space<vmem>>
      %dma_start3A_132 = tpu.memref_squeeze %dma_start3A_131 : memref<1x128xi32, #tpu.memory_space<vmem>> -> memref<128xi32, #tpu.memory_space<vmem>>
      %dma_start3A_133 = tpu.memref_slice %arg3[%add3A_32] : memref<262144xi32, #tpu.memory_space<hbm>> -> memref<128xi32, #tpu.memory_space<hbm>>
      tpu.enqueue_dma source(%dma_start3A_133 : memref<128xi32, #tpu.memory_space<hbm>>) target(%dma_start3A_132 : memref<128xi32, #tpu.memory_space<vmem>>) target_semaphore(%run_scoped3A_125 : memref<!tpu.dma_semaphore, #tpu.memory_space<semaphore_mem>>)
      %dma_wait3A_134 = arith.constant 0 : i32
      %dma_wait3A_135 = tpu.memref_slice %arg5[%run_scoped3A_33, %dma_wait3A_134] : memref<4x128xi32, #tpu.memory_space<vmem>> -> memref<1x128xi32, #tpu.memory_space<vmem>>
      %dma_wait3A_136 = tpu.memref_squeeze %dma_wait3A_135 : memref<1x128xi32, #tpu.memory_space<vmem>> -> memref<128xi32, #tpu.memory_space<vmem>>
      %dma_wait3A_137 = tpu.memref_slice %arg3[%add3A_32] : memref<262144xi32, #tpu.memory_space<hbm>> -> memref<128xi32, #tpu.memory_space<hbm>>
      %dma_wait3A_138 = arith.constant 0 : i32
      %dma_wait3A_139 = tpu.memref_slice %arg5[%run_scoped3A_33, %dma_wait3A_138] : memref<4x128xi32, #tpu.memory_space<vmem>> -> memref<1x128xi32, #tpu.memory_space<vmem>>
      %dma_wait3A_140 = tpu.memref_squeeze %dma_wait3A_139 : memref<1x128xi32, #tpu.memory_space<vmem>> -> memref<128xi32, #tpu.memory_space<vmem>>
      %dma_wait3A_141 = tpu.memref_slice %arg3[%add3A_32] : memref<262144xi32, #tpu.memory_space<hbm>> -> memref<128xi32, #tpu.memory_space<hbm>>
      tpu.wait_dma2 semaphore(%run_scoped3A_125 : memref<!tpu.dma_semaphore, #tpu.memory_space<semaphore_mem>>) src(%dma_wait3A_141 : memref<128xi32, #tpu.memory_space<hbm>>) dst(%dma_wait3A_140 : memref<128xi32, #tpu.memory_space<vmem>>)
      tpu.yield
    }) : () -> ()
    %dma_start3A_34 = arith.constant 2 : i32
    %dma_start3A_35 = arith.constant 2 : i32
    %dma_start3A_36 = arith.constant 0 : i32
    %dma_start3A_37 = arith.constant 0 : i32
    %dma_start3A_38 = tpu.memref_slice %arg6[%dma_start3A_35, %dma_start3A_36, %dma_start3A_37] : memref<4x128x48xf32, #tpu.memory_space<vmem>> -> memref<1x128x48xf32, #tpu.memory_space<vmem>>
    %dma_start3A_39 = tpu.memref_squeeze %dma_start3A_38 : memref<1x128x48xf32, #tpu.memory_space<vmem>> -> memref<128x48xf32, #tpu.memory_space<vmem>>
    %dma_start3A_40 = arith.constant 0 : i32
    %dma_start3A_41 = tpu.memref_slice %arg5[%dma_start3A_34, %dma_start3A_40] : memref<4x128xi32, #tpu.memory_space<vmem>> -> memref<1x128xi32, #tpu.memory_space<vmem>>
    %dma_start3A_42 = tpu.memref_squeeze %dma_start3A_41 : memref<1x128xi32, #tpu.memory_space<vmem>> -> memref<128xi32, #tpu.memory_space<vmem>>
    %dma_start3A_43 = arith.constant 0 : i32
    %dma_start3A_44 = arith.constant 0 : i32
    %dma_start3A_45 = tpu.memref_slice %arg2[%dma_start3A_43, %dma_start3A_44] : memref<16384x48xf32, #tpu.memory_space<hbm>> -> memref<16384x48xf32, #tpu.memory_space<hbm>>
    tpu.enqueue_indirect_dma source(%dma_start3A_45 : memref<16384x48xf32, #tpu.memory_space<hbm>>) target(%dma_start3A_39 : memref<128x48xf32, #tpu.memory_space<vmem>>) offsets(%dma_start3A_42 : memref<128xi32, #tpu.memory_space<vmem>>) semaphore(%arg9 : memref<!tpu.dma_semaphore, #tpu.memory_space<semaphore_mem>>)
    %add3A_46 = arith.constant 384 : i32
    %add3A_47 = arith.addi %mul3A_2, %add3A_46 : i32
    %run_scoped3A_48 = arith.constant 3 : i32
    "tpu.region"() ({
      %run_scoped3A_125 = tpu.sem_alloc : memref<!tpu.dma_semaphore, #tpu.memory_space<semaphore_mem>>
      %dma_start3A_126 = arith.constant 0 : i32
      %dma_start3A_127 = tpu.memref_slice %arg5[%run_scoped3A_48, %dma_start3A_126] : memref<4x128xi32, #tpu.memory_space<vmem>> -> memref<1x128xi32, #tpu.memory_space<vmem>>
      %dma_start3A_128 = tpu.memref_squeeze %dma_start3A_127 : memref<1x128xi32, #tpu.memory_space<vmem>> -> memref<128xi32, #tpu.memory_space<vmem>>
      %dma_start3A_129 = tpu.memref_slice %arg3[%add3A_47] : memref<262144xi32, #tpu.memory_space<hbm>> -> memref<128xi32, #tpu.memory_space<hbm>>
      %dma_start3A_130 = arith.constant 0 : i32
      %dma_start3A_131 = tpu.memref_slice %arg5[%run_scoped3A_48, %dma_start3A_130] : memref<4x128xi32, #tpu.memory_space<vmem>> -> memref<1x128xi32, #tpu.memory_space<vmem>>
      %dma_start3A_132 = tpu.memref_squeeze %dma_start3A_131 : memref<1x128xi32, #tpu.memory_space<vmem>> -> memref<128xi32, #tpu.memory_space<vmem>>
      %dma_start3A_133 = tpu.memref_slice %arg3[%add3A_47] : memref<262144xi32, #tpu.memory_space<hbm>> -> memref<128xi32, #tpu.memory_space<hbm>>
      tpu.enqueue_dma source(%dma_start3A_133 : memref<128xi32, #tpu.memory_space<hbm>>) target(%dma_start3A_132 : memref<128xi32, #tpu.memory_space<vmem>>) target_semaphore(%run_scoped3A_125 : memref<!tpu.dma_semaphore, #tpu.memory_space<semaphore_mem>>)
      %dma_wait3A_134 = arith.constant 0 : i32
      %dma_wait3A_135 = tpu.memref_slice %arg5[%run_scoped3A_48, %dma_wait3A_134] : memref<4x128xi32, #tpu.memory_space<vmem>> -> memref<1x128xi32, #tpu.memory_space<vmem>>
      %dma_wait3A_136 = tpu.memref_squeeze %dma_wait3A_135 : memref<1x128xi32, #tpu.memory_space<vmem>> -> memref<128xi32, #tpu.memory_space<vmem>>
      %dma_wait3A_137 = tpu.memref_slice %arg3[%add3A_47] : memref<262144xi32, #tpu.memory_space<hbm>> -> memref<128xi32, #tpu.memory_space<hbm>>
      %dma_wait3A_138 = arith.constant 0 : i32
      %dma_wait3A_139 = tpu.memref_slice %arg5[%run_scoped3A_48, %dma_wait3A_138] : memref<4x128xi32, #tpu.memory_space<vmem>> -> memref<1x128xi32, #tpu.memory_space<vmem>>
      %dma_wait3A_140 = tpu.memref_squeeze %dma_wait3A_139 : memref<1x128xi32, #tpu.memory_space<vmem>> -> memref<128xi32, #tpu.memory_space<vmem>>
      %dma_wait3A_141 = tpu.memref_slice %arg3[%add3A_47] : memref<262144xi32, #tpu.memory_space<hbm>> -> memref<128xi32, #tpu.memory_space<hbm>>
      tpu.wait_dma2 semaphore(%run_scoped3A_125 : memref<!tpu.dma_semaphore, #tpu.memory_space<semaphore_mem>>) src(%dma_wait3A_141 : memref<128xi32, #tpu.memory_space<hbm>>) dst(%dma_wait3A_140 : memref<128xi32, #tpu.memory_space<vmem>>)
      tpu.yield
    }) : () -> ()
    %dma_start3A_49 = arith.constant 3 : i32
    %dma_start3A_50 = arith.constant 3 : i32
    %dma_start3A_51 = arith.constant 0 : i32
    %dma_start3A_52 = arith.constant 0 : i32
    %dma_start3A_53 = tpu.memref_slice %arg6[%dma_start3A_50, %dma_start3A_51, %dma_start3A_52] : memref<4x128x48xf32, #tpu.memory_space<vmem>> -> memref<1x128x48xf32, #tpu.memory_space<vmem>>
    %dma_start3A_54 = tpu.memref_squeeze %dma_start3A_53 : memref<1x128x48xf32, #tpu.memory_space<vmem>> -> memref<128x48xf32, #tpu.memory_space<vmem>>
    %dma_start3A_55 = arith.constant 0 : i32
    %dma_start3A_56 = tpu.memref_slice %arg5[%dma_start3A_49, %dma_start3A_55] : memref<4x128xi32, #tpu.memory_space<vmem>> -> memref<1x128xi32, #tpu.memory_space<vmem>>
    %dma_start3A_57 = tpu.memref_squeeze %dma_start3A_56 : memref<1x128xi32, #tpu.memory_space<vmem>> -> memref<128xi32, #tpu.memory_space<vmem>>
    %dma_start3A_58 = arith.constant 0 : i32
    %dma_start3A_59 = arith.constant 0 : i32
    %dma_start3A_60 = tpu.memref_slice %arg2[%dma_start3A_58, %dma_start3A_59] : memref<16384x48xf32, #tpu.memory_space<hbm>> -> memref<16384x48xf32, #tpu.memory_space<hbm>>
    tpu.enqueue_indirect_dma source(%dma_start3A_60 : memref<16384x48xf32, #tpu.memory_space<hbm>>) target(%dma_start3A_54 : memref<128x48xf32, #tpu.memory_space<vmem>>) offsets(%dma_start3A_57 : memref<128xi32, #tpu.memory_space<vmem>>) semaphore(%arg10 : memref<!tpu.dma_semaphore, #tpu.memory_space<semaphore_mem>>)
    %scan3A = arith.constant 0 : i32
    %scan3A_61 = arith.constant 0 : i32
    %scan3A_62 = arith.constant 15 : i32
    %scan3A_63 = arith.addi %scan3A_61, %scan3A_62 : i32
    %scan3A_64 = arith.constant 1 : i32
    scf.for %scan3A_125 = %scan3A_61 to %scan3A_63 step %scan3A_64  : i32 {
      %mul3A_126 = arith.constant 4 : i32
      %mul3A_127 = arith.muli %mul3A_126, %scan3A_125 : i32
      %add3A_128 = arith.constant 0 : i32
      %add3A_129 = arith.addi %mul3A_127, %add3A_128 : i32
      %dma_wait3A_130 = arith.constant 0 : i32
      %dma_wait3A_131 = arith.constant 0 : i32
      %dma_wait3A_132 = arith.constant 0 : i32
      %dma_wait3A_133 = arith.constant 0 : i32
      %dma_wait3A_134 = tpu.memref_slice %arg6[%dma_wait3A_131, %dma_wait3A_132, %dma_wait3A_133] : memref<4x128x48xf32, #tpu.memory_space<vmem>> -> memref<1x128x48xf32, #tpu.memory_space<vmem>>
      %dma_wait3A_135 = tpu.memref_squeeze %dma_wait3A_134 : memref<1x128x48xf32, #tpu.memory_space<vmem>> -> memref<128x48xf32, #tpu.memory_space<vmem>>
      %dma_wait3A_136 = arith.constant 0 : i32
      %dma_wait3A_137 = tpu.memref_slice %arg5[%dma_wait3A_130, %dma_wait3A_136] : memref<4x128xi32, #tpu.memory_space<vmem>> -> memref<1x128xi32, #tpu.memory_space<vmem>>
      %dma_wait3A_138 = tpu.memref_squeeze %dma_wait3A_137 : memref<1x128xi32, #tpu.memory_space<vmem>> -> memref<128xi32, #tpu.memory_space<vmem>>
      %dma_wait3A_139 = arith.constant 0 : i32
      %dma_wait3A_140 = arith.constant 0 : i32
      %dma_wait3A_141 = tpu.memref_slice %arg2[%dma_wait3A_139, %dma_wait3A_140] : memref<16384x48xf32, #tpu.memory_space<hbm>> -> memref<16384x48xf32, #tpu.memory_space<hbm>>
      tpu.wait_indirect_dma semaphore(%arg7 : memref<!tpu.dma_semaphore, #tpu.memory_space<semaphore_mem>>) src(%dma_wait3A_141 : memref<16384x48xf32, #tpu.memory_space<hbm>>) dst(%dma_wait3A_135 : memref<128x48xf32, #tpu.memory_space<vmem>>)
      %mul3A_142 = arith.constant 128 : i32
      %mul3A_143 = arith.muli %add3A_129, %mul3A_142 : i32
      %add3A_144 = arith.addi %mul3A_2, %mul3A_143 : i32
      %run_scoped3A_145 = arith.constant 0 : i32
      "tpu.region"() ({
        %run_scoped3A_280 = tpu.sem_alloc : memref<!tpu.dma_semaphore, #tpu.memory_space<semaphore_mem>>
        %dma_start3A_281 = arith.constant 0 : i32
        %dma_start3A_282 = arith.constant 0 : i32
        %dma_start3A_283 = tpu.memref_slice %arg6[%run_scoped3A_145, %dma_start3A_281, %dma_start3A_282] : memref<4x128x48xf32, #tpu.memory_space<vmem>> -> memref<1x128x48xf32, #tpu.memory_space<vmem>>
        %dma_start3A_284 = tpu.memref_squeeze %dma_start3A_283 : memref<1x128x48xf32, #tpu.memory_space<vmem>> -> memref<128x48xf32, #tpu.memory_space<vmem>>
        %dma_start3A_285 = arith.constant 0 : i32
        %dma_start3A_286 = tpu.memref_slice %arg4[%add3A_144, %dma_start3A_285] : memref<262144x48xf32, #tpu.memory_space<hbm>> -> memref<128x48xf32, #tpu.memory_space<hbm>>
        %dma_start3A_287 = arith.constant 0 : i32
        %dma_start3A_288 = tpu.memref_slice %arg4[%add3A_144, %dma_start3A_287] : memref<262144x48xf32, #tpu.memory_space<hbm>> -> memref<128x48xf32, #tpu.memory_space<hbm>>
        %dma_start3A_289 = arith.constant 0 : i32
        %dma_start3A_290 = arith.constant 0 : i32
        %dma_start3A_291 = tpu.memref_slice %arg6[%run_scoped3A_145, %dma_start3A_289, %dma_start3A_290] : memref<4x128x48xf32, #tpu.memory_space<vmem>> -> memref<1x128x48xf32, #tpu.memory_space<vmem>>
        %dma_start3A_292 = tpu.memref_squeeze %dma_start3A_291 : memref<1x128x48xf32, #tpu.memory_space<vmem>> -> memref<128x48xf32, #tpu.memory_space<vmem>>
        tpu.enqueue_dma source(%dma_start3A_292 : memref<128x48xf32, #tpu.memory_space<vmem>>) target(%dma_start3A_288 : memref<128x48xf32, #tpu.memory_space<hbm>>) target_semaphore(%run_scoped3A_280 : memref<!tpu.dma_semaphore, #tpu.memory_space<semaphore_mem>>)
        %dma_wait3A_293 = arith.constant 0 : i32
        %dma_wait3A_294 = arith.constant 0 : i32
        %dma_wait3A_295 = tpu.memref_slice %arg6[%run_scoped3A_145, %dma_wait3A_293, %dma_wait3A_294] : memref<4x128x48xf32, #tpu.memory_space<vmem>> -> memref<1x128x48xf32, #tpu.memory_space<vmem>>
        %dma_wait3A_296 = tpu.memref_squeeze %dma_wait3A_295 : memref<1x128x48xf32, #tpu.memory_space<vmem>> -> memref<128x48xf32, #tpu.memory_space<vmem>>
        %dma_wait3A_297 = arith.constant 0 : i32
        %dma_wait3A_298 = tpu.memref_slice %arg4[%add3A_144, %dma_wait3A_297] : memref<262144x48xf32, #tpu.memory_space<hbm>> -> memref<128x48xf32, #tpu.memory_space<hbm>>
        %dma_wait3A_299 = arith.constant 0 : i32
        %dma_wait3A_300 = tpu.memref_slice %arg4[%add3A_144, %dma_wait3A_299] : memref<262144x48xf32, #tpu.memory_space<hbm>> -> memref<128x48xf32, #tpu.memory_space<hbm>>
        %dma_wait3A_301 = arith.constant 0 : i32
        %dma_wait3A_302 = arith.constant 0 : i32
        %dma_wait3A_303 = tpu.memref_slice %arg6[%run_scoped3A_145, %dma_wait3A_301, %dma_wait3A_302] : memref<4x128x48xf32, #tpu.memory_space<vmem>> -> memref<1x128x48xf32, #tpu.memory_space<vmem>>
        %dma_wait3A_304 = tpu.memref_squeeze %dma_wait3A_303 : memref<1x128x48xf32, #tpu.memory_space<vmem>> -> memref<128x48xf32, #tpu.memory_space<vmem>>
        tpu.wait_dma2 semaphore(%run_scoped3A_280 : memref<!tpu.dma_semaphore, #tpu.memory_space<semaphore_mem>>) src(%dma_wait3A_304 : memref<128x48xf32, #tpu.memory_space<vmem>>) dst(%dma_wait3A_300 : memref<128x48xf32, #tpu.memory_space<hbm>>)
        tpu.yield
      }) : () -> ()
      %add3A_146 = arith.constant 0 : i32
      %add3A_147 = arith.addi %mul3A_127, %add3A_146 : i32
      %add3A_148 = arith.constant 4 : i32
      %add3A_149 = arith.addi %add3A_147, %add3A_148 : i32
      %mul3A_150 = arith.constant 128 : i32
      %mul3A_151 = arith.muli %add3A_149, %mul3A_150 : i32
      %add3A_152 = arith.addi %mul3A_2, %mul3A_151 : i32
      %run_scoped3A_153 = arith.constant 0 : i32
      "tpu.region"() ({
        %run_scoped3A_280 = tpu.sem_alloc : memref<!tpu.dma_semaphore, #tpu.memory_space<semaphore_mem>>
        %dma_start3A_281 = arith.constant 0 : i32
        %dma_start3A_282 = tpu.memref_slice %arg5[%run_scoped3A_153, %dma_start3A_281] : memref<4x128xi32, #tpu.memory_space<vmem>> -> memref<1x128xi32, #tpu.memory_space<vmem>>
        %dma_start3A_283 = tpu.memref_squeeze %dma_start3A_282 : memref<1x128xi32, #tpu.memory_space<vmem>> -> memref<128xi32, #tpu.memory_space<vmem>>
        %dma_start3A_284 = tpu.memref_slice %arg3[%add3A_152] : memref<262144xi32, #tpu.memory_space<hbm>> -> memref<128xi32, #tpu.memory_space<hbm>>
        %dma_start3A_285 = arith.constant 0 : i32
        %dma_start3A_286 = tpu.memref_slice %arg5[%run_scoped3A_153, %dma_start3A_285] : memref<4x128xi32, #tpu.memory_space<vmem>> -> memref<1x128xi32, #tpu.memory_space<vmem>>
        %dma_start3A_287 = tpu.memref_squeeze %dma_start3A_286 : memref<1x128xi32, #tpu.memory_space<vmem>> -> memref<128xi32, #tpu.memory_space<vmem>>
        %dma_start3A_288 = tpu.memref_slice %arg3[%add3A_152] : memref<262144xi32, #tpu.memory_space<hbm>> -> memref<128xi32, #tpu.memory_space<hbm>>
        tpu.enqueue_dma source(%dma_start3A_288 : memref<128xi32, #tpu.memory_space<hbm>>) target(%dma_start3A_287 : memref<128xi32, #tpu.memory_space<vmem>>) target_semaphore(%run_scoped3A_280 : memref<!tpu.dma_semaphore, #tpu.memory_space<semaphore_mem>>)
        %dma_wait3A_289 = arith.constant 0 : i32
        %dma_wait3A_290 = tpu.memref_slice %arg5[%run_scoped3A_153, %dma_wait3A_289] : memref<4x128xi32, #tpu.memory_space<vmem>> -> memref<1x128xi32, #tpu.memory_space<vmem>>
        %dma_wait3A_291 = tpu.memref_squeeze %dma_wait3A_290 : memref<1x128xi32, #tpu.memory_space<vmem>> -> memref<128xi32, #tpu.memory_space<vmem>>
        %dma_wait3A_292 = tpu.memref_slice %arg3[%add3A_152] : memref<262144xi32, #tpu.memory_space<hbm>> -> memref<128xi32, #tpu.memory_space<hbm>>
        %dma_wait3A_293 = arith.constant 0 : i32
        %dma_wait3A_294 = tpu.memref_slice %arg5[%run_scoped3A_153, %dma_wait3A_293] : memref<4x128xi32, #tpu.memory_space<vmem>> -> memref<1x128xi32, #tpu.memory_space<vmem>>
        %dma_wait3A_295 = tpu.memref_squeeze %dma_wait3A_294 : memref<1x128xi32, #tpu.memory_space<vmem>> -> memref<128xi32, #tpu.memory_space<vmem>>
        %dma_wait3A_296 = tpu.memref_slice %arg3[%add3A_152] : memref<262144xi32, #tpu.memory_space<hbm>> -> memref<128xi32, #tpu.memory_space<hbm>>
        tpu.wait_dma2 semaphore(%run_scoped3A_280 : memref<!tpu.dma_semaphore, #tpu.memory_space<semaphore_mem>>) src(%dma_wait3A_296 : memref<128xi32, #tpu.memory_space<hbm>>) dst(%dma_wait3A_295 : memref<128xi32, #tpu.memory_space<vmem>>)
        tpu.yield
      }) : () -> ()
      %dma_start3A_154 = arith.constant 0 : i32
      %dma_start3A_155 = arith.constant 0 : i32
      %dma_start3A_156 = arith.constant 0 : i32
      %dma_start3A_157 = arith.constant 0 : i32
      %dma_start3A_158 = tpu.memref_slice %arg6[%dma_start3A_155, %dma_start3A_156, %dma_start3A_157] : memref<4x128x48xf32, #tpu.memory_space<vmem>> -> memref<1x128x48xf32, #tpu.memory_space<vmem>>
      %dma_start3A_159 = tpu.memref_squeeze %dma_start3A_158 : memref<1x128x48xf32, #tpu.memory_space<vmem>> -> memref<128x48xf32, #tpu.memory_space<vmem>>
      %dma_start3A_160 = arith.constant 0 : i32
      %dma_start3A_161 = tpu.memref_slice %arg5[%dma_start3A_154, %dma_start3A_160] : memref<4x128xi32, #tpu.memory_space<vmem>> -> memref<1x128xi32, #tpu.memory_space<vmem>>
      %dma_start3A_162 = tpu.memref_squeeze %dma_start3A_161 : memref<1x128xi32, #tpu.memory_space<vmem>> -> memref<128xi32, #tpu.memory_space<vmem>>
      %dma_start3A_163 = arith.constant 0 : i32
      %dma_start3A_164 = arith.constant 0 : i32
      %dma_start3A_165 = tpu.memref_slice %arg2[%dma_start3A_163, %dma_start3A_164] : memref<16384x48xf32, #tpu.memory_space<hbm>> -> memref<16384x48xf32, #tpu.memory_space<hbm>>
      tpu.enqueue_indirect_dma source(%dma_start3A_165 : memref<16384x48xf32, #tpu.memory_space<hbm>>) target(%dma_start3A_159 : memref<128x48xf32, #tpu.memory_space<vmem>>) offsets(%dma_start3A_162 : memref<128xi32, #tpu.memory_space<vmem>>) semaphore(%arg7 : memref<!tpu.dma_semaphore, #tpu.memory_space<semaphore_mem>>)
      %add3A_166 = arith.constant 1 : i32
      %add3A_167 = arith.addi %mul3A_127, %add3A_166 : i32
      %dma_wait3A_168 = arith.constant 1 : i32
      %dma_wait3A_169 = arith.constant 1 : i32
      %dma_wait3A_170 = arith.constant 0 : i32
      %dma_wait3A_171 = arith.constant 0 : i32
      %dma_wait3A_172 = tpu.memref_slice %arg6[%dma_wait3A_169, %dma_wait3A_170, %dma_wait3A_171] : memref<4x128x48xf32, #tpu.memory_space<vmem>> -> memref<1x128x48xf32, #tpu.memory_space<vmem>>
      %dma_wait3A_173 = tpu.memref_squeeze %dma_wait3A_172 : memref<1x128x48xf32, #tpu.memory_space<vmem>> -> memref<128x48xf32, #tpu.memory_space<vmem>>
      %dma_wait3A_174 = arith.constant 0 : i32
      %dma_wait3A_175 = tpu.memref_slice %arg5[%dma_wait3A_168, %dma_wait3A_174] : memref<4x128xi32, #tpu.memory_space<vmem>> -> memref<1x128xi32, #tpu.memory_space<vmem>>
      %dma_wait3A_176 = tpu.memref_squeeze %dma_wait3A_175 : memref<1x128xi32, #tpu.memory_space<vmem>> -> memref<128xi32, #tpu.memory_space<vmem>>
      %dma_wait3A_177 = arith.constant 0 : i32
      %dma_wait3A_178 = arith.constant 0 : i32
      %dma_wait3A_179 = tpu.memref_slice %arg2[%dma_wait3A_177, %dma_wait3A_178] : memref<16384x48xf32, #tpu.memory_space<hbm>> -> memref<16384x48xf32, #tpu.memory_space<hbm>>
      tpu.wait_indirect_dma semaphore(%arg8 : memref<!tpu.dma_semaphore, #tpu.memory_space<semaphore_mem>>) src(%dma_wait3A_179 : memref<16384x48xf32, #tpu.memory_space<hbm>>) dst(%dma_wait3A_173 : memref<128x48xf32, #tpu.memory_space<vmem>>)
      %mul3A_180 = arith.constant 128 : i32
      %mul3A_181 = arith.muli %add3A_167, %mul3A_180 : i32
      %add3A_182 = arith.addi %mul3A_2, %mul3A_181 : i32
      %run_scoped3A_183 = arith.constant 1 : i32
      "tpu.region"() ({
        %run_scoped3A_280 = tpu.sem_alloc : memref<!tpu.dma_semaphore, #tpu.memory_space<semaphore_mem>>
        %dma_start3A_281 = arith.constant 0 : i32
        %dma_start3A_282 = arith.constant 0 : i32
        %dma_start3A_283 = tpu.memref_slice %arg6[%run_scoped3A_183, %dma_start3A_281, %dma_start3A_282] : memref<4x128x48xf32, #tpu.memory_space<vmem>> -> memref<1x128x48xf32, #tpu.memory_space<vmem>>
        %dma_start3A_284 = tpu.memref_squeeze %dma_start3A_283 : memref<1x128x48xf32, #tpu.memory_space<vmem>> -> memref<128x48xf32, #tpu.memory_space<vmem>>
        %dma_start3A_285 = arith.constant 0 : i32
        %dma_start3A_286 = tpu.memref_slice %arg4[%add3A_182, %dma_start3A_285] : memref<262144x48xf32, #tpu.memory_space<hbm>> -> memref<128x48xf32, #tpu.memory_space<hbm>>
        %dma_start3A_287 = arith.constant 0 : i32
        %dma_start3A_288 = tpu.memref_slice %arg4[%add3A_182, %dma_start3A_287] : memref<262144x48xf32, #tpu.memory_space<hbm>> -> memref<128x48xf32, #tpu.memory_space<hbm>>
        %dma_start3A_289 = arith.constant 0 : i32
        %dma_start3A_290 = arith.constant 0 : i32
        %dma_start3A_291 = tpu.memref_slice %arg6[%run_scoped3A_183, %dma_start3A_289, %dma_start3A_290] : memref<4x128x48xf32, #tpu.memory_space<vmem>> -> memref<1x128x48xf32, #tpu.memory_space<vmem>>
        %dma_start3A_292 = tpu.memref_squeeze %dma_start3A_291 : memref<1x128x48xf32, #tpu.memory_space<vmem>> -> memref<128x48xf32, #tpu.memory_space<vmem>>
        tpu.enqueue_dma source(%dma_start3A_292 : memref<128x48xf32, #tpu.memory_space<vmem>>) target(%dma_start3A_288 : memref<128x48xf32, #tpu.memory_space<hbm>>) target_semaphore(%run_scoped3A_280 : memref<!tpu.dma_semaphore, #tpu.memory_space<semaphore_mem>>)
        %dma_wait3A_293 = arith.constant 0 : i32
        %dma_wait3A_294 = arith.constant 0 : i32
        %dma_wait3A_295 = tpu.memref_slice %arg6[%run_scoped3A_183, %dma_wait3A_293, %dma_wait3A_294] : memref<4x128x48xf32, #tpu.memory_space<vmem>> -> memref<1x128x48xf32, #tpu.memory_space<vmem>>
        %dma_wait3A_296 = tpu.memref_squeeze %dma_wait3A_295 : memref<1x128x48xf32, #tpu.memory_space<vmem>> -> memref<128x48xf32, #tpu.memory_space<vmem>>
        %dma_wait3A_297 = arith.constant 0 : i32
        %dma_wait3A_298 = tpu.memref_slice %arg4[%add3A_182, %dma_wait3A_297] : memref<262144x48xf32, #tpu.memory_space<hbm>> -> memref<128x48xf32, #tpu.memory_space<hbm>>
        %dma_wait3A_299 = arith.constant 0 : i32
        %dma_wait3A_300 = tpu.memref_slice %arg4[%add3A_182, %dma_wait3A_299] : memref<262144x48xf32, #tpu.memory_space<hbm>> -> memref<128x48xf32, #tpu.memory_space<hbm>>
        %dma_wait3A_301 = arith.constant 0 : i32
        %dma_wait3A_302 = arith.constant 0 : i32
        %dma_wait3A_303 = tpu.memref_slice %arg6[%run_scoped3A_183, %dma_wait3A_301, %dma_wait3A_302] : memref<4x128x48xf32, #tpu.memory_space<vmem>> -> memref<1x128x48xf32, #tpu.memory_space<vmem>>
        %dma_wait3A_304 = tpu.memref_squeeze %dma_wait3A_303 : memref<1x128x48xf32, #tpu.memory_space<vmem>> -> memref<128x48xf32, #tpu.memory_space<vmem>>
        tpu.wait_dma2 semaphore(%run_scoped3A_280 : memref<!tpu.dma_semaphore, #tpu.memory_space<semaphore_mem>>) src(%dma_wait3A_304 : memref<128x48xf32, #tpu.memory_space<vmem>>) dst(%dma_wait3A_300 : memref<128x48xf32, #tpu.memory_space<hbm>>)
        tpu.yield
      }) : () -> ()
      %add3A_184 = arith.constant 1 : i32
      %add3A_185 = arith.addi %mul3A_127, %add3A_184 : i32
      %add3A_186 = arith.constant 4 : i32
      %add3A_187 = arith.addi %add3A_185, %add3A_186 : i32
      %mul3A_188 = arith.constant 128 : i32
      %mul3A_189 = arith.muli %add3A_187, %mul3A_188 : i32
      %add3A_190 = arith.addi %mul3A_2, %mul3A_189 : i32
      %run_scoped3A_191 = arith.constant 1 : i32
      "tpu.region"() ({
        %run_scoped3A_280 = tpu.sem_alloc : memref<!tpu.dma_semaphore, #tpu.memory_space<semaphore_mem>>
        %dma_start3A_281 = arith.constant 0 : i32
        %dma_start3A_282 = tpu.memref_slice %arg5[%run_scoped3A_191, %dma_start3A_281] : memref<4x128xi32, #tpu.memory_space<vmem>> -> memref<1x128xi32, #tpu.memory_space<vmem>>
        %dma_start3A_283 = tpu.memref_squeeze %dma_start3A_282 : memref<1x128xi32, #tpu.memory_space<vmem>> -> memref<128xi32, #tpu.memory_space<vmem>>
        %dma_start3A_284 = tpu.memref_slice %arg3[%add3A_190] : memref<262144xi32, #tpu.memory_space<hbm>> -> memref<128xi32, #tpu.memory_space<hbm>>
        %dma_start3A_285 = arith.constant 0 : i32
        %dma_start3A_286 = tpu.memref_slice %arg5[%run_scoped3A_191, %dma_start3A_285] : memref<4x128xi32, #tpu.memory_space<vmem>> -> memref<1x128xi32, #tpu.memory_space<vmem>>
        %dma_start3A_287 = tpu.memref_squeeze %dma_start3A_286 : memref<1x128xi32, #tpu.memory_space<vmem>> -> memref<128xi32, #tpu.memory_space<vmem>>
        %dma_start3A_288 = tpu.memref_slice %arg3[%add3A_190] : memref<262144xi32, #tpu.memory_space<hbm>> -> memref<128xi32, #tpu.memory_space<hbm>>
        tpu.enqueue_dma source(%dma_start3A_288 : memref<128xi32, #tpu.memory_space<hbm>>) target(%dma_start3A_287 : memref<128xi32, #tpu.memory_space<vmem>>) target_semaphore(%run_scoped3A_280 : memref<!tpu.dma_semaphore, #tpu.memory_space<semaphore_mem>>)
        %dma_wait3A_289 = arith.constant 0 : i32
        %dma_wait3A_290 = tpu.memref_slice %arg5[%run_scoped3A_191, %dma_wait3A_289] : memref<4x128xi32, #tpu.memory_space<vmem>> -> memref<1x128xi32, #tpu.memory_space<vmem>>
        %dma_wait3A_291 = tpu.memref_squeeze %dma_wait3A_290 : memref<1x128xi32, #tpu.memory_space<vmem>> -> memref<128xi32, #tpu.memory_space<vmem>>
        %dma_wait3A_292 = tpu.memref_slice %arg3[%add3A_190] : memref<262144xi32, #tpu.memory_space<hbm>> -> memref<128xi32, #tpu.memory_space<hbm>>
        %dma_wait3A_293 = arith.constant 0 : i32
        %dma_wait3A_294 = tpu.memref_slice %arg5[%run_scoped3A_191, %dma_wait3A_293] : memref<4x128xi32, #tpu.memory_space<vmem>> -> memref<1x128xi32, #tpu.memory_space<vmem>>
        %dma_wait3A_295 = tpu.memref_squeeze %dma_wait3A_294 : memref<1x128xi32, #tpu.memory_space<vmem>> -> memref<128xi32, #tpu.memory_space<vmem>>
        %dma_wait3A_296 = tpu.memref_slice %arg3[%add3A_190] : memref<262144xi32, #tpu.memory_space<hbm>> -> memref<128xi32, #tpu.memory_space<hbm>>
        tpu.wait_dma2 semaphore(%run_scoped3A_280 : memref<!tpu.dma_semaphore, #tpu.memory_space<semaphore_mem>>) src(%dma_wait3A_296 : memref<128xi32, #tpu.memory_space<hbm>>) dst(%dma_wait3A_295 : memref<128xi32, #tpu.memory_space<vmem>>)
        tpu.yield
      }) : () -> ()
      %dma_start3A_192 = arith.constant 1 : i32
      %dma_start3A_193 = arith.constant 1 : i32
      %dma_start3A_194 = arith.constant 0 : i32
      %dma_start3A_195 = arith.constant 0 : i32
      %dma_start3A_196 = tpu.memref_slice %arg6[%dma_start3A_193, %dma_start3A_194, %dma_start3A_195] : memref<4x128x48xf32, #tpu.memory_space<vmem>> -> memref<1x128x48xf32, #tpu.memory_space<vmem>>
      %dma_start3A_197 = tpu.memref_squeeze %dma_start3A_196 : memref<1x128x48xf32, #tpu.memory_space<vmem>> -> memref<128x48xf32, #tpu.memory_space<vmem>>
      %dma_start3A_198 = arith.constant 0 : i32
      %dma_start3A_199 = tpu.memref_slice %arg5[%dma_start3A_192, %dma_start3A_198] : memref<4x128xi32, #tpu.memory_space<vmem>> -> memref<1x128xi32, #tpu.memory_space<vmem>>
      %dma_start3A_200 = tpu.memref_squeeze %dma_start3A_199 : memref<1x128xi32, #tpu.memory_space<vmem>> -> memref<128xi32, #tpu.memory_space<vmem>>
      %dma_start3A_201 = arith.constant 0 : i32
      %dma_start3A_202 = arith.constant 0 : i32
      %dma_start3A_203 = tpu.memref_slice %arg2[%dma_start3A_201, %dma_start3A_202] : memref<16384x48xf32, #tpu.memory_space<hbm>> -> memref<16384x48xf32, #tpu.memory_space<hbm>>
      tpu.enqueue_indirect_dma source(%dma_start3A_203 : memref<16384x48xf32, #tpu.memory_space<hbm>>) target(%dma_start3A_197 : memref<128x48xf32, #tpu.memory_space<vmem>>) offsets(%dma_start3A_200 : memref<128xi32, #tpu.memory_space<vmem>>) semaphore(%arg8 : memref<!tpu.dma_semaphore, #tpu.memory_space<semaphore_mem>>)
      %add3A_204 = arith.constant 2 : i32
      %add3A_205 = arith.addi %mul3A_127, %add3A_204 : i32
      %dma_wait3A_206 = arith.constant 2 : i32
      %dma_wait3A_207 = arith.constant 2 : i32
      %dma_wait3A_208 = arith.constant 0 : i32
      %dma_wait3A_209 = arith.constant 0 : i32
      %dma_wait3A_210 = tpu.memref_slice %arg6[%dma_wait3A_207, %dma_wait3A_208, %dma_wait3A_209] : memref<4x128x48xf32, #tpu.memory_space<vmem>> -> memref<1x128x48xf32, #tpu.memory_space<vmem>>
      %dma_wait3A_211 = tpu.memref_squeeze %dma_wait3A_210 : memref<1x128x48xf32, #tpu.memory_space<vmem>> -> memref<128x48xf32, #tpu.memory_space<vmem>>
      %dma_wait3A_212 = arith.constant 0 : i32
      %dma_wait3A_213 = tpu.memref_slice %arg5[%dma_wait3A_206, %dma_wait3A_212] : memref<4x128xi32, #tpu.memory_space<vmem>> -> memref<1x128xi32, #tpu.memory_space<vmem>>
      %dma_wait3A_214 = tpu.memref_squeeze %dma_wait3A_213 : memref<1x128xi32, #tpu.memory_space<vmem>> -> memref<128xi32, #tpu.memory_space<vmem>>
      %dma_wait3A_215 = arith.constant 0 : i32
      %dma_wait3A_216 = arith.constant 0 : i32
      %dma_wait3A_217 = tpu.memref_slice %arg2[%dma_wait3A_215, %dma_wait3A_216] : memref<16384x48xf32, #tpu.memory_space<hbm>> -> memref<16384x48xf32, #tpu.memory_space<hbm>>
      tpu.wait_indirect_dma semaphore(%arg9 : memref<!tpu.dma_semaphore, #tpu.memory_space<semaphore_mem>>) src(%dma_wait3A_217 : memref<16384x48xf32, #tpu.memory_space<hbm>>) dst(%dma_wait3A_211 : memref<128x48xf32, #tpu.memory_space<vmem>>)
      %mul3A_218 = arith.constant 128 : i32
      %mul3A_219 = arith.muli %add3A_205, %mul3A_218 : i32
      %add3A_220 = arith.addi %mul3A_2, %mul3A_219 : i32
      %run_scoped3A_221 = arith.constant 2 : i32
      "tpu.region"() ({
        %run_scoped3A_280 = tpu.sem_alloc : memref<!tpu.dma_semaphore, #tpu.memory_space<semaphore_mem>>
        %dma_start3A_281 = arith.constant 0 : i32
        %dma_start3A_282 = arith.constant 0 : i32
        %dma_start3A_283 = tpu.memref_slice %arg6[%run_scoped3A_221, %dma_start3A_281, %dma_start3A_282] : memref<4x128x48xf32, #tpu.memory_space<vmem>> -> memref<1x128x48xf32, #tpu.memory_space<vmem>>
        %dma_start3A_284 = tpu.memref_squeeze %dma_start3A_283 : memref<1x128x48xf32, #tpu.memory_space<vmem>> -> memref<128x48xf32, #tpu.memory_space<vmem>>
        %dma_start3A_285 = arith.constant 0 : i32
        %dma_start3A_286 = tpu.memref_slice %arg4[%add3A_220, %dma_start3A_285] : memref<262144x48xf32, #tpu.memory_space<hbm>> -> memref<128x48xf32, #tpu.memory_space<hbm>>
        %dma_start3A_287 = arith.constant 0 : i32
        %dma_start3A_288 = tpu.memref_slice %arg4[%add3A_220, %dma_start3A_287] : memref<262144x48xf32, #tpu.memory_space<hbm>> -> memref<128x48xf32, #tpu.memory_space<hbm>>
        %dma_start3A_289 = arith.constant 0 : i32
        %dma_start3A_290 = arith.constant 0 : i32
        %dma_start3A_291 = tpu.memref_slice %arg6[%run_scoped3A_221, %dma_start3A_289, %dma_start3A_290] : memref<4x128x48xf32, #tpu.memory_space<vmem>> -> memref<1x128x48xf32, #tpu.memory_space<vmem>>
        %dma_start3A_292 = tpu.memref_squeeze %dma_start3A_291 : memref<1x128x48xf32, #tpu.memory_space<vmem>> -> memref<128x48xf32, #tpu.memory_space<vmem>>
        tpu.enqueue_dma source(%dma_start3A_292 : memref<128x48xf32, #tpu.memory_space<vmem>>) target(%dma_start3A_288 : memref<128x48xf32, #tpu.memory_space<hbm>>) target_semaphore(%run_scoped3A_280 : memref<!tpu.dma_semaphore, #tpu.memory_space<semaphore_mem>>)
        %dma_wait3A_293 = arith.constant 0 : i32
        %dma_wait3A_294 = arith.constant 0 : i32
        %dma_wait3A_295 = tpu.memref_slice %arg6[%run_scoped3A_221, %dma_wait3A_293, %dma_wait3A_294] : memref<4x128x48xf32, #tpu.memory_space<vmem>> -> memref<1x128x48xf32, #tpu.memory_space<vmem>>
        %dma_wait3A_296 = tpu.memref_squeeze %dma_wait3A_295 : memref<1x128x48xf32, #tpu.memory_space<vmem>> -> memref<128x48xf32, #tpu.memory_space<vmem>>
        %dma_wait3A_297 = arith.constant 0 : i32
        %dma_wait3A_298 = tpu.memref_slice %arg4[%add3A_220, %dma_wait3A_297] : memref<262144x48xf32, #tpu.memory_space<hbm>> -> memref<128x48xf32, #tpu.memory_space<hbm>>
        %dma_wait3A_299 = arith.constant 0 : i32
        %dma_wait3A_300 = tpu.memref_slice %arg4[%add3A_220, %dma_wait3A_299] : memref<262144x48xf32, #tpu.memory_space<hbm>> -> memref<128x48xf32, #tpu.memory_space<hbm>>
        %dma_wait3A_301 = arith.constant 0 : i32
        %dma_wait3A_302 = arith.constant 0 : i32
        %dma_wait3A_303 = tpu.memref_slice %arg6[%run_scoped3A_221, %dma_wait3A_301, %dma_wait3A_302] : memref<4x128x48xf32, #tpu.memory_space<vmem>> -> memref<1x128x48xf32, #tpu.memory_space<vmem>>
        %dma_wait3A_304 = tpu.memref_squeeze %dma_wait3A_303 : memref<1x128x48xf32, #tpu.memory_space<vmem>> -> memref<128x48xf32, #tpu.memory_space<vmem>>
        tpu.wait_dma2 semaphore(%run_scoped3A_280 : memref<!tpu.dma_semaphore, #tpu.memory_space<semaphore_mem>>) src(%dma_wait3A_304 : memref<128x48xf32, #tpu.memory_space<vmem>>) dst(%dma_wait3A_300 : memref<128x48xf32, #tpu.memory_space<hbm>>)
        tpu.yield
      }) : () -> ()
      %add3A_222 = arith.constant 2 : i32
      %add3A_223 = arith.addi %mul3A_127, %add3A_222 : i32
      %add3A_224 = arith.constant 4 : i32
      %add3A_225 = arith.addi %add3A_223, %add3A_224 : i32
      %mul3A_226 = arith.constant 128 : i32
      %mul3A_227 = arith.muli %add3A_225, %mul3A_226 : i32
      %add3A_228 = arith.addi %mul3A_2, %mul3A_227 : i32
      %run_scoped3A_229 = arith.constant 2 : i32
      "tpu.region"() ({
        %run_scoped3A_280 = tpu.sem_alloc : memref<!tpu.dma_semaphore, #tpu.memory_space<semaphore_mem>>
        %dma_start3A_281 = arith.constant 0 : i32
        %dma_start3A_282 = tpu.memref_slice %arg5[%run_scoped3A_229, %dma_start3A_281] : memref<4x128xi32, #tpu.memory_space<vmem>> -> memref<1x128xi32, #tpu.memory_space<vmem>>
        %dma_start3A_283 = tpu.memref_squeeze %dma_start3A_282 : memref<1x128xi32, #tpu.memory_space<vmem>> -> memref<128xi32, #tpu.memory_space<vmem>>
        %dma_start3A_284 = tpu.memref_slice %arg3[%add3A_228] : memref<262144xi32, #tpu.memory_space<hbm>> -> memref<128xi32, #tpu.memory_space<hbm>>
        %dma_start3A_285 = arith.constant 0 : i32
        %dma_start3A_286 = tpu.memref_slice %arg5[%run_scoped3A_229, %dma_start3A_285] : memref<4x128xi32, #tpu.memory_space<vmem>> -> memref<1x128xi32, #tpu.memory_space<vmem>>
        %dma_start3A_287 = tpu.memref_squeeze %dma_start3A_286 : memref<1x128xi32, #tpu.memory_space<vmem>> -> memref<128xi32, #tpu.memory_space<vmem>>
        %dma_start3A_288 = tpu.memref_slice %arg3[%add3A_228] : memref<262144xi32, #tpu.memory_space<hbm>> -> memref<128xi32, #tpu.memory_space<hbm>>
        tpu.enqueue_dma source(%dma_start3A_288 : memref<128xi32, #tpu.memory_space<hbm>>) target(%dma_start3A_287 : memref<128xi32, #tpu.memory_space<vmem>>) target_semaphore(%run_scoped3A_280 : memref<!tpu.dma_semaphore, #tpu.memory_space<semaphore_mem>>)
        %dma_wait3A_289 = arith.constant 0 : i32
        %dma_wait3A_290 = tpu.memref_slice %arg5[%run_scoped3A_229, %dma_wait3A_289] : memref<4x128xi32, #tpu.memory_space<vmem>> -> memref<1x128xi32, #tpu.memory_space<vmem>>
        %dma_wait3A_291 = tpu.memref_squeeze %dma_wait3A_290 : memref<1x128xi32, #tpu.memory_space<vmem>> -> memref<128xi32, #tpu.memory_space<vmem>>
        %dma_wait3A_292 = tpu.memref_slice %arg3[%add3A_228] : memref<262144xi32, #tpu.memory_space<hbm>> -> memref<128xi32, #tpu.memory_space<hbm>>
        %dma_wait3A_293 = arith.constant 0 : i32
        %dma_wait3A_294 = tpu.memref_slice %arg5[%run_scoped3A_229, %dma_wait3A_293] : memref<4x128xi32, #tpu.memory_space<vmem>> -> memref<1x128xi32, #tpu.memory_space<vmem>>
        %dma_wait3A_295 = tpu.memref_squeeze %dma_wait3A_294 : memref<1x128xi32, #tpu.memory_space<vmem>> -> memref<128xi32, #tpu.memory_space<vmem>>
        %dma_wait3A_296 = tpu.memref_slice %arg3[%add3A_228] : memref<262144xi32, #tpu.memory_space<hbm>> -> memref<128xi32, #tpu.memory_space<hbm>>
        tpu.wait_dma2 semaphore(%run_scoped3A_280 : memref<!tpu.dma_semaphore, #tpu.memory_space<semaphore_mem>>) src(%dma_wait3A_296 : memref<128xi32, #tpu.memory_space<hbm>>) dst(%dma_wait3A_295 : memref<128xi32, #tpu.memory_space<vmem>>)
        tpu.yield
      }) : () -> ()
      %dma_start3A_230 = arith.constant 2 : i32
      %dma_start3A_231 = arith.constant 2 : i32
      %dma_start3A_232 = arith.constant 0 : i32
      %dma_start3A_233 = arith.constant 0 : i32
      %dma_start3A_234 = tpu.memref_slice %arg6[%dma_start3A_231, %dma_start3A_232, %dma_start3A_233] : memref<4x128x48xf32, #tpu.memory_space<vmem>> -> memref<1x128x48xf32, #tpu.memory_space<vmem>>
      %dma_start3A_235 = tpu.memref_squeeze %dma_start3A_234 : memref<1x128x48xf32, #tpu.memory_space<vmem>> -> memref<128x48xf32, #tpu.memory_space<vmem>>
      %dma_start3A_236 = arith.constant 0 : i32
      %dma_start3A_237 = tpu.memref_slice %arg5[%dma_start3A_230, %dma_start3A_236] : memref<4x128xi32, #tpu.memory_space<vmem>> -> memref<1x128xi32, #tpu.memory_space<vmem>>
      %dma_start3A_238 = tpu.memref_squeeze %dma_start3A_237 : memref<1x128xi32, #tpu.memory_space<vmem>> -> memref<128xi32, #tpu.memory_space<vmem>>
      %dma_start3A_239 = arith.constant 0 : i32
      %dma_start3A_240 = arith.constant 0 : i32
      %dma_start3A_241 = tpu.memref_slice %arg2[%dma_start3A_239, %dma_start3A_240] : memref<16384x48xf32, #tpu.memory_space<hbm>> -> memref<16384x48xf32, #tpu.memory_space<hbm>>
      tpu.enqueue_indirect_dma source(%dma_start3A_241 : memref<16384x48xf32, #tpu.memory_space<hbm>>) target(%dma_start3A_235 : memref<128x48xf32, #tpu.memory_space<vmem>>) offsets(%dma_start3A_238 : memref<128xi32, #tpu.memory_space<vmem>>) semaphore(%arg9 : memref<!tpu.dma_semaphore, #tpu.memory_space<semaphore_mem>>)
      %add3A_242 = arith.constant 3 : i32
      %add3A_243 = arith.addi %mul3A_127, %add3A_242 : i32
      %dma_wait3A_244 = arith.constant 3 : i32
      %dma_wait3A_245 = arith.constant 3 : i32
      %dma_wait3A_246 = arith.constant 0 : i32
      %dma_wait3A_247 = arith.constant 0 : i32
      %dma_wait3A_248 = tpu.memref_slice %arg6[%dma_wait3A_245, %dma_wait3A_246, %dma_wait3A_247] : memref<4x128x48xf32, #tpu.memory_space<vmem>> -> memref<1x128x48xf32, #tpu.memory_space<vmem>>
      %dma_wait3A_249 = tpu.memref_squeeze %dma_wait3A_248 : memref<1x128x48xf32, #tpu.memory_space<vmem>> -> memref<128x48xf32, #tpu.memory_space<vmem>>
      %dma_wait3A_250 = arith.constant 0 : i32
      %dma_wait3A_251 = tpu.memref_slice %arg5[%dma_wait3A_244, %dma_wait3A_250] : memref<4x128xi32, #tpu.memory_space<vmem>> -> memref<1x128xi32, #tpu.memory_space<vmem>>
      %dma_wait3A_252 = tpu.memref_squeeze %dma_wait3A_251 : memref<1x128xi32, #tpu.memory_space<vmem>> -> memref<128xi32, #tpu.memory_space<vmem>>
      %dma_wait3A_253 = arith.constant 0 : i32
      %dma_wait3A_254 = arith.constant 0 : i32
      %dma_wait3A_255 = tpu.memref_slice %arg2[%dma_wait3A_253, %dma_wait3A_254] : memref<16384x48xf32, #tpu.memory_space<hbm>> -> memref<16384x48xf32, #tpu.memory_space<hbm>>
      tpu.wait_indirect_dma semaphore(%arg10 : memref<!tpu.dma_semaphore, #tpu.memory_space<semaphore_mem>>) src(%dma_wait3A_255 : memref<16384x48xf32, #tpu.memory_space<hbm>>) dst(%dma_wait3A_249 : memref<128x48xf32, #tpu.memory_space<vmem>>)
      %mul3A_256 = arith.constant 128 : i32
      %mul3A_257 = arith.muli %add3A_243, %mul3A_256 : i32
      %add3A_258 = arith.addi %mul3A_2, %mul3A_257 : i32
      %run_scoped3A_259 = arith.constant 3 : i32
      "tpu.region"() ({
        %run_scoped3A_280 = tpu.sem_alloc : memref<!tpu.dma_semaphore, #tpu.memory_space<semaphore_mem>>
        %dma_start3A_281 = arith.constant 0 : i32
        %dma_start3A_282 = arith.constant 0 : i32
        %dma_start3A_283 = tpu.memref_slice %arg6[%run_scoped3A_259, %dma_start3A_281, %dma_start3A_282] : memref<4x128x48xf32, #tpu.memory_space<vmem>> -> memref<1x128x48xf32, #tpu.memory_space<vmem>>
        %dma_start3A_284 = tpu.memref_squeeze %dma_start3A_283 : memref<1x128x48xf32, #tpu.memory_space<vmem>> -> memref<128x48xf32, #tpu.memory_space<vmem>>
        %dma_start3A_285 = arith.constant 0 : i32
        %dma_start3A_286 = tpu.memref_slice %arg4[%add3A_258, %dma_start3A_285] : memref<262144x48xf32, #tpu.memory_space<hbm>> -> memref<128x48xf32, #tpu.memory_space<hbm>>
        %dma_start3A_287 = arith.constant 0 : i32
        %dma_start3A_288 = tpu.memref_slice %arg4[%add3A_258, %dma_start3A_287] : memref<262144x48xf32, #tpu.memory_space<hbm>> -> memref<128x48xf32, #tpu.memory_space<hbm>>
        %dma_start3A_289 = arith.constant 0 : i32
        %dma_start3A_290 = arith.constant 0 : i32
        %dma_start3A_291 = tpu.memref_slice %arg6[%run_scoped3A_259, %dma_start3A_289, %dma_start3A_290] : memref<4x128x48xf32, #tpu.memory_space<vmem>> -> memref<1x128x48xf32, #tpu.memory_space<vmem>>
        %dma_start3A_292 = tpu.memref_squeeze %dma_start3A_291 : memref<1x128x48xf32, #tpu.memory_space<vmem>> -> memref<128x48xf32, #tpu.memory_space<vmem>>
        tpu.enqueue_dma source(%dma_start3A_292 : memref<128x48xf32, #tpu.memory_space<vmem>>) target(%dma_start3A_288 : memref<128x48xf32, #tpu.memory_space<hbm>>) target_semaphore(%run_scoped3A_280 : memref<!tpu.dma_semaphore, #tpu.memory_space<semaphore_mem>>)
        %dma_wait3A_293 = arith.constant 0 : i32
        %dma_wait3A_294 = arith.constant 0 : i32
        %dma_wait3A_295 = tpu.memref_slice %arg6[%run_scoped3A_259, %dma_wait3A_293, %dma_wait3A_294] : memref<4x128x48xf32, #tpu.memory_space<vmem>> -> memref<1x128x48xf32, #tpu.memory_space<vmem>>
        %dma_wait3A_296 = tpu.memref_squeeze %dma_wait3A_295 : memref<1x128x48xf32, #tpu.memory_space<vmem>> -> memref<128x48xf32, #tpu.memory_space<vmem>>
        %dma_wait3A_297 = arith.constant 0 : i32
        %dma_wait3A_298 = tpu.memref_slice %arg4[%add3A_258, %dma_wait3A_297] : memref<262144x48xf32, #tpu.memory_space<hbm>> -> memref<128x48xf32, #tpu.memory_space<hbm>>
        %dma_wait3A_299 = arith.constant 0 : i32
        %dma_wait3A_300 = tpu.memref_slice %arg4[%add3A_258, %dma_wait3A_299] : memref<262144x48xf32, #tpu.memory_space<hbm>> -> memref<128x48xf32, #tpu.memory_space<hbm>>
        %dma_wait3A_301 = arith.constant 0 : i32
        %dma_wait3A_302 = arith.constant 0 : i32
        %dma_wait3A_303 = tpu.memref_slice %arg6[%run_scoped3A_259, %dma_wait3A_301, %dma_wait3A_302] : memref<4x128x48xf32, #tpu.memory_space<vmem>> -> memref<1x128x48xf32, #tpu.memory_space<vmem>>
        %dma_wait3A_304 = tpu.memref_squeeze %dma_wait3A_303 : memref<1x128x48xf32, #tpu.memory_space<vmem>> -> memref<128x48xf32, #tpu.memory_space<vmem>>
        tpu.wait_dma2 semaphore(%run_scoped3A_280 : memref<!tpu.dma_semaphore, #tpu.memory_space<semaphore_mem>>) src(%dma_wait3A_304 : memref<128x48xf32, #tpu.memory_space<vmem>>) dst(%dma_wait3A_300 : memref<128x48xf32, #tpu.memory_space<hbm>>)
        tpu.yield
      }) : () -> ()
      %add3A_260 = arith.constant 3 : i32
      %add3A_261 = arith.addi %mul3A_127, %add3A_260 : i32
      %add3A_262 = arith.constant 4 : i32
      %add3A_263 = arith.addi %add3A_261, %add3A_262 : i32
      %mul3A_264 = arith.constant 128 : i32
      %mul3A_265 = arith.muli %add3A_263, %mul3A_264 : i32
      %add3A_266 = arith.addi %mul3A_2, %mul3A_265 : i32
      %run_scoped3A_267 = arith.constant 3 : i32
      "tpu.region"() ({
        %run_scoped3A_280 = tpu.sem_alloc : memref<!tpu.dma_semaphore, #tpu.memory_space<semaphore_mem>>
        %dma_start3A_281 = arith.constant 0 : i32
        %dma_start3A_282 = tpu.memref_slice %arg5[%run_scoped3A_267, %dma_start3A_281] : memref<4x128xi32, #tpu.memory_space<vmem>> -> memref<1x128xi32, #tpu.memory_space<vmem>>
        %dma_start3A_283 = tpu.memref_squeeze %dma_start3A_282 : memref<1x128xi32, #tpu.memory_space<vmem>> -> memref<128xi32, #tpu.memory_space<vmem>>
        %dma_start3A_284 = tpu.memref_slice %arg3[%add3A_266] : memref<262144xi32, #tpu.memory_space<hbm>> -> memref<128xi32, #tpu.memory_space<hbm>>
        %dma_start3A_285 = arith.constant 0 : i32
        %dma_start3A_286 = tpu.memref_slice %arg5[%run_scoped3A_267, %dma_start3A_285] : memref<4x128xi32, #tpu.memory_space<vmem>> -> memref<1x128xi32, #tpu.memory_space<vmem>>
        %dma_start3A_287 = tpu.memref_squeeze %dma_start3A_286 : memref<1x128xi32, #tpu.memory_space<vmem>> -> memref<128xi32, #tpu.memory_space<vmem>>
        %dma_start3A_288 = tpu.memref_slice %arg3[%add3A_266] : memref<262144xi32, #tpu.memory_space<hbm>> -> memref<128xi32, #tpu.memory_space<hbm>>
        tpu.enqueue_dma source(%dma_start3A_288 : memref<128xi32, #tpu.memory_space<hbm>>) target(%dma_start3A_287 : memref<128xi32, #tpu.memory_space<vmem>>) target_semaphore(%run_scoped3A_280 : memref<!tpu.dma_semaphore, #tpu.memory_space<semaphore_mem>>)
        %dma_wait3A_289 = arith.constant 0 : i32
        %dma_wait3A_290 = tpu.memref_slice %arg5[%run_scoped3A_267, %dma_wait3A_289] : memref<4x128xi32, #tpu.memory_space<vmem>> -> memref<1x128xi32, #tpu.memory_space<vmem>>
        %dma_wait3A_291 = tpu.memref_squeeze %dma_wait3A_290 : memref<1x128xi32, #tpu.memory_space<vmem>> -> memref<128xi32, #tpu.memory_space<vmem>>
        %dma_wait3A_292 = tpu.memref_slice %arg3[%add3A_266] : memref<262144xi32, #tpu.memory_space<hbm>> -> memref<128xi32, #tpu.memory_space<hbm>>
        %dma_wait3A_293 = arith.constant 0 : i32
        %dma_wait3A_294 = tpu.memref_slice %arg5[%run_scoped3A_267, %dma_wait3A_293] : memref<4x128xi32, #tpu.memory_space<vmem>> -> memref<1x128xi32, #tpu.memory_space<vmem>>
        %dma_wait3A_295 = tpu.memref_squeeze %dma_wait3A_294 : memref<1x128xi32, #tpu.memory_space<vmem>> -> memref<128xi32, #tpu.memory_space<vmem>>
        %dma_wait3A_296 = tpu.memref_slice %arg3[%add3A_266] : memref<262144xi32, #tpu.memory_space<hbm>> -> memref<128xi32, #tpu.memory_space<hbm>>
        tpu.wait_dma2 semaphore(%run_scoped3A_280 : memref<!tpu.dma_semaphore, #tpu.memory_space<semaphore_mem>>) src(%dma_wait3A_296 : memref<128xi32, #tpu.memory_space<hbm>>) dst(%dma_wait3A_295 : memref<128xi32, #tpu.memory_space<vmem>>)
        tpu.yield
      }) : () -> ()
      %dma_start3A_268 = arith.constant 3 : i32
      %dma_start3A_269 = arith.constant 3 : i32
      %dma_start3A_270 = arith.constant 0 : i32
      %dma_start3A_271 = arith.constant 0 : i32
      %dma_start3A_272 = tpu.memref_slice %arg6[%dma_start3A_269, %dma_start3A_270, %dma_start3A_271] : memref<4x128x48xf32, #tpu.memory_space<vmem>> -> memref<1x128x48xf32, #tpu.memory_space<vmem>>
      %dma_start3A_273 = tpu.memref_squeeze %dma_start3A_272 : memref<1x128x48xf32, #tpu.memory_space<vmem>> -> memref<128x48xf32, #tpu.memory_space<vmem>>
      %dma_start3A_274 = arith.constant 0 : i32
      %dma_start3A_275 = tpu.memref_slice %arg5[%dma_start3A_268, %dma_start3A_274] : memref<4x128xi32, #tpu.memory_space<vmem>> -> memref<1x128xi32, #tpu.memory_space<vmem>>
      %dma_start3A_276 = tpu.memref_squeeze %dma_start3A_275 : memref<1x128xi32, #tpu.memory_space<vmem>> -> memref<128xi32, #tpu.memory_space<vmem>>
      %dma_start3A_277 = arith.constant 0 : i32
      %dma_start3A_278 = arith.constant 0 : i32
      %dma_start3A_279 = tpu.memref_slice %arg2[%dma_start3A_277, %dma_start3A_278] : memref<16384x48xf32, #tpu.memory_space<hbm>> -> memref<16384x48xf32, #tpu.memory_space<hbm>>
      tpu.enqueue_indirect_dma source(%dma_start3A_279 : memref<16384x48xf32, #tpu.memory_space<hbm>>) target(%dma_start3A_273 : memref<128x48xf32, #tpu.memory_space<vmem>>) offsets(%dma_start3A_276 : memref<128xi32, #tpu.memory_space<vmem>>) semaphore(%arg10 : memref<!tpu.dma_semaphore, #tpu.memory_space<semaphore_mem>>)
    }
    %scan3A_65 = arith.constant 15 : i32
    %dma_wait3A = arith.constant 0 : i32
    %dma_wait3A_66 = arith.constant 0 : i32
    %dma_wait3A_67 = arith.constant 0 : i32
    %dma_wait3A_68 = arith.constant 0 : i32
    %dma_wait3A_69 = tpu.memref_slice %arg6[%dma_wait3A_66, %dma_wait3A_67, %dma_wait3A_68] : memref<4x128x48xf32, #tpu.memory_space<vmem>> -> memref<1x128x48xf32, #tpu.memory_space<vmem>>
    %dma_wait3A_70 = tpu.memref_squeeze %dma_wait3A_69 : memref<1x128x48xf32, #tpu.memory_space<vmem>> -> memref<128x48xf32, #tpu.memory_space<vmem>>
    %dma_wait3A_71 = arith.constant 0 : i32
    %dma_wait3A_72 = tpu.memref_slice %arg5[%dma_wait3A, %dma_wait3A_71] : memref<4x128xi32, #tpu.memory_space<vmem>> -> memref<1x128xi32, #tpu.memory_space<vmem>>
    %dma_wait3A_73 = tpu.memref_squeeze %dma_wait3A_72 : memref<1x128xi32, #tpu.memory_space<vmem>> -> memref<128xi32, #tpu.memory_space<vmem>>
    %dma_wait3A_74 = arith.constant 0 : i32
    %dma_wait3A_75 = arith.constant 0 : i32
    %dma_wait3A_76 = tpu.memref_slice %arg2[%dma_wait3A_74, %dma_wait3A_75] : memref<16384x48xf32, #tpu.memory_space<hbm>> -> memref<16384x48xf32, #tpu.memory_space<hbm>>
    tpu.wait_indirect_dma semaphore(%arg7 : memref<!tpu.dma_semaphore, #tpu.memory_space<semaphore_mem>>) src(%dma_wait3A_76 : memref<16384x48xf32, #tpu.memory_space<hbm>>) dst(%dma_wait3A_70 : memref<128x48xf32, #tpu.memory_space<vmem>>)
    %add3A_77 = arith.constant 7680 : i32
    %add3A_78 = arith.addi %mul3A_2, %add3A_77 : i32
    %run_scoped3A_79 = arith.constant 0 : i32
    "tpu.region"() ({
      %run_scoped3A_125 = tpu.sem_alloc : memref<!tpu.dma_semaphore, #tpu.memory_space<semaphore_mem>>
      %dma_start3A_126 = arith.constant 0 : i32
      %dma_start3A_127 = arith.constant 0 : i32
      %dma_start3A_128 = tpu.memref_slice %arg6[%run_scoped3A_79, %dma_start3A_126, %dma_start3A_127] : memref<4x128x48xf32, #tpu.memory_space<vmem>> -> memref<1x128x48xf32, #tpu.memory_space<vmem>>
      %dma_start3A_129 = tpu.memref_squeeze %dma_start3A_128 : memref<1x128x48xf32, #tpu.memory_space<vmem>> -> memref<128x48xf32, #tpu.memory_space<vmem>>
      %dma_start3A_130 = arith.constant 0 : i32
      %dma_start3A_131 = tpu.memref_slice %arg4[%add3A_78, %dma_start3A_130] : memref<262144x48xf32, #tpu.memory_space<hbm>> -> memref<128x48xf32, #tpu.memory_space<hbm>>
      %dma_start3A_132 = arith.constant 0 : i32
      %dma_start3A_133 = tpu.memref_slice %arg4[%add3A_78, %dma_start3A_132] : memref<262144x48xf32, #tpu.memory_space<hbm>> -> memref<128x48xf32, #tpu.memory_space<hbm>>
      %dma_start3A_134 = arith.constant 0 : i32
      %dma_start3A_135 = arith.constant 0 : i32
      %dma_start3A_136 = tpu.memref_slice %arg6[%run_scoped3A_79, %dma_start3A_134, %dma_start3A_135] : memref<4x128x48xf32, #tpu.memory_space<vmem>> -> memref<1x128x48xf32, #tpu.memory_space<vmem>>
      %dma_start3A_137 = tpu.memref_squeeze %dma_start3A_136 : memref<1x128x48xf32, #tpu.memory_space<vmem>> -> memref<128x48xf32, #tpu.memory_space<vmem>>
      tpu.enqueue_dma source(%dma_start3A_137 : memref<128x48xf32, #tpu.memory_space<vmem>>) target(%dma_start3A_133 : memref<128x48xf32, #tpu.memory_space<hbm>>) target_semaphore(%run_scoped3A_125 : memref<!tpu.dma_semaphore, #tpu.memory_space<semaphore_mem>>)
      %dma_wait3A_138 = arith.constant 0 : i32
      %dma_wait3A_139 = arith.constant 0 : i32
      %dma_wait3A_140 = tpu.memref_slice %arg6[%run_scoped3A_79, %dma_wait3A_138, %dma_wait3A_139] : memref<4x128x48xf32, #tpu.memory_space<vmem>> -> memref<1x128x48xf32, #tpu.memory_space<vmem>>
      %dma_wait3A_141 = tpu.memref_squeeze %dma_wait3A_140 : memref<1x128x48xf32, #tpu.memory_space<vmem>> -> memref<128x48xf32, #tpu.memory_space<vmem>>
      %dma_wait3A_142 = arith.constant 0 : i32
      %dma_wait3A_143 = tpu.memref_slice %arg4[%add3A_78, %dma_wait3A_142] : memref<262144x48xf32, #tpu.memory_space<hbm>> -> memref<128x48xf32, #tpu.memory_space<hbm>>
      %dma_wait3A_144 = arith.constant 0 : i32
      %dma_wait3A_145 = tpu.memref_slice %arg4[%add3A_78, %dma_wait3A_144] : memref<262144x48xf32, #tpu.memory_space<hbm>> -> memref<128x48xf32, #tpu.memory_space<hbm>>
      %dma_wait3A_146 = arith.constant 0 : i32
      %dma_wait3A_147 = arith.constant 0 : i32
      %dma_wait3A_148 = tpu.memref_slice %arg6[%run_scoped3A_79, %dma_wait3A_146, %dma_wait3A_147] : memref<4x128x48xf32, #tpu.memory_space<vmem>> -> memref<1x128x48xf32, #tpu.memory_space<vmem>>
      %dma_wait3A_149 = tpu.memref_squeeze %dma_wait3A_148 : memref<1x128x48xf32, #tpu.memory_space<vmem>> -> memref<128x48xf32, #tpu.memory_space<vmem>>
      tpu.wait_dma2 semaphore(%run_scoped3A_125 : memref<!tpu.dma_semaphore, #tpu.memory_space<semaphore_mem>>) src(%dma_wait3A_149 : memref<128x48xf32, #tpu.memory_space<vmem>>) dst(%dma_wait3A_145 : memref<128x48xf32, #tpu.memory_space<hbm>>)
      tpu.yield
    }) : () -> ()
    %dma_wait3A_80 = arith.constant 1 : i32
    %dma_wait3A_81 = arith.constant 1 : i32
    %dma_wait3A_82 = arith.constant 0 : i32
    %dma_wait3A_83 = arith.constant 0 : i32
    %dma_wait3A_84 = tpu.memref_slice %arg6[%dma_wait3A_81, %dma_wait3A_82, %dma_wait3A_83] : memref<4x128x48xf32, #tpu.memory_space<vmem>> -> memref<1x128x48xf32, #tpu.memory_space<vmem>>
    %dma_wait3A_85 = tpu.memref_squeeze %dma_wait3A_84 : memref<1x128x48xf32, #tpu.memory_space<vmem>> -> memref<128x48xf32, #tpu.memory_space<vmem>>
    %dma_wait3A_86 = arith.constant 0 : i32
    %dma_wait3A_87 = tpu.memref_slice %arg5[%dma_wait3A_80, %dma_wait3A_86] : memref<4x128xi32, #tpu.memory_space<vmem>> -> memref<1x128xi32, #tpu.memory_space<vmem>>
    %dma_wait3A_88 = tpu.memref_squeeze %dma_wait3A_87 : memref<1x128xi32, #tpu.memory_space<vmem>> -> memref<128xi32, #tpu.memory_space<vmem>>
    %dma_wait3A_89 = arith.constant 0 : i32
    %dma_wait3A_90 = arith.constant 0 : i32
    %dma_wait3A_91 = tpu.memref_slice %arg2[%dma_wait3A_89, %dma_wait3A_90] : memref<16384x48xf32, #tpu.memory_space<hbm>> -> memref<16384x48xf32, #tpu.memory_space<hbm>>
    tpu.wait_indirect_dma semaphore(%arg8 : memref<!tpu.dma_semaphore, #tpu.memory_space<semaphore_mem>>) src(%dma_wait3A_91 : memref<16384x48xf32, #tpu.memory_space<hbm>>) dst(%dma_wait3A_85 : memref<128x48xf32, #tpu.memory_space<vmem>>)
    %add3A_92 = arith.constant 7808 : i32
    %add3A_93 = arith.addi %mul3A_2, %add3A_92 : i32
    %run_scoped3A_94 = arith.constant 1 : i32
    "tpu.region"() ({
      %run_scoped3A_125 = tpu.sem_alloc : memref<!tpu.dma_semaphore, #tpu.memory_space<semaphore_mem>>
      %dma_start3A_126 = arith.constant 0 : i32
      %dma_start3A_127 = arith.constant 0 : i32
      %dma_start3A_128 = tpu.memref_slice %arg6[%run_scoped3A_94, %dma_start3A_126, %dma_start3A_127] : memref<4x128x48xf32, #tpu.memory_space<vmem>> -> memref<1x128x48xf32, #tpu.memory_space<vmem>>
      %dma_start3A_129 = tpu.memref_squeeze %dma_start3A_128 : memref<1x128x48xf32, #tpu.memory_space<vmem>> -> memref<128x48xf32, #tpu.memory_space<vmem>>
      %dma_start3A_130 = arith.constant 0 : i32
      %dma_start3A_131 = tpu.memref_slice %arg4[%add3A_93, %dma_start3A_130] : memref<262144x48xf32, #tpu.memory_space<hbm>> -> memref<128x48xf32, #tpu.memory_space<hbm>>
      %dma_start3A_132 = arith.constant 0 : i32
      %dma_start3A_133 = tpu.memref_slice %arg4[%add3A_93, %dma_start3A_132] : memref<262144x48xf32, #tpu.memory_space<hbm>> -> memref<128x48xf32, #tpu.memory_space<hbm>>
      %dma_start3A_134 = arith.constant 0 : i32
      %dma_start3A_135 = arith.constant 0 : i32
      %dma_start3A_136 = tpu.memref_slice %arg6[%run_scoped3A_94, %dma_start3A_134, %dma_start3A_135] : memref<4x128x48xf32, #tpu.memory_space<vmem>> -> memref<1x128x48xf32, #tpu.memory_space<vmem>>
      %dma_start3A_137 = tpu.memref_squeeze %dma_start3A_136 : memref<1x128x48xf32, #tpu.memory_space<vmem>> -> memref<128x48xf32, #tpu.memory_space<vmem>>
      tpu.enqueue_dma source(%dma_start3A_137 : memref<128x48xf32, #tpu.memory_space<vmem>>) target(%dma_start3A_133 : memref<128x48xf32, #tpu.memory_space<hbm>>) target_semaphore(%run_scoped3A_125 : memref<!tpu.dma_semaphore, #tpu.memory_space<semaphore_mem>>)
      %dma_wait3A_138 = arith.constant 0 : i32
      %dma_wait3A_139 = arith.constant 0 : i32
      %dma_wait3A_140 = tpu.memref_slice %arg6[%run_scoped3A_94, %dma_wait3A_138, %dma_wait3A_139] : memref<4x128x48xf32, #tpu.memory_space<vmem>> -> memref<1x128x48xf32, #tpu.memory_space<vmem>>
      %dma_wait3A_141 = tpu.memref_squeeze %dma_wait3A_140 : memref<1x128x48xf32, #tpu.memory_space<vmem>> -> memref<128x48xf32, #tpu.memory_space<vmem>>
      %dma_wait3A_142 = arith.constant 0 : i32
      %dma_wait3A_143 = tpu.memref_slice %arg4[%add3A_93, %dma_wait3A_142] : memref<262144x48xf32, #tpu.memory_space<hbm>> -> memref<128x48xf32, #tpu.memory_space<hbm>>
      %dma_wait3A_144 = arith.constant 0 : i32
      %dma_wait3A_145 = tpu.memref_slice %arg4[%add3A_93, %dma_wait3A_144] : memref<262144x48xf32, #tpu.memory_space<hbm>> -> memref<128x48xf32, #tpu.memory_space<hbm>>
      %dma_wait3A_146 = arith.constant 0 : i32
      %dma_wait3A_147 = arith.constant 0 : i32
      %dma_wait3A_148 = tpu.memref_slice %arg6[%run_scoped3A_94, %dma_wait3A_146, %dma_wait3A_147] : memref<4x128x48xf32, #tpu.memory_space<vmem>> -> memref<1x128x48xf32, #tpu.memory_space<vmem>>
      %dma_wait3A_149 = tpu.memref_squeeze %dma_wait3A_148 : memref<1x128x48xf32, #tpu.memory_space<vmem>> -> memref<128x48xf32, #tpu.memory_space<vmem>>
      tpu.wait_dma2 semaphore(%run_scoped3A_125 : memref<!tpu.dma_semaphore, #tpu.memory_space<semaphore_mem>>) src(%dma_wait3A_149 : memref<128x48xf32, #tpu.memory_space<vmem>>) dst(%dma_wait3A_145 : memref<128x48xf32, #tpu.memory_space<hbm>>)
      tpu.yield
    }) : () -> ()
    %dma_wait3A_95 = arith.constant 2 : i32
    %dma_wait3A_96 = arith.constant 2 : i32
    %dma_wait3A_97 = arith.constant 0 : i32
    %dma_wait3A_98 = arith.constant 0 : i32
    %dma_wait3A_99 = tpu.memref_slice %arg6[%dma_wait3A_96, %dma_wait3A_97, %dma_wait3A_98] : memref<4x128x48xf32, #tpu.memory_space<vmem>> -> memref<1x128x48xf32, #tpu.memory_space<vmem>>
    %dma_wait3A_100 = tpu.memref_squeeze %dma_wait3A_99 : memref<1x128x48xf32, #tpu.memory_space<vmem>> -> memref<128x48xf32, #tpu.memory_space<vmem>>
    %dma_wait3A_101 = arith.constant 0 : i32
    %dma_wait3A_102 = tpu.memref_slice %arg5[%dma_wait3A_95, %dma_wait3A_101] : memref<4x128xi32, #tpu.memory_space<vmem>> -> memref<1x128xi32, #tpu.memory_space<vmem>>
    %dma_wait3A_103 = tpu.memref_squeeze %dma_wait3A_102 : memref<1x128xi32, #tpu.memory_space<vmem>> -> memref<128xi32, #tpu.memory_space<vmem>>
    %dma_wait3A_104 = arith.constant 0 : i32
    %dma_wait3A_105 = arith.constant 0 : i32
    %dma_wait3A_106 = tpu.memref_slice %arg2[%dma_wait3A_104, %dma_wait3A_105] : memref<16384x48xf32, #tpu.memory_space<hbm>> -> memref<16384x48xf32, #tpu.memory_space<hbm>>
    tpu.wait_indirect_dma semaphore(%arg9 : memref<!tpu.dma_semaphore, #tpu.memory_space<semaphore_mem>>) src(%dma_wait3A_106 : memref<16384x48xf32, #tpu.memory_space<hbm>>) dst(%dma_wait3A_100 : memref<128x48xf32, #tpu.memory_space<vmem>>)
    %add3A_107 = arith.constant 7936 : i32
    %add3A_108 = arith.addi %mul3A_2, %add3A_107 : i32
    %run_scoped3A_109 = arith.constant 2 : i32
    "tpu.region"() ({
      %run_scoped3A_125 = tpu.sem_alloc : memref<!tpu.dma_semaphore, #tpu.memory_space<semaphore_mem>>
      %dma_start3A_126 = arith.constant 0 : i32
      %dma_start3A_127 = arith.constant 0 : i32
      %dma_start3A_128 = tpu.memref_slice %arg6[%run_scoped3A_109, %dma_start3A_126, %dma_start3A_127] : memref<4x128x48xf32, #tpu.memory_space<vmem>> -> memref<1x128x48xf32, #tpu.memory_space<vmem>>
      %dma_start3A_129 = tpu.memref_squeeze %dma_start3A_128 : memref<1x128x48xf32, #tpu.memory_space<vmem>> -> memref<128x48xf32, #tpu.memory_space<vmem>>
      %dma_start3A_130 = arith.constant 0 : i32
      %dma_start3A_131 = tpu.memref_slice %arg4[%add3A_108, %dma_start3A_130] : memref<262144x48xf32, #tpu.memory_space<hbm>> -> memref<128x48xf32, #tpu.memory_space<hbm>>
      %dma_start3A_132 = arith.constant 0 : i32
      %dma_start3A_133 = tpu.memref_slice %arg4[%add3A_108, %dma_start3A_132] : memref<262144x48xf32, #tpu.memory_space<hbm>> -> memref<128x48xf32, #tpu.memory_space<hbm>>
      %dma_start3A_134 = arith.constant 0 : i32
      %dma_start3A_135 = arith.constant 0 : i32
      %dma_start3A_136 = tpu.memref_slice %arg6[%run_scoped3A_109, %dma_start3A_134, %dma_start3A_135] : memref<4x128x48xf32, #tpu.memory_space<vmem>> -> memref<1x128x48xf32, #tpu.memory_space<vmem>>
      %dma_start3A_137 = tpu.memref_squeeze %dma_start3A_136 : memref<1x128x48xf32, #tpu.memory_space<vmem>> -> memref<128x48xf32, #tpu.memory_space<vmem>>
      tpu.enqueue_dma source(%dma_start3A_137 : memref<128x48xf32, #tpu.memory_space<vmem>>) target(%dma_start3A_133 : memref<128x48xf32, #tpu.memory_space<hbm>>) target_semaphore(%run_scoped3A_125 : memref<!tpu.dma_semaphore, #tpu.memory_space<semaphore_mem>>)
      %dma_wait3A_138 = arith.constant 0 : i32
      %dma_wait3A_139 = arith.constant 0 : i32
      %dma_wait3A_140 = tpu.memref_slice %arg6[%run_scoped3A_109, %dma_wait3A_138, %dma_wait3A_139] : memref<4x128x48xf32, #tpu.memory_space<vmem>> -> memref<1x128x48xf32, #tpu.memory_space<vmem>>
      %dma_wait3A_141 = tpu.memref_squeeze %dma_wait3A_140 : memref<1x128x48xf32, #tpu.memory_space<vmem>> -> memref<128x48xf32, #tpu.memory_space<vmem>>
      %dma_wait3A_142 = arith.constant 0 : i32
      %dma_wait3A_143 = tpu.memref_slice %arg4[%add3A_108, %dma_wait3A_142] : memref<262144x48xf32, #tpu.memory_space<hbm>> -> memref<128x48xf32, #tpu.memory_space<hbm>>
      %dma_wait3A_144 = arith.constant 0 : i32
      %dma_wait3A_145 = tpu.memref_slice %arg4[%add3A_108, %dma_wait3A_144] : memref<262144x48xf32, #tpu.memory_space<hbm>> -> memref<128x48xf32, #tpu.memory_space<hbm>>
      %dma_wait3A_146 = arith.constant 0 : i32
      %dma_wait3A_147 = arith.constant 0 : i32
      %dma_wait3A_148 = tpu.memref_slice %arg6[%run_scoped3A_109, %dma_wait3A_146, %dma_wait3A_147] : memref<4x128x48xf32, #tpu.memory_space<vmem>> -> memref<1x128x48xf32, #tpu.memory_space<vmem>>
      %dma_wait3A_149 = tpu.memref_squeeze %dma_wait3A_148 : memref<1x128x48xf32, #tpu.memory_space<vmem>> -> memref<128x48xf32, #tpu.memory_space<vmem>>
      tpu.wait_dma2 semaphore(%run_scoped3A_125 : memref<!tpu.dma_semaphore, #tpu.memory_space<semaphore_mem>>) src(%dma_wait3A_149 : memref<128x48xf32, #tpu.memory_space<vmem>>) dst(%dma_wait3A_145 : memref<128x48xf32, #tpu.memory_space<hbm>>)
      tpu.yield
    }) : () -> ()
    %dma_wait3A_110 = arith.constant 3 : i32
    %dma_wait3A_111 = arith.constant 3 : i32
    %dma_wait3A_112 = arith.constant 0 : i32
    %dma_wait3A_113 = arith.constant 0 : i32
    %dma_wait3A_114 = tpu.memref_slice %arg6[%dma_wait3A_111, %dma_wait3A_112, %dma_wait3A_113] : memref<4x128x48xf32, #tpu.memory_space<vmem>> -> memref<1x128x48xf32, #tpu.memory_space<vmem>>
    %dma_wait3A_115 = tpu.memref_squeeze %dma_wait3A_114 : memref<1x128x48xf32, #tpu.memory_space<vmem>> -> memref<128x48xf32, #tpu.memory_space<vmem>>
    %dma_wait3A_116 = arith.constant 0 : i32
    %dma_wait3A_117 = tpu.memref_slice %arg5[%dma_wait3A_110, %dma_wait3A_116] : memref<4x128xi32, #tpu.memory_space<vmem>> -> memref<1x128xi32, #tpu.memory_space<vmem>>
    %dma_wait3A_118 = tpu.memref_squeeze %dma_wait3A_117 : memref<1x128xi32, #tpu.memory_space<vmem>> -> memref<128xi32, #tpu.memory_space<vmem>>
    %dma_wait3A_119 = arith.constant 0 : i32
    %dma_wait3A_120 = arith.constant 0 : i32
    %dma_wait3A_121 = tpu.memref_slice %arg2[%dma_wait3A_119, %dma_wait3A_120] : memref<16384x48xf32, #tpu.memory_space<hbm>> -> memref<16384x48xf32, #tpu.memory_space<hbm>>
    tpu.wait_indirect_dma semaphore(%arg10 : memref<!tpu.dma_semaphore, #tpu.memory_space<semaphore_mem>>) src(%dma_wait3A_121 : memref<16384x48xf32, #tpu.memory_space<hbm>>) dst(%dma_wait3A_115 : memref<128x48xf32, #tpu.memory_space<vmem>>)
    %add3A_122 = arith.constant 8064 : i32
    %add3A_123 = arith.addi %mul3A_2, %add3A_122 : i32
    %run_scoped3A_124 = arith.constant 3 : i32
    "tpu.region"() ({
      %run_scoped3A_125 = tpu.sem_alloc : memref<!tpu.dma_semaphore, #tpu.memory_space<semaphore_mem>>
      %dma_start3A_126 = arith.constant 0 : i32
      %dma_start3A_127 = arith.constant 0 : i32
      %dma_start3A_128 = tpu.memref_slice %arg6[%run_scoped3A_124, %dma_start3A_126, %dma_start3A_127] : memref<4x128x48xf32, #tpu.memory_space<vmem>> -> memref<1x128x48xf32, #tpu.memory_space<vmem>>
      %dma_start3A_129 = tpu.memref_squeeze %dma_start3A_128 : memref<1x128x48xf32, #tpu.memory_space<vmem>> -> memref<128x48xf32, #tpu.memory_space<vmem>>
      %dma_start3A_130 = arith.constant 0 : i32
      %dma_start3A_131 = tpu.memref_slice %arg4[%add3A_123, %dma_start3A_130] : memref<262144x48xf32, #tpu.memory_space<hbm>> -> memref<128x48xf32, #tpu.memory_space<hbm>>
      %dma_start3A_132 = arith.constant 0 : i32
      %dma_start3A_133 = tpu.memref_slice %arg4[%add3A_123, %dma_start3A_132] : memref<262144x48xf32, #tpu.memory_space<hbm>> -> memref<128x48xf32, #tpu.memory_space<hbm>>
      %dma_start3A_134 = arith.constant 0 : i32
      %dma_start3A_135 = arith.constant 0 : i32
      %dma_start3A_136 = tpu.memref_slice %arg6[%run_scoped3A_124, %dma_start3A_134, %dma_start3A_135] : memref<4x128x48xf32, #tpu.memory_space<vmem>> -> memref<1x128x48xf32, #tpu.memory_space<vmem>>
      %dma_start3A_137 = tpu.memref_squeeze %dma_start3A_136 : memref<1x128x48xf32, #tpu.memory_space<vmem>> -> memref<128x48xf32, #tpu.memory_space<vmem>>
      tpu.enqueue_dma source(%dma_start3A_137 : memref<128x48xf32, #tpu.memory_space<vmem>>) target(%dma_start3A_133 : memref<128x48xf32, #tpu.memory_space<hbm>>) target_semaphore(%run_scoped3A_125 : memref<!tpu.dma_semaphore, #tpu.memory_space<semaphore_mem>>)
      %dma_wait3A_138 = arith.constant 0 : i32
      %dma_wait3A_139 = arith.constant 0 : i32
      %dma_wait3A_140 = tpu.memref_slice %arg6[%run_scoped3A_124, %dma_wait3A_138, %dma_wait3A_139] : memref<4x128x48xf32, #tpu.memory_space<vmem>> -> memref<1x128x48xf32, #tpu.memory_space<vmem>>
      %dma_wait3A_141 = tpu.memref_squeeze %dma_wait3A_140 : memref<1x128x48xf32, #tpu.memory_space<vmem>> -> memref<128x48xf32, #tpu.memory_space<vmem>>
      %dma_wait3A_142 = arith.constant 0 : i32
      %dma_wait3A_143 = tpu.memref_slice %arg4[%add3A_123, %dma_wait3A_142] : memref<262144x48xf32, #tpu.memory_space<hbm>> -> memref<128x48xf32, #tpu.memory_space<hbm>>
      %dma_wait3A_144 = arith.constant 0 : i32
      %dma_wait3A_145 = tpu.memref_slice %arg4[%add3A_123, %dma_wait3A_144] : memref<262144x48xf32, #tpu.memory_space<hbm>> -> memref<128x48xf32, #tpu.memory_space<hbm>>
      %dma_wait3A_146 = arith.constant 0 : i32
      %dma_wait3A_147 = arith.constant 0 : i32
      %dma_wait3A_148 = tpu.memref_slice %arg6[%run_scoped3A_124, %dma_wait3A_146, %dma_wait3A_147] : memref<4x128x48xf32, #tpu.memory_space<vmem>> -> memref<1x128x48xf32, #tpu.memory_space<vmem>>
      %dma_wait3A_149 = tpu.memref_squeeze %dma_wait3A_148 : memref<1x128x48xf32, #tpu.memory_space<vmem>> -> memref<128x48xf32, #tpu.memory_space<vmem>>
      tpu.wait_dma2 semaphore(%run_scoped3A_125 : memref<!tpu.dma_semaphore, #tpu.memory_space<semaphore_mem>>) src(%dma_wait3A_149 : memref<128x48xf32, #tpu.memory_space<vmem>>) dst(%dma_wait3A_145 : memref<128x48xf32, #tpu.memory_space<hbm>>)
      tpu.yield
    }) : () -> ()
    return
  }
}

module attributes {stable_mosaic.version = 14 : i64} {
  func.func @body(%arg0: i32, %arg1: i32, %arg2: memref<1x256x3xf32, #tpu.memory_space<vmem>>, %arg3: memref<1x3x4096xf32, #tpu.memory_space<vmem>>, %arg4: memref<1x256x32xf32, #tpu.memory_space<vmem>>, %arg5: memref<1x256x16xi32, #tpu.memory_space<vmem>>, %arg6: memref<256x48xf32, #tpu.memory_space<vmem>>) attributes {dimension_semantics = [#tpu.dimension_semantics<arbitrary>, #tpu.dimension_semantics<arbitrary>], iteration_bounds = array<i64: 4, 16>, scalar_prefetch = 0 : i64, scratch_operands = 0 : i64, tpu.core_type = #tpu.core_type<tc>, window_params = [{transform_indices = @transform_0, window_bounds = array<i64: 1, 256, 3>}, {transform_indices = @transform_1, window_bounds = array<i64: 1, 3, 4096>}, {transform_indices = @transform_2, window_bounds = array<i64: 1, 256, 32>}, {transform_indices = @transform_3, window_bounds = array<i64: 1, 256, 16>}, {transform_indices = @transform_4, window_bounds = array<i64: 256, 48>}]} {
    %get3A = arith.constant 0 : index
    %get3A_0 = arith.constant 0 : index
    %get3A_1 = arith.constant 0 : index
    %get3A_2 = vector.load %arg2[%get3A, %get3A_0, %get3A_1] : memref<1x256x3xf32, #tpu.memory_space<vmem>>, vector<1x256x3xf32>
    %get3A_3 = vector.shape_cast %get3A_2 : vector<1x256x3xf32> to vector<256x3xf32>
    %get3A_4 = arith.constant 0 : index
    %get3A_5 = arith.constant 0 : index
    %get3A_6 = arith.constant 0 : index
    %get3A_7 = vector.load %arg3[%get3A_4, %get3A_5, %get3A_6] : memref<1x3x4096xf32, #tpu.memory_space<vmem>>, vector<1x3x4096xf32>
    %get3A_8 = vector.shape_cast %get3A_7 : vector<1x3x4096xf32> to vector<3x4096xf32>
    %get3A_9 = arith.constant 0 : index
    %get3A_10 = arith.constant 0 : index
    %get3A_11 = arith.constant 0 : index
    %get3A_12 = vector.load %arg4[%get3A_9, %get3A_10, %get3A_11] : memref<1x256x32xf32, #tpu.memory_space<vmem>>, vector<1x256x32xf32>
    %get3A_13 = vector.shape_cast %get3A_12 : vector<1x256x32xf32> to vector<256x32xf32>
    %swap3A = arith.constant 0 : index
    %swap3A_14 = arith.constant 0 : index
    %swap3A_15 = vector.load %arg6[%swap3A, %swap3A_14] : memref<256x48xf32, #tpu.memory_space<vmem>>, vector<256x32xf32>
    tpu.vector_store %arg6[%swap3A, %swap3A_14], %get3A_13 {strides = array<i32>} : memref<256x48xf32, #tpu.memory_space<vmem>>, vector<256x32xf32>,
    %swap3A_16 = arith.constant 0 : index
    %swap3A_17 = arith.constant 32 : index
    %swap3A_18 = vector.load %arg6[%swap3A_16, %swap3A_17] : memref<256x48xf32, #tpu.memory_space<vmem>>, vector<256x3xf32>
    tpu.vector_store %arg6[%swap3A_16, %swap3A_17], %get3A_3 {strides = array<i32>} : memref<256x48xf32, #tpu.memory_space<vmem>>, vector<256x3xf32>,
    %broadcast_in_dim3A = arith.constant 0.000000e+00 : f32
    %broadcast_in_dim3A_19 = vector.broadcast %broadcast_in_dim3A : f32 to vector<256x13xf32>
    %swap3A_20 = arith.constant 0 : index
    %swap3A_21 = arith.constant 35 : index
    %swap3A_22 = vector.load %arg6[%swap3A_20, %swap3A_21] : memref<256x48xf32, #tpu.memory_space<vmem>>, vector<256x13xf32>
    tpu.vector_store %arg6[%swap3A_20, %swap3A_21], %broadcast_in_dim3A_19 {strides = array<i32>} : memref<256x48xf32, #tpu.memory_space<vmem>>, vector<256x13xf32>,
    %mul3A = arith.mulf %get3A_3, %get3A_3 : vector<256x3xf32>
    %reduce_sum3A = arith.constant dense<0.000000e+00> : vector<256xf32>
    %reduce_sum3A_23 = vector.multi_reduction <add>, %mul3A, %reduce_sum3A [1] : vector<256x3xf32> to vector<256xf32>
    %broadcast_in_dim3A_24 = vector.shape_cast %reduce_sum3A_23 : vector<256xf32> to vector<256x1xf32>
    %mul3A_25 = arith.mulf %get3A_8, %get3A_8 : vector<3x4096xf32>
    %reduce_sum3A_26 = arith.constant dense<0.000000e+00> : vector<4096xf32>
    %reduce_sum3A_27 = vector.multi_reduction <add>, %mul3A_25, %reduce_sum3A_26 [0] : vector<3x4096xf32> to vector<4096xf32>
    %broadcast_in_dim3A_28 = vector.shape_cast %reduce_sum3A_27 : vector<4096xf32> to vector<1x4096xf32>
    %add3A = vector.broadcast %broadcast_in_dim3A_24 : vector<256x1xf32> to vector<256x4096xf32>
    %add3A_29 = vector.broadcast %broadcast_in_dim3A_28 : vector<1x4096xf32> to vector<256x4096xf32>
    %add3A_30 = arith.addf %add3A, %add3A_29 : vector<256x4096xf32>
    %dot_general3A = arith.constant dense<0.000000e+00> : vector<256x4096xf32>
    %dot_general3A_31 = tpu.matmul %get3A_3, %get3A_8, %dot_general3A {dimension_numbers = #tpu.dot_dimension_numbers<[1], [0], [0], [1], [0, 0, 1, 1], [], []>, transpose_lhs_hint = false} : vector<256x3xf32>, vector<3x4096xf32>, vector<256x4096xf32> -> vector<256x4096xf32>
    %mul3A_32 = arith.constant 2.000000e+00 : f32
    %mul3A_33 = vector.broadcast %mul3A_32 : f32 to vector<256x4096xf32>
    %mul3A_34 = arith.mulf %mul3A_33, %dot_general3A_31 : vector<256x4096xf32>
    %sub3A = arith.subf %add3A_30, %mul3A_34 : vector<256x4096xf32>
    %iota3A = tpu.iota {dimensions = array<i32: 1>} : vector<256x4096xi32>
    %max3A = arith.constant 0.000000e+00 : f32
    %max3A_35 = vector.broadcast %max3A : f32 to vector<256x4096xf32>
    %max3A_36 = arith.maximumf %sub3A, %max3A_35 : vector<256x4096xf32>
    %add3A_37 = arith.constant 1.17549435E-38 : f32
    %add3A_38 = vector.broadcast %add3A_37 : f32 to vector<256x4096xf32>
    %add3A_39 = arith.addf %max3A_36, %add3A_38 : vector<256x4096xf32>
    %bitcast_convert_type3A = tpu.bitcast %add3A_39 : vector<256x4096xf32> -> vector<256x4096xi32>
    %and3A = arith.constant -4096 : i32
    %and3A_40 = vector.broadcast %and3A : i32 to vector<256x4096xi32>
    %and3A_41 = arith.andi %bitcast_convert_type3A, %and3A_40 : vector<256x4096xi32>
    %or3A = arith.ori %and3A_41, %iota3A : vector<256x4096xi32>
    %bitcast_convert_type3A_42 = tpu.bitcast %or3A : vector<256x4096xi32> -> vector<256x4096xf32>
    %broadcast_in_dim3A_43 = arith.constant 0xFF800000 : f32
    %broadcast_in_dim3A_44 = vector.broadcast %broadcast_in_dim3A_43 : f32 to vector<256x1xf32>
    %gt3A = vector.broadcast %broadcast_in_dim3A_44 : vector<256x1xf32> to vector<256x4096xf32>
    %gt3A_45 = arith.cmpf ogt, %bitcast_convert_type3A_42, %gt3A : vector<256x4096xf32>
    %jit3A = arith.constant 0x7F800000 : f32
    %broadcast_in_dim3A_46 = vector.broadcast %jit3A : f32 to vector<256x4096xf32>
    %select_n3A = arith.select %gt3A_45, %bitcast_convert_type3A_42, %broadcast_in_dim3A_46 : vector<256x4096xi1>, vector<256x4096xf32>
    %reduce_min3A = arith.constant dense<0x7F800000> : vector<256xf32>
    %reduce_min3A_47 = vector.multi_reduction <minimumf>, %select_n3A, %reduce_min3A [1] : vector<256x4096xf32> to vector<256xf32>
    %broadcast_in_dim3A_48 = vector.shape_cast %reduce_min3A_47 : vector<256xf32> to vector<256x1xf32>
    %gt3A_49 = vector.broadcast %broadcast_in_dim3A_48 : vector<256x1xf32> to vector<256x4096xf32>
    %gt3A_50 = arith.cmpf ogt, %bitcast_convert_type3A_42, %gt3A_49 : vector<256x4096xf32>
    %jit3A_51 = arith.constant 0x7F800000 : f32
    %broadcast_in_dim3A_52 = vector.broadcast %jit3A_51 : f32 to vector<256x4096xf32>
    %select_n3A_53 = arith.select %gt3A_50, %bitcast_convert_type3A_42, %broadcast_in_dim3A_52 : vector<256x4096xi1>, vector<256x4096xf32>
    %reduce_min3A_54 = arith.constant dense<0x7F800000> : vector<256xf32>
    %reduce_min3A_55 = vector.multi_reduction <minimumf>, %select_n3A_53, %reduce_min3A_54 [1] : vector<256x4096xf32> to vector<256xf32>
    %broadcast_in_dim3A_56 = vector.shape_cast %reduce_min3A_55 : vector<256xf32> to vector<256x1xf32>
    %gt3A_57 = vector.broadcast %broadcast_in_dim3A_56 : vector<256x1xf32> to vector<256x4096xf32>
    %gt3A_58 = arith.cmpf ogt, %bitcast_convert_type3A_42, %gt3A_57 : vector<256x4096xf32>
    %jit3A_59 = arith.constant 0x7F800000 : f32
    %broadcast_in_dim3A_60 = vector.broadcast %jit3A_59 : f32 to vector<256x4096xf32>
    %select_n3A_61 = arith.select %gt3A_58, %bitcast_convert_type3A_42, %broadcast_in_dim3A_60 : vector<256x4096xi1>, vector<256x4096xf32>
    %reduce_min3A_62 = arith.constant dense<0x7F800000> : vector<256xf32>
    %reduce_min3A_63 = vector.multi_reduction <minimumf>, %select_n3A_61, %reduce_min3A_62 [1] : vector<256x4096xf32> to vector<256xf32>
    %broadcast_in_dim3A_64 = vector.shape_cast %reduce_min3A_63 : vector<256xf32> to vector<256x1xf32>
    %gt3A_65 = vector.broadcast %broadcast_in_dim3A_64 : vector<256x1xf32> to vector<256x4096xf32>
    %gt3A_66 = arith.cmpf ogt, %bitcast_convert_type3A_42, %gt3A_65 : vector<256x4096xf32>
    %jit3A_67 = arith.constant 0x7F800000 : f32
    %broadcast_in_dim3A_68 = vector.broadcast %jit3A_67 : f32 to vector<256x4096xf32>
    %select_n3A_69 = arith.select %gt3A_66, %bitcast_convert_type3A_42, %broadcast_in_dim3A_68 : vector<256x4096xi1>, vector<256x4096xf32>
    %reduce_min3A_70 = arith.constant dense<0x7F800000> : vector<256xf32>
    %reduce_min3A_71 = vector.multi_reduction <minimumf>, %select_n3A_69, %reduce_min3A_70 [1] : vector<256x4096xf32> to vector<256xf32>
    %broadcast_in_dim3A_72 = vector.shape_cast %reduce_min3A_71 : vector<256xf32> to vector<256x1xf32>
    %gt3A_73 = vector.broadcast %broadcast_in_dim3A_72 : vector<256x1xf32> to vector<256x4096xf32>
    %gt3A_74 = arith.cmpf ogt, %bitcast_convert_type3A_42, %gt3A_73 : vector<256x4096xf32>
    %jit3A_75 = arith.constant 0x7F800000 : f32
    %broadcast_in_dim3A_76 = vector.broadcast %jit3A_75 : f32 to vector<256x4096xf32>
    %select_n3A_77 = arith.select %gt3A_74, %bitcast_convert_type3A_42, %broadcast_in_dim3A_76 : vector<256x4096xi1>, vector<256x4096xf32>
    %reduce_min3A_78 = arith.constant dense<0x7F800000> : vector<256xf32>
    %reduce_min3A_79 = vector.multi_reduction <minimumf>, %select_n3A_77, %reduce_min3A_78 [1] : vector<256x4096xf32> to vector<256xf32>
    %broadcast_in_dim3A_80 = vector.shape_cast %reduce_min3A_79 : vector<256xf32> to vector<256x1xf32>
    %gt3A_81 = vector.broadcast %broadcast_in_dim3A_80 : vector<256x1xf32> to vector<256x4096xf32>
    %gt3A_82 = arith.cmpf ogt, %bitcast_convert_type3A_42, %gt3A_81 : vector<256x4096xf32>
    %jit3A_83 = arith.constant 0x7F800000 : f32
    %broadcast_in_dim3A_84 = vector.broadcast %jit3A_83 : f32 to vector<256x4096xf32>
    %select_n3A_85 = arith.select %gt3A_82, %bitcast_convert_type3A_42, %broadcast_in_dim3A_84 : vector<256x4096xi1>, vector<256x4096xf32>
    %reduce_min3A_86 = arith.constant dense<0x7F800000> : vector<256xf32>
    %reduce_min3A_87 = vector.multi_reduction <minimumf>, %select_n3A_85, %reduce_min3A_86 [1] : vector<256x4096xf32> to vector<256xf32>
    %broadcast_in_dim3A_88 = vector.shape_cast %reduce_min3A_87 : vector<256xf32> to vector<256x1xf32>
    %gt3A_89 = vector.broadcast %broadcast_in_dim3A_88 : vector<256x1xf32> to vector<256x4096xf32>
    %gt3A_90 = arith.cmpf ogt, %bitcast_convert_type3A_42, %gt3A_89 : vector<256x4096xf32>
    %jit3A_91 = arith.constant 0x7F800000 : f32
    %broadcast_in_dim3A_92 = vector.broadcast %jit3A_91 : f32 to vector<256x4096xf32>
    %select_n3A_93 = arith.select %gt3A_90, %bitcast_convert_type3A_42, %broadcast_in_dim3A_92 : vector<256x4096xi1>, vector<256x4096xf32>
    %reduce_min3A_94 = arith.constant dense<0x7F800000> : vector<256xf32>
    %reduce_min3A_95 = vector.multi_reduction <minimumf>, %select_n3A_93, %reduce_min3A_94 [1] : vector<256x4096xf32> to vector<256xf32>
    %broadcast_in_dim3A_96 = vector.shape_cast %reduce_min3A_95 : vector<256xf32> to vector<256x1xf32>
    %gt3A_97 = vector.broadcast %broadcast_in_dim3A_96 : vector<256x1xf32> to vector<256x4096xf32>
    %gt3A_98 = arith.cmpf ogt, %bitcast_convert_type3A_42, %gt3A_97 : vector<256x4096xf32>
    %jit3A_99 = arith.constant 0x7F800000 : f32
    %broadcast_in_dim3A_100 = vector.broadcast %jit3A_99 : f32 to vector<256x4096xf32>
    %select_n3A_101 = arith.select %gt3A_98, %bitcast_convert_type3A_42, %broadcast_in_dim3A_100 : vector<256x4096xi1>, vector<256x4096xf32>
    %reduce_min3A_102 = arith.constant dense<0x7F800000> : vector<256xf32>
    %reduce_min3A_103 = vector.multi_reduction <minimumf>, %select_n3A_101, %reduce_min3A_102 [1] : vector<256x4096xf32> to vector<256xf32>
    %broadcast_in_dim3A_104 = vector.shape_cast %reduce_min3A_103 : vector<256xf32> to vector<256x1xf32>
    %gt3A_105 = vector.broadcast %broadcast_in_dim3A_104 : vector<256x1xf32> to vector<256x4096xf32>
    %gt3A_106 = arith.cmpf ogt, %bitcast_convert_type3A_42, %gt3A_105 : vector<256x4096xf32>
    %jit3A_107 = arith.constant 0x7F800000 : f32
    %broadcast_in_dim3A_108 = vector.broadcast %jit3A_107 : f32 to vector<256x4096xf32>
    %select_n3A_109 = arith.select %gt3A_106, %bitcast_convert_type3A_42, %broadcast_in_dim3A_108 : vector<256x4096xi1>, vector<256x4096xf32>
    %reduce_min3A_110 = arith.constant dense<0x7F800000> : vector<256xf32>
    %reduce_min3A_111 = vector.multi_reduction <minimumf>, %select_n3A_109, %reduce_min3A_110 [1] : vector<256x4096xf32> to vector<256xf32>
    %broadcast_in_dim3A_112 = vector.shape_cast %reduce_min3A_111 : vector<256xf32> to vector<256x1xf32>
    %gt3A_113 = vector.broadcast %broadcast_in_dim3A_112 : vector<256x1xf32> to vector<256x4096xf32>
    %gt3A_114 = arith.cmpf ogt, %bitcast_convert_type3A_42, %gt3A_113 : vector<256x4096xf32>
    %jit3A_115 = arith.constant 0x7F800000 : f32
    %broadcast_in_dim3A_116 = vector.broadcast %jit3A_115 : f32 to vector<256x4096xf32>
    %select_n3A_117 = arith.select %gt3A_114, %bitcast_convert_type3A_42, %broadcast_in_dim3A_116 : vector<256x4096xi1>, vector<256x4096xf32>
    %reduce_min3A_118 = arith.constant dense<0x7F800000> : vector<256xf32>
    %reduce_min3A_119 = vector.multi_reduction <minimumf>, %select_n3A_117, %reduce_min3A_118 [1] : vector<256x4096xf32> to vector<256xf32>
    %broadcast_in_dim3A_120 = vector.shape_cast %reduce_min3A_119 : vector<256xf32> to vector<256x1xf32>
    %gt3A_121 = vector.broadcast %broadcast_in_dim3A_120 : vector<256x1xf32> to vector<256x4096xf32>
    %gt3A_122 = arith.cmpf ogt, %bitcast_convert_type3A_42, %gt3A_121 : vector<256x4096xf32>
    %jit3A_123 = arith.constant 0x7F800000 : f32
    %broadcast_in_dim3A_124 = vector.broadcast %jit3A_123 : f32 to vector<256x4096xf32>
    %select_n3A_125 = arith.select %gt3A_122, %bitcast_convert_type3A_42, %broadcast_in_dim3A_124 : vector<256x4096xi1>, vector<256x4096xf32>
    %reduce_min3A_126 = arith.constant dense<0x7F800000> : vector<256xf32>
    %reduce_min3A_127 = vector.multi_reduction <minimumf>, %select_n3A_125, %reduce_min3A_126 [1] : vector<256x4096xf32> to vector<256xf32>
    %broadcast_in_dim3A_128 = vector.shape_cast %reduce_min3A_127 : vector<256xf32> to vector<256x1xf32>
    %gt3A_129 = vector.broadcast %broadcast_in_dim3A_128 : vector<256x1xf32> to vector<256x4096xf32>
    %gt3A_130 = arith.cmpf ogt, %bitcast_convert_type3A_42, %gt3A_129 : vector<256x4096xf32>
    %jit3A_131 = arith.constant 0x7F800000 : f32
    %broadcast_in_dim3A_132 = vector.broadcast %jit3A_131 : f32 to vector<256x4096xf32>
    %select_n3A_133 = arith.select %gt3A_130, %bitcast_convert_type3A_42, %broadcast_in_dim3A_132 : vector<256x4096xi1>, vector<256x4096xf32>
    %reduce_min3A_134 = arith.constant dense<0x7F800000> : vector<256xf32>
    %reduce_min3A_135 = vector.multi_reduction <minimumf>, %select_n3A_133, %reduce_min3A_134 [1] : vector<256x4096xf32> to vector<256xf32>
    %broadcast_in_dim3A_136 = vector.shape_cast %reduce_min3A_135 : vector<256xf32> to vector<256x1xf32>
    %gt3A_137 = vector.broadcast %broadcast_in_dim3A_136 : vector<256x1xf32> to vector<256x4096xf32>
    %gt3A_138 = arith.cmpf ogt, %bitcast_convert_type3A_42, %gt3A_137 : vector<256x4096xf32>
    %jit3A_139 = arith.constant 0x7F800000 : f32
    %broadcast_in_dim3A_140 = vector.broadcast %jit3A_139 : f32 to vector<256x4096xf32>
    %select_n3A_141 = arith.select %gt3A_138, %bitcast_convert_type3A_42, %broadcast_in_dim3A_140 : vector<256x4096xi1>, vector<256x4096xf32>
    %reduce_min3A_142 = arith.constant dense<0x7F800000> : vector<256xf32>
    %reduce_min3A_143 = vector.multi_reduction <minimumf>, %select_n3A_141, %reduce_min3A_142 [1] : vector<256x4096xf32> to vector<256xf32>
    %broadcast_in_dim3A_144 = vector.shape_cast %reduce_min3A_143 : vector<256xf32> to vector<256x1xf32>
    %gt3A_145 = vector.broadcast %broadcast_in_dim3A_144 : vector<256x1xf32> to vector<256x4096xf32>
    %gt3A_146 = arith.cmpf ogt, %bitcast_convert_type3A_42, %gt3A_145 : vector<256x4096xf32>
    %jit3A_147 = arith.constant 0x7F800000 : f32
    %broadcast_in_dim3A_148 = vector.broadcast %jit3A_147 : f32 to vector<256x4096xf32>
    %select_n3A_149 = arith.select %gt3A_146, %bitcast_convert_type3A_42, %broadcast_in_dim3A_148 : vector<256x4096xi1>, vector<256x4096xf32>
    %reduce_min3A_150 = arith.constant dense<0x7F800000> : vector<256xf32>
    %reduce_min3A_151 = vector.multi_reduction <minimumf>, %select_n3A_149, %reduce_min3A_150 [1] : vector<256x4096xf32> to vector<256xf32>
    %broadcast_in_dim3A_152 = vector.shape_cast %reduce_min3A_151 : vector<256xf32> to vector<256x1xf32>
    %gt3A_153 = vector.broadcast %broadcast_in_dim3A_152 : vector<256x1xf32> to vector<256x4096xf32>
    %gt3A_154 = arith.cmpf ogt, %bitcast_convert_type3A_42, %gt3A_153 : vector<256x4096xf32>
    %jit3A_155 = arith.constant 0x7F800000 : f32
    %broadcast_in_dim3A_156 = vector.broadcast %jit3A_155 : f32 to vector<256x4096xf32>
    %select_n3A_157 = arith.select %gt3A_154, %bitcast_convert_type3A_42, %broadcast_in_dim3A_156 : vector<256x4096xi1>, vector<256x4096xf32>
    %reduce_min3A_158 = arith.constant dense<0x7F800000> : vector<256xf32>
    %reduce_min3A_159 = vector.multi_reduction <minimumf>, %select_n3A_157, %reduce_min3A_158 [1] : vector<256x4096xf32> to vector<256xf32>
    %broadcast_in_dim3A_160 = vector.shape_cast %reduce_min3A_159 : vector<256xf32> to vector<256x1xf32>
    %gt3A_161 = vector.broadcast %broadcast_in_dim3A_160 : vector<256x1xf32> to vector<256x4096xf32>
    %gt3A_162 = arith.cmpf ogt, %bitcast_convert_type3A_42, %gt3A_161 : vector<256x4096xf32>
    %jit3A_163 = arith.constant 0x7F800000 : f32
    %broadcast_in_dim3A_164 = vector.broadcast %jit3A_163 : f32 to vector<256x4096xf32>
    %select_n3A_165 = arith.select %gt3A_162, %bitcast_convert_type3A_42, %broadcast_in_dim3A_164 : vector<256x4096xi1>, vector<256x4096xf32>
    %reduce_min3A_166 = arith.constant dense<0x7F800000> : vector<256xf32>
    %reduce_min3A_167 = vector.multi_reduction <minimumf>, %select_n3A_165, %reduce_min3A_166 [1] : vector<256x4096xf32> to vector<256xf32>
    %broadcast_in_dim3A_168 = vector.shape_cast %reduce_min3A_167 : vector<256xf32> to vector<256x1xf32>
    %concatenate3A = tpu.concatenate %broadcast_in_dim3A_48, %broadcast_in_dim3A_56, %broadcast_in_dim3A_64, %broadcast_in_dim3A_72, %broadcast_in_dim3A_80, %broadcast_in_dim3A_88, %broadcast_in_dim3A_96, %broadcast_in_dim3A_104, %broadcast_in_dim3A_112, %broadcast_in_dim3A_120, %broadcast_in_dim3A_128, %broadcast_in_dim3A_136, %broadcast_in_dim3A_144, %broadcast_in_dim3A_152, %broadcast_in_dim3A_160, %broadcast_in_dim3A_168 in 1 : vector<256x1xf32>, vector<256x1xf32>, vector<256x1xf32>, vector<256x1xf32>, vector<256x1xf32>, vector<256x1xf32>, vector<256x1xf32>, vector<256x1xf32>, vector<256x1xf32>, vector<256x1xf32>, vector<256x1xf32>, vector<256x1xf32>, vector<256x1xf32>, vector<256x1xf32>, vector<256x1xf32>, vector<256x1xf32> -> vector<256x16xf32>
    %bitcast_convert_type3A_169 = tpu.bitcast %concatenate3A : vector<256x16xf32> -> vector<256x16xi32>
    %and3A_170 = arith.constant -4096 : i32
    %and3A_171 = vector.broadcast %and3A_170 : i32 to vector<256x16xi32>
    %and3A_172 = arith.andi %bitcast_convert_type3A_169, %and3A_171 : vector<256x16xi32>
    %and3A_173 = arith.constant 4095 : i32
    %and3A_174 = vector.broadcast %and3A_173 : i32 to vector<256x16xi32>
    %and3A_175 = arith.andi %bitcast_convert_type3A_169, %and3A_174 : vector<256x16xi32>
    %slice3A = vector.extract_strided_slice %and3A_172 {offsets = [0, 15], sizes = [256, 1], strides = [1, 1]} : vector<256x16xi32> to vector<256x1xi32>
    %eq3A = vector.broadcast %slice3A : vector<256x1xi32> to vector<256x16xi32>
    %eq3A_176 = arith.cmpi eq, %and3A_172, %eq3A : vector<256x16xi32>
    %convert_element_type3A = arith.extui %eq3A_176 : vector<256x16xi1> to vector<256x16xi32>
    %reduce_sum3A_177 = arith.constant dense<0> : vector<256xi32>
    %reduce_sum3A_178 = vector.multi_reduction <add>, %convert_element_type3A, %reduce_sum3A_177 [1] : vector<256x16xi32> to vector<256xi32>
    %broadcast_in_dim3A_179 = vector.shape_cast %reduce_sum3A_178 : vector<256xi32> to vector<256x1xi32>
    %broadcast_in_dim3A_180 = arith.constant 0 : i32
    %broadcast_in_dim3A_181 = vector.broadcast %broadcast_in_dim3A_180 : i32 to vector<256x1xi32>
    %slice3A_182 = vector.extract_strided_slice %eq3A_176 {offsets = [0, 0], sizes = [256, 1], strides = [1, 1]} : vector<256x16xi1> to vector<256x1xi1>
    %convert_element_type3A_183 = arith.extui %slice3A_182 : vector<256x1xi1> to vector<256x1xi32>
    %add3A_184 = arith.addi %broadcast_in_dim3A_181, %convert_element_type3A_183 : vector<256x1xi32>
    %slice3A_185 = vector.extract_strided_slice %eq3A_176 {offsets = [0, 1], sizes = [256, 1], strides = [1, 1]} : vector<256x16xi1> to vector<256x1xi1>
    %convert_element_type3A_186 = arith.extui %slice3A_185 : vector<256x1xi1> to vector<256x1xi32>
    %add3A_187 = arith.addi %add3A_184, %convert_element_type3A_186 : vector<256x1xi32>
    %slice3A_188 = vector.extract_strided_slice %eq3A_176 {offsets = [0, 2], sizes = [256, 1], strides = [1, 1]} : vector<256x16xi1> to vector<256x1xi1>
    %convert_element_type3A_189 = arith.extui %slice3A_188 : vector<256x1xi1> to vector<256x1xi32>
    %add3A_190 = arith.addi %add3A_187, %convert_element_type3A_189 : vector<256x1xi32>
    %slice3A_191 = vector.extract_strided_slice %eq3A_176 {offsets = [0, 3], sizes = [256, 1], strides = [1, 1]} : vector<256x16xi1> to vector<256x1xi1>
    %convert_element_type3A_192 = arith.extui %slice3A_191 : vector<256x1xi1> to vector<256x1xi32>
    %add3A_193 = arith.addi %add3A_190, %convert_element_type3A_192 : vector<256x1xi32>
    %slice3A_194 = vector.extract_strided_slice %eq3A_176 {offsets = [0, 4], sizes = [256, 1], strides = [1, 1]} : vector<256x16xi1> to vector<256x1xi1>
    %convert_element_type3A_195 = arith.extui %slice3A_194 : vector<256x1xi1> to vector<256x1xi32>
    %add3A_196 = arith.addi %add3A_193, %convert_element_type3A_195 : vector<256x1xi32>
    %slice3A_197 = vector.extract_strided_slice %eq3A_176 {offsets = [0, 5], sizes = [256, 1], strides = [1, 1]} : vector<256x16xi1> to vector<256x1xi1>
    %convert_element_type3A_198 = arith.extui %slice3A_197 : vector<256x1xi1> to vector<256x1xi32>
    %add3A_199 = arith.addi %add3A_196, %convert_element_type3A_198 : vector<256x1xi32>
    %slice3A_200 = vector.extract_strided_slice %eq3A_176 {offsets = [0, 6], sizes = [256, 1], strides = [1, 1]} : vector<256x16xi1> to vector<256x1xi1>
    %convert_element_type3A_201 = arith.extui %slice3A_200 : vector<256x1xi1> to vector<256x1xi32>
    %add3A_202 = arith.addi %add3A_199, %convert_element_type3A_201 : vector<256x1xi32>
    %slice3A_203 = vector.extract_strided_slice %eq3A_176 {offsets = [0, 7], sizes = [256, 1], strides = [1, 1]} : vector<256x16xi1> to vector<256x1xi1>
    %convert_element_type3A_204 = arith.extui %slice3A_203 : vector<256x1xi1> to vector<256x1xi32>
    %add3A_205 = arith.addi %add3A_202, %convert_element_type3A_204 : vector<256x1xi32>
    %slice3A_206 = vector.extract_strided_slice %eq3A_176 {offsets = [0, 8], sizes = [256, 1], strides = [1, 1]} : vector<256x16xi1> to vector<256x1xi1>
    %convert_element_type3A_207 = arith.extui %slice3A_206 : vector<256x1xi1> to vector<256x1xi32>
    %add3A_208 = arith.addi %add3A_205, %convert_element_type3A_207 : vector<256x1xi32>
    %slice3A_209 = vector.extract_strided_slice %eq3A_176 {offsets = [0, 9], sizes = [256, 1], strides = [1, 1]} : vector<256x16xi1> to vector<256x1xi1>
    %convert_element_type3A_210 = arith.extui %slice3A_209 : vector<256x1xi1> to vector<256x1xi32>
    %add3A_211 = arith.addi %add3A_208, %convert_element_type3A_210 : vector<256x1xi32>
    %slice3A_212 = vector.extract_strided_slice %eq3A_176 {offsets = [0, 10], sizes = [256, 1], strides = [1, 1]} : vector<256x16xi1> to vector<256x1xi1>
    %convert_element_type3A_213 = arith.extui %slice3A_212 : vector<256x1xi1> to vector<256x1xi32>
    %add3A_214 = arith.addi %add3A_211, %convert_element_type3A_213 : vector<256x1xi32>
    %slice3A_215 = vector.extract_strided_slice %eq3A_176 {offsets = [0, 11], sizes = [256, 1], strides = [1, 1]} : vector<256x16xi1> to vector<256x1xi1>
    %convert_element_type3A_216 = arith.extui %slice3A_215 : vector<256x1xi1> to vector<256x1xi32>
    %add3A_217 = arith.addi %add3A_214, %convert_element_type3A_216 : vector<256x1xi32>
    %slice3A_218 = vector.extract_strided_slice %eq3A_176 {offsets = [0, 12], sizes = [256, 1], strides = [1, 1]} : vector<256x16xi1> to vector<256x1xi1>
    %convert_element_type3A_219 = arith.extui %slice3A_218 : vector<256x1xi1> to vector<256x1xi32>
    %add3A_220 = arith.addi %add3A_217, %convert_element_type3A_219 : vector<256x1xi32>
    %slice3A_221 = vector.extract_strided_slice %eq3A_176 {offsets = [0, 13], sizes = [256, 1], strides = [1, 1]} : vector<256x16xi1> to vector<256x1xi1>
    %convert_element_type3A_222 = arith.extui %slice3A_221 : vector<256x1xi1> to vector<256x1xi32>
    %add3A_223 = arith.addi %add3A_220, %convert_element_type3A_222 : vector<256x1xi32>
    %slice3A_224 = vector.extract_strided_slice %eq3A_176 {offsets = [0, 14], sizes = [256, 1], strides = [1, 1]} : vector<256x16xi1> to vector<256x1xi1>
    %convert_element_type3A_225 = arith.extui %slice3A_224 : vector<256x1xi1> to vector<256x1xi32>
    %add3A_226 = arith.addi %add3A_223, %convert_element_type3A_225 : vector<256x1xi32>
    %concatenate3A_227 = tpu.concatenate %broadcast_in_dim3A_181, %add3A_184, %add3A_187, %add3A_190, %add3A_193, %add3A_196, %add3A_199, %add3A_202, %add3A_205, %add3A_208, %add3A_211, %add3A_214, %add3A_217, %add3A_220, %add3A_223, %add3A_226 in 1 : vector<256x1xi32>, vector<256x1xi32>, vector<256x1xi32>, vector<256x1xi32>, vector<256x1xi32>, vector<256x1xi32>, vector<256x1xi32>, vector<256x1xi32>, vector<256x1xi32>, vector<256x1xi32>, vector<256x1xi32>, vector<256x1xi32>, vector<256x1xi32>, vector<256x1xi32>, vector<256x1xi32>, vector<256x1xi32> -> vector<256x16xi32>
    %bitcast_convert_type3A_228 = tpu.bitcast %slice3A : vector<256x1xi32> -> vector<256x1xf32>
    %or3A_229 = arith.constant 4095 : i32
    %or3A_230 = vector.broadcast %or3A_229 : i32 to vector<256x1xi32>
    %or3A_231 = arith.ori %slice3A, %or3A_230 : vector<256x1xi32>
    %bitcast_convert_type3A_232 = tpu.bitcast %or3A_231 : vector<256x1xi32> -> vector<256x1xf32>
    %ge3A = vector.broadcast %bitcast_convert_type3A_228 : vector<256x1xf32> to vector<256x4096xf32>
    %ge3A_233 = arith.cmpf oge, %bitcast_convert_type3A_42, %ge3A : vector<256x4096xf32>
    %le3A = vector.broadcast %bitcast_convert_type3A_232 : vector<256x1xf32> to vector<256x4096xf32>
    %le3A_234 = arith.cmpf ole, %bitcast_convert_type3A_42, %le3A : vector<256x4096xf32>
    %and3A_235 = arith.andi %ge3A_233, %le3A_234 : vector<256x4096xi1>
    %jit3A_236 = arith.constant 0x7F800000 : f32
    %broadcast_in_dim3A_237 = vector.broadcast %jit3A_236 : f32 to vector<256x4096xf32>
    %select_n3A_238 = arith.select %and3A_235, %add3A_39, %broadcast_in_dim3A_237 : vector<256x4096xi1>, vector<256x4096xf32>
    %reduce_max3A = vector.shape_cast %broadcast_in_dim3A_179 : vector<256x1xi32> to vector<1x256x1xi32>
    %reduce_max3A_239 = arith.constant dense<-2147483648> : vector<1xi32>
    %reduce_max3A_240 = vector.multi_reduction <maxsi>, %reduce_max3A, %reduce_max3A_239 [1, 2] : vector<1x256x1xi32> to vector<1xi32>
    %reduce_max3A_241 = vector.shape_cast %reduce_max3A_240 : vector<1xi32> to vector<1x1x1xi32>
    %reduce_max3A_242 = vector.extract %reduce_max3A_241[0, 0, 0] : i32 from vector<1x1x1xi32>
    %broadcast_in_dim3A_243 = arith.constant 0xFF800000 : f32
    %broadcast_in_dim3A_244 = vector.broadcast %broadcast_in_dim3A_243 : f32 to vector<256x1xf32>
    %broadcast_in_dim3A_245 = arith.constant -1 : i32
    %broadcast_in_dim3A_246 = vector.broadcast %broadcast_in_dim3A_245 : i32 to vector<256x1xi32>
    %while3A = arith.constant 0 : i32
    %while3A_247:4 = scf.while (%while3A_258 = %while3A, %while3A_259 = %broadcast_in_dim3A_244, %while3A_260 = %broadcast_in_dim3A_246, %while3A_261 = %and3A_175) : (i32, vector<256x1xf32>, vector<256x1xi32>, vector<256x16xi32>) -> (i32, vector<256x1xf32>, vector<256x1xi32>, vector<256x16xi32>) {
      %lt3A = arith.cmpi slt, %while3A_258, %reduce_max3A_242 : i32
      scf.condition(%lt3A) %while3A_258, %while3A_259, %while3A_260, %while3A_261 : i32, vector<256x1xf32>, vector<256x1xi32>, vector<256x16xi32>
    } do {
    ^bb0(%while3A_258: i32, %while3A_259: vector<256x1xf32>, %while3A_260: vector<256x1xi32>, %while3A_261: vector<256x16xi32>):
      %gt3A_262 = vector.broadcast %while3A_259 : vector<256x1xf32> to vector<256x4096xf32>
      %gt3A_263 = arith.cmpf ogt, %select_n3A_238, %gt3A_262 : vector<256x4096xf32>
      %eq3A_264 = vector.broadcast %while3A_259 : vector<256x1xf32> to vector<256x4096xf32>
      %eq3A_265 = arith.cmpf oeq, %select_n3A_238, %eq3A_264 : vector<256x4096xf32>
      %gt3A_266 = vector.broadcast %while3A_260 : vector<256x1xi32> to vector<256x4096xi32>
      %gt3A_267 = arith.cmpi sgt, %iota3A, %gt3A_266 : vector<256x4096xi32>
      %and3A_268 = arith.andi %eq3A_265, %gt3A_267 : vector<256x4096xi1>
      %or3A_269 = arith.ori %gt3A_263, %and3A_268 : vector<256x4096xi1>
      %jit3A_270 = arith.constant 0x7F800000 : f32
      %broadcast_in_dim3A_271 = vector.broadcast %jit3A_270 : f32 to vector<256x4096xf32>
      %select_n3A_272 = arith.select %or3A_269, %select_n3A_238, %broadcast_in_dim3A_271 : vector<256x4096xi1>, vector<256x4096xf32>
      %reduce_min3A_273 = arith.constant dense<0x7F800000> : vector<256xf32>
      %reduce_min3A_274 = vector.multi_reduction <minimumf>, %select_n3A_272, %reduce_min3A_273 [1] : vector<256x4096xf32> to vector<256xf32>
      %broadcast_in_dim3A_275 = vector.shape_cast %reduce_min3A_274 : vector<256xf32> to vector<256x1xf32>
      %eq3A_276 = vector.broadcast %broadcast_in_dim3A_275 : vector<256x1xf32> to vector<256x4096xf32>
      %eq3A_277 = arith.cmpf oeq, %select_n3A_238, %eq3A_276 : vector<256x4096xf32>
      %and3A_278 = arith.andi %or3A_269, %eq3A_277 : vector<256x4096xi1>
      %jit3A_279 = arith.constant 4096 : i32
      %broadcast_in_dim3A_280 = vector.broadcast %jit3A_279 : i32 to vector<256x4096xi32>
      %select_n3A_281 = arith.select %and3A_278, %iota3A, %broadcast_in_dim3A_280 : vector<256x4096xi1>, vector<256x4096xi32>
      %reduce_min3A_282 = arith.constant dense<2147483647> : vector<256xi32>
      %reduce_min3A_283 = vector.multi_reduction <minsi>, %select_n3A_281, %reduce_min3A_282 [1] : vector<256x4096xi32> to vector<256xi32>
      %broadcast_in_dim3A_284 = vector.shape_cast %reduce_min3A_283 : vector<256xi32> to vector<256x1xi32>
      %eq3A_285 = vector.broadcast %while3A_258 : i32 to vector<256x16xi32>
      %eq3A_286 = arith.cmpi eq, %concatenate3A_227, %eq3A_285 : vector<256x16xi32>
      %and3A_287 = arith.andi %eq3A_176, %eq3A_286 : vector<256x16xi1>
      %gt3A_288 = vector.broadcast %while3A_258 : i32 to vector<256x1xi32>
      %gt3A_289 = arith.cmpi sgt, %broadcast_in_dim3A_179, %gt3A_288 : vector<256x1xi32>
      %and3A_290 = vector.broadcast %gt3A_289 : vector<256x1xi1> to vector<256x16xi1>
      %and3A_291 = arith.andi %and3A_287, %and3A_290 : vector<256x16xi1>
      %broadcast_in_dim3A_292 = vector.shape_cast %broadcast_in_dim3A_284 : vector<256x1xi32> to vector<256x1xi32>
      %broadcast_in_dim3A_293 = vector.broadcast %broadcast_in_dim3A_292 : vector<256x1xi32> to vector<256x16xi32>
      %select_n3A_294 = arith.select %and3A_291, %broadcast_in_dim3A_293, %while3A_261 : vector<256x16xi1>, vector<256x16xi32>
      %add3A_295 = arith.constant 1 : i32
      %add3A_296 = arith.addi %while3A_258, %add3A_295 : i32
      scf.yield %add3A_296, %broadcast_in_dim3A_275, %broadcast_in_dim3A_284, %select_n3A_294 : i32, vector<256x1xf32>, vector<256x1xi32>, vector<256x16xi32>
    }
    %mul3A_248 = arith.constant 4096 : i32
    %mul3A_249 = arith.muli %arg0, %mul3A_248 : i32
    %add3A_250 = vector.broadcast %mul3A_249 : i32 to vector<256x16xi32>
    %add3A_251 = arith.addi %while3A_247#3, %add3A_250 : vector<256x16xi32>
    %swap3A_252 = arith.constant 0 : index
    %swap3A_253 = arith.constant 0 : index
    %swap3A_254 = arith.constant 0 : index
    %swap3A_255 = vector.load %arg5[%swap3A_252, %swap3A_253, %swap3A_254] : memref<1x256x16xi32, #tpu.memory_space<vmem>>, vector<1x256x16xi32>
    %swap3A_256 = vector.shape_cast %swap3A_255 : vector<1x256x16xi32> to vector<256x16xi32>
    %swap3A_257 = vector.shape_cast %add3A_251 : vector<256x16xi32> to vector<1x256x16xi32>
    tpu.vector_store %arg5[%swap3A_252, %swap3A_253, %swap3A_254], %swap3A_257 {strides = array<i32>} : memref<1x256x16xi32, #tpu.memory_space<vmem>>, vector<1x256x16xi32>,
    return
  }
  func.func @transform_0(%arg0: i32, %arg1: i32) -> (i32, i32, i32) {
    %c0_i32 = arith.constant 0 : i32
    %c0_i32_0 = arith.constant 0 : i32
    return %arg0, %arg1, %c0_i32 : i32, i32, i32
  }
  func.func @transform_1(%arg0: i32, %arg1: i32) -> (i32, i32, i32) {
    %c0_i32 = arith.constant 0 : i32
    %c0_i32_0 = arith.constant 0 : i32
    %c0_i32_1 = arith.constant 0 : i32
    return %arg0, %c0_i32, %c0_i32_0 : i32, i32, i32
  }
  func.func @transform_2(%arg0: i32, %arg1: i32) -> (i32, i32, i32) {
    %c0_i32 = arith.constant 0 : i32
    %c0_i32_0 = arith.constant 0 : i32
    return %arg0, %arg1, %c0_i32 : i32, i32, i32
  }
  func.func @transform_3(%arg0: i32, %arg1: i32) -> (i32, i32, i32) {
    %c0_i32 = arith.constant 0 : i32
    %c0_i32_0 = arith.constant 0 : i32
    return %arg0, %arg1, %c0_i32 : i32, i32, i32
  }
  func.func @transform_4(%arg0: i32, %arg1: i32) -> (i32, i32) {
    %mul3A = arith.constant 16 : i32
    %mul3A_0 = arith.muli %arg0, %mul3A : i32
    %add3A = arith.addi %mul3A_0, %arg1 : i32
    %c0_i32 = arith.constant 0 : i32
    %c0_i32_1 = arith.constant 0 : i32
    return %add3A, %c0_i32 : i32, i32
  }
}

module attributes {stable_mosaic.version = 14 : i64} {
  func.func @p1(%arg0: i32, %arg1: memref<16x512x48xf32, #tpu.memory_space<vmem>>, %arg2: memref<512x3xf32, #tpu.memory_space<vmem>>, %arg3: memref<512x32xf32, #tpu.memory_space<vmem>>, %arg4: memref<3x64xf32, #tpu.memory_space<vmem>>, %arg5: memref<3x64xf32, #tpu.memory_space<vmem>>, %arg6: memref<32x64xf32, #tpu.memory_space<vmem>>, %arg7: memref<32x64xf32, #tpu.memory_space<vmem>>, %arg8: memref<8x64xf32, #tpu.memory_space<vmem>>) attributes {dimension_semantics = [#tpu.dimension_semantics<arbitrary>], iteration_bounds = array<i64: 32>, scalar_prefetch = 0 : i64, scratch_operands = 0 : i64, tpu.core_type = #tpu.core_type<tc>, window_params = [{transform_indices = @transform_0, window_bounds = array<i64: 16, 512, 48>}, {transform_indices = @transform_1, window_bounds = array<i64: 512, 3>}, {transform_indices = @transform_2, window_bounds = array<i64: 512, 32>}, {pipeline_mode = #tpu.pipeline_mode<synchronous>, transform_indices = @transform_3, window_bounds = array<i64: 3, 64>}, {pipeline_mode = #tpu.pipeline_mode<synchronous>, transform_indices = @transform_4, window_bounds = array<i64: 3, 64>}, {pipeline_mode = #tpu.pipeline_mode<synchronous>, transform_indices = @transform_5, window_bounds = array<i64: 32, 64>}, {pipeline_mode = #tpu.pipeline_mode<synchronous>, transform_indices = @transform_6, window_bounds = array<i64: 32, 64>}, {pipeline_mode = #tpu.pipeline_mode<synchronous>, transform_indices = @transform_7, window_bounds = array<i64: 8, 64>}]} {
    %get3A = arith.constant 0 : index
    %get3A_0 = arith.constant 0 : index
    %get3A_1 = vector.load %arg2[%get3A, %get3A_0] : memref<512x3xf32, #tpu.memory_space<vmem>>, vector<512x3xf32>
    %get3A_2 = arith.constant 0 : index
    %get3A_3 = arith.constant 0 : index
    %get3A_4 = vector.load %arg5[%get3A_2, %get3A_3] : memref<3x64xf32, #tpu.memory_space<vmem>>, vector<3x64xf32>
    %dot_general3A = arith.constant dense<0.000000e+00> : vector<512x64xf32>
    %dot_general3A_5 = tpu.matmul %get3A_1, %get3A_4, %dot_general3A {dimension_numbers = #tpu.dot_dimension_numbers<[1], [0], [0], [1], [0, 0, 1, 1], [], []>, transpose_lhs_hint = false} : vector<512x3xf32>, vector<3x64xf32>, vector<512x64xf32> -> vector<512x64xf32>
    %get3A_6 = arith.constant 0 : index
    %get3A_7 = arith.constant 0 : index
    %get3A_8 = vector.load %arg3[%get3A_6, %get3A_7] : memref<512x32xf32, #tpu.memory_space<vmem>>, vector<512x32xf32>
    %get3A_9 = arith.constant 0 : index
    %get3A_10 = arith.constant 0 : index
    %get3A_11 = vector.load %arg7[%get3A_9, %get3A_10] : memref<32x64xf32, #tpu.memory_space<vmem>>, vector<32x64xf32>
    %dot_general3A_12 = arith.constant dense<0.000000e+00> : vector<512x64xf32>
    %dot_general3A_13 = tpu.matmul %get3A_8, %get3A_11, %dot_general3A_12 {dimension_numbers = #tpu.dot_dimension_numbers<[1], [0], [0], [1], [0, 0, 1, 1], [], []>, transpose_lhs_hint = false} : vector<512x32xf32>, vector<32x64xf32>, vector<512x64xf32> -> vector<512x64xf32>
    %broadcast_in_dim3A = arith.constant 0.000000e+00 : f32
    %broadcast_in_dim3A_14 = vector.broadcast %broadcast_in_dim3A : f32 to vector<512x64xf32>
    %broadcast_in_dim3A_15 = arith.constant 0.000000e+00 : f32
    %broadcast_in_dim3A_16 = vector.broadcast %broadcast_in_dim3A_15 : f32 to vector<512x64xf32>
    %broadcast_in_dim3A_17 = arith.constant 0.000000e+00 : f32
    %broadcast_in_dim3A_18 = vector.broadcast %broadcast_in_dim3A_17 : f32 to vector<512x64xf32>
    %broadcast_in_dim3A_19 = arith.constant 0.000000e+00 : f32
    %broadcast_in_dim3A_20 = vector.broadcast %broadcast_in_dim3A_19 : f32 to vector<512x64xf32>
    %get3A_21 = arith.constant 0 : index
    %get3A_22 = arith.constant 0 : index
    %get3A_23 = arith.constant 0 : index
    %get3A_24 = vector.load %arg1[%get3A_21, %get3A_22, %get3A_23] : memref<16x512x48xf32, #tpu.memory_space<vmem>>, vector<1x512x32xf32>
    %get3A_25 = vector.shape_cast %get3A_24 : vector<1x512x32xf32> to vector<512x32xf32>
    %get3A_26 = arith.constant 0 : index
    %get3A_27 = arith.constant 0 : index
    %get3A_28 = arith.constant 32 : index
    %get3A_29 = vector.load %arg1[%get3A_26, %get3A_27, %get3A_28] : memref<16x512x48xf32, #tpu.memory_space<vmem>>, vector<1x512x3xf32>
    %get3A_30 = vector.shape_cast %get3A_29 : vector<1x512x3xf32> to vector<512x3xf32>
    %get3A_31 = arith.constant 0 : index
    %get3A_32 = arith.constant 0 : index
    %get3A_33 = vector.load %arg4[%get3A_31, %get3A_32] : memref<3x64xf32, #tpu.memory_space<vmem>>, vector<3x64xf32>
    %dot_general3A_34 = arith.constant dense<0.000000e+00> : vector<512x64xf32>
    %dot_general3A_35 = tpu.matmul %get3A_30, %get3A_33, %dot_general3A_34 {dimension_numbers = #tpu.dot_dimension_numbers<[1], [0], [0], [1], [0, 0, 1, 1], [], []>, transpose_lhs_hint = false} : vector<512x3xf32>, vector<3x64xf32>, vector<512x64xf32> -> vector<512x64xf32>
    %add3A = arith.addf %dot_general3A_35, %dot_general3A_5 : vector<512x64xf32>
    %get3A_36 = arith.constant 0 : index
    %get3A_37 = arith.constant 0 : index
    %get3A_38 = vector.load %arg6[%get3A_36, %get3A_37] : memref<32x64xf32, #tpu.memory_space<vmem>>, vector<32x64xf32>
    %dot_general3A_39 = arith.constant dense<0.000000e+00> : vector<512x64xf32>
    %dot_general3A_40 = tpu.matmul %get3A_25, %get3A_38, %dot_general3A_39 {dimension_numbers = #tpu.dot_dimension_numbers<[1], [0], [0], [1], [0, 0, 1, 1], [], []>, transpose_lhs_hint = false} : vector<512x32xf32>, vector<32x64xf32>, vector<512x64xf32> -> vector<512x64xf32>
    %add3A_41 = arith.addf %dot_general3A_40, %dot_general3A_13 : vector<512x64xf32>
    %add3A_42 = arith.addf %broadcast_in_dim3A_14, %add3A : vector<512x64xf32>
    %mul3A = arith.mulf %add3A, %add3A : vector<512x64xf32>
    %add3A_43 = arith.addf %broadcast_in_dim3A_16, %mul3A : vector<512x64xf32>
    %add3A_44 = arith.addf %broadcast_in_dim3A_18, %add3A_41 : vector<512x64xf32>
    %mul3A_45 = arith.mulf %add3A_41, %add3A_41 : vector<512x64xf32>
    %add3A_46 = arith.addf %broadcast_in_dim3A_20, %mul3A_45 : vector<512x64xf32>
    %get3A_47 = arith.constant 1 : index
    %get3A_48 = arith.constant 0 : index
    %get3A_49 = arith.constant 0 : index
    %get3A_50 = vector.load %arg1[%get3A_47, %get3A_48, %get3A_49] : memref<16x512x48xf32, #tpu.memory_space<vmem>>, vector<1x512x32xf32>
    %get3A_51 = vector.shape_cast %get3A_50 : vector<1x512x32xf32> to vector<512x32xf32>
    %get3A_52 = arith.constant 1 : index
    %get3A_53 = arith.constant 0 : index
    %get3A_54 = arith.constant 32 : index
    %get3A_55 = vector.load %arg1[%get3A_52, %get3A_53, %get3A_54] : memref<16x512x48xf32, #tpu.memory_space<vmem>>, vector<1x512x3xf32>
    %get3A_56 = vector.shape_cast %get3A_55 : vector<1x512x3xf32> to vector<512x3xf32>
    %get3A_57 = arith.constant 0 : index
    %get3A_58 = arith.constant 0 : index
    %get3A_59 = vector.load %arg4[%get3A_57, %get3A_58] : memref<3x64xf32, #tpu.memory_space<vmem>>, vector<3x64xf32>
    %dot_general3A_60 = arith.constant dense<0.000000e+00> : vector<512x64xf32>
    %dot_general3A_61 = tpu.matmul %get3A_56, %get3A_59, %dot_general3A_60 {dimension_numbers = #tpu.dot_dimension_numbers<[1], [0], [0], [1], [0, 0, 1, 1], [], []>, transpose_lhs_hint = false} : vector<512x3xf32>, vector<3x64xf32>, vector<512x64xf32> -> vector<512x64xf32>
    %add3A_62 = arith.addf %dot_general3A_61, %dot_general3A_5 : vector<512x64xf32>
    %get3A_63 = arith.constant 0 : index
    %get3A_64 = arith.constant 0 : index
    %get3A_65 = vector.load %arg6[%get3A_63, %get3A_64] : memref<32x64xf32, #tpu.memory_space<vmem>>, vector<32x64xf32>
    %dot_general3A_66 = arith.constant dense<0.000000e+00> : vector<512x64xf32>
    %dot_general3A_67 = tpu.matmul %get3A_51, %get3A_65, %dot_general3A_66 {dimension_numbers = #tpu.dot_dimension_numbers<[1], [0], [0], [1], [0, 0, 1, 1], [], []>, transpose_lhs_hint = false} : vector<512x32xf32>, vector<32x64xf32>, vector<512x64xf32> -> vector<512x64xf32>
    %add3A_68 = arith.addf %dot_general3A_67, %dot_general3A_13 : vector<512x64xf32>
    %add3A_69 = arith.addf %add3A_42, %add3A_62 : vector<512x64xf32>
    %mul3A_70 = arith.mulf %add3A_62, %add3A_62 : vector<512x64xf32>
    %add3A_71 = arith.addf %add3A_43, %mul3A_70 : vector<512x64xf32>
    %add3A_72 = arith.addf %add3A_44, %add3A_68 : vector<512x64xf32>
    %mul3A_73 = arith.mulf %add3A_68, %add3A_68 : vector<512x64xf32>
    %add3A_74 = arith.addf %add3A_46, %mul3A_73 : vector<512x64xf32>
    %get3A_75 = arith.constant 2 : index
    %get3A_76 = arith.constant 0 : index
    %get3A_77 = arith.constant 0 : index
    %get3A_78 = vector.load %arg1[%get3A_75, %get3A_76, %get3A_77] : memref<16x512x48xf32, #tpu.memory_space<vmem>>, vector<1x512x32xf32>
    %get3A_79 = vector.shape_cast %get3A_78 : vector<1x512x32xf32> to vector<512x32xf32>
    %get3A_80 = arith.constant 2 : index
    %get3A_81 = arith.constant 0 : index
    %get3A_82 = arith.constant 32 : index
    %get3A_83 = vector.load %arg1[%get3A_80, %get3A_81, %get3A_82] : memref<16x512x48xf32, #tpu.memory_space<vmem>>, vector<1x512x3xf32>
    %get3A_84 = vector.shape_cast %get3A_83 : vector<1x512x3xf32> to vector<512x3xf32>
    %get3A_85 = arith.constant 0 : index
    %get3A_86 = arith.constant 0 : index
    %get3A_87 = vector.load %arg4[%get3A_85, %get3A_86] : memref<3x64xf32, #tpu.memory_space<vmem>>, vector<3x64xf32>
    %dot_general3A_88 = arith.constant dense<0.000000e+00> : vector<512x64xf32>
    %dot_general3A_89 = tpu.matmul %get3A_84, %get3A_87, %dot_general3A_88 {dimension_numbers = #tpu.dot_dimension_numbers<[1], [0], [0], [1], [0, 0, 1, 1], [], []>, transpose_lhs_hint = false} : vector<512x3xf32>, vector<3x64xf32>, vector<512x64xf32> -> vector<512x64xf32>
    %add3A_90 = arith.addf %dot_general3A_89, %dot_general3A_5 : vector<512x64xf32>
    %get3A_91 = arith.constant 0 : index
    %get3A_92 = arith.constant 0 : index
    %get3A_93 = vector.load %arg6[%get3A_91, %get3A_92] : memref<32x64xf32, #tpu.memory_space<vmem>>, vector<32x64xf32>
    %dot_general3A_94 = arith.constant dense<0.000000e+00> : vector<512x64xf32>
    %dot_general3A_95 = tpu.matmul %get3A_79, %get3A_93, %dot_general3A_94 {dimension_numbers = #tpu.dot_dimension_numbers<[1], [0], [0], [1], [0, 0, 1, 1], [], []>, transpose_lhs_hint = false} : vector<512x32xf32>, vector<32x64xf32>, vector<512x64xf32> -> vector<512x64xf32>
    %add3A_96 = arith.addf %dot_general3A_95, %dot_general3A_13 : vector<512x64xf32>
    %add3A_97 = arith.addf %add3A_69, %add3A_90 : vector<512x64xf32>
    %mul3A_98 = arith.mulf %add3A_90, %add3A_90 : vector<512x64xf32>
    %add3A_99 = arith.addf %add3A_71, %mul3A_98 : vector<512x64xf32>
    %add3A_100 = arith.addf %add3A_72, %add3A_96 : vector<512x64xf32>
    %mul3A_101 = arith.mulf %add3A_96, %add3A_96 : vector<512x64xf32>
    %add3A_102 = arith.addf %add3A_74, %mul3A_101 : vector<512x64xf32>
    %get3A_103 = arith.constant 3 : index
    %get3A_104 = arith.constant 0 : index
    %get3A_105 = arith.constant 0 : index
    %get3A_106 = vector.load %arg1[%get3A_103, %get3A_104, %get3A_105] : memref<16x512x48xf32, #tpu.memory_space<vmem>>, vector<1x512x32xf32>
    %get3A_107 = vector.shape_cast %get3A_106 : vector<1x512x32xf32> to vector<512x32xf32>
    %get3A_108 = arith.constant 3 : index
    %get3A_109 = arith.constant 0 : index
    %get3A_110 = arith.constant 32 : index
    %get3A_111 = vector.load %arg1[%get3A_108, %get3A_109, %get3A_110] : memref<16x512x48xf32, #tpu.memory_space<vmem>>, vector<1x512x3xf32>
    %get3A_112 = vector.shape_cast %get3A_111 : vector<1x512x3xf32> to vector<512x3xf32>
    %get3A_113 = arith.constant 0 : index
    %get3A_114 = arith.constant 0 : index
    %get3A_115 = vector.load %arg4[%get3A_113, %get3A_114] : memref<3x64xf32, #tpu.memory_space<vmem>>, vector<3x64xf32>
    %dot_general3A_116 = arith.constant dense<0.000000e+00> : vector<512x64xf32>
    %dot_general3A_117 = tpu.matmul %get3A_112, %get3A_115, %dot_general3A_116 {dimension_numbers = #tpu.dot_dimension_numbers<[1], [0], [0], [1], [0, 0, 1, 1], [], []>, transpose_lhs_hint = false} : vector<512x3xf32>, vector<3x64xf32>, vector<512x64xf32> -> vector<512x64xf32>
    %add3A_118 = arith.addf %dot_general3A_117, %dot_general3A_5 : vector<512x64xf32>
    %get3A_119 = arith.constant 0 : index
    %get3A_120 = arith.constant 0 : index
    %get3A_121 = vector.load %arg6[%get3A_119, %get3A_120] : memref<32x64xf32, #tpu.memory_space<vmem>>, vector<32x64xf32>
    %dot_general3A_122 = arith.constant dense<0.000000e+00> : vector<512x64xf32>
    %dot_general3A_123 = tpu.matmul %get3A_107, %get3A_121, %dot_general3A_122 {dimension_numbers = #tpu.dot_dimension_numbers<[1], [0], [0], [1], [0, 0, 1, 1], [], []>, transpose_lhs_hint = false} : vector<512x32xf32>, vector<32x64xf32>, vector<512x64xf32> -> vector<512x64xf32>
    %add3A_124 = arith.addf %dot_general3A_123, %dot_general3A_13 : vector<512x64xf32>
    %add3A_125 = arith.addf %add3A_97, %add3A_118 : vector<512x64xf32>
    %mul3A_126 = arith.mulf %add3A_118, %add3A_118 : vector<512x64xf32>
    %add3A_127 = arith.addf %add3A_99, %mul3A_126 : vector<512x64xf32>
    %add3A_128 = arith.addf %add3A_100, %add3A_124 : vector<512x64xf32>
    %mul3A_129 = arith.mulf %add3A_124, %add3A_124 : vector<512x64xf32>
    %add3A_130 = arith.addf %add3A_102, %mul3A_129 : vector<512x64xf32>
    %get3A_131 = arith.constant 4 : index
    %get3A_132 = arith.constant 0 : index
    %get3A_133 = arith.constant 0 : index
    %get3A_134 = vector.load %arg1[%get3A_131, %get3A_132, %get3A_133] : memref<16x512x48xf32, #tpu.memory_space<vmem>>, vector<1x512x32xf32>
    %get3A_135 = vector.shape_cast %get3A_134 : vector<1x512x32xf32> to vector<512x32xf32>
    %get3A_136 = arith.constant 4 : index
    %get3A_137 = arith.constant 0 : index
    %get3A_138 = arith.constant 32 : index
    %get3A_139 = vector.load %arg1[%get3A_136, %get3A_137, %get3A_138] : memref<16x512x48xf32, #tpu.memory_space<vmem>>, vector<1x512x3xf32>
    %get3A_140 = vector.shape_cast %get3A_139 : vector<1x512x3xf32> to vector<512x3xf32>
    %get3A_141 = arith.constant 0 : index
    %get3A_142 = arith.constant 0 : index
    %get3A_143 = vector.load %arg4[%get3A_141, %get3A_142] : memref<3x64xf32, #tpu.memory_space<vmem>>, vector<3x64xf32>
    %dot_general3A_144 = arith.constant dense<0.000000e+00> : vector<512x64xf32>
    %dot_general3A_145 = tpu.matmul %get3A_140, %get3A_143, %dot_general3A_144 {dimension_numbers = #tpu.dot_dimension_numbers<[1], [0], [0], [1], [0, 0, 1, 1], [], []>, transpose_lhs_hint = false} : vector<512x3xf32>, vector<3x64xf32>, vector<512x64xf32> -> vector<512x64xf32>
    %add3A_146 = arith.addf %dot_general3A_145, %dot_general3A_5 : vector<512x64xf32>
    %get3A_147 = arith.constant 0 : index
    %get3A_148 = arith.constant 0 : index
    %get3A_149 = vector.load %arg6[%get3A_147, %get3A_148] : memref<32x64xf32, #tpu.memory_space<vmem>>, vector<32x64xf32>
    %dot_general3A_150 = arith.constant dense<0.000000e+00> : vector<512x64xf32>
    %dot_general3A_151 = tpu.matmul %get3A_135, %get3A_149, %dot_general3A_150 {dimension_numbers = #tpu.dot_dimension_numbers<[1], [0], [0], [1], [0, 0, 1, 1], [], []>, transpose_lhs_hint = false} : vector<512x32xf32>, vector<32x64xf32>, vector<512x64xf32> -> vector<512x64xf32>
    %add3A_152 = arith.addf %dot_general3A_151, %dot_general3A_13 : vector<512x64xf32>
    %add3A_153 = arith.addf %add3A_125, %add3A_146 : vector<512x64xf32>
    %mul3A_154 = arith.mulf %add3A_146, %add3A_146 : vector<512x64xf32>
    %add3A_155 = arith.addf %add3A_127, %mul3A_154 : vector<512x64xf32>
    %add3A_156 = arith.addf %add3A_128, %add3A_152 : vector<512x64xf32>
    %mul3A_157 = arith.mulf %add3A_152, %add3A_152 : vector<512x64xf32>
    %add3A_158 = arith.addf %add3A_130, %mul3A_157 : vector<512x64xf32>
    %get3A_159 = arith.constant 5 : index
    %get3A_160 = arith.constant 0 : index
    %get3A_161 = arith.constant 0 : index
    %get3A_162 = vector.load %arg1[%get3A_159, %get3A_160, %get3A_161] : memref<16x512x48xf32, #tpu.memory_space<vmem>>, vector<1x512x32xf32>
    %get3A_163 = vector.shape_cast %get3A_162 : vector<1x512x32xf32> to vector<512x32xf32>
    %get3A_164 = arith.constant 5 : index
    %get3A_165 = arith.constant 0 : index
    %get3A_166 = arith.constant 32 : index
    %get3A_167 = vector.load %arg1[%get3A_164, %get3A_165, %get3A_166] : memref<16x512x48xf32, #tpu.memory_space<vmem>>, vector<1x512x3xf32>
    %get3A_168 = vector.shape_cast %get3A_167 : vector<1x512x3xf32> to vector<512x3xf32>
    %get3A_169 = arith.constant 0 : index
    %get3A_170 = arith.constant 0 : index
    %get3A_171 = vector.load %arg4[%get3A_169, %get3A_170] : memref<3x64xf32, #tpu.memory_space<vmem>>, vector<3x64xf32>
    %dot_general3A_172 = arith.constant dense<0.000000e+00> : vector<512x64xf32>
    %dot_general3A_173 = tpu.matmul %get3A_168, %get3A_171, %dot_general3A_172 {dimension_numbers = #tpu.dot_dimension_numbers<[1], [0], [0], [1], [0, 0, 1, 1], [], []>, transpose_lhs_hint = false} : vector<512x3xf32>, vector<3x64xf32>, vector<512x64xf32> -> vector<512x64xf32>
    %add3A_174 = arith.addf %dot_general3A_173, %dot_general3A_5 : vector<512x64xf32>
    %get3A_175 = arith.constant 0 : index
    %get3A_176 = arith.constant 0 : index
    %get3A_177 = vector.load %arg6[%get3A_175, %get3A_176] : memref<32x64xf32, #tpu.memory_space<vmem>>, vector<32x64xf32>
    %dot_general3A_178 = arith.constant dense<0.000000e+00> : vector<512x64xf32>
    %dot_general3A_179 = tpu.matmul %get3A_163, %get3A_177, %dot_general3A_178 {dimension_numbers = #tpu.dot_dimension_numbers<[1], [0], [0], [1], [0, 0, 1, 1], [], []>, transpose_lhs_hint = false} : vector<512x32xf32>, vector<32x64xf32>, vector<512x64xf32> -> vector<512x64xf32>
    %add3A_180 = arith.addf %dot_general3A_179, %dot_general3A_13 : vector<512x64xf32>
    %add3A_181 = arith.addf %add3A_153, %add3A_174 : vector<512x64xf32>
    %mul3A_182 = arith.mulf %add3A_174, %add3A_174 : vector<512x64xf32>
    %add3A_183 = arith.addf %add3A_155, %mul3A_182 : vector<512x64xf32>
    %add3A_184 = arith.addf %add3A_156, %add3A_180 : vector<512x64xf32>
    %mul3A_185 = arith.mulf %add3A_180, %add3A_180 : vector<512x64xf32>
    %add3A_186 = arith.addf %add3A_158, %mul3A_185 : vector<512x64xf32>
    %get3A_187 = arith.constant 6 : index
    %get3A_188 = arith.constant 0 : index
    %get3A_189 = arith.constant 0 : index
    %get3A_190 = vector.load %arg1[%get3A_187, %get3A_188, %get3A_189] : memref<16x512x48xf32, #tpu.memory_space<vmem>>, vector<1x512x32xf32>
    %get3A_191 = vector.shape_cast %get3A_190 : vector<1x512x32xf32> to vector<512x32xf32>
    %get3A_192 = arith.constant 6 : index
    %get3A_193 = arith.constant 0 : index
    %get3A_194 = arith.constant 32 : index
    %get3A_195 = vector.load %arg1[%get3A_192, %get3A_193, %get3A_194] : memref<16x512x48xf32, #tpu.memory_space<vmem>>, vector<1x512x3xf32>
    %get3A_196 = vector.shape_cast %get3A_195 : vector<1x512x3xf32> to vector<512x3xf32>
    %get3A_197 = arith.constant 0 : index
    %get3A_198 = arith.constant 0 : index
    %get3A_199 = vector.load %arg4[%get3A_197, %get3A_198] : memref<3x64xf32, #tpu.memory_space<vmem>>, vector<3x64xf32>
    %dot_general3A_200 = arith.constant dense<0.000000e+00> : vector<512x64xf32>
    %dot_general3A_201 = tpu.matmul %get3A_196, %get3A_199, %dot_general3A_200 {dimension_numbers = #tpu.dot_dimension_numbers<[1], [0], [0], [1], [0, 0, 1, 1], [], []>, transpose_lhs_hint = false} : vector<512x3xf32>, vector<3x64xf32>, vector<512x64xf32> -> vector<512x64xf32>
    %add3A_202 = arith.addf %dot_general3A_201, %dot_general3A_5 : vector<512x64xf32>
    %get3A_203 = arith.constant 0 : index
    %get3A_204 = arith.constant 0 : index
    %get3A_205 = vector.load %arg6[%get3A_203, %get3A_204] : memref<32x64xf32, #tpu.memory_space<vmem>>, vector<32x64xf32>
    %dot_general3A_206 = arith.constant dense<0.000000e+00> : vector<512x64xf32>
    %dot_general3A_207 = tpu.matmul %get3A_191, %get3A_205, %dot_general3A_206 {dimension_numbers = #tpu.dot_dimension_numbers<[1], [0], [0], [1], [0, 0, 1, 1], [], []>, transpose_lhs_hint = false} : vector<512x32xf32>, vector<32x64xf32>, vector<512x64xf32> -> vector<512x64xf32>
    %add3A_208 = arith.addf %dot_general3A_207, %dot_general3A_13 : vector<512x64xf32>
    %add3A_209 = arith.addf %add3A_181, %add3A_202 : vector<512x64xf32>
    %mul3A_210 = arith.mulf %add3A_202, %add3A_202 : vector<512x64xf32>
    %add3A_211 = arith.addf %add3A_183, %mul3A_210 : vector<512x64xf32>
    %add3A_212 = arith.addf %add3A_184, %add3A_208 : vector<512x64xf32>
    %mul3A_213 = arith.mulf %add3A_208, %add3A_208 : vector<512x64xf32>
    %add3A_214 = arith.addf %add3A_186, %mul3A_213 : vector<512x64xf32>
    %get3A_215 = arith.constant 7 : index
    %get3A_216 = arith.constant 0 : index
    %get3A_217 = arith.constant 0 : index
    %get3A_218 = vector.load %arg1[%get3A_215, %get3A_216, %get3A_217] : memref<16x512x48xf32, #tpu.memory_space<vmem>>, vector<1x512x32xf32>
    %get3A_219 = vector.shape_cast %get3A_218 : vector<1x512x32xf32> to vector<512x32xf32>
    %get3A_220 = arith.constant 7 : index
    %get3A_221 = arith.constant 0 : index
    %get3A_222 = arith.constant 32 : index
    %get3A_223 = vector.load %arg1[%get3A_220, %get3A_221, %get3A_222] : memref<16x512x48xf32, #tpu.memory_space<vmem>>, vector<1x512x3xf32>
    %get3A_224 = vector.shape_cast %get3A_223 : vector<1x512x3xf32> to vector<512x3xf32>
    %get3A_225 = arith.constant 0 : index
    %get3A_226 = arith.constant 0 : index
    %get3A_227 = vector.load %arg4[%get3A_225, %get3A_226] : memref<3x64xf32, #tpu.memory_space<vmem>>, vector<3x64xf32>
    %dot_general3A_228 = arith.constant dense<0.000000e+00> : vector<512x64xf32>
    %dot_general3A_229 = tpu.matmul %get3A_224, %get3A_227, %dot_general3A_228 {dimension_numbers = #tpu.dot_dimension_numbers<[1], [0], [0], [1], [0, 0, 1, 1], [], []>, transpose_lhs_hint = false} : vector<512x3xf32>, vector<3x64xf32>, vector<512x64xf32> -> vector<512x64xf32>
    %add3A_230 = arith.addf %dot_general3A_229, %dot_general3A_5 : vector<512x64xf32>
    %get3A_231 = arith.constant 0 : index
    %get3A_232 = arith.constant 0 : index
    %get3A_233 = vector.load %arg6[%get3A_231, %get3A_232] : memref<32x64xf32, #tpu.memory_space<vmem>>, vector<32x64xf32>
    %dot_general3A_234 = arith.constant dense<0.000000e+00> : vector<512x64xf32>
    %dot_general3A_235 = tpu.matmul %get3A_219, %get3A_233, %dot_general3A_234 {dimension_numbers = #tpu.dot_dimension_numbers<[1], [0], [0], [1], [0, 0, 1, 1], [], []>, transpose_lhs_hint = false} : vector<512x32xf32>, vector<32x64xf32>, vector<512x64xf32> -> vector<512x64xf32>
    %add3A_236 = arith.addf %dot_general3A_235, %dot_general3A_13 : vector<512x64xf32>
    %add3A_237 = arith.addf %add3A_209, %add3A_230 : vector<512x64xf32>
    %mul3A_238 = arith.mulf %add3A_230, %add3A_230 : vector<512x64xf32>
    %add3A_239 = arith.addf %add3A_211, %mul3A_238 : vector<512x64xf32>
    %add3A_240 = arith.addf %add3A_212, %add3A_236 : vector<512x64xf32>
    %mul3A_241 = arith.mulf %add3A_236, %add3A_236 : vector<512x64xf32>
    %add3A_242 = arith.addf %add3A_214, %mul3A_241 : vector<512x64xf32>
    %get3A_243 = arith.constant 8 : index
    %get3A_244 = arith.constant 0 : index
    %get3A_245 = arith.constant 0 : index
    %get3A_246 = vector.load %arg1[%get3A_243, %get3A_244, %get3A_245] : memref<16x512x48xf32, #tpu.memory_space<vmem>>, vector<1x512x32xf32>
    %get3A_247 = vector.shape_cast %get3A_246 : vector<1x512x32xf32> to vector<512x32xf32>
    %get3A_248 = arith.constant 8 : index
    %get3A_249 = arith.constant 0 : index
    %get3A_250 = arith.constant 32 : index
    %get3A_251 = vector.load %arg1[%get3A_248, %get3A_249, %get3A_250] : memref<16x512x48xf32, #tpu.memory_space<vmem>>, vector<1x512x3xf32>
    %get3A_252 = vector.shape_cast %get3A_251 : vector<1x512x3xf32> to vector<512x3xf32>
    %get3A_253 = arith.constant 0 : index
    %get3A_254 = arith.constant 0 : index
    %get3A_255 = vector.load %arg4[%get3A_253, %get3A_254] : memref<3x64xf32, #tpu.memory_space<vmem>>, vector<3x64xf32>
    %dot_general3A_256 = arith.constant dense<0.000000e+00> : vector<512x64xf32>
    %dot_general3A_257 = tpu.matmul %get3A_252, %get3A_255, %dot_general3A_256 {dimension_numbers = #tpu.dot_dimension_numbers<[1], [0], [0], [1], [0, 0, 1, 1], [], []>, transpose_lhs_hint = false} : vector<512x3xf32>, vector<3x64xf32>, vector<512x64xf32> -> vector<512x64xf32>
    %add3A_258 = arith.addf %dot_general3A_257, %dot_general3A_5 : vector<512x64xf32>
    %get3A_259 = arith.constant 0 : index
    %get3A_260 = arith.constant 0 : index
    %get3A_261 = vector.load %arg6[%get3A_259, %get3A_260] : memref<32x64xf32, #tpu.memory_space<vmem>>, vector<32x64xf32>
    %dot_general3A_262 = arith.constant dense<0.000000e+00> : vector<512x64xf32>
    %dot_general3A_263 = tpu.matmul %get3A_247, %get3A_261, %dot_general3A_262 {dimension_numbers = #tpu.dot_dimension_numbers<[1], [0], [0], [1], [0, 0, 1, 1], [], []>, transpose_lhs_hint = false} : vector<512x32xf32>, vector<32x64xf32>, vector<512x64xf32> -> vector<512x64xf32>
    %add3A_264 = arith.addf %dot_general3A_263, %dot_general3A_13 : vector<512x64xf32>
    %add3A_265 = arith.addf %add3A_237, %add3A_258 : vector<512x64xf32>
    %mul3A_266 = arith.mulf %add3A_258, %add3A_258 : vector<512x64xf32>
    %add3A_267 = arith.addf %add3A_239, %mul3A_266 : vector<512x64xf32>
    %add3A_268 = arith.addf %add3A_240, %add3A_264 : vector<512x64xf32>
    %mul3A_269 = arith.mulf %add3A_264, %add3A_264 : vector<512x64xf32>
    %add3A_270 = arith.addf %add3A_242, %mul3A_269 : vector<512x64xf32>
    %get3A_271 = arith.constant 9 : index
    %get3A_272 = arith.constant 0 : index
    %get3A_273 = arith.constant 0 : index
    %get3A_274 = vector.load %arg1[%get3A_271, %get3A_272, %get3A_273] : memref<16x512x48xf32, #tpu.memory_space<vmem>>, vector<1x512x32xf32>
    %get3A_275 = vector.shape_cast %get3A_274 : vector<1x512x32xf32> to vector<512x32xf32>
    %get3A_276 = arith.constant 9 : index
    %get3A_277 = arith.constant 0 : index
    %get3A_278 = arith.constant 32 : index
    %get3A_279 = vector.load %arg1[%get3A_276, %get3A_277, %get3A_278] : memref<16x512x48xf32, #tpu.memory_space<vmem>>, vector<1x512x3xf32>
    %get3A_280 = vector.shape_cast %get3A_279 : vector<1x512x3xf32> to vector<512x3xf32>
    %get3A_281 = arith.constant 0 : index
    %get3A_282 = arith.constant 0 : index
    %get3A_283 = vector.load %arg4[%get3A_281, %get3A_282] : memref<3x64xf32, #tpu.memory_space<vmem>>, vector<3x64xf32>
    %dot_general3A_284 = arith.constant dense<0.000000e+00> : vector<512x64xf32>
    %dot_general3A_285 = tpu.matmul %get3A_280, %get3A_283, %dot_general3A_284 {dimension_numbers = #tpu.dot_dimension_numbers<[1], [0], [0], [1], [0, 0, 1, 1], [], []>, transpose_lhs_hint = false} : vector<512x3xf32>, vector<3x64xf32>, vector<512x64xf32> -> vector<512x64xf32>
    %add3A_286 = arith.addf %dot_general3A_285, %dot_general3A_5 : vector<512x64xf32>
    %get3A_287 = arith.constant 0 : index
    %get3A_288 = arith.constant 0 : index
    %get3A_289 = vector.load %arg6[%get3A_287, %get3A_288] : memref<32x64xf32, #tpu.memory_space<vmem>>, vector<32x64xf32>
    %dot_general3A_290 = arith.constant dense<0.000000e+00> : vector<512x64xf32>
    %dot_general3A_291 = tpu.matmul %get3A_275, %get3A_289, %dot_general3A_290 {dimension_numbers = #tpu.dot_dimension_numbers<[1], [0], [0], [1], [0, 0, 1, 1], [], []>, transpose_lhs_hint = false} : vector<512x32xf32>, vector<32x64xf32>, vector<512x64xf32> -> vector<512x64xf32>
    %add3A_292 = arith.addf %dot_general3A_291, %dot_general3A_13 : vector<512x64xf32>
    %add3A_293 = arith.addf %add3A_265, %add3A_286 : vector<512x64xf32>
    %mul3A_294 = arith.mulf %add3A_286, %add3A_286 : vector<512x64xf32>
    %add3A_295 = arith.addf %add3A_267, %mul3A_294 : vector<512x64xf32>
    %add3A_296 = arith.addf %add3A_268, %add3A_292 : vector<512x64xf32>
    %mul3A_297 = arith.mulf %add3A_292, %add3A_292 : vector<512x64xf32>
    %add3A_298 = arith.addf %add3A_270, %mul3A_297 : vector<512x64xf32>
    %get3A_299 = arith.constant 10 : index
    %get3A_300 = arith.constant 0 : index
    %get3A_301 = arith.constant 0 : index
    %get3A_302 = vector.load %arg1[%get3A_299, %get3A_300, %get3A_301] : memref<16x512x48xf32, #tpu.memory_space<vmem>>, vector<1x512x32xf32>
    %get3A_303 = vector.shape_cast %get3A_302 : vector<1x512x32xf32> to vector<512x32xf32>
    %get3A_304 = arith.constant 10 : index
    %get3A_305 = arith.constant 0 : index
    %get3A_306 = arith.constant 32 : index
    %get3A_307 = vector.load %arg1[%get3A_304, %get3A_305, %get3A_306] : memref<16x512x48xf32, #tpu.memory_space<vmem>>, vector<1x512x3xf32>
    %get3A_308 = vector.shape_cast %get3A_307 : vector<1x512x3xf32> to vector<512x3xf32>
    %get3A_309 = arith.constant 0 : index
    %get3A_310 = arith.constant 0 : index
    %get3A_311 = vector.load %arg4[%get3A_309, %get3A_310] : memref<3x64xf32, #tpu.memory_space<vmem>>, vector<3x64xf32>
    %dot_general3A_312 = arith.constant dense<0.000000e+00> : vector<512x64xf32>
    %dot_general3A_313 = tpu.matmul %get3A_308, %get3A_311, %dot_general3A_312 {dimension_numbers = #tpu.dot_dimension_numbers<[1], [0], [0], [1], [0, 0, 1, 1], [], []>, transpose_lhs_hint = false} : vector<512x3xf32>, vector<3x64xf32>, vector<512x64xf32> -> vector<512x64xf32>
    %add3A_314 = arith.addf %dot_general3A_313, %dot_general3A_5 : vector<512x64xf32>
    %get3A_315 = arith.constant 0 : index
    %get3A_316 = arith.constant 0 : index
    %get3A_317 = vector.load %arg6[%get3A_315, %get3A_316] : memref<32x64xf32, #tpu.memory_space<vmem>>, vector<32x64xf32>
    %dot_general3A_318 = arith.constant dense<0.000000e+00> : vector<512x64xf32>
    %dot_general3A_319 = tpu.matmul %get3A_303, %get3A_317, %dot_general3A_318 {dimension_numbers = #tpu.dot_dimension_numbers<[1], [0], [0], [1], [0, 0, 1, 1], [], []>, transpose_lhs_hint = false} : vector<512x32xf32>, vector<32x64xf32>, vector<512x64xf32> -> vector<512x64xf32>
    %add3A_320 = arith.addf %dot_general3A_319, %dot_general3A_13 : vector<512x64xf32>
    %add3A_321 = arith.addf %add3A_293, %add3A_314 : vector<512x64xf32>
    %mul3A_322 = arith.mulf %add3A_314, %add3A_314 : vector<512x64xf32>
    %add3A_323 = arith.addf %add3A_295, %mul3A_322 : vector<512x64xf32>
    %add3A_324 = arith.addf %add3A_296, %add3A_320 : vector<512x64xf32>
    %mul3A_325 = arith.mulf %add3A_320, %add3A_320 : vector<512x64xf32>
    %add3A_326 = arith.addf %add3A_298, %mul3A_325 : vector<512x64xf32>
    %get3A_327 = arith.constant 11 : index
    %get3A_328 = arith.constant 0 : index
    %get3A_329 = arith.constant 0 : index
    %get3A_330 = vector.load %arg1[%get3A_327, %get3A_328, %get3A_329] : memref<16x512x48xf32, #tpu.memory_space<vmem>>, vector<1x512x32xf32>
    %get3A_331 = vector.shape_cast %get3A_330 : vector<1x512x32xf32> to vector<512x32xf32>
    %get3A_332 = arith.constant 11 : index
    %get3A_333 = arith.constant 0 : index
    %get3A_334 = arith.constant 32 : index
    %get3A_335 = vector.load %arg1[%get3A_332, %get3A_333, %get3A_334] : memref<16x512x48xf32, #tpu.memory_space<vmem>>, vector<1x512x3xf32>
    %get3A_336 = vector.shape_cast %get3A_335 : vector<1x512x3xf32> to vector<512x3xf32>
    %get3A_337 = arith.constant 0 : index
    %get3A_338 = arith.constant 0 : index
    %get3A_339 = vector.load %arg4[%get3A_337, %get3A_338] : memref<3x64xf32, #tpu.memory_space<vmem>>, vector<3x64xf32>
    %dot_general3A_340 = arith.constant dense<0.000000e+00> : vector<512x64xf32>
    %dot_general3A_341 = tpu.matmul %get3A_336, %get3A_339, %dot_general3A_340 {dimension_numbers = #tpu.dot_dimension_numbers<[1], [0], [0], [1], [0, 0, 1, 1], [], []>, transpose_lhs_hint = false} : vector<512x3xf32>, vector<3x64xf32>, vector<512x64xf32> -> vector<512x64xf32>
    %add3A_342 = arith.addf %dot_general3A_341, %dot_general3A_5 : vector<512x64xf32>
    %get3A_343 = arith.constant 0 : index
    %get3A_344 = arith.constant 0 : index
    %get3A_345 = vector.load %arg6[%get3A_343, %get3A_344] : memref<32x64xf32, #tpu.memory_space<vmem>>, vector<32x64xf32>
    %dot_general3A_346 = arith.constant dense<0.000000e+00> : vector<512x64xf32>
    %dot_general3A_347 = tpu.matmul %get3A_331, %get3A_345, %dot_general3A_346 {dimension_numbers = #tpu.dot_dimension_numbers<[1], [0], [0], [1], [0, 0, 1, 1], [], []>, transpose_lhs_hint = false} : vector<512x32xf32>, vector<32x64xf32>, vector<512x64xf32> -> vector<512x64xf32>
    %add3A_348 = arith.addf %dot_general3A_347, %dot_general3A_13 : vector<512x64xf32>
    %add3A_349 = arith.addf %add3A_321, %add3A_342 : vector<512x64xf32>
    %mul3A_350 = arith.mulf %add3A_342, %add3A_342 : vector<512x64xf32>
    %add3A_351 = arith.addf %add3A_323, %mul3A_350 : vector<512x64xf32>
    %add3A_352 = arith.addf %add3A_324, %add3A_348 : vector<512x64xf32>
    %mul3A_353 = arith.mulf %add3A_348, %add3A_348 : vector<512x64xf32>
    %add3A_354 = arith.addf %add3A_326, %mul3A_353 : vector<512x64xf32>
    %get3A_355 = arith.constant 12 : index
    %get3A_356 = arith.constant 0 : index
    %get3A_357 = arith.constant 0 : index
    %get3A_358 = vector.load %arg1[%get3A_355, %get3A_356, %get3A_357] : memref<16x512x48xf32, #tpu.memory_space<vmem>>, vector<1x512x32xf32>
    %get3A_359 = vector.shape_cast %get3A_358 : vector<1x512x32xf32> to vector<512x32xf32>
    %get3A_360 = arith.constant 12 : index
    %get3A_361 = arith.constant 0 : index
    %get3A_362 = arith.constant 32 : index
    %get3A_363 = vector.load %arg1[%get3A_360, %get3A_361, %get3A_362] : memref<16x512x48xf32, #tpu.memory_space<vmem>>, vector<1x512x3xf32>
    %get3A_364 = vector.shape_cast %get3A_363 : vector<1x512x3xf32> to vector<512x3xf32>
    %get3A_365 = arith.constant 0 : index
    %get3A_366 = arith.constant 0 : index
    %get3A_367 = vector.load %arg4[%get3A_365, %get3A_366] : memref<3x64xf32, #tpu.memory_space<vmem>>, vector<3x64xf32>
    %dot_general3A_368 = arith.constant dense<0.000000e+00> : vector<512x64xf32>
    %dot_general3A_369 = tpu.matmul %get3A_364, %get3A_367, %dot_general3A_368 {dimension_numbers = #tpu.dot_dimension_numbers<[1], [0], [0], [1], [0, 0, 1, 1], [], []>, transpose_lhs_hint = false} : vector<512x3xf32>, vector<3x64xf32>, vector<512x64xf32> -> vector<512x64xf32>
    %add3A_370 = arith.addf %dot_general3A_369, %dot_general3A_5 : vector<512x64xf32>
    %get3A_371 = arith.constant 0 : index
    %get3A_372 = arith.constant 0 : index
    %get3A_373 = vector.load %arg6[%get3A_371, %get3A_372] : memref<32x64xf32, #tpu.memory_space<vmem>>, vector<32x64xf32>
    %dot_general3A_374 = arith.constant dense<0.000000e+00> : vector<512x64xf32>
    %dot_general3A_375 = tpu.matmul %get3A_359, %get3A_373, %dot_general3A_374 {dimension_numbers = #tpu.dot_dimension_numbers<[1], [0], [0], [1], [0, 0, 1, 1], [], []>, transpose_lhs_hint = false} : vector<512x32xf32>, vector<32x64xf32>, vector<512x64xf32> -> vector<512x64xf32>
    %add3A_376 = arith.addf %dot_general3A_375, %dot_general3A_13 : vector<512x64xf32>
    %add3A_377 = arith.addf %add3A_349, %add3A_370 : vector<512x64xf32>
    %mul3A_378 = arith.mulf %add3A_370, %add3A_370 : vector<512x64xf32>
    %add3A_379 = arith.addf %add3A_351, %mul3A_378 : vector<512x64xf32>
    %add3A_380 = arith.addf %add3A_352, %add3A_376 : vector<512x64xf32>
    %mul3A_381 = arith.mulf %add3A_376, %add3A_376 : vector<512x64xf32>
    %add3A_382 = arith.addf %add3A_354, %mul3A_381 : vector<512x64xf32>
    %get3A_383 = arith.constant 13 : index
    %get3A_384 = arith.constant 0 : index
    %get3A_385 = arith.constant 0 : index
    %get3A_386 = vector.load %arg1[%get3A_383, %get3A_384, %get3A_385] : memref<16x512x48xf32, #tpu.memory_space<vmem>>, vector<1x512x32xf32>
    %get3A_387 = vector.shape_cast %get3A_386 : vector<1x512x32xf32> to vector<512x32xf32>
    %get3A_388 = arith.constant 13 : index
    %get3A_389 = arith.constant 0 : index
    %get3A_390 = arith.constant 32 : index
    %get3A_391 = vector.load %arg1[%get3A_388, %get3A_389, %get3A_390] : memref<16x512x48xf32, #tpu.memory_space<vmem>>, vector<1x512x3xf32>
    %get3A_392 = vector.shape_cast %get3A_391 : vector<1x512x3xf32> to vector<512x3xf32>
    %get3A_393 = arith.constant 0 : index
    %get3A_394 = arith.constant 0 : index
    %get3A_395 = vector.load %arg4[%get3A_393, %get3A_394] : memref<3x64xf32, #tpu.memory_space<vmem>>, vector<3x64xf32>
    %dot_general3A_396 = arith.constant dense<0.000000e+00> : vector<512x64xf32>
    %dot_general3A_397 = tpu.matmul %get3A_392, %get3A_395, %dot_general3A_396 {dimension_numbers = #tpu.dot_dimension_numbers<[1], [0], [0], [1], [0, 0, 1, 1], [], []>, transpose_lhs_hint = false} : vector<512x3xf32>, vector<3x64xf32>, vector<512x64xf32> -> vector<512x64xf32>
    %add3A_398 = arith.addf %dot_general3A_397, %dot_general3A_5 : vector<512x64xf32>
    %get3A_399 = arith.constant 0 : index
    %get3A_400 = arith.constant 0 : index
    %get3A_401 = vector.load %arg6[%get3A_399, %get3A_400] : memref<32x64xf32, #tpu.memory_space<vmem>>, vector<32x64xf32>
    %dot_general3A_402 = arith.constant dense<0.000000e+00> : vector<512x64xf32>
    %dot_general3A_403 = tpu.matmul %get3A_387, %get3A_401, %dot_general3A_402 {dimension_numbers = #tpu.dot_dimension_numbers<[1], [0], [0], [1], [0, 0, 1, 1], [], []>, transpose_lhs_hint = false} : vector<512x32xf32>, vector<32x64xf32>, vector<512x64xf32> -> vector<512x64xf32>
    %add3A_404 = arith.addf %dot_general3A_403, %dot_general3A_13 : vector<512x64xf32>
    %add3A_405 = arith.addf %add3A_377, %add3A_398 : vector<512x64xf32>
    %mul3A_406 = arith.mulf %add3A_398, %add3A_398 : vector<512x64xf32>
    %add3A_407 = arith.addf %add3A_379, %mul3A_406 : vector<512x64xf32>
    %add3A_408 = arith.addf %add3A_380, %add3A_404 : vector<512x64xf32>
    %mul3A_409 = arith.mulf %add3A_404, %add3A_404 : vector<512x64xf32>
    %add3A_410 = arith.addf %add3A_382, %mul3A_409 : vector<512x64xf32>
    %get3A_411 = arith.constant 14 : index
    %get3A_412 = arith.constant 0 : index
    %get3A_413 = arith.constant 0 : index
    %get3A_414 = vector.load %arg1[%get3A_411, %get3A_412, %get3A_413] : memref<16x512x48xf32, #tpu.memory_space<vmem>>, vector<1x512x32xf32>
    %get3A_415 = vector.shape_cast %get3A_414 : vector<1x512x32xf32> to vector<512x32xf32>
    %get3A_416 = arith.constant 14 : index
    %get3A_417 = arith.constant 0 : index
    %get3A_418 = arith.constant 32 : index
    %get3A_419 = vector.load %arg1[%get3A_416, %get3A_417, %get3A_418] : memref<16x512x48xf32, #tpu.memory_space<vmem>>, vector<1x512x3xf32>
    %get3A_420 = vector.shape_cast %get3A_419 : vector<1x512x3xf32> to vector<512x3xf32>
    %get3A_421 = arith.constant 0 : index
    %get3A_422 = arith.constant 0 : index
    %get3A_423 = vector.load %arg4[%get3A_421, %get3A_422] : memref<3x64xf32, #tpu.memory_space<vmem>>, vector<3x64xf32>
    %dot_general3A_424 = arith.constant dense<0.000000e+00> : vector<512x64xf32>
    %dot_general3A_425 = tpu.matmul %get3A_420, %get3A_423, %dot_general3A_424 {dimension_numbers = #tpu.dot_dimension_numbers<[1], [0], [0], [1], [0, 0, 1, 1], [], []>, transpose_lhs_hint = false} : vector<512x3xf32>, vector<3x64xf32>, vector<512x64xf32> -> vector<512x64xf32>
    %add3A_426 = arith.addf %dot_general3A_425, %dot_general3A_5 : vector<512x64xf32>
    %get3A_427 = arith.constant 0 : index
    %get3A_428 = arith.constant 0 : index
    %get3A_429 = vector.load %arg6[%get3A_427, %get3A_428] : memref<32x64xf32, #tpu.memory_space<vmem>>, vector<32x64xf32>
    %dot_general3A_430 = arith.constant dense<0.000000e+00> : vector<512x64xf32>
    %dot_general3A_431 = tpu.matmul %get3A_415, %get3A_429, %dot_general3A_430 {dimension_numbers = #tpu.dot_dimension_numbers<[1], [0], [0], [1], [0, 0, 1, 1], [], []>, transpose_lhs_hint = false} : vector<512x32xf32>, vector<32x64xf32>, vector<512x64xf32> -> vector<512x64xf32>
    %add3A_432 = arith.addf %dot_general3A_431, %dot_general3A_13 : vector<512x64xf32>
    %add3A_433 = arith.addf %add3A_405, %add3A_426 : vector<512x64xf32>
    %mul3A_434 = arith.mulf %add3A_426, %add3A_426 : vector<512x64xf32>
    %add3A_435 = arith.addf %add3A_407, %mul3A_434 : vector<512x64xf32>
    %add3A_436 = arith.addf %add3A_408, %add3A_432 : vector<512x64xf32>
    %mul3A_437 = arith.mulf %add3A_432, %add3A_432 : vector<512x64xf32>
    %add3A_438 = arith.addf %add3A_410, %mul3A_437 : vector<512x64xf32>
    %get3A_439 = arith.constant 15 : index
    %get3A_440 = arith.constant 0 : index
    %get3A_441 = arith.constant 0 : index
    %get3A_442 = vector.load %arg1[%get3A_439, %get3A_440, %get3A_441] : memref<16x512x48xf32, #tpu.memory_space<vmem>>, vector<1x512x32xf32>
    %get3A_443 = vector.shape_cast %get3A_442 : vector<1x512x32xf32> to vector<512x32xf32>
    %get3A_444 = arith.constant 15 : index
    %get3A_445 = arith.constant 0 : index
    %get3A_446 = arith.constant 32 : index
    %get3A_447 = vector.load %arg1[%get3A_444, %get3A_445, %get3A_446] : memref<16x512x48xf32, #tpu.memory_space<vmem>>, vector<1x512x3xf32>
    %get3A_448 = vector.shape_cast %get3A_447 : vector<1x512x3xf32> to vector<512x3xf32>
    %get3A_449 = arith.constant 0 : index
    %get3A_450 = arith.constant 0 : index
    %get3A_451 = vector.load %arg4[%get3A_449, %get3A_450] : memref<3x64xf32, #tpu.memory_space<vmem>>, vector<3x64xf32>
    %dot_general3A_452 = arith.constant dense<0.000000e+00> : vector<512x64xf32>
    %dot_general3A_453 = tpu.matmul %get3A_448, %get3A_451, %dot_general3A_452 {dimension_numbers = #tpu.dot_dimension_numbers<[1], [0], [0], [1], [0, 0, 1, 1], [], []>, transpose_lhs_hint = false} : vector<512x3xf32>, vector<3x64xf32>, vector<512x64xf32> -> vector<512x64xf32>
    %add3A_454 = arith.addf %dot_general3A_453, %dot_general3A_5 : vector<512x64xf32>
    %get3A_455 = arith.constant 0 : index
    %get3A_456 = arith.constant 0 : index
    %get3A_457 = vector.load %arg6[%get3A_455, %get3A_456] : memref<32x64xf32, #tpu.memory_space<vmem>>, vector<32x64xf32>
    %dot_general3A_458 = arith.constant dense<0.000000e+00> : vector<512x64xf32>
    %dot_general3A_459 = tpu.matmul %get3A_443, %get3A_457, %dot_general3A_458 {dimension_numbers = #tpu.dot_dimension_numbers<[1], [0], [0], [1], [0, 0, 1, 1], [], []>, transpose_lhs_hint = false} : vector<512x32xf32>, vector<32x64xf32>, vector<512x64xf32> -> vector<512x64xf32>
    %add3A_460 = arith.addf %dot_general3A_459, %dot_general3A_13 : vector<512x64xf32>
    %add3A_461 = arith.addf %add3A_433, %add3A_454 : vector<512x64xf32>
    %mul3A_462 = arith.mulf %add3A_454, %add3A_454 : vector<512x64xf32>
    %add3A_463 = arith.addf %add3A_435, %mul3A_462 : vector<512x64xf32>
    %add3A_464 = arith.addf %add3A_436, %add3A_460 : vector<512x64xf32>
    %mul3A_465 = arith.mulf %add3A_460, %add3A_460 : vector<512x64xf32>
    %add3A_466 = arith.addf %add3A_438, %mul3A_465 : vector<512x64xf32>
    %reduce_sum3A = arith.constant dense<0.000000e+00> : vector<64xf32>
    %reduce_sum3A_467 = vector.multi_reduction <add>, %add3A_461, %reduce_sum3A [0] : vector<512x64xf32> to vector<64xf32>
    %broadcast_in_dim3A_468 = vector.shape_cast %reduce_sum3A_467 : vector<64xf32> to vector<1x64xf32>
    %reduce_sum3A_469 = arith.constant dense<0.000000e+00> : vector<64xf32>
    %reduce_sum3A_470 = vector.multi_reduction <add>, %add3A_463, %reduce_sum3A_469 [0] : vector<512x64xf32> to vector<64xf32>
    %broadcast_in_dim3A_471 = vector.shape_cast %reduce_sum3A_470 : vector<64xf32> to vector<1x64xf32>
    %reduce_sum3A_472 = arith.constant dense<0.000000e+00> : vector<64xf32>
    %reduce_sum3A_473 = vector.multi_reduction <add>, %add3A_464, %reduce_sum3A_472 [0] : vector<512x64xf32> to vector<64xf32>
    %broadcast_in_dim3A_474 = vector.shape_cast %reduce_sum3A_473 : vector<64xf32> to vector<1x64xf32>
    %reduce_sum3A_475 = arith.constant dense<0.000000e+00> : vector<64xf32>
    %reduce_sum3A_476 = vector.multi_reduction <add>, %add3A_466, %reduce_sum3A_475 [0] : vector<512x64xf32> to vector<64xf32>
    %broadcast_in_dim3A_477 = vector.shape_cast %reduce_sum3A_476 : vector<64xf32> to vector<1x64xf32>
    %concatenate3A = tpu.concatenate %broadcast_in_dim3A_468, %broadcast_in_dim3A_471, %broadcast_in_dim3A_474, %broadcast_in_dim3A_477 in 0 : vector<1x64xf32>, vector<1x64xf32>, vector<1x64xf32>, vector<1x64xf32> -> vector<4x64xf32>
    %eq3A = arith.constant 0 : i32
    %eq3A_478 = arith.cmpi eq, %arg0, %eq3A : i32
    %convert_element_type3A = arith.extui %eq3A_478 : i1 to i32
    %cond3A = arith.constant 0 : i32
    %cond3A_479 = arith.cmpi ne, %convert_element_type3A, %cond3A : i32
    scf.if %cond3A_479 {
      %broadcast_in_dim3A_486 = arith.constant 0.000000e+00 : f32
      %broadcast_in_dim3A_487 = vector.broadcast %broadcast_in_dim3A_486 : f32 to vector<8x64xf32>
      %swap3A_488 = arith.constant 0 : index
      %swap3A_489 = arith.constant 0 : index
      %swap3A_490 = vector.load %arg8[%swap3A_488, %swap3A_489] : memref<8x64xf32, #tpu.memory_space<vmem>>, vector<8x64xf32>
      tpu.vector_store %arg8[%swap3A_488, %swap3A_489], %broadcast_in_dim3A_487 {strides = array<i32>} : memref<8x64xf32, #tpu.memory_space<vmem>>, vector<8x64xf32>,
    } else {
    }
    %get3A_480 = arith.constant 0 : index
    %get3A_481 = arith.constant 0 : index
    %get3A_482 = vector.load %arg8[%get3A_480, %get3A_481] : memref<8x64xf32, #tpu.memory_space<vmem>>, vector<4x64xf32>
    %add3A_483 = arith.addf %get3A_482, %concatenate3A : vector<4x64xf32>
    %swap3A = arith.constant 0 : index
    %swap3A_484 = arith.constant 0 : index
    %swap3A_485 = vector.load %arg8[%swap3A, %swap3A_484] : memref<8x64xf32, #tpu.memory_space<vmem>>, vector<4x64xf32>
    tpu.vector_store %arg8[%swap3A, %swap3A_484], %add3A_483 {strides = array<i32>} : memref<8x64xf32, #tpu.memory_space<vmem>>, vector<4x64xf32>,
    return
  }
  func.func @transform_0(%arg0: i32) -> (i32, i32, i32) {
    %c0_i32 = arith.constant 0 : i32
    %c0_i32_0 = arith.constant 0 : i32
    %c0_i32_1 = arith.constant 0 : i32
    return %c0_i32, %arg0, %c0_i32_0 : i32, i32, i32
  }
  func.func @transform_1(%arg0: i32) -> (i32, i32) {
    %c0_i32 = arith.constant 0 : i32
    %c0_i32_0 = arith.constant 0 : i32
    return %arg0, %c0_i32 : i32, i32
  }
  func.func @transform_2(%arg0: i32) -> (i32, i32) {
    %c0_i32 = arith.constant 0 : i32
    %c0_i32_0 = arith.constant 0 : i32
    return %arg0, %c0_i32 : i32, i32
  }
  func.func @transform_3(%arg0: i32) -> (i32, i32) {
    %c0_i32 = arith.constant 0 : i32
    %c0_i32_0 = arith.constant 0 : i32
    %c0_i32_1 = arith.constant 0 : i32
    return %c0_i32, %c0_i32_0 : i32, i32
  }
  func.func @transform_4(%arg0: i32) -> (i32, i32) {
    %c0_i32 = arith.constant 0 : i32
    %c0_i32_0 = arith.constant 0 : i32
    %c0_i32_1 = arith.constant 0 : i32
    return %c0_i32, %c0_i32_0 : i32, i32
  }
  func.func @transform_5(%arg0: i32) -> (i32, i32) {
    %c0_i32 = arith.constant 0 : i32
    %c0_i32_0 = arith.constant 0 : i32
    %c0_i32_1 = arith.constant 0 : i32
    return %c0_i32, %c0_i32_0 : i32, i32
  }
  func.func @transform_6(%arg0: i32) -> (i32, i32) {
    %c0_i32 = arith.constant 0 : i32
    %c0_i32_0 = arith.constant 0 : i32
    %c0_i32_1 = arith.constant 0 : i32
    return %c0_i32, %c0_i32_0 : i32, i32
  }
  func.func @transform_7(%arg0: i32) -> (i32, i32) {
    %c0_i32 = arith.constant 0 : i32
    %c0_i32_0 = arith.constant 0 : i32
    %c0_i32_1 = arith.constant 0 : i32
    return %c0_i32, %c0_i32_0 : i32, i32
  }
}

module attributes {stable_mosaic.version = 14 : i64} {
  func.func @p2(%arg0: i32, %arg1: memref<16x512x48xf32, #tpu.memory_space<vmem>>, %arg2: memref<512x3xf32, #tpu.memory_space<vmem>>, %arg3: memref<512x32xf32, #tpu.memory_space<vmem>>, %arg4: memref<3x64xf32, #tpu.memory_space<vmem>>, %arg5: memref<3x64xf32, #tpu.memory_space<vmem>>, %arg6: memref<32x64xf32, #tpu.memory_space<vmem>>, %arg7: memref<32x64xf32, #tpu.memory_space<vmem>>, %arg8: memref<64x64xf32, #tpu.memory_space<vmem>>, %arg9: memref<64x64xf32, #tpu.memory_space<vmem>>, %arg10: memref<8x64xf32, #tpu.memory_space<vmem>>, %arg11: memref<8x64xf32, #tpu.memory_space<vmem>>) attributes {dimension_semantics = [#tpu.dimension_semantics<arbitrary>], iteration_bounds = array<i64: 32>, scalar_prefetch = 0 : i64, scratch_operands = 0 : i64, tpu.core_type = #tpu.core_type<tc>, window_params = [{transform_indices = @transform_0, window_bounds = array<i64: 16, 512, 48>}, {transform_indices = @transform_1, window_bounds = array<i64: 512, 3>}, {transform_indices = @transform_2, window_bounds = array<i64: 512, 32>}, {pipeline_mode = #tpu.pipeline_mode<synchronous>, transform_indices = @transform_3, window_bounds = array<i64: 3, 64>}, {pipeline_mode = #tpu.pipeline_mode<synchronous>, transform_indices = @transform_4, window_bounds = array<i64: 3, 64>}, {pipeline_mode = #tpu.pipeline_mode<synchronous>, transform_indices = @transform_5, window_bounds = array<i64: 32, 64>}, {pipeline_mode = #tpu.pipeline_mode<synchronous>, transform_indices = @transform_6, window_bounds = array<i64: 32, 64>}, {pipeline_mode = #tpu.pipeline_mode<synchronous>, transform_indices = @transform_7, window_bounds = array<i64: 64, 64>}, {pipeline_mode = #tpu.pipeline_mode<synchronous>, transform_indices = @transform_8, window_bounds = array<i64: 64, 64>}, {pipeline_mode = #tpu.pipeline_mode<synchronous>, transform_indices = @transform_9, window_bounds = array<i64: 8, 64>}, {pipeline_mode = #tpu.pipeline_mode<synchronous>, transform_indices = @transform_10, window_bounds = array<i64: 8, 64>}]} {
    %get3A = arith.constant 0 : index
    %get3A_0 = arith.constant 0 : index
    %get3A_1 = vector.load %arg2[%get3A, %get3A_0] : memref<512x3xf32, #tpu.memory_space<vmem>>, vector<512x3xf32>
    %get3A_2 = arith.constant 0 : index
    %get3A_3 = arith.constant 0 : index
    %get3A_4 = vector.load %arg5[%get3A_2, %get3A_3] : memref<3x64xf32, #tpu.memory_space<vmem>>, vector<3x64xf32>
    %dot_general3A = arith.constant dense<0.000000e+00> : vector<512x64xf32>
    %dot_general3A_5 = tpu.matmul %get3A_1, %get3A_4, %dot_general3A {dimension_numbers = #tpu.dot_dimension_numbers<[1], [0], [0], [1], [0, 0, 1, 1], [], []>, transpose_lhs_hint = false} : vector<512x3xf32>, vector<3x64xf32>, vector<512x64xf32> -> vector<512x64xf32>
    %get3A_6 = arith.constant 0 : index
    %get3A_7 = arith.constant 0 : index
    %get3A_8 = vector.load %arg3[%get3A_6, %get3A_7] : memref<512x32xf32, #tpu.memory_space<vmem>>, vector<512x32xf32>
    %get3A_9 = arith.constant 0 : index
    %get3A_10 = arith.constant 0 : index
    %get3A_11 = vector.load %arg7[%get3A_9, %get3A_10] : memref<32x64xf32, #tpu.memory_space<vmem>>, vector<32x64xf32>
    %dot_general3A_12 = arith.constant dense<0.000000e+00> : vector<512x64xf32>
    %dot_general3A_13 = tpu.matmul %get3A_8, %get3A_11, %dot_general3A_12 {dimension_numbers = #tpu.dot_dimension_numbers<[1], [0], [0], [1], [0, 0, 1, 1], [], []>, transpose_lhs_hint = false} : vector<512x32xf32>, vector<32x64xf32>, vector<512x64xf32> -> vector<512x64xf32>
    %get3A_14 = arith.constant 0 : index
    %get3A_15 = arith.constant 0 : index
    %get3A_16 = vector.load %arg10[%get3A_14, %get3A_15] : memref<8x64xf32, #tpu.memory_space<vmem>>, vector<1x64xf32>
    %get3A_17 = arith.constant 1 : index
    %get3A_18 = arith.constant 0 : index
    %get3A_19 = vector.load %arg10[%get3A_17, %get3A_18] : memref<8x64xf32, #tpu.memory_space<vmem>>, vector<1x64xf32>
    %get3A_20 = arith.constant 2 : index
    %get3A_21 = arith.constant 0 : index
    %get3A_22 = vector.load %arg10[%get3A_20, %get3A_21] : memref<8x64xf32, #tpu.memory_space<vmem>>, vector<1x64xf32>
    %get3A_23 = arith.constant 3 : index
    %get3A_24 = arith.constant 0 : index
    %get3A_25 = vector.load %arg10[%get3A_23, %get3A_24] : memref<8x64xf32, #tpu.memory_space<vmem>>, vector<1x64xf32>
    %broadcast_in_dim3A = arith.constant 0.000000e+00 : f32
    %broadcast_in_dim3A_26 = vector.broadcast %broadcast_in_dim3A : f32 to vector<512x64xf32>
    %broadcast_in_dim3A_27 = arith.constant 0.000000e+00 : f32
    %broadcast_in_dim3A_28 = vector.broadcast %broadcast_in_dim3A_27 : f32 to vector<512x64xf32>
    %get3A_29 = arith.constant 0 : index
    %get3A_30 = arith.constant 0 : index
    %get3A_31 = arith.constant 0 : index
    %get3A_32 = vector.load %arg1[%get3A_29, %get3A_30, %get3A_31] : memref<16x512x48xf32, #tpu.memory_space<vmem>>, vector<1x512x32xf32>
    %get3A_33 = vector.shape_cast %get3A_32 : vector<1x512x32xf32> to vector<512x32xf32>
    %get3A_34 = arith.constant 0 : index
    %get3A_35 = arith.constant 0 : index
    %get3A_36 = arith.constant 32 : index
    %get3A_37 = vector.load %arg1[%get3A_34, %get3A_35, %get3A_36] : memref<16x512x48xf32, #tpu.memory_space<vmem>>, vector<1x512x3xf32>
    %get3A_38 = vector.shape_cast %get3A_37 : vector<1x512x3xf32> to vector<512x3xf32>
    %get3A_39 = arith.constant 0 : index
    %get3A_40 = arith.constant 0 : index
    %get3A_41 = vector.load %arg4[%get3A_39, %get3A_40] : memref<3x64xf32, #tpu.memory_space<vmem>>, vector<3x64xf32>
    %dot_general3A_42 = arith.constant dense<0.000000e+00> : vector<512x64xf32>
    %dot_general3A_43 = tpu.matmul %get3A_38, %get3A_41, %dot_general3A_42 {dimension_numbers = #tpu.dot_dimension_numbers<[1], [0], [0], [1], [0, 0, 1, 1], [], []>, transpose_lhs_hint = false} : vector<512x3xf32>, vector<3x64xf32>, vector<512x64xf32> -> vector<512x64xf32>
    %add3A = arith.addf %dot_general3A_43, %dot_general3A_5 : vector<512x64xf32>
    %get3A_44 = arith.constant 0 : index
    %get3A_45 = arith.constant 0 : index
    %get3A_46 = vector.load %arg6[%get3A_44, %get3A_45] : memref<32x64xf32, #tpu.memory_space<vmem>>, vector<32x64xf32>
    %dot_general3A_47 = arith.constant dense<0.000000e+00> : vector<512x64xf32>
    %dot_general3A_48 = tpu.matmul %get3A_33, %get3A_46, %dot_general3A_47 {dimension_numbers = #tpu.dot_dimension_numbers<[1], [0], [0], [1], [0, 0, 1, 1], [], []>, transpose_lhs_hint = false} : vector<512x32xf32>, vector<32x64xf32>, vector<512x64xf32> -> vector<512x64xf32>
    %add3A_49 = arith.addf %dot_general3A_48, %dot_general3A_13 : vector<512x64xf32>
    %mul3A = vector.broadcast %get3A_16 : vector<1x64xf32> to vector<512x64xf32>
    %mul3A_50 = arith.mulf %add3A, %mul3A : vector<512x64xf32>
    %add3A_51 = vector.broadcast %get3A_19 : vector<1x64xf32> to vector<512x64xf32>
    %add3A_52 = arith.addf %mul3A_50, %add3A_51 : vector<512x64xf32>
    %max3A = arith.constant 0.000000e+00 : f32
    %max3A_53 = vector.broadcast %max3A : f32 to vector<512x64xf32>
    %max3A_54 = arith.maximumf %add3A_52, %max3A_53 : vector<512x64xf32>
    %mul3A_55 = vector.broadcast %get3A_22 : vector<1x64xf32> to vector<512x64xf32>
    %mul3A_56 = arith.mulf %add3A_49, %mul3A_55 : vector<512x64xf32>
    %add3A_57 = vector.broadcast %get3A_25 : vector<1x64xf32> to vector<512x64xf32>
    %add3A_58 = arith.addf %mul3A_56, %add3A_57 : vector<512x64xf32>
    %max3A_59 = arith.constant 0.000000e+00 : f32
    %max3A_60 = vector.broadcast %max3A_59 : f32 to vector<512x64xf32>
    %max3A_61 = arith.maximumf %add3A_58, %max3A_60 : vector<512x64xf32>
    %get3A_62 = arith.constant 0 : index
    %get3A_63 = arith.constant 0 : index
    %get3A_64 = vector.load %arg8[%get3A_62, %get3A_63] : memref<64x64xf32, #tpu.memory_space<vmem>>, vector<64x64xf32>
    %dot_general3A_65 = arith.constant dense<0.000000e+00> : vector<512x64xf32>
    %dot_general3A_66 = tpu.matmul %max3A_54, %get3A_64, %dot_general3A_65 {dimension_numbers = #tpu.dot_dimension_numbers<[1], [0], [0], [1], [0, 0, 1, 1], [], []>, transpose_lhs_hint = false} : vector<512x64xf32>, vector<64x64xf32>, vector<512x64xf32> -> vector<512x64xf32>
    %get3A_67 = arith.constant 0 : index
    %get3A_68 = arith.constant 0 : index
    %get3A_69 = vector.load %arg9[%get3A_67, %get3A_68] : memref<64x64xf32, #tpu.memory_space<vmem>>, vector<64x64xf32>
    %dot_general3A_70 = arith.constant dense<0.000000e+00> : vector<512x64xf32>
    %dot_general3A_71 = tpu.matmul %max3A_61, %get3A_69, %dot_general3A_70 {dimension_numbers = #tpu.dot_dimension_numbers<[1], [0], [0], [1], [0, 0, 1, 1], [], []>, transpose_lhs_hint = false} : vector<512x64xf32>, vector<64x64xf32>, vector<512x64xf32> -> vector<512x64xf32>
    %add3A_72 = arith.addf %dot_general3A_66, %dot_general3A_71 : vector<512x64xf32>
    %add3A_73 = arith.addf %broadcast_in_dim3A_26, %add3A_72 : vector<512x64xf32>
    %mul3A_74 = arith.mulf %add3A_72, %add3A_72 : vector<512x64xf32>
    %add3A_75 = arith.addf %broadcast_in_dim3A_28, %mul3A_74 : vector<512x64xf32>
    %get3A_76 = arith.constant 1 : index
    %get3A_77 = arith.constant 0 : index
    %get3A_78 = arith.constant 0 : index
    %get3A_79 = vector.load %arg1[%get3A_76, %get3A_77, %get3A_78] : memref<16x512x48xf32, #tpu.memory_space<vmem>>, vector<1x512x32xf32>
    %get3A_80 = vector.shape_cast %get3A_79 : vector<1x512x32xf32> to vector<512x32xf32>
    %get3A_81 = arith.constant 1 : index
    %get3A_82 = arith.constant 0 : index
    %get3A_83 = arith.constant 32 : index
    %get3A_84 = vector.load %arg1[%get3A_81, %get3A_82, %get3A_83] : memref<16x512x48xf32, #tpu.memory_space<vmem>>, vector<1x512x3xf32>
    %get3A_85 = vector.shape_cast %get3A_84 : vector<1x512x3xf32> to vector<512x3xf32>
    %get3A_86 = arith.constant 0 : index
    %get3A_87 = arith.constant 0 : index
    %get3A_88 = vector.load %arg4[%get3A_86, %get3A_87] : memref<3x64xf32, #tpu.memory_space<vmem>>, vector<3x64xf32>
    %dot_general3A_89 = arith.constant dense<0.000000e+00> : vector<512x64xf32>
    %dot_general3A_90 = tpu.matmul %get3A_85, %get3A_88, %dot_general3A_89 {dimension_numbers = #tpu.dot_dimension_numbers<[1], [0], [0], [1], [0, 0, 1, 1], [], []>, transpose_lhs_hint = false} : vector<512x3xf32>, vector<3x64xf32>, vector<512x64xf32> -> vector<512x64xf32>
    %add3A_91 = arith.addf %dot_general3A_90, %dot_general3A_5 : vector<512x64xf32>
    %get3A_92 = arith.constant 0 : index
    %get3A_93 = arith.constant 0 : index
    %get3A_94 = vector.load %arg6[%get3A_92, %get3A_93] : memref<32x64xf32, #tpu.memory_space<vmem>>, vector<32x64xf32>
    %dot_general3A_95 = arith.constant dense<0.000000e+00> : vector<512x64xf32>
    %dot_general3A_96 = tpu.matmul %get3A_80, %get3A_94, %dot_general3A_95 {dimension_numbers = #tpu.dot_dimension_numbers<[1], [0], [0], [1], [0, 0, 1, 1], [], []>, transpose_lhs_hint = false} : vector<512x32xf32>, vector<32x64xf32>, vector<512x64xf32> -> vector<512x64xf32>
    %add3A_97 = arith.addf %dot_general3A_96, %dot_general3A_13 : vector<512x64xf32>
    %mul3A_98 = vector.broadcast %get3A_16 : vector<1x64xf32> to vector<512x64xf32>
    %mul3A_99 = arith.mulf %add3A_91, %mul3A_98 : vector<512x64xf32>
    %add3A_100 = vector.broadcast %get3A_19 : vector<1x64xf32> to vector<512x64xf32>
    %add3A_101 = arith.addf %mul3A_99, %add3A_100 : vector<512x64xf32>
    %max3A_102 = arith.constant 0.000000e+00 : f32
    %max3A_103 = vector.broadcast %max3A_102 : f32 to vector<512x64xf32>
    %max3A_104 = arith.maximumf %add3A_101, %max3A_103 : vector<512x64xf32>
    %mul3A_105 = vector.broadcast %get3A_22 : vector<1x64xf32> to vector<512x64xf32>
    %mul3A_106 = arith.mulf %add3A_97, %mul3A_105 : vector<512x64xf32>
    %add3A_107 = vector.broadcast %get3A_25 : vector<1x64xf32> to vector<512x64xf32>
    %add3A_108 = arith.addf %mul3A_106, %add3A_107 : vector<512x64xf32>
    %max3A_109 = arith.constant 0.000000e+00 : f32
    %max3A_110 = vector.broadcast %max3A_109 : f32 to vector<512x64xf32>
    %max3A_111 = arith.maximumf %add3A_108, %max3A_110 : vector<512x64xf32>
    %get3A_112 = arith.constant 0 : index
    %get3A_113 = arith.constant 0 : index
    %get3A_114 = vector.load %arg8[%get3A_112, %get3A_113] : memref<64x64xf32, #tpu.memory_space<vmem>>, vector<64x64xf32>
    %dot_general3A_115 = arith.constant dense<0.000000e+00> : vector<512x64xf32>
    %dot_general3A_116 = tpu.matmul %max3A_104, %get3A_114, %dot_general3A_115 {dimension_numbers = #tpu.dot_dimension_numbers<[1], [0], [0], [1], [0, 0, 1, 1], [], []>, transpose_lhs_hint = false} : vector<512x64xf32>, vector<64x64xf32>, vector<512x64xf32> -> vector<512x64xf32>
    %get3A_117 = arith.constant 0 : index
    %get3A_118 = arith.constant 0 : index
    %get3A_119 = vector.load %arg9[%get3A_117, %get3A_118] : memref<64x64xf32, #tpu.memory_space<vmem>>, vector<64x64xf32>
    %dot_general3A_120 = arith.constant dense<0.000000e+00> : vector<512x64xf32>
    %dot_general3A_121 = tpu.matmul %max3A_111, %get3A_119, %dot_general3A_120 {dimension_numbers = #tpu.dot_dimension_numbers<[1], [0], [0], [1], [0, 0, 1, 1], [], []>, transpose_lhs_hint = false} : vector<512x64xf32>, vector<64x64xf32>, vector<512x64xf32> -> vector<512x64xf32>
    %add3A_122 = arith.addf %dot_general3A_116, %dot_general3A_121 : vector<512x64xf32>
    %add3A_123 = arith.addf %add3A_73, %add3A_122 : vector<512x64xf32>
    %mul3A_124 = arith.mulf %add3A_122, %add3A_122 : vector<512x64xf32>
    %add3A_125 = arith.addf %add3A_75, %mul3A_124 : vector<512x64xf32>
    %get3A_126 = arith.constant 2 : index
    %get3A_127 = arith.constant 0 : index
    %get3A_128 = arith.constant 0 : index
    %get3A_129 = vector.load %arg1[%get3A_126, %get3A_127, %get3A_128] : memref<16x512x48xf32, #tpu.memory_space<vmem>>, vector<1x512x32xf32>
    %get3A_130 = vector.shape_cast %get3A_129 : vector<1x512x32xf32> to vector<512x32xf32>
    %get3A_131 = arith.constant 2 : index
    %get3A_132 = arith.constant 0 : index
    %get3A_133 = arith.constant 32 : index
    %get3A_134 = vector.load %arg1[%get3A_131, %get3A_132, %get3A_133] : memref<16x512x48xf32, #tpu.memory_space<vmem>>, vector<1x512x3xf32>
    %get3A_135 = vector.shape_cast %get3A_134 : vector<1x512x3xf32> to vector<512x3xf32>
    %get3A_136 = arith.constant 0 : index
    %get3A_137 = arith.constant 0 : index
    %get3A_138 = vector.load %arg4[%get3A_136, %get3A_137] : memref<3x64xf32, #tpu.memory_space<vmem>>, vector<3x64xf32>
    %dot_general3A_139 = arith.constant dense<0.000000e+00> : vector<512x64xf32>
    %dot_general3A_140 = tpu.matmul %get3A_135, %get3A_138, %dot_general3A_139 {dimension_numbers = #tpu.dot_dimension_numbers<[1], [0], [0], [1], [0, 0, 1, 1], [], []>, transpose_lhs_hint = false} : vector<512x3xf32>, vector<3x64xf32>, vector<512x64xf32> -> vector<512x64xf32>
    %add3A_141 = arith.addf %dot_general3A_140, %dot_general3A_5 : vector<512x64xf32>
    %get3A_142 = arith.constant 0 : index
    %get3A_143 = arith.constant 0 : index
    %get3A_144 = vector.load %arg6[%get3A_142, %get3A_143] : memref<32x64xf32, #tpu.memory_space<vmem>>, vector<32x64xf32>
    %dot_general3A_145 = arith.constant dense<0.000000e+00> : vector<512x64xf32>
    %dot_general3A_146 = tpu.matmul %get3A_130, %get3A_144, %dot_general3A_145 {dimension_numbers = #tpu.dot_dimension_numbers<[1], [0], [0], [1], [0, 0, 1, 1], [], []>, transpose_lhs_hint = false} : vector<512x32xf32>, vector<32x64xf32>, vector<512x64xf32> -> vector<512x64xf32>
    %add3A_147 = arith.addf %dot_general3A_146, %dot_general3A_13 : vector<512x64xf32>
    %mul3A_148 = vector.broadcast %get3A_16 : vector<1x64xf32> to vector<512x64xf32>
    %mul3A_149 = arith.mulf %add3A_141, %mul3A_148 : vector<512x64xf32>
    %add3A_150 = vector.broadcast %get3A_19 : vector<1x64xf32> to vector<512x64xf32>
    %add3A_151 = arith.addf %mul3A_149, %add3A_150 : vector<512x64xf32>
    %max3A_152 = arith.constant 0.000000e+00 : f32
    %max3A_153 = vector.broadcast %max3A_152 : f32 to vector<512x64xf32>
    %max3A_154 = arith.maximumf %add3A_151, %max3A_153 : vector<512x64xf32>
    %mul3A_155 = vector.broadcast %get3A_22 : vector<1x64xf32> to vector<512x64xf32>
    %mul3A_156 = arith.mulf %add3A_147, %mul3A_155 : vector<512x64xf32>
    %add3A_157 = vector.broadcast %get3A_25 : vector<1x64xf32> to vector<512x64xf32>
    %add3A_158 = arith.addf %mul3A_156, %add3A_157 : vector<512x64xf32>
    %max3A_159 = arith.constant 0.000000e+00 : f32
    %max3A_160 = vector.broadcast %max3A_159 : f32 to vector<512x64xf32>
    %max3A_161 = arith.maximumf %add3A_158, %max3A_160 : vector<512x64xf32>
    %get3A_162 = arith.constant 0 : index
    %get3A_163 = arith.constant 0 : index
    %get3A_164 = vector.load %arg8[%get3A_162, %get3A_163] : memref<64x64xf32, #tpu.memory_space<vmem>>, vector<64x64xf32>
    %dot_general3A_165 = arith.constant dense<0.000000e+00> : vector<512x64xf32>
    %dot_general3A_166 = tpu.matmul %max3A_154, %get3A_164, %dot_general3A_165 {dimension_numbers = #tpu.dot_dimension_numbers<[1], [0], [0], [1], [0, 0, 1, 1], [], []>, transpose_lhs_hint = false} : vector<512x64xf32>, vector<64x64xf32>, vector<512x64xf32> -> vector<512x64xf32>
    %get3A_167 = arith.constant 0 : index
    %get3A_168 = arith.constant 0 : index
    %get3A_169 = vector.load %arg9[%get3A_167, %get3A_168] : memref<64x64xf32, #tpu.memory_space<vmem>>, vector<64x64xf32>
    %dot_general3A_170 = arith.constant dense<0.000000e+00> : vector<512x64xf32>
    %dot_general3A_171 = tpu.matmul %max3A_161, %get3A_169, %dot_general3A_170 {dimension_numbers = #tpu.dot_dimension_numbers<[1], [0], [0], [1], [0, 0, 1, 1], [], []>, transpose_lhs_hint = false} : vector<512x64xf32>, vector<64x64xf32>, vector<512x64xf32> -> vector<512x64xf32>
    %add3A_172 = arith.addf %dot_general3A_166, %dot_general3A_171 : vector<512x64xf32>
    %add3A_173 = arith.addf %add3A_123, %add3A_172 : vector<512x64xf32>
    %mul3A_174 = arith.mulf %add3A_172, %add3A_172 : vector<512x64xf32>
    %add3A_175 = arith.addf %add3A_125, %mul3A_174 : vector<512x64xf32>
    %get3A_176 = arith.constant 3 : index
    %get3A_177 = arith.constant 0 : index
    %get3A_178 = arith.constant 0 : index
    %get3A_179 = vector.load %arg1[%get3A_176, %get3A_177, %get3A_178] : memref<16x512x48xf32, #tpu.memory_space<vmem>>, vector<1x512x32xf32>
    %get3A_180 = vector.shape_cast %get3A_179 : vector<1x512x32xf32> to vector<512x32xf32>
    %get3A_181 = arith.constant 3 : index
    %get3A_182 = arith.constant 0 : index
    %get3A_183 = arith.constant 32 : index
    %get3A_184 = vector.load %arg1[%get3A_181, %get3A_182, %get3A_183] : memref<16x512x48xf32, #tpu.memory_space<vmem>>, vector<1x512x3xf32>
    %get3A_185 = vector.shape_cast %get3A_184 : vector<1x512x3xf32> to vector<512x3xf32>
    %get3A_186 = arith.constant 0 : index
    %get3A_187 = arith.constant 0 : index
    %get3A_188 = vector.load %arg4[%get3A_186, %get3A_187] : memref<3x64xf32, #tpu.memory_space<vmem>>, vector<3x64xf32>
    %dot_general3A_189 = arith.constant dense<0.000000e+00> : vector<512x64xf32>
    %dot_general3A_190 = tpu.matmul %get3A_185, %get3A_188, %dot_general3A_189 {dimension_numbers = #tpu.dot_dimension_numbers<[1], [0], [0], [1], [0, 0, 1, 1], [], []>, transpose_lhs_hint = false} : vector<512x3xf32>, vector<3x64xf32>, vector<512x64xf32> -> vector<512x64xf32>
    %add3A_191 = arith.addf %dot_general3A_190, %dot_general3A_5 : vector<512x64xf32>
    %get3A_192 = arith.constant 0 : index
    %get3A_193 = arith.constant 0 : index
    %get3A_194 = vector.load %arg6[%get3A_192, %get3A_193] : memref<32x64xf32, #tpu.memory_space<vmem>>, vector<32x64xf32>
    %dot_general3A_195 = arith.constant dense<0.000000e+00> : vector<512x64xf32>
    %dot_general3A_196 = tpu.matmul %get3A_180, %get3A_194, %dot_general3A_195 {dimension_numbers = #tpu.dot_dimension_numbers<[1], [0], [0], [1], [0, 0, 1, 1], [], []>, transpose_lhs_hint = false} : vector<512x32xf32>, vector<32x64xf32>, vector<512x64xf32> -> vector<512x64xf32>
    %add3A_197 = arith.addf %dot_general3A_196, %dot_general3A_13 : vector<512x64xf32>
    %mul3A_198 = vector.broadcast %get3A_16 : vector<1x64xf32> to vector<512x64xf32>
    %mul3A_199 = arith.mulf %add3A_191, %mul3A_198 : vector<512x64xf32>
    %add3A_200 = vector.broadcast %get3A_19 : vector<1x64xf32> to vector<512x64xf32>
    %add3A_201 = arith.addf %mul3A_199, %add3A_200 : vector<512x64xf32>
    %max3A_202 = arith.constant 0.000000e+00 : f32
    %max3A_203 = vector.broadcast %max3A_202 : f32 to vector<512x64xf32>
    %max3A_204 = arith.maximumf %add3A_201, %max3A_203 : vector<512x64xf32>
    %mul3A_205 = vector.broadcast %get3A_22 : vector<1x64xf32> to vector<512x64xf32>
    %mul3A_206 = arith.mulf %add3A_197, %mul3A_205 : vector<512x64xf32>
    %add3A_207 = vector.broadcast %get3A_25 : vector<1x64xf32> to vector<512x64xf32>
    %add3A_208 = arith.addf %mul3A_206, %add3A_207 : vector<512x64xf32>
    %max3A_209 = arith.constant 0.000000e+00 : f32
    %max3A_210 = vector.broadcast %max3A_209 : f32 to vector<512x64xf32>
    %max3A_211 = arith.maximumf %add3A_208, %max3A_210 : vector<512x64xf32>
    %get3A_212 = arith.constant 0 : index
    %get3A_213 = arith.constant 0 : index
    %get3A_214 = vector.load %arg8[%get3A_212, %get3A_213] : memref<64x64xf32, #tpu.memory_space<vmem>>, vector<64x64xf32>
    %dot_general3A_215 = arith.constant dense<0.000000e+00> : vector<512x64xf32>
    %dot_general3A_216 = tpu.matmul %max3A_204, %get3A_214, %dot_general3A_215 {dimension_numbers = #tpu.dot_dimension_numbers<[1], [0], [0], [1], [0, 0, 1, 1], [], []>, transpose_lhs_hint = false} : vector<512x64xf32>, vector<64x64xf32>, vector<512x64xf32> -> vector<512x64xf32>
    %get3A_217 = arith.constant 0 : index
    %get3A_218 = arith.constant 0 : index
    %get3A_219 = vector.load %arg9[%get3A_217, %get3A_218] : memref<64x64xf32, #tpu.memory_space<vmem>>, vector<64x64xf32>
    %dot_general3A_220 = arith.constant dense<0.000000e+00> : vector<512x64xf32>
    %dot_general3A_221 = tpu.matmul %max3A_211, %get3A_219, %dot_general3A_220 {dimension_numbers = #tpu.dot_dimension_numbers<[1], [0], [0], [1], [0, 0, 1, 1], [], []>, transpose_lhs_hint = false} : vector<512x64xf32>, vector<64x64xf32>, vector<512x64xf32> -> vector<512x64xf32>
    %add3A_222 = arith.addf %dot_general3A_216, %dot_general3A_221 : vector<512x64xf32>
    %add3A_223 = arith.addf %add3A_173, %add3A_222 : vector<512x64xf32>
    %mul3A_224 = arith.mulf %add3A_222, %add3A_222 : vector<512x64xf32>
    %add3A_225 = arith.addf %add3A_175, %mul3A_224 : vector<512x64xf32>
    %get3A_226 = arith.constant 4 : index
    %get3A_227 = arith.constant 0 : index
    %get3A_228 = arith.constant 0 : index
    %get3A_229 = vector.load %arg1[%get3A_226, %get3A_227, %get3A_228] : memref<16x512x48xf32, #tpu.memory_space<vmem>>, vector<1x512x32xf32>
    %get3A_230 = vector.shape_cast %get3A_229 : vector<1x512x32xf32> to vector<512x32xf32>
    %get3A_231 = arith.constant 4 : index
    %get3A_232 = arith.constant 0 : index
    %get3A_233 = arith.constant 32 : index
    %get3A_234 = vector.load %arg1[%get3A_231, %get3A_232, %get3A_233] : memref<16x512x48xf32, #tpu.memory_space<vmem>>, vector<1x512x3xf32>
    %get3A_235 = vector.shape_cast %get3A_234 : vector<1x512x3xf32> to vector<512x3xf32>
    %get3A_236 = arith.constant 0 : index
    %get3A_237 = arith.constant 0 : index
    %get3A_238 = vector.load %arg4[%get3A_236, %get3A_237] : memref<3x64xf32, #tpu.memory_space<vmem>>, vector<3x64xf32>
    %dot_general3A_239 = arith.constant dense<0.000000e+00> : vector<512x64xf32>
    %dot_general3A_240 = tpu.matmul %get3A_235, %get3A_238, %dot_general3A_239 {dimension_numbers = #tpu.dot_dimension_numbers<[1], [0], [0], [1], [0, 0, 1, 1], [], []>, transpose_lhs_hint = false} : vector<512x3xf32>, vector<3x64xf32>, vector<512x64xf32> -> vector<512x64xf32>
    %add3A_241 = arith.addf %dot_general3A_240, %dot_general3A_5 : vector<512x64xf32>
    %get3A_242 = arith.constant 0 : index
    %get3A_243 = arith.constant 0 : index
    %get3A_244 = vector.load %arg6[%get3A_242, %get3A_243] : memref<32x64xf32, #tpu.memory_space<vmem>>, vector<32x64xf32>
    %dot_general3A_245 = arith.constant dense<0.000000e+00> : vector<512x64xf32>
    %dot_general3A_246 = tpu.matmul %get3A_230, %get3A_244, %dot_general3A_245 {dimension_numbers = #tpu.dot_dimension_numbers<[1], [0], [0], [1], [0, 0, 1, 1], [], []>, transpose_lhs_hint = false} : vector<512x32xf32>, vector<32x64xf32>, vector<512x64xf32> -> vector<512x64xf32>
    %add3A_247 = arith.addf %dot_general3A_246, %dot_general3A_13 : vector<512x64xf32>
    %mul3A_248 = vector.broadcast %get3A_16 : vector<1x64xf32> to vector<512x64xf32>
    %mul3A_249 = arith.mulf %add3A_241, %mul3A_248 : vector<512x64xf32>
    %add3A_250 = vector.broadcast %get3A_19 : vector<1x64xf32> to vector<512x64xf32>
    %add3A_251 = arith.addf %mul3A_249, %add3A_250 : vector<512x64xf32>
    %max3A_252 = arith.constant 0.000000e+00 : f32
    %max3A_253 = vector.broadcast %max3A_252 : f32 to vector<512x64xf32>
    %max3A_254 = arith.maximumf %add3A_251, %max3A_253 : vector<512x64xf32>
    %mul3A_255 = vector.broadcast %get3A_22 : vector<1x64xf32> to vector<512x64xf32>
    %mul3A_256 = arith.mulf %add3A_247, %mul3A_255 : vector<512x64xf32>
    %add3A_257 = vector.broadcast %get3A_25 : vector<1x64xf32> to vector<512x64xf32>
    %add3A_258 = arith.addf %mul3A_256, %add3A_257 : vector<512x64xf32>
    %max3A_259 = arith.constant 0.000000e+00 : f32
    %max3A_260 = vector.broadcast %max3A_259 : f32 to vector<512x64xf32>
    %max3A_261 = arith.maximumf %add3A_258, %max3A_260 : vector<512x64xf32>
    %get3A_262 = arith.constant 0 : index
    %get3A_263 = arith.constant 0 : index
    %get3A_264 = vector.load %arg8[%get3A_262, %get3A_263] : memref<64x64xf32, #tpu.memory_space<vmem>>, vector<64x64xf32>
    %dot_general3A_265 = arith.constant dense<0.000000e+00> : vector<512x64xf32>
    %dot_general3A_266 = tpu.matmul %max3A_254, %get3A_264, %dot_general3A_265 {dimension_numbers = #tpu.dot_dimension_numbers<[1], [0], [0], [1], [0, 0, 1, 1], [], []>, transpose_lhs_hint = false} : vector<512x64xf32>, vector<64x64xf32>, vector<512x64xf32> -> vector<512x64xf32>
    %get3A_267 = arith.constant 0 : index
    %get3A_268 = arith.constant 0 : index
    %get3A_269 = vector.load %arg9[%get3A_267, %get3A_268] : memref<64x64xf32, #tpu.memory_space<vmem>>, vector<64x64xf32>
    %dot_general3A_270 = arith.constant dense<0.000000e+00> : vector<512x64xf32>
    %dot_general3A_271 = tpu.matmul %max3A_261, %get3A_269, %dot_general3A_270 {dimension_numbers = #tpu.dot_dimension_numbers<[1], [0], [0], [1], [0, 0, 1, 1], [], []>, transpose_lhs_hint = false} : vector<512x64xf32>, vector<64x64xf32>, vector<512x64xf32> -> vector<512x64xf32>
    %add3A_272 = arith.addf %dot_general3A_266, %dot_general3A_271 : vector<512x64xf32>
    %add3A_273 = arith.addf %add3A_223, %add3A_272 : vector<512x64xf32>
    %mul3A_274 = arith.mulf %add3A_272, %add3A_272 : vector<512x64xf32>
    %add3A_275 = arith.addf %add3A_225, %mul3A_274 : vector<512x64xf32>
    %get3A_276 = arith.constant 5 : index
    %get3A_277 = arith.constant 0 : index
    %get3A_278 = arith.constant 0 : index
    %get3A_279 = vector.load %arg1[%get3A_276, %get3A_277, %get3A_278] : memref<16x512x48xf32, #tpu.memory_space<vmem>>, vector<1x512x32xf32>
    %get3A_280 = vector.shape_cast %get3A_279 : vector<1x512x32xf32> to vector<512x32xf32>
    %get3A_281 = arith.constant 5 : index
    %get3A_282 = arith.constant 0 : index
    %get3A_283 = arith.constant 32 : index
    %get3A_284 = vector.load %arg1[%get3A_281, %get3A_282, %get3A_283] : memref<16x512x48xf32, #tpu.memory_space<vmem>>, vector<1x512x3xf32>
    %get3A_285 = vector.shape_cast %get3A_284 : vector<1x512x3xf32> to vector<512x3xf32>
    %get3A_286 = arith.constant 0 : index
    %get3A_287 = arith.constant 0 : index
    %get3A_288 = vector.load %arg4[%get3A_286, %get3A_287] : memref<3x64xf32, #tpu.memory_space<vmem>>, vector<3x64xf32>
    %dot_general3A_289 = arith.constant dense<0.000000e+00> : vector<512x64xf32>
    %dot_general3A_290 = tpu.matmul %get3A_285, %get3A_288, %dot_general3A_289 {dimension_numbers = #tpu.dot_dimension_numbers<[1], [0], [0], [1], [0, 0, 1, 1], [], []>, transpose_lhs_hint = false} : vector<512x3xf32>, vector<3x64xf32>, vector<512x64xf32> -> vector<512x64xf32>
    %add3A_291 = arith.addf %dot_general3A_290, %dot_general3A_5 : vector<512x64xf32>
    %get3A_292 = arith.constant 0 : index
    %get3A_293 = arith.constant 0 : index
    %get3A_294 = vector.load %arg6[%get3A_292, %get3A_293] : memref<32x64xf32, #tpu.memory_space<vmem>>, vector<32x64xf32>
    %dot_general3A_295 = arith.constant dense<0.000000e+00> : vector<512x64xf32>
    %dot_general3A_296 = tpu.matmul %get3A_280, %get3A_294, %dot_general3A_295 {dimension_numbers = #tpu.dot_dimension_numbers<[1], [0], [0], [1], [0, 0, 1, 1], [], []>, transpose_lhs_hint = false} : vector<512x32xf32>, vector<32x64xf32>, vector<512x64xf32> -> vector<512x64xf32>
    %add3A_297 = arith.addf %dot_general3A_296, %dot_general3A_13 : vector<512x64xf32>
    %mul3A_298 = vector.broadcast %get3A_16 : vector<1x64xf32> to vector<512x64xf32>
    %mul3A_299 = arith.mulf %add3A_291, %mul3A_298 : vector<512x64xf32>
    %add3A_300 = vector.broadcast %get3A_19 : vector<1x64xf32> to vector<512x64xf32>
    %add3A_301 = arith.addf %mul3A_299, %add3A_300 : vector<512x64xf32>
    %max3A_302 = arith.constant 0.000000e+00 : f32
    %max3A_303 = vector.broadcast %max3A_302 : f32 to vector<512x64xf32>
    %max3A_304 = arith.maximumf %add3A_301, %max3A_303 : vector<512x64xf32>
    %mul3A_305 = vector.broadcast %get3A_22 : vector<1x64xf32> to vector<512x64xf32>
    %mul3A_306 = arith.mulf %add3A_297, %mul3A_305 : vector<512x64xf32>
    %add3A_307 = vector.broadcast %get3A_25 : vector<1x64xf32> to vector<512x64xf32>
    %add3A_308 = arith.addf %mul3A_306, %add3A_307 : vector<512x64xf32>
    %max3A_309 = arith.constant 0.000000e+00 : f32
    %max3A_310 = vector.broadcast %max3A_309 : f32 to vector<512x64xf32>
    %max3A_311 = arith.maximumf %add3A_308, %max3A_310 : vector<512x64xf32>
    %get3A_312 = arith.constant 0 : index
    %get3A_313 = arith.constant 0 : index
    %get3A_314 = vector.load %arg8[%get3A_312, %get3A_313] : memref<64x64xf32, #tpu.memory_space<vmem>>, vector<64x64xf32>
    %dot_general3A_315 = arith.constant dense<0.000000e+00> : vector<512x64xf32>
    %dot_general3A_316 = tpu.matmul %max3A_304, %get3A_314, %dot_general3A_315 {dimension_numbers = #tpu.dot_dimension_numbers<[1], [0], [0], [1], [0, 0, 1, 1], [], []>, transpose_lhs_hint = false} : vector<512x64xf32>, vector<64x64xf32>, vector<512x64xf32> -> vector<512x64xf32>
    %get3A_317 = arith.constant 0 : index
    %get3A_318 = arith.constant 0 : index
    %get3A_319 = vector.load %arg9[%get3A_317, %get3A_318] : memref<64x64xf32, #tpu.memory_space<vmem>>, vector<64x64xf32>
    %dot_general3A_320 = arith.constant dense<0.000000e+00> : vector<512x64xf32>
    %dot_general3A_321 = tpu.matmul %max3A_311, %get3A_319, %dot_general3A_320 {dimension_numbers = #tpu.dot_dimension_numbers<[1], [0], [0], [1], [0, 0, 1, 1], [], []>, transpose_lhs_hint = false} : vector<512x64xf32>, vector<64x64xf32>, vector<512x64xf32> -> vector<512x64xf32>
    %add3A_322 = arith.addf %dot_general3A_316, %dot_general3A_321 : vector<512x64xf32>
    %add3A_323 = arith.addf %add3A_273, %add3A_322 : vector<512x64xf32>
    %mul3A_324 = arith.mulf %add3A_322, %add3A_322 : vector<512x64xf32>
    %add3A_325 = arith.addf %add3A_275, %mul3A_324 : vector<512x64xf32>
    %get3A_326 = arith.constant 6 : index
    %get3A_327 = arith.constant 0 : index
    %get3A_328 = arith.constant 0 : index
    %get3A_329 = vector.load %arg1[%get3A_326, %get3A_327, %get3A_328] : memref<16x512x48xf32, #tpu.memory_space<vmem>>, vector<1x512x32xf32>
    %get3A_330 = vector.shape_cast %get3A_329 : vector<1x512x32xf32> to vector<512x32xf32>
    %get3A_331 = arith.constant 6 : index
    %get3A_332 = arith.constant 0 : index
    %get3A_333 = arith.constant 32 : index
    %get3A_334 = vector.load %arg1[%get3A_331, %get3A_332, %get3A_333] : memref<16x512x48xf32, #tpu.memory_space<vmem>>, vector<1x512x3xf32>
    %get3A_335 = vector.shape_cast %get3A_334 : vector<1x512x3xf32> to vector<512x3xf32>
    %get3A_336 = arith.constant 0 : index
    %get3A_337 = arith.constant 0 : index
    %get3A_338 = vector.load %arg4[%get3A_336, %get3A_337] : memref<3x64xf32, #tpu.memory_space<vmem>>, vector<3x64xf32>
    %dot_general3A_339 = arith.constant dense<0.000000e+00> : vector<512x64xf32>
    %dot_general3A_340 = tpu.matmul %get3A_335, %get3A_338, %dot_general3A_339 {dimension_numbers = #tpu.dot_dimension_numbers<[1], [0], [0], [1], [0, 0, 1, 1], [], []>, transpose_lhs_hint = false} : vector<512x3xf32>, vector<3x64xf32>, vector<512x64xf32> -> vector<512x64xf32>
    %add3A_341 = arith.addf %dot_general3A_340, %dot_general3A_5 : vector<512x64xf32>
    %get3A_342 = arith.constant 0 : index
    %get3A_343 = arith.constant 0 : index
    %get3A_344 = vector.load %arg6[%get3A_342, %get3A_343] : memref<32x64xf32, #tpu.memory_space<vmem>>, vector<32x64xf32>
    %dot_general3A_345 = arith.constant dense<0.000000e+00> : vector<512x64xf32>
    %dot_general3A_346 = tpu.matmul %get3A_330, %get3A_344, %dot_general3A_345 {dimension_numbers = #tpu.dot_dimension_numbers<[1], [0], [0], [1], [0, 0, 1, 1], [], []>, transpose_lhs_hint = false} : vector<512x32xf32>, vector<32x64xf32>, vector<512x64xf32> -> vector<512x64xf32>
    %add3A_347 = arith.addf %dot_general3A_346, %dot_general3A_13 : vector<512x64xf32>
    %mul3A_348 = vector.broadcast %get3A_16 : vector<1x64xf32> to vector<512x64xf32>
    %mul3A_349 = arith.mulf %add3A_341, %mul3A_348 : vector<512x64xf32>
    %add3A_350 = vector.broadcast %get3A_19 : vector<1x64xf32> to vector<512x64xf32>
    %add3A_351 = arith.addf %mul3A_349, %add3A_350 : vector<512x64xf32>
    %max3A_352 = arith.constant 0.000000e+00 : f32
    %max3A_353 = vector.broadcast %max3A_352 : f32 to vector<512x64xf32>
    %max3A_354 = arith.maximumf %add3A_351, %max3A_353 : vector<512x64xf32>
    %mul3A_355 = vector.broadcast %get3A_22 : vector<1x64xf32> to vector<512x64xf32>
    %mul3A_356 = arith.mulf %add3A_347, %mul3A_355 : vector<512x64xf32>
    %add3A_357 = vector.broadcast %get3A_25 : vector<1x64xf32> to vector<512x64xf32>
    %add3A_358 = arith.addf %mul3A_356, %add3A_357 : vector<512x64xf32>
    %max3A_359 = arith.constant 0.000000e+00 : f32
    %max3A_360 = vector.broadcast %max3A_359 : f32 to vector<512x64xf32>
    %max3A_361 = arith.maximumf %add3A_358, %max3A_360 : vector<512x64xf32>
    %get3A_362 = arith.constant 0 : index
    %get3A_363 = arith.constant 0 : index
    %get3A_364 = vector.load %arg8[%get3A_362, %get3A_363] : memref<64x64xf32, #tpu.memory_space<vmem>>, vector<64x64xf32>
    %dot_general3A_365 = arith.constant dense<0.000000e+00> : vector<512x64xf32>
    %dot_general3A_366 = tpu.matmul %max3A_354, %get3A_364, %dot_general3A_365 {dimension_numbers = #tpu.dot_dimension_numbers<[1], [0], [0], [1], [0, 0, 1, 1], [], []>, transpose_lhs_hint = false} : vector<512x64xf32>, vector<64x64xf32>, vector<512x64xf32> -> vector<512x64xf32>
    %get3A_367 = arith.constant 0 : index
    %get3A_368 = arith.constant 0 : index
    %get3A_369 = vector.load %arg9[%get3A_367, %get3A_368] : memref<64x64xf32, #tpu.memory_space<vmem>>, vector<64x64xf32>
    %dot_general3A_370 = arith.constant dense<0.000000e+00> : vector<512x64xf32>
    %dot_general3A_371 = tpu.matmul %max3A_361, %get3A_369, %dot_general3A_370 {dimension_numbers = #tpu.dot_dimension_numbers<[1], [0], [0], [1], [0, 0, 1, 1], [], []>, transpose_lhs_hint = false} : vector<512x64xf32>, vector<64x64xf32>, vector<512x64xf32> -> vector<512x64xf32>
    %add3A_372 = arith.addf %dot_general3A_366, %dot_general3A_371 : vector<512x64xf32>
    %add3A_373 = arith.addf %add3A_323, %add3A_372 : vector<512x64xf32>
    %mul3A_374 = arith.mulf %add3A_372, %add3A_372 : vector<512x64xf32>
    %add3A_375 = arith.addf %add3A_325, %mul3A_374 : vector<512x64xf32>
    %get3A_376 = arith.constant 7 : index
    %get3A_377 = arith.constant 0 : index
    %get3A_378 = arith.constant 0 : index
    %get3A_379 = vector.load %arg1[%get3A_376, %get3A_377, %get3A_378] : memref<16x512x48xf32, #tpu.memory_space<vmem>>, vector<1x512x32xf32>
    %get3A_380 = vector.shape_cast %get3A_379 : vector<1x512x32xf32> to vector<512x32xf32>
    %get3A_381 = arith.constant 7 : index
    %get3A_382 = arith.constant 0 : index
    %get3A_383 = arith.constant 32 : index
    %get3A_384 = vector.load %arg1[%get3A_381, %get3A_382, %get3A_383] : memref<16x512x48xf32, #tpu.memory_space<vmem>>, vector<1x512x3xf32>
    %get3A_385 = vector.shape_cast %get3A_384 : vector<1x512x3xf32> to vector<512x3xf32>
    %get3A_386 = arith.constant 0 : index
    %get3A_387 = arith.constant 0 : index
    %get3A_388 = vector.load %arg4[%get3A_386, %get3A_387] : memref<3x64xf32, #tpu.memory_space<vmem>>, vector<3x64xf32>
    %dot_general3A_389 = arith.constant dense<0.000000e+00> : vector<512x64xf32>
    %dot_general3A_390 = tpu.matmul %get3A_385, %get3A_388, %dot_general3A_389 {dimension_numbers = #tpu.dot_dimension_numbers<[1], [0], [0], [1], [0, 0, 1, 1], [], []>, transpose_lhs_hint = false} : vector<512x3xf32>, vector<3x64xf32>, vector<512x64xf32> -> vector<512x64xf32>
    %add3A_391 = arith.addf %dot_general3A_390, %dot_general3A_5 : vector<512x64xf32>
    %get3A_392 = arith.constant 0 : index
    %get3A_393 = arith.constant 0 : index
    %get3A_394 = vector.load %arg6[%get3A_392, %get3A_393] : memref<32x64xf32, #tpu.memory_space<vmem>>, vector<32x64xf32>
    %dot_general3A_395 = arith.constant dense<0.000000e+00> : vector<512x64xf32>
    %dot_general3A_396 = tpu.matmul %get3A_380, %get3A_394, %dot_general3A_395 {dimension_numbers = #tpu.dot_dimension_numbers<[1], [0], [0], [1], [0, 0, 1, 1], [], []>, transpose_lhs_hint = false} : vector<512x32xf32>, vector<32x64xf32>, vector<512x64xf32> -> vector<512x64xf32>
    %add3A_397 = arith.addf %dot_general3A_396, %dot_general3A_13 : vector<512x64xf32>
    %mul3A_398 = vector.broadcast %get3A_16 : vector<1x64xf32> to vector<512x64xf32>
    %mul3A_399 = arith.mulf %add3A_391, %mul3A_398 : vector<512x64xf32>
    %add3A_400 = vector.broadcast %get3A_19 : vector<1x64xf32> to vector<512x64xf32>
    %add3A_401 = arith.addf %mul3A_399, %add3A_400 : vector<512x64xf32>
    %max3A_402 = arith.constant 0.000000e+00 : f32
    %max3A_403 = vector.broadcast %max3A_402 : f32 to vector<512x64xf32>
    %max3A_404 = arith.maximumf %add3A_401, %max3A_403 : vector<512x64xf32>
    %mul3A_405 = vector.broadcast %get3A_22 : vector<1x64xf32> to vector<512x64xf32>
    %mul3A_406 = arith.mulf %add3A_397, %mul3A_405 : vector<512x64xf32>
    %add3A_407 = vector.broadcast %get3A_25 : vector<1x64xf32> to vector<512x64xf32>
    %add3A_408 = arith.addf %mul3A_406, %add3A_407 : vector<512x64xf32>
    %max3A_409 = arith.constant 0.000000e+00 : f32
    %max3A_410 = vector.broadcast %max3A_409 : f32 to vector<512x64xf32>
    %max3A_411 = arith.maximumf %add3A_408, %max3A_410 : vector<512x64xf32>
    %get3A_412 = arith.constant 0 : index
    %get3A_413 = arith.constant 0 : index
    %get3A_414 = vector.load %arg8[%get3A_412, %get3A_413] : memref<64x64xf32, #tpu.memory_space<vmem>>, vector<64x64xf32>
    %dot_general3A_415 = arith.constant dense<0.000000e+00> : vector<512x64xf32>
    %dot_general3A_416 = tpu.matmul %max3A_404, %get3A_414, %dot_general3A_415 {dimension_numbers = #tpu.dot_dimension_numbers<[1], [0], [0], [1], [0, 0, 1, 1], [], []>, transpose_lhs_hint = false} : vector<512x64xf32>, vector<64x64xf32>, vector<512x64xf32> -> vector<512x64xf32>
    %get3A_417 = arith.constant 0 : index
    %get3A_418 = arith.constant 0 : index
    %get3A_419 = vector.load %arg9[%get3A_417, %get3A_418] : memref<64x64xf32, #tpu.memory_space<vmem>>, vector<64x64xf32>
    %dot_general3A_420 = arith.constant dense<0.000000e+00> : vector<512x64xf32>
    %dot_general3A_421 = tpu.matmul %max3A_411, %get3A_419, %dot_general3A_420 {dimension_numbers = #tpu.dot_dimension_numbers<[1], [0], [0], [1], [0, 0, 1, 1], [], []>, transpose_lhs_hint = false} : vector<512x64xf32>, vector<64x64xf32>, vector<512x64xf32> -> vector<512x64xf32>
    %add3A_422 = arith.addf %dot_general3A_416, %dot_general3A_421 : vector<512x64xf32>
    %add3A_423 = arith.addf %add3A_373, %add3A_422 : vector<512x64xf32>
    %mul3A_424 = arith.mulf %add3A_422, %add3A_422 : vector<512x64xf32>
    %add3A_425 = arith.addf %add3A_375, %mul3A_424 : vector<512x64xf32>
    %get3A_426 = arith.constant 8 : index
    %get3A_427 = arith.constant 0 : index
    %get3A_428 = arith.constant 0 : index
    %get3A_429 = vector.load %arg1[%get3A_426, %get3A_427, %get3A_428] : memref<16x512x48xf32, #tpu.memory_space<vmem>>, vector<1x512x32xf32>
    %get3A_430 = vector.shape_cast %get3A_429 : vector<1x512x32xf32> to vector<512x32xf32>
    %get3A_431 = arith.constant 8 : index
    %get3A_432 = arith.constant 0 : index
    %get3A_433 = arith.constant 32 : index
    %get3A_434 = vector.load %arg1[%get3A_431, %get3A_432, %get3A_433] : memref<16x512x48xf32, #tpu.memory_space<vmem>>, vector<1x512x3xf32>
    %get3A_435 = vector.shape_cast %get3A_434 : vector<1x512x3xf32> to vector<512x3xf32>
    %get3A_436 = arith.constant 0 : index
    %get3A_437 = arith.constant 0 : index
    %get3A_438 = vector.load %arg4[%get3A_436, %get3A_437] : memref<3x64xf32, #tpu.memory_space<vmem>>, vector<3x64xf32>
    %dot_general3A_439 = arith.constant dense<0.000000e+00> : vector<512x64xf32>
    %dot_general3A_440 = tpu.matmul %get3A_435, %get3A_438, %dot_general3A_439 {dimension_numbers = #tpu.dot_dimension_numbers<[1], [0], [0], [1], [0, 0, 1, 1], [], []>, transpose_lhs_hint = false} : vector<512x3xf32>, vector<3x64xf32>, vector<512x64xf32> -> vector<512x64xf32>
    %add3A_441 = arith.addf %dot_general3A_440, %dot_general3A_5 : vector<512x64xf32>
    %get3A_442 = arith.constant 0 : index
    %get3A_443 = arith.constant 0 : index
    %get3A_444 = vector.load %arg6[%get3A_442, %get3A_443] : memref<32x64xf32, #tpu.memory_space<vmem>>, vector<32x64xf32>
    %dot_general3A_445 = arith.constant dense<0.000000e+00> : vector<512x64xf32>
    %dot_general3A_446 = tpu.matmul %get3A_430, %get3A_444, %dot_general3A_445 {dimension_numbers = #tpu.dot_dimension_numbers<[1], [0], [0], [1], [0, 0, 1, 1], [], []>, transpose_lhs_hint = false} : vector<512x32xf32>, vector<32x64xf32>, vector<512x64xf32> -> vector<512x64xf32>
    %add3A_447 = arith.addf %dot_general3A_446, %dot_general3A_13 : vector<512x64xf32>
    %mul3A_448 = vector.broadcast %get3A_16 : vector<1x64xf32> to vector<512x64xf32>
    %mul3A_449 = arith.mulf %add3A_441, %mul3A_448 : vector<512x64xf32>
    %add3A_450 = vector.broadcast %get3A_19 : vector<1x64xf32> to vector<512x64xf32>
    %add3A_451 = arith.addf %mul3A_449, %add3A_450 : vector<512x64xf32>
    %max3A_452 = arith.constant 0.000000e+00 : f32
    %max3A_453 = vector.broadcast %max3A_452 : f32 to vector<512x64xf32>
    %max3A_454 = arith.maximumf %add3A_451, %max3A_453 : vector<512x64xf32>
    %mul3A_455 = vector.broadcast %get3A_22 : vector<1x64xf32> to vector<512x64xf32>
    %mul3A_456 = arith.mulf %add3A_447, %mul3A_455 : vector<512x64xf32>
    %add3A_457 = vector.broadcast %get3A_25 : vector<1x64xf32> to vector<512x64xf32>
    %add3A_458 = arith.addf %mul3A_456, %add3A_457 : vector<512x64xf32>
    %max3A_459 = arith.constant 0.000000e+00 : f32
    %max3A_460 = vector.broadcast %max3A_459 : f32 to vector<512x64xf32>
    %max3A_461 = arith.maximumf %add3A_458, %max3A_460 : vector<512x64xf32>
    %get3A_462 = arith.constant 0 : index
    %get3A_463 = arith.constant 0 : index
    %get3A_464 = vector.load %arg8[%get3A_462, %get3A_463] : memref<64x64xf32, #tpu.memory_space<vmem>>, vector<64x64xf32>
    %dot_general3A_465 = arith.constant dense<0.000000e+00> : vector<512x64xf32>
    %dot_general3A_466 = tpu.matmul %max3A_454, %get3A_464, %dot_general3A_465 {dimension_numbers = #tpu.dot_dimension_numbers<[1], [0], [0], [1], [0, 0, 1, 1], [], []>, transpose_lhs_hint = false} : vector<512x64xf32>, vector<64x64xf32>, vector<512x64xf32> -> vector<512x64xf32>
    %get3A_467 = arith.constant 0 : index
    %get3A_468 = arith.constant 0 : index
    %get3A_469 = vector.load %arg9[%get3A_467, %get3A_468] : memref<64x64xf32, #tpu.memory_space<vmem>>, vector<64x64xf32>
    %dot_general3A_470 = arith.constant dense<0.000000e+00> : vector<512x64xf32>
    %dot_general3A_471 = tpu.matmul %max3A_461, %get3A_469, %dot_general3A_470 {dimension_numbers = #tpu.dot_dimension_numbers<[1], [0], [0], [1], [0, 0, 1, 1], [], []>, transpose_lhs_hint = false} : vector<512x64xf32>, vector<64x64xf32>, vector<512x64xf32> -> vector<512x64xf32>
    %add3A_472 = arith.addf %dot_general3A_466, %dot_general3A_471 : vector<512x64xf32>
    %add3A_473 = arith.addf %add3A_423, %add3A_472 : vector<512x64xf32>
    %mul3A_474 = arith.mulf %add3A_472, %add3A_472 : vector<512x64xf32>
    %add3A_475 = arith.addf %add3A_425, %mul3A_474 : vector<512x64xf32>
    %get3A_476 = arith.constant 9 : index
    %get3A_477 = arith.constant 0 : index
    %get3A_478 = arith.constant 0 : index
    %get3A_479 = vector.load %arg1[%get3A_476, %get3A_477, %get3A_478] : memref<16x512x48xf32, #tpu.memory_space<vmem>>, vector<1x512x32xf32>
    %get3A_480 = vector.shape_cast %get3A_479 : vector<1x512x32xf32> to vector<512x32xf32>
    %get3A_481 = arith.constant 9 : index
    %get3A_482 = arith.constant 0 : index
    %get3A_483 = arith.constant 32 : index
    %get3A_484 = vector.load %arg1[%get3A_481, %get3A_482, %get3A_483] : memref<16x512x48xf32, #tpu.memory_space<vmem>>, vector<1x512x3xf32>
    %get3A_485 = vector.shape_cast %get3A_484 : vector<1x512x3xf32> to vector<512x3xf32>
    %get3A_486 = arith.constant 0 : index
    %get3A_487 = arith.constant 0 : index
    %get3A_488 = vector.load %arg4[%get3A_486, %get3A_487] : memref<3x64xf32, #tpu.memory_space<vmem>>, vector<3x64xf32>
    %dot_general3A_489 = arith.constant dense<0.000000e+00> : vector<512x64xf32>
    %dot_general3A_490 = tpu.matmul %get3A_485, %get3A_488, %dot_general3A_489 {dimension_numbers = #tpu.dot_dimension_numbers<[1], [0], [0], [1], [0, 0, 1, 1], [], []>, transpose_lhs_hint = false} : vector<512x3xf32>, vector<3x64xf32>, vector<512x64xf32> -> vector<512x64xf32>
    %add3A_491 = arith.addf %dot_general3A_490, %dot_general3A_5 : vector<512x64xf32>
    %get3A_492 = arith.constant 0 : index
    %get3A_493 = arith.constant 0 : index
    %get3A_494 = vector.load %arg6[%get3A_492, %get3A_493] : memref<32x64xf32, #tpu.memory_space<vmem>>, vector<32x64xf32>
    %dot_general3A_495 = arith.constant dense<0.000000e+00> : vector<512x64xf32>
    %dot_general3A_496 = tpu.matmul %get3A_480, %get3A_494, %dot_general3A_495 {dimension_numbers = #tpu.dot_dimension_numbers<[1], [0], [0], [1], [0, 0, 1, 1], [], []>, transpose_lhs_hint = false} : vector<512x32xf32>, vector<32x64xf32>, vector<512x64xf32> -> vector<512x64xf32>
    %add3A_497 = arith.addf %dot_general3A_496, %dot_general3A_13 : vector<512x64xf32>
    %mul3A_498 = vector.broadcast %get3A_16 : vector<1x64xf32> to vector<512x64xf32>
    %mul3A_499 = arith.mulf %add3A_491, %mul3A_498 : vector<512x64xf32>
    %add3A_500 = vector.broadcast %get3A_19 : vector<1x64xf32> to vector<512x64xf32>
    %add3A_501 = arith.addf %mul3A_499, %add3A_500 : vector<512x64xf32>
    %max3A_502 = arith.constant 0.000000e+00 : f32
    %max3A_503 = vector.broadcast %max3A_502 : f32 to vector<512x64xf32>
    %max3A_504 = arith.maximumf %add3A_501, %max3A_503 : vector<512x64xf32>
    %mul3A_505 = vector.broadcast %get3A_22 : vector<1x64xf32> to vector<512x64xf32>
    %mul3A_506 = arith.mulf %add3A_497, %mul3A_505 : vector<512x64xf32>
    %add3A_507 = vector.broadcast %get3A_25 : vector<1x64xf32> to vector<512x64xf32>
    %add3A_508 = arith.addf %mul3A_506, %add3A_507 : vector<512x64xf32>
    %max3A_509 = arith.constant 0.000000e+00 : f32
    %max3A_510 = vector.broadcast %max3A_509 : f32 to vector<512x64xf32>
    %max3A_511 = arith.maximumf %add3A_508, %max3A_510 : vector<512x64xf32>
    %get3A_512 = arith.constant 0 : index
    %get3A_513 = arith.constant 0 : index
    %get3A_514 = vector.load %arg8[%get3A_512, %get3A_513] : memref<64x64xf32, #tpu.memory_space<vmem>>, vector<64x64xf32>
    %dot_general3A_515 = arith.constant dense<0.000000e+00> : vector<512x64xf32>
    %dot_general3A_516 = tpu.matmul %max3A_504, %get3A_514, %dot_general3A_515 {dimension_numbers = #tpu.dot_dimension_numbers<[1], [0], [0], [1], [0, 0, 1, 1], [], []>, transpose_lhs_hint = false} : vector<512x64xf32>, vector<64x64xf32>, vector<512x64xf32> -> vector<512x64xf32>
    %get3A_517 = arith.constant 0 : index
    %get3A_518 = arith.constant 0 : index
    %get3A_519 = vector.load %arg9[%get3A_517, %get3A_518] : memref<64x64xf32, #tpu.memory_space<vmem>>, vector<64x64xf32>
    %dot_general3A_520 = arith.constant dense<0.000000e+00> : vector<512x64xf32>
    %dot_general3A_521 = tpu.matmul %max3A_511, %get3A_519, %dot_general3A_520 {dimension_numbers = #tpu.dot_dimension_numbers<[1], [0], [0], [1], [0, 0, 1, 1], [], []>, transpose_lhs_hint = false} : vector<512x64xf32>, vector<64x64xf32>, vector<512x64xf32> -> vector<512x64xf32>
    %add3A_522 = arith.addf %dot_general3A_516, %dot_general3A_521 : vector<512x64xf32>
    %add3A_523 = arith.addf %add3A_473, %add3A_522 : vector<512x64xf32>
    %mul3A_524 = arith.mulf %add3A_522, %add3A_522 : vector<512x64xf32>
    %add3A_525 = arith.addf %add3A_475, %mul3A_524 : vector<512x64xf32>
    %get3A_526 = arith.constant 10 : index
    %get3A_527 = arith.constant 0 : index
    %get3A_528 = arith.constant 0 : index
    %get3A_529 = vector.load %arg1[%get3A_526, %get3A_527, %get3A_528] : memref<16x512x48xf32, #tpu.memory_space<vmem>>, vector<1x512x32xf32>
    %get3A_530 = vector.shape_cast %get3A_529 : vector<1x512x32xf32> to vector<512x32xf32>
    %get3A_531 = arith.constant 10 : index
    %get3A_532 = arith.constant 0 : index
    %get3A_533 = arith.constant 32 : index
    %get3A_534 = vector.load %arg1[%get3A_531, %get3A_532, %get3A_533] : memref<16x512x48xf32, #tpu.memory_space<vmem>>, vector<1x512x3xf32>
    %get3A_535 = vector.shape_cast %get3A_534 : vector<1x512x3xf32> to vector<512x3xf32>
    %get3A_536 = arith.constant 0 : index
    %get3A_537 = arith.constant 0 : index
    %get3A_538 = vector.load %arg4[%get3A_536, %get3A_537] : memref<3x64xf32, #tpu.memory_space<vmem>>, vector<3x64xf32>
    %dot_general3A_539 = arith.constant dense<0.000000e+00> : vector<512x64xf32>
    %dot_general3A_540 = tpu.matmul %get3A_535, %get3A_538, %dot_general3A_539 {dimension_numbers = #tpu.dot_dimension_numbers<[1], [0], [0], [1], [0, 0, 1, 1], [], []>, transpose_lhs_hint = false} : vector<512x3xf32>, vector<3x64xf32>, vector<512x64xf32> -> vector<512x64xf32>
    %add3A_541 = arith.addf %dot_general3A_540, %dot_general3A_5 : vector<512x64xf32>
    %get3A_542 = arith.constant 0 : index
    %get3A_543 = arith.constant 0 : index
    %get3A_544 = vector.load %arg6[%get3A_542, %get3A_543] : memref<32x64xf32, #tpu.memory_space<vmem>>, vector<32x64xf32>
    %dot_general3A_545 = arith.constant dense<0.000000e+00> : vector<512x64xf32>
    %dot_general3A_546 = tpu.matmul %get3A_530, %get3A_544, %dot_general3A_545 {dimension_numbers = #tpu.dot_dimension_numbers<[1], [0], [0], [1], [0, 0, 1, 1], [], []>, transpose_lhs_hint = false} : vector<512x32xf32>, vector<32x64xf32>, vector<512x64xf32> -> vector<512x64xf32>
    %add3A_547 = arith.addf %dot_general3A_546, %dot_general3A_13 : vector<512x64xf32>
    %mul3A_548 = vector.broadcast %get3A_16 : vector<1x64xf32> to vector<512x64xf32>
    %mul3A_549 = arith.mulf %add3A_541, %mul3A_548 : vector<512x64xf32>
    %add3A_550 = vector.broadcast %get3A_19 : vector<1x64xf32> to vector<512x64xf32>
    %add3A_551 = arith.addf %mul3A_549, %add3A_550 : vector<512x64xf32>
    %max3A_552 = arith.constant 0.000000e+00 : f32
    %max3A_553 = vector.broadcast %max3A_552 : f32 to vector<512x64xf32>
    %max3A_554 = arith.maximumf %add3A_551, %max3A_553 : vector<512x64xf32>
    %mul3A_555 = vector.broadcast %get3A_22 : vector<1x64xf32> to vector<512x64xf32>
    %mul3A_556 = arith.mulf %add3A_547, %mul3A_555 : vector<512x64xf32>
    %add3A_557 = vector.broadcast %get3A_25 : vector<1x64xf32> to vector<512x64xf32>
    %add3A_558 = arith.addf %mul3A_556, %add3A_557 : vector<512x64xf32>
    %max3A_559 = arith.constant 0.000000e+00 : f32
    %max3A_560 = vector.broadcast %max3A_559 : f32 to vector<512x64xf32>
    %max3A_561 = arith.maximumf %add3A_558, %max3A_560 : vector<512x64xf32>
    %get3A_562 = arith.constant 0 : index
    %get3A_563 = arith.constant 0 : index
    %get3A_564 = vector.load %arg8[%get3A_562, %get3A_563] : memref<64x64xf32, #tpu.memory_space<vmem>>, vector<64x64xf32>
    %dot_general3A_565 = arith.constant dense<0.000000e+00> : vector<512x64xf32>
    %dot_general3A_566 = tpu.matmul %max3A_554, %get3A_564, %dot_general3A_565 {dimension_numbers = #tpu.dot_dimension_numbers<[1], [0], [0], [1], [0, 0, 1, 1], [], []>, transpose_lhs_hint = false} : vector<512x64xf32>, vector<64x64xf32>, vector<512x64xf32> -> vector<512x64xf32>
    %get3A_567 = arith.constant 0 : index
    %get3A_568 = arith.constant 0 : index
    %get3A_569 = vector.load %arg9[%get3A_567, %get3A_568] : memref<64x64xf32, #tpu.memory_space<vmem>>, vector<64x64xf32>
    %dot_general3A_570 = arith.constant dense<0.000000e+00> : vector<512x64xf32>
    %dot_general3A_571 = tpu.matmul %max3A_561, %get3A_569, %dot_general3A_570 {dimension_numbers = #tpu.dot_dimension_numbers<[1], [0], [0], [1], [0, 0, 1, 1], [], []>, transpose_lhs_hint = false} : vector<512x64xf32>, vector<64x64xf32>, vector<512x64xf32> -> vector<512x64xf32>
    %add3A_572 = arith.addf %dot_general3A_566, %dot_general3A_571 : vector<512x64xf32>
    %add3A_573 = arith.addf %add3A_523, %add3A_572 : vector<512x64xf32>
    %mul3A_574 = arith.mulf %add3A_572, %add3A_572 : vector<512x64xf32>
    %add3A_575 = arith.addf %add3A_525, %mul3A_574 : vector<512x64xf32>
    %get3A_576 = arith.constant 11 : index
    %get3A_577 = arith.constant 0 : index
    %get3A_578 = arith.constant 0 : index
    %get3A_579 = vector.load %arg1[%get3A_576, %get3A_577, %get3A_578] : memref<16x512x48xf32, #tpu.memory_space<vmem>>, vector<1x512x32xf32>
    %get3A_580 = vector.shape_cast %get3A_579 : vector<1x512x32xf32> to vector<512x32xf32>
    %get3A_581 = arith.constant 11 : index
    %get3A_582 = arith.constant 0 : index
    %get3A_583 = arith.constant 32 : index
    %get3A_584 = vector.load %arg1[%get3A_581, %get3A_582, %get3A_583] : memref<16x512x48xf32, #tpu.memory_space<vmem>>, vector<1x512x3xf32>
    %get3A_585 = vector.shape_cast %get3A_584 : vector<1x512x3xf32> to vector<512x3xf32>
    %get3A_586 = arith.constant 0 : index
    %get3A_587 = arith.constant 0 : index
    %get3A_588 = vector.load %arg4[%get3A_586, %get3A_587] : memref<3x64xf32, #tpu.memory_space<vmem>>, vector<3x64xf32>
    %dot_general3A_589 = arith.constant dense<0.000000e+00> : vector<512x64xf32>
    %dot_general3A_590 = tpu.matmul %get3A_585, %get3A_588, %dot_general3A_589 {dimension_numbers = #tpu.dot_dimension_numbers<[1], [0], [0], [1], [0, 0, 1, 1], [], []>, transpose_lhs_hint = false} : vector<512x3xf32>, vector<3x64xf32>, vector<512x64xf32> -> vector<512x64xf32>
    %add3A_591 = arith.addf %dot_general3A_590, %dot_general3A_5 : vector<512x64xf32>
    %get3A_592 = arith.constant 0 : index
    %get3A_593 = arith.constant 0 : index
    %get3A_594 = vector.load %arg6[%get3A_592, %get3A_593] : memref<32x64xf32, #tpu.memory_space<vmem>>, vector<32x64xf32>
    %dot_general3A_595 = arith.constant dense<0.000000e+00> : vector<512x64xf32>
    %dot_general3A_596 = tpu.matmul %get3A_580, %get3A_594, %dot_general3A_595 {dimension_numbers = #tpu.dot_dimension_numbers<[1], [0], [0], [1], [0, 0, 1, 1], [], []>, transpose_lhs_hint = false} : vector<512x32xf32>, vector<32x64xf32>, vector<512x64xf32> -> vector<512x64xf32>
    %add3A_597 = arith.addf %dot_general3A_596, %dot_general3A_13 : vector<512x64xf32>
    %mul3A_598 = vector.broadcast %get3A_16 : vector<1x64xf32> to vector<512x64xf32>
    %mul3A_599 = arith.mulf %add3A_591, %mul3A_598 : vector<512x64xf32>
    %add3A_600 = vector.broadcast %get3A_19 : vector<1x64xf32> to vector<512x64xf32>
    %add3A_601 = arith.addf %mul3A_599, %add3A_600 : vector<512x64xf32>
    %max3A_602 = arith.constant 0.000000e+00 : f32
    %max3A_603 = vector.broadcast %max3A_602 : f32 to vector<512x64xf32>
    %max3A_604 = arith.maximumf %add3A_601, %max3A_603 : vector<512x64xf32>
    %mul3A_605 = vector.broadcast %get3A_22 : vector<1x64xf32> to vector<512x64xf32>
    %mul3A_606 = arith.mulf %add3A_597, %mul3A_605 : vector<512x64xf32>
    %add3A_607 = vector.broadcast %get3A_25 : vector<1x64xf32> to vector<512x64xf32>
    %add3A_608 = arith.addf %mul3A_606, %add3A_607 : vector<512x64xf32>
    %max3A_609 = arith.constant 0.000000e+00 : f32
    %max3A_610 = vector.broadcast %max3A_609 : f32 to vector<512x64xf32>
    %max3A_611 = arith.maximumf %add3A_608, %max3A_610 : vector<512x64xf32>
    %get3A_612 = arith.constant 0 : index
    %get3A_613 = arith.constant 0 : index
    %get3A_614 = vector.load %arg8[%get3A_612, %get3A_613] : memref<64x64xf32, #tpu.memory_space<vmem>>, vector<64x64xf32>
    %dot_general3A_615 = arith.constant dense<0.000000e+00> : vector<512x64xf32>
    %dot_general3A_616 = tpu.matmul %max3A_604, %get3A_614, %dot_general3A_615 {dimension_numbers = #tpu.dot_dimension_numbers<[1], [0], [0], [1], [0, 0, 1, 1], [], []>, transpose_lhs_hint = false} : vector<512x64xf32>, vector<64x64xf32>, vector<512x64xf32> -> vector<512x64xf32>
    %get3A_617 = arith.constant 0 : index
    %get3A_618 = arith.constant 0 : index
    %get3A_619 = vector.load %arg9[%get3A_617, %get3A_618] : memref<64x64xf32, #tpu.memory_space<vmem>>, vector<64x64xf32>
    %dot_general3A_620 = arith.constant dense<0.000000e+00> : vector<512x64xf32>
    %dot_general3A_621 = tpu.matmul %max3A_611, %get3A_619, %dot_general3A_620 {dimension_numbers = #tpu.dot_dimension_numbers<[1], [0], [0], [1], [0, 0, 1, 1], [], []>, transpose_lhs_hint = false} : vector<512x64xf32>, vector<64x64xf32>, vector<512x64xf32> -> vector<512x64xf32>
    %add3A_622 = arith.addf %dot_general3A_616, %dot_general3A_621 : vector<512x64xf32>
    %add3A_623 = arith.addf %add3A_573, %add3A_622 : vector<512x64xf32>
    %mul3A_624 = arith.mulf %add3A_622, %add3A_622 : vector<512x64xf32>
    %add3A_625 = arith.addf %add3A_575, %mul3A_624 : vector<512x64xf32>
    %get3A_626 = arith.constant 12 : index
    %get3A_627 = arith.constant 0 : index
    %get3A_628 = arith.constant 0 : index
    %get3A_629 = vector.load %arg1[%get3A_626, %get3A_627, %get3A_628] : memref<16x512x48xf32, #tpu.memory_space<vmem>>, vector<1x512x32xf32>
    %get3A_630 = vector.shape_cast %get3A_629 : vector<1x512x32xf32> to vector<512x32xf32>
    %get3A_631 = arith.constant 12 : index
    %get3A_632 = arith.constant 0 : index
    %get3A_633 = arith.constant 32 : index
    %get3A_634 = vector.load %arg1[%get3A_631, %get3A_632, %get3A_633] : memref<16x512x48xf32, #tpu.memory_space<vmem>>, vector<1x512x3xf32>
    %get3A_635 = vector.shape_cast %get3A_634 : vector<1x512x3xf32> to vector<512x3xf32>
    %get3A_636 = arith.constant 0 : index
    %get3A_637 = arith.constant 0 : index
    %get3A_638 = vector.load %arg4[%get3A_636, %get3A_637] : memref<3x64xf32, #tpu.memory_space<vmem>>, vector<3x64xf32>
    %dot_general3A_639 = arith.constant dense<0.000000e+00> : vector<512x64xf32>
    %dot_general3A_640 = tpu.matmul %get3A_635, %get3A_638, %dot_general3A_639 {dimension_numbers = #tpu.dot_dimension_numbers<[1], [0], [0], [1], [0, 0, 1, 1], [], []>, transpose_lhs_hint = false} : vector<512x3xf32>, vector<3x64xf32>, vector<512x64xf32> -> vector<512x64xf32>
    %add3A_641 = arith.addf %dot_general3A_640, %dot_general3A_5 : vector<512x64xf32>
    %get3A_642 = arith.constant 0 : index
    %get3A_643 = arith.constant 0 : index
    %get3A_644 = vector.load %arg6[%get3A_642, %get3A_643] : memref<32x64xf32, #tpu.memory_space<vmem>>, vector<32x64xf32>
    %dot_general3A_645 = arith.constant dense<0.000000e+00> : vector<512x64xf32>
    %dot_general3A_646 = tpu.matmul %get3A_630, %get3A_644, %dot_general3A_645 {dimension_numbers = #tpu.dot_dimension_numbers<[1], [0], [0], [1], [0, 0, 1, 1], [], []>, transpose_lhs_hint = false} : vector<512x32xf32>, vector<32x64xf32>, vector<512x64xf32> -> vector<512x64xf32>
    %add3A_647 = arith.addf %dot_general3A_646, %dot_general3A_13 : vector<512x64xf32>
    %mul3A_648 = vector.broadcast %get3A_16 : vector<1x64xf32> to vector<512x64xf32>
    %mul3A_649 = arith.mulf %add3A_641, %mul3A_648 : vector<512x64xf32>
    %add3A_650 = vector.broadcast %get3A_19 : vector<1x64xf32> to vector<512x64xf32>
    %add3A_651 = arith.addf %mul3A_649, %add3A_650 : vector<512x64xf32>
    %max3A_652 = arith.constant 0.000000e+00 : f32
    %max3A_653 = vector.broadcast %max3A_652 : f32 to vector<512x64xf32>
    %max3A_654 = arith.maximumf %add3A_651, %max3A_653 : vector<512x64xf32>
    %mul3A_655 = vector.broadcast %get3A_22 : vector<1x64xf32> to vector<512x64xf32>
    %mul3A_656 = arith.mulf %add3A_647, %mul3A_655 : vector<512x64xf32>
    %add3A_657 = vector.broadcast %get3A_25 : vector<1x64xf32> to vector<512x64xf32>
    %add3A_658 = arith.addf %mul3A_656, %add3A_657 : vector<512x64xf32>
    %max3A_659 = arith.constant 0.000000e+00 : f32
    %max3A_660 = vector.broadcast %max3A_659 : f32 to vector<512x64xf32>
    %max3A_661 = arith.maximumf %add3A_658, %max3A_660 : vector<512x64xf32>
    %get3A_662 = arith.constant 0 : index
    %get3A_663 = arith.constant 0 : index
    %get3A_664 = vector.load %arg8[%get3A_662, %get3A_663] : memref<64x64xf32, #tpu.memory_space<vmem>>, vector<64x64xf32>
    %dot_general3A_665 = arith.constant dense<0.000000e+00> : vector<512x64xf32>
    %dot_general3A_666 = tpu.matmul %max3A_654, %get3A_664, %dot_general3A_665 {dimension_numbers = #tpu.dot_dimension_numbers<[1], [0], [0], [1], [0, 0, 1, 1], [], []>, transpose_lhs_hint = false} : vector<512x64xf32>, vector<64x64xf32>, vector<512x64xf32> -> vector<512x64xf32>
    %get3A_667 = arith.constant 0 : index
    %get3A_668 = arith.constant 0 : index
    %get3A_669 = vector.load %arg9[%get3A_667, %get3A_668] : memref<64x64xf32, #tpu.memory_space<vmem>>, vector<64x64xf32>
    %dot_general3A_670 = arith.constant dense<0.000000e+00> : vector<512x64xf32>
    %dot_general3A_671 = tpu.matmul %max3A_661, %get3A_669, %dot_general3A_670 {dimension_numbers = #tpu.dot_dimension_numbers<[1], [0], [0], [1], [0, 0, 1, 1], [], []>, transpose_lhs_hint = false} : vector<512x64xf32>, vector<64x64xf32>, vector<512x64xf32> -> vector<512x64xf32>
    %add3A_672 = arith.addf %dot_general3A_666, %dot_general3A_671 : vector<512x64xf32>
    %add3A_673 = arith.addf %add3A_623, %add3A_672 : vector<512x64xf32>
    %mul3A_674 = arith.mulf %add3A_672, %add3A_672 : vector<512x64xf32>
    %add3A_675 = arith.addf %add3A_625, %mul3A_674 : vector<512x64xf32>
    %get3A_676 = arith.constant 13 : index
    %get3A_677 = arith.constant 0 : index
    %get3A_678 = arith.constant 0 : index
    %get3A_679 = vector.load %arg1[%get3A_676, %get3A_677, %get3A_678] : memref<16x512x48xf32, #tpu.memory_space<vmem>>, vector<1x512x32xf32>
    %get3A_680 = vector.shape_cast %get3A_679 : vector<1x512x32xf32> to vector<512x32xf32>
    %get3A_681 = arith.constant 13 : index
    %get3A_682 = arith.constant 0 : index
    %get3A_683 = arith.constant 32 : index
    %get3A_684 = vector.load %arg1[%get3A_681, %get3A_682, %get3A_683] : memref<16x512x48xf32, #tpu.memory_space<vmem>>, vector<1x512x3xf32>
    %get3A_685 = vector.shape_cast %get3A_684 : vector<1x512x3xf32> to vector<512x3xf32>
    %get3A_686 = arith.constant 0 : index
    %get3A_687 = arith.constant 0 : index
    %get3A_688 = vector.load %arg4[%get3A_686, %get3A_687] : memref<3x64xf32, #tpu.memory_space<vmem>>, vector<3x64xf32>
    %dot_general3A_689 = arith.constant dense<0.000000e+00> : vector<512x64xf32>
    %dot_general3A_690 = tpu.matmul %get3A_685, %get3A_688, %dot_general3A_689 {dimension_numbers = #tpu.dot_dimension_numbers<[1], [0], [0], [1], [0, 0, 1, 1], [], []>, transpose_lhs_hint = false} : vector<512x3xf32>, vector<3x64xf32>, vector<512x64xf32> -> vector<512x64xf32>
    %add3A_691 = arith.addf %dot_general3A_690, %dot_general3A_5 : vector<512x64xf32>
    %get3A_692 = arith.constant 0 : index
    %get3A_693 = arith.constant 0 : index
    %get3A_694 = vector.load %arg6[%get3A_692, %get3A_693] : memref<32x64xf32, #tpu.memory_space<vmem>>, vector<32x64xf32>
    %dot_general3A_695 = arith.constant dense<0.000000e+00> : vector<512x64xf32>
    %dot_general3A_696 = tpu.matmul %get3A_680, %get3A_694, %dot_general3A_695 {dimension_numbers = #tpu.dot_dimension_numbers<[1], [0], [0], [1], [0, 0, 1, 1], [], []>, transpose_lhs_hint = false} : vector<512x32xf32>, vector<32x64xf32>, vector<512x64xf32> -> vector<512x64xf32>
    %add3A_697 = arith.addf %dot_general3A_696, %dot_general3A_13 : vector<512x64xf32>
    %mul3A_698 = vector.broadcast %get3A_16 : vector<1x64xf32> to vector<512x64xf32>
    %mul3A_699 = arith.mulf %add3A_691, %mul3A_698 : vector<512x64xf32>
    %add3A_700 = vector.broadcast %get3A_19 : vector<1x64xf32> to vector<512x64xf32>
    %add3A_701 = arith.addf %mul3A_699, %add3A_700 : vector<512x64xf32>
    %max3A_702 = arith.constant 0.000000e+00 : f32
    %max3A_703 = vector.broadcast %max3A_702 : f32 to vector<512x64xf32>
    %max3A_704 = arith.maximumf %add3A_701, %max3A_703 : vector<512x64xf32>
    %mul3A_705 = vector.broadcast %get3A_22 : vector<1x64xf32> to vector<512x64xf32>
    %mul3A_706 = arith.mulf %add3A_697, %mul3A_705 : vector<512x64xf32>
    %add3A_707 = vector.broadcast %get3A_25 : vector<1x64xf32> to vector<512x64xf32>
    %add3A_708 = arith.addf %mul3A_706, %add3A_707 : vector<512x64xf32>
    %max3A_709 = arith.constant 0.000000e+00 : f32
    %max3A_710 = vector.broadcast %max3A_709 : f32 to vector<512x64xf32>
    %max3A_711 = arith.maximumf %add3A_708, %max3A_710 : vector<512x64xf32>
    %get3A_712 = arith.constant 0 : index
    %get3A_713 = arith.constant 0 : index
    %get3A_714 = vector.load %arg8[%get3A_712, %get3A_713] : memref<64x64xf32, #tpu.memory_space<vmem>>, vector<64x64xf32>
    %dot_general3A_715 = arith.constant dense<0.000000e+00> : vector<512x64xf32>
    %dot_general3A_716 = tpu.matmul %max3A_704, %get3A_714, %dot_general3A_715 {dimension_numbers = #tpu.dot_dimension_numbers<[1], [0], [0], [1], [0, 0, 1, 1], [], []>, transpose_lhs_hint = false} : vector<512x64xf32>, vector<64x64xf32>, vector<512x64xf32> -> vector<512x64xf32>
    %get3A_717 = arith.constant 0 : index
    %get3A_718 = arith.constant 0 : index
    %get3A_719 = vector.load %arg9[%get3A_717, %get3A_718] : memref<64x64xf32, #tpu.memory_space<vmem>>, vector<64x64xf32>
    %dot_general3A_720 = arith.constant dense<0.000000e+00> : vector<512x64xf32>
    %dot_general3A_721 = tpu.matmul %max3A_711, %get3A_719, %dot_general3A_720 {dimension_numbers = #tpu.dot_dimension_numbers<[1], [0], [0], [1], [0, 0, 1, 1], [], []>, transpose_lhs_hint = false} : vector<512x64xf32>, vector<64x64xf32>, vector<512x64xf32> -> vector<512x64xf32>
    %add3A_722 = arith.addf %dot_general3A_716, %dot_general3A_721 : vector<512x64xf32>
    %add3A_723 = arith.addf %add3A_673, %add3A_722 : vector<512x64xf32>
    %mul3A_724 = arith.mulf %add3A_722, %add3A_722 : vector<512x64xf32>
    %add3A_725 = arith.addf %add3A_675, %mul3A_724 : vector<512x64xf32>
    %get3A_726 = arith.constant 14 : index
    %get3A_727 = arith.constant 0 : index
    %get3A_728 = arith.constant 0 : index
    %get3A_729 = vector.load %arg1[%get3A_726, %get3A_727, %get3A_728] : memref<16x512x48xf32, #tpu.memory_space<vmem>>, vector<1x512x32xf32>
    %get3A_730 = vector.shape_cast %get3A_729 : vector<1x512x32xf32> to vector<512x32xf32>
    %get3A_731 = arith.constant 14 : index
    %get3A_732 = arith.constant 0 : index
    %get3A_733 = arith.constant 32 : index
    %get3A_734 = vector.load %arg1[%get3A_731, %get3A_732, %get3A_733] : memref<16x512x48xf32, #tpu.memory_space<vmem>>, vector<1x512x3xf32>
    %get3A_735 = vector.shape_cast %get3A_734 : vector<1x512x3xf32> to vector<512x3xf32>
    %get3A_736 = arith.constant 0 : index
    %get3A_737 = arith.constant 0 : index
    %get3A_738 = vector.load %arg4[%get3A_736, %get3A_737] : memref<3x64xf32, #tpu.memory_space<vmem>>, vector<3x64xf32>
    %dot_general3A_739 = arith.constant dense<0.000000e+00> : vector<512x64xf32>
    %dot_general3A_740 = tpu.matmul %get3A_735, %get3A_738, %dot_general3A_739 {dimension_numbers = #tpu.dot_dimension_numbers<[1], [0], [0], [1], [0, 0, 1, 1], [], []>, transpose_lhs_hint = false} : vector<512x3xf32>, vector<3x64xf32>, vector<512x64xf32> -> vector<512x64xf32>
    %add3A_741 = arith.addf %dot_general3A_740, %dot_general3A_5 : vector<512x64xf32>
    %get3A_742 = arith.constant 0 : index
    %get3A_743 = arith.constant 0 : index
    %get3A_744 = vector.load %arg6[%get3A_742, %get3A_743] : memref<32x64xf32, #tpu.memory_space<vmem>>, vector<32x64xf32>
    %dot_general3A_745 = arith.constant dense<0.000000e+00> : vector<512x64xf32>
    %dot_general3A_746 = tpu.matmul %get3A_730, %get3A_744, %dot_general3A_745 {dimension_numbers = #tpu.dot_dimension_numbers<[1], [0], [0], [1], [0, 0, 1, 1], [], []>, transpose_lhs_hint = false} : vector<512x32xf32>, vector<32x64xf32>, vector<512x64xf32> -> vector<512x64xf32>
    %add3A_747 = arith.addf %dot_general3A_746, %dot_general3A_13 : vector<512x64xf32>
    %mul3A_748 = vector.broadcast %get3A_16 : vector<1x64xf32> to vector<512x64xf32>
    %mul3A_749 = arith.mulf %add3A_741, %mul3A_748 : vector<512x64xf32>
    %add3A_750 = vector.broadcast %get3A_19 : vector<1x64xf32> to vector<512x64xf32>
    %add3A_751 = arith.addf %mul3A_749, %add3A_750 : vector<512x64xf32>
    %max3A_752 = arith.constant 0.000000e+00 : f32
    %max3A_753 = vector.broadcast %max3A_752 : f32 to vector<512x64xf32>
    %max3A_754 = arith.maximumf %add3A_751, %max3A_753 : vector<512x64xf32>
    %mul3A_755 = vector.broadcast %get3A_22 : vector<1x64xf32> to vector<512x64xf32>
    %mul3A_756 = arith.mulf %add3A_747, %mul3A_755 : vector<512x64xf32>
    %add3A_757 = vector.broadcast %get3A_25 : vector<1x64xf32> to vector<512x64xf32>
    %add3A_758 = arith.addf %mul3A_756, %add3A_757 : vector<512x64xf32>
    %max3A_759 = arith.constant 0.000000e+00 : f32
    %max3A_760 = vector.broadcast %max3A_759 : f32 to vector<512x64xf32>
    %max3A_761 = arith.maximumf %add3A_758, %max3A_760 : vector<512x64xf32>
    %get3A_762 = arith.constant 0 : index
    %get3A_763 = arith.constant 0 : index
    %get3A_764 = vector.load %arg8[%get3A_762, %get3A_763] : memref<64x64xf32, #tpu.memory_space<vmem>>, vector<64x64xf32>
    %dot_general3A_765 = arith.constant dense<0.000000e+00> : vector<512x64xf32>
    %dot_general3A_766 = tpu.matmul %max3A_754, %get3A_764, %dot_general3A_765 {dimension_numbers = #tpu.dot_dimension_numbers<[1], [0], [0], [1], [0, 0, 1, 1], [], []>, transpose_lhs_hint = false} : vector<512x64xf32>, vector<64x64xf32>, vector<512x64xf32> -> vector<512x64xf32>
    %get3A_767 = arith.constant 0 : index
    %get3A_768 = arith.constant 0 : index
    %get3A_769 = vector.load %arg9[%get3A_767, %get3A_768] : memref<64x64xf32, #tpu.memory_space<vmem>>, vector<64x64xf32>
    %dot_general3A_770 = arith.constant dense<0.000000e+00> : vector<512x64xf32>
    %dot_general3A_771 = tpu.matmul %max3A_761, %get3A_769, %dot_general3A_770 {dimension_numbers = #tpu.dot_dimension_numbers<[1], [0], [0], [1], [0, 0, 1, 1], [], []>, transpose_lhs_hint = false} : vector<512x64xf32>, vector<64x64xf32>, vector<512x64xf32> -> vector<512x64xf32>
    %add3A_772 = arith.addf %dot_general3A_766, %dot_general3A_771 : vector<512x64xf32>
    %add3A_773 = arith.addf %add3A_723, %add3A_772 : vector<512x64xf32>
    %mul3A_774 = arith.mulf %add3A_772, %add3A_772 : vector<512x64xf32>
    %add3A_775 = arith.addf %add3A_725, %mul3A_774 : vector<512x64xf32>
    %get3A_776 = arith.constant 15 : index
    %get3A_777 = arith.constant 0 : index
    %get3A_778 = arith.constant 0 : index
    %get3A_779 = vector.load %arg1[%get3A_776, %get3A_777, %get3A_778] : memref<16x512x48xf32, #tpu.memory_space<vmem>>, vector<1x512x32xf32>
    %get3A_780 = vector.shape_cast %get3A_779 : vector<1x512x32xf32> to vector<512x32xf32>
    %get3A_781 = arith.constant 15 : index
    %get3A_782 = arith.constant 0 : index
    %get3A_783 = arith.constant 32 : index
    %get3A_784 = vector.load %arg1[%get3A_781, %get3A_782, %get3A_783] : memref<16x512x48xf32, #tpu.memory_space<vmem>>, vector<1x512x3xf32>
    %get3A_785 = vector.shape_cast %get3A_784 : vector<1x512x3xf32> to vector<512x3xf32>
    %get3A_786 = arith.constant 0 : index
    %get3A_787 = arith.constant 0 : index
    %get3A_788 = vector.load %arg4[%get3A_786, %get3A_787] : memref<3x64xf32, #tpu.memory_space<vmem>>, vector<3x64xf32>
    %dot_general3A_789 = arith.constant dense<0.000000e+00> : vector<512x64xf32>
    %dot_general3A_790 = tpu.matmul %get3A_785, %get3A_788, %dot_general3A_789 {dimension_numbers = #tpu.dot_dimension_numbers<[1], [0], [0], [1], [0, 0, 1, 1], [], []>, transpose_lhs_hint = false} : vector<512x3xf32>, vector<3x64xf32>, vector<512x64xf32> -> vector<512x64xf32>
    %add3A_791 = arith.addf %dot_general3A_790, %dot_general3A_5 : vector<512x64xf32>
    %get3A_792 = arith.constant 0 : index
    %get3A_793 = arith.constant 0 : index
    %get3A_794 = vector.load %arg6[%get3A_792, %get3A_793] : memref<32x64xf32, #tpu.memory_space<vmem>>, vector<32x64xf32>
    %dot_general3A_795 = arith.constant dense<0.000000e+00> : vector<512x64xf32>
    %dot_general3A_796 = tpu.matmul %get3A_780, %get3A_794, %dot_general3A_795 {dimension_numbers = #tpu.dot_dimension_numbers<[1], [0], [0], [1], [0, 0, 1, 1], [], []>, transpose_lhs_hint = false} : vector<512x32xf32>, vector<32x64xf32>, vector<512x64xf32> -> vector<512x64xf32>
    %add3A_797 = arith.addf %dot_general3A_796, %dot_general3A_13 : vector<512x64xf32>
    %mul3A_798 = vector.broadcast %get3A_16 : vector<1x64xf32> to vector<512x64xf32>
    %mul3A_799 = arith.mulf %add3A_791, %mul3A_798 : vector<512x64xf32>
    %add3A_800 = vector.broadcast %get3A_19 : vector<1x64xf32> to vector<512x64xf32>
    %add3A_801 = arith.addf %mul3A_799, %add3A_800 : vector<512x64xf32>
    %max3A_802 = arith.constant 0.000000e+00 : f32
    %max3A_803 = vector.broadcast %max3A_802 : f32 to vector<512x64xf32>
    %max3A_804 = arith.maximumf %add3A_801, %max3A_803 : vector<512x64xf32>
    %mul3A_805 = vector.broadcast %get3A_22 : vector<1x64xf32> to vector<512x64xf32>
    %mul3A_806 = arith.mulf %add3A_797, %mul3A_805 : vector<512x64xf32>
    %add3A_807 = vector.broadcast %get3A_25 : vector<1x64xf32> to vector<512x64xf32>
    %add3A_808 = arith.addf %mul3A_806, %add3A_807 : vector<512x64xf32>
    %max3A_809 = arith.constant 0.000000e+00 : f32
    %max3A_810 = vector.broadcast %max3A_809 : f32 to vector<512x64xf32>
    %max3A_811 = arith.maximumf %add3A_808, %max3A_810 : vector<512x64xf32>
    %get3A_812 = arith.constant 0 : index
    %get3A_813 = arith.constant 0 : index
    %get3A_814 = vector.load %arg8[%get3A_812, %get3A_813] : memref<64x64xf32, #tpu.memory_space<vmem>>, vector<64x64xf32>
    %dot_general3A_815 = arith.constant dense<0.000000e+00> : vector<512x64xf32>
    %dot_general3A_816 = tpu.matmul %max3A_804, %get3A_814, %dot_general3A_815 {dimension_numbers = #tpu.dot_dimension_numbers<[1], [0], [0], [1], [0, 0, 1, 1], [], []>, transpose_lhs_hint = false} : vector<512x64xf32>, vector<64x64xf32>, vector<512x64xf32> -> vector<512x64xf32>
    %get3A_817 = arith.constant 0 : index
    %get3A_818 = arith.constant 0 : index
    %get3A_819 = vector.load %arg9[%get3A_817, %get3A_818] : memref<64x64xf32, #tpu.memory_space<vmem>>, vector<64x64xf32>
    %dot_general3A_820 = arith.constant dense<0.000000e+00> : vector<512x64xf32>
    %dot_general3A_821 = tpu.matmul %max3A_811, %get3A_819, %dot_general3A_820 {dimension_numbers = #tpu.dot_dimension_numbers<[1], [0], [0], [1], [0, 0, 1, 1], [], []>, transpose_lhs_hint = false} : vector<512x64xf32>, vector<64x64xf32>, vector<512x64xf32> -> vector<512x64xf32>
    %add3A_822 = arith.addf %dot_general3A_816, %dot_general3A_821 : vector<512x64xf32>
    %add3A_823 = arith.addf %add3A_773, %add3A_822 : vector<512x64xf32>
    %mul3A_824 = arith.mulf %add3A_822, %add3A_822 : vector<512x64xf32>
    %add3A_825 = arith.addf %add3A_775, %mul3A_824 : vector<512x64xf32>
    %reduce_sum3A = arith.constant dense<0.000000e+00> : vector<64xf32>
    %reduce_sum3A_826 = vector.multi_reduction <add>, %add3A_823, %reduce_sum3A [0] : vector<512x64xf32> to vector<64xf32>
    %broadcast_in_dim3A_827 = vector.shape_cast %reduce_sum3A_826 : vector<64xf32> to vector<1x64xf32>
    %reduce_sum3A_828 = arith.constant dense<0.000000e+00> : vector<64xf32>
    %reduce_sum3A_829 = vector.multi_reduction <add>, %add3A_825, %reduce_sum3A_828 [0] : vector<512x64xf32> to vector<64xf32>
    %broadcast_in_dim3A_830 = vector.shape_cast %reduce_sum3A_829 : vector<64xf32> to vector<1x64xf32>
    %concatenate3A = tpu.concatenate %broadcast_in_dim3A_827, %broadcast_in_dim3A_830 in 0 : vector<1x64xf32>, vector<1x64xf32> -> vector<2x64xf32>
    %eq3A = arith.constant 0 : i32
    %eq3A_831 = arith.cmpi eq, %arg0, %eq3A : i32
    %convert_element_type3A = arith.extui %eq3A_831 : i1 to i32
    %cond3A = arith.constant 0 : i32
    %cond3A_832 = arith.cmpi ne, %convert_element_type3A, %cond3A : i32
    scf.if %cond3A_832 {
      %broadcast_in_dim3A_839 = arith.constant 0.000000e+00 : f32
      %broadcast_in_dim3A_840 = vector.broadcast %broadcast_in_dim3A_839 : f32 to vector<8x64xf32>
      %swap3A_841 = arith.constant 0 : index
      %swap3A_842 = arith.constant 0 : index
      %swap3A_843 = vector.load %arg11[%swap3A_841, %swap3A_842] : memref<8x64xf32, #tpu.memory_space<vmem>>, vector<8x64xf32>
      tpu.vector_store %arg11[%swap3A_841, %swap3A_842], %broadcast_in_dim3A_840 {strides = array<i32>} : memref<8x64xf32, #tpu.memory_space<vmem>>, vector<8x64xf32>,
    } else {
    }
    %get3A_833 = arith.constant 0 : index
    %get3A_834 = arith.constant 0 : index
    %get3A_835 = vector.load %arg11[%get3A_833, %get3A_834] : memref<8x64xf32, #tpu.memory_space<vmem>>, vector<2x64xf32>
    %add3A_836 = arith.addf %get3A_835, %concatenate3A : vector<2x64xf32>
    %swap3A = arith.constant 0 : index
    %swap3A_837 = arith.constant 0 : index
    %swap3A_838 = vector.load %arg11[%swap3A, %swap3A_837] : memref<8x64xf32, #tpu.memory_space<vmem>>, vector<2x64xf32>
    tpu.vector_store %arg11[%swap3A, %swap3A_837], %add3A_836 {strides = array<i32>} : memref<8x64xf32, #tpu.memory_space<vmem>>, vector<2x64xf32>,
    return
  }
  func.func @transform_0(%arg0: i32) -> (i32, i32, i32) {
    %c0_i32 = arith.constant 0 : i32
    %c0_i32_0 = arith.constant 0 : i32
    %c0_i32_1 = arith.constant 0 : i32
    return %c0_i32, %arg0, %c0_i32_0 : i32, i32, i32
  }
  func.func @transform_1(%arg0: i32) -> (i32, i32) {
    %c0_i32 = arith.constant 0 : i32
    %c0_i32_0 = arith.constant 0 : i32
    return %arg0, %c0_i32 : i32, i32
  }
  func.func @transform_2(%arg0: i32) -> (i32, i32) {
    %c0_i32 = arith.constant 0 : i32
    %c0_i32_0 = arith.constant 0 : i32
    return %arg0, %c0_i32 : i32, i32
  }
  func.func @transform_3(%arg0: i32) -> (i32, i32) {
    %c0_i32 = arith.constant 0 : i32
    %c0_i32_0 = arith.constant 0 : i32
    %c0_i32_1 = arith.constant 0 : i32
    return %c0_i32, %c0_i32_0 : i32, i32
  }
  func.func @transform_4(%arg0: i32) -> (i32, i32) {
    %c0_i32 = arith.constant 0 : i32
    %c0_i32_0 = arith.constant 0 : i32
    %c0_i32_1 = arith.constant 0 : i32
    return %c0_i32, %c0_i32_0 : i32, i32
  }
  func.func @transform_5(%arg0: i32) -> (i32, i32) {
    %c0_i32 = arith.constant 0 : i32
    %c0_i32_0 = arith.constant 0 : i32
    %c0_i32_1 = arith.constant 0 : i32
    return %c0_i32, %c0_i32_0 : i32, i32
  }
  func.func @transform_6(%arg0: i32) -> (i32, i32) {
    %c0_i32 = arith.constant 0 : i32
    %c0_i32_0 = arith.constant 0 : i32
    %c0_i32_1 = arith.constant 0 : i32
    return %c0_i32, %c0_i32_0 : i32, i32
  }
  func.func @transform_7(%arg0: i32) -> (i32, i32) {
    %c0_i32 = arith.constant 0 : i32
    %c0_i32_0 = arith.constant 0 : i32
    %c0_i32_1 = arith.constant 0 : i32
    return %c0_i32, %c0_i32_0 : i32, i32
  }
  func.func @transform_8(%arg0: i32) -> (i32, i32) {
    %c0_i32 = arith.constant 0 : i32
    %c0_i32_0 = arith.constant 0 : i32
    %c0_i32_1 = arith.constant 0 : i32
    return %c0_i32, %c0_i32_0 : i32, i32
  }
  func.func @transform_9(%arg0: i32) -> (i32, i32) {
    %c0_i32 = arith.constant 0 : i32
    %c0_i32_0 = arith.constant 0 : i32
    %c0_i32_1 = arith.constant 0 : i32
    return %c0_i32, %c0_i32_0 : i32, i32
  }
  func.func @transform_10(%arg0: i32) -> (i32, i32) {
    %c0_i32 = arith.constant 0 : i32
    %c0_i32_0 = arith.constant 0 : i32
    %c0_i32_1 = arith.constant 0 : i32
    return %c0_i32, %c0_i32_0 : i32, i32
  }
}

module attributes {stable_mosaic.version = 14 : i64} {
  func.func @p3(%arg0: i32, %arg1: memref<16x512x48xf32, #tpu.memory_space<vmem>>, %arg2: memref<512x3xf32, #tpu.memory_space<vmem>>, %arg3: memref<512x32xf32, #tpu.memory_space<vmem>>, %arg4: memref<3x64xf32, #tpu.memory_space<vmem>>, %arg5: memref<3x64xf32, #tpu.memory_space<vmem>>, %arg6: memref<32x64xf32, #tpu.memory_space<vmem>>, %arg7: memref<32x64xf32, #tpu.memory_space<vmem>>, %arg8: memref<64x64xf32, #tpu.memory_space<vmem>>, %arg9: memref<64x64xf32, #tpu.memory_space<vmem>>, %arg10: memref<8x64xf32, #tpu.memory_space<vmem>>, %arg11: memref<512x64xf32, #tpu.memory_space<vmem>>) attributes {dimension_semantics = [#tpu.dimension_semantics<arbitrary>], iteration_bounds = array<i64: 32>, scalar_prefetch = 0 : i64, scratch_operands = 0 : i64, tpu.core_type = #tpu.core_type<tc>, window_params = [{transform_indices = @transform_0, window_bounds = array<i64: 16, 512, 48>}, {transform_indices = @transform_1, window_bounds = array<i64: 512, 3>}, {transform_indices = @transform_2, window_bounds = array<i64: 512, 32>}, {pipeline_mode = #tpu.pipeline_mode<synchronous>, transform_indices = @transform_3, window_bounds = array<i64: 3, 64>}, {pipeline_mode = #tpu.pipeline_mode<synchronous>, transform_indices = @transform_4, window_bounds = array<i64: 3, 64>}, {pipeline_mode = #tpu.pipeline_mode<synchronous>, transform_indices = @transform_5, window_bounds = array<i64: 32, 64>}, {pipeline_mode = #tpu.pipeline_mode<synchronous>, transform_indices = @transform_6, window_bounds = array<i64: 32, 64>}, {pipeline_mode = #tpu.pipeline_mode<synchronous>, transform_indices = @transform_7, window_bounds = array<i64: 64, 64>}, {pipeline_mode = #tpu.pipeline_mode<synchronous>, transform_indices = @transform_8, window_bounds = array<i64: 64, 64>}, {pipeline_mode = #tpu.pipeline_mode<synchronous>, transform_indices = @transform_9, window_bounds = array<i64: 8, 64>}, {transform_indices = @transform_10, window_bounds = array<i64: 512, 64>}]} {
    %get3A = arith.constant 0 : index
    %get3A_0 = arith.constant 0 : index
    %get3A_1 = vector.load %arg2[%get3A, %get3A_0] : memref<512x3xf32, #tpu.memory_space<vmem>>, vector<512x3xf32>
    %get3A_2 = arith.constant 0 : index
    %get3A_3 = arith.constant 0 : index
    %get3A_4 = vector.load %arg5[%get3A_2, %get3A_3] : memref<3x64xf32, #tpu.memory_space<vmem>>, vector<3x64xf32>
    %dot_general3A = arith.constant dense<0.000000e+00> : vector<512x64xf32>
    %dot_general3A_5 = tpu.matmul %get3A_1, %get3A_4, %dot_general3A {dimension_numbers = #tpu.dot_dimension_numbers<[1], [0], [0], [1], [0, 0, 1, 1], [], []>, transpose_lhs_hint = false} : vector<512x3xf32>, vector<3x64xf32>, vector<512x64xf32> -> vector<512x64xf32>
    %get3A_6 = arith.constant 0 : index
    %get3A_7 = arith.constant 0 : index
    %get3A_8 = vector.load %arg3[%get3A_6, %get3A_7] : memref<512x32xf32, #tpu.memory_space<vmem>>, vector<512x32xf32>
    %get3A_9 = arith.constant 0 : index
    %get3A_10 = arith.constant 0 : index
    %get3A_11 = vector.load %arg7[%get3A_9, %get3A_10] : memref<32x64xf32, #tpu.memory_space<vmem>>, vector<32x64xf32>
    %dot_general3A_12 = arith.constant dense<0.000000e+00> : vector<512x64xf32>
    %dot_general3A_13 = tpu.matmul %get3A_8, %get3A_11, %dot_general3A_12 {dimension_numbers = #tpu.dot_dimension_numbers<[1], [0], [0], [1], [0, 0, 1, 1], [], []>, transpose_lhs_hint = false} : vector<512x32xf32>, vector<32x64xf32>, vector<512x64xf32> -> vector<512x64xf32>
    %get3A_14 = arith.constant 0 : index
    %get3A_15 = arith.constant 0 : index
    %get3A_16 = vector.load %arg10[%get3A_14, %get3A_15] : memref<8x64xf32, #tpu.memory_space<vmem>>, vector<1x64xf32>
    %get3A_17 = arith.constant 1 : index
    %get3A_18 = arith.constant 0 : index
    %get3A_19 = vector.load %arg10[%get3A_17, %get3A_18] : memref<8x64xf32, #tpu.memory_space<vmem>>, vector<1x64xf32>
    %get3A_20 = arith.constant 2 : index
    %get3A_21 = arith.constant 0 : index
    %get3A_22 = vector.load %arg10[%get3A_20, %get3A_21] : memref<8x64xf32, #tpu.memory_space<vmem>>, vector<1x64xf32>
    %get3A_23 = arith.constant 3 : index
    %get3A_24 = arith.constant 0 : index
    %get3A_25 = vector.load %arg10[%get3A_23, %get3A_24] : memref<8x64xf32, #tpu.memory_space<vmem>>, vector<1x64xf32>
    %get3A_26 = arith.constant 4 : index
    %get3A_27 = arith.constant 0 : index
    %get3A_28 = vector.load %arg10[%get3A_26, %get3A_27] : memref<8x64xf32, #tpu.memory_space<vmem>>, vector<1x64xf32>
    %get3A_29 = arith.constant 5 : index
    %get3A_30 = arith.constant 0 : index
    %get3A_31 = vector.load %arg10[%get3A_29, %get3A_30] : memref<8x64xf32, #tpu.memory_space<vmem>>, vector<1x64xf32>
    %broadcast_in_dim3A = arith.constant 0xFF800000 : f32
    %broadcast_in_dim3A_32 = vector.broadcast %broadcast_in_dim3A : f32 to vector<512x64xf32>
    %get3A_33 = arith.constant 0 : index
    %get3A_34 = arith.constant 0 : index
    %get3A_35 = arith.constant 0 : index
    %get3A_36 = vector.load %arg1[%get3A_33, %get3A_34, %get3A_35] : memref<16x512x48xf32, #tpu.memory_space<vmem>>, vector<1x512x32xf32>
    %get3A_37 = vector.shape_cast %get3A_36 : vector<1x512x32xf32> to vector<512x32xf32>
    %get3A_38 = arith.constant 0 : index
    %get3A_39 = arith.constant 0 : index
    %get3A_40 = arith.constant 32 : index
    %get3A_41 = vector.load %arg1[%get3A_38, %get3A_39, %get3A_40] : memref<16x512x48xf32, #tpu.memory_space<vmem>>, vector<1x512x3xf32>
    %get3A_42 = vector.shape_cast %get3A_41 : vector<1x512x3xf32> to vector<512x3xf32>
    %get3A_43 = arith.constant 0 : index
    %get3A_44 = arith.constant 0 : index
    %get3A_45 = vector.load %arg4[%get3A_43, %get3A_44] : memref<3x64xf32, #tpu.memory_space<vmem>>, vector<3x64xf32>
    %dot_general3A_46 = arith.constant dense<0.000000e+00> : vector<512x64xf32>
    %dot_general3A_47 = tpu.matmul %get3A_42, %get3A_45, %dot_general3A_46 {dimension_numbers = #tpu.dot_dimension_numbers<[1], [0], [0], [1], [0, 0, 1, 1], [], []>, transpose_lhs_hint = false} : vector<512x3xf32>, vector<3x64xf32>, vector<512x64xf32> -> vector<512x64xf32>
    %add3A = arith.addf %dot_general3A_47, %dot_general3A_5 : vector<512x64xf32>
    %get3A_48 = arith.constant 0 : index
    %get3A_49 = arith.constant 0 : index
    %get3A_50 = vector.load %arg6[%get3A_48, %get3A_49] : memref<32x64xf32, #tpu.memory_space<vmem>>, vector<32x64xf32>
    %dot_general3A_51 = arith.constant dense<0.000000e+00> : vector<512x64xf32>
    %dot_general3A_52 = tpu.matmul %get3A_37, %get3A_50, %dot_general3A_51 {dimension_numbers = #tpu.dot_dimension_numbers<[1], [0], [0], [1], [0, 0, 1, 1], [], []>, transpose_lhs_hint = false} : vector<512x32xf32>, vector<32x64xf32>, vector<512x64xf32> -> vector<512x64xf32>
    %add3A_53 = arith.addf %dot_general3A_52, %dot_general3A_13 : vector<512x64xf32>
    %mul3A = vector.broadcast %get3A_16 : vector<1x64xf32> to vector<512x64xf32>
    %mul3A_54 = arith.mulf %add3A, %mul3A : vector<512x64xf32>
    %add3A_55 = vector.broadcast %get3A_19 : vector<1x64xf32> to vector<512x64xf32>
    %add3A_56 = arith.addf %mul3A_54, %add3A_55 : vector<512x64xf32>
    %max3A = arith.constant 0.000000e+00 : f32
    %max3A_57 = vector.broadcast %max3A : f32 to vector<512x64xf32>
    %max3A_58 = arith.maximumf %add3A_56, %max3A_57 : vector<512x64xf32>
    %mul3A_59 = vector.broadcast %get3A_22 : vector<1x64xf32> to vector<512x64xf32>
    %mul3A_60 = arith.mulf %add3A_53, %mul3A_59 : vector<512x64xf32>
    %add3A_61 = vector.broadcast %get3A_25 : vector<1x64xf32> to vector<512x64xf32>
    %add3A_62 = arith.addf %mul3A_60, %add3A_61 : vector<512x64xf32>
    %max3A_63 = arith.constant 0.000000e+00 : f32
    %max3A_64 = vector.broadcast %max3A_63 : f32 to vector<512x64xf32>
    %max3A_65 = arith.maximumf %add3A_62, %max3A_64 : vector<512x64xf32>
    %get3A_66 = arith.constant 0 : index
    %get3A_67 = arith.constant 0 : index
    %get3A_68 = vector.load %arg8[%get3A_66, %get3A_67] : memref<64x64xf32, #tpu.memory_space<vmem>>, vector<64x64xf32>
    %dot_general3A_69 = arith.constant dense<0.000000e+00> : vector<512x64xf32>
    %dot_general3A_70 = tpu.matmul %max3A_58, %get3A_68, %dot_general3A_69 {dimension_numbers = #tpu.dot_dimension_numbers<[1], [0], [0], [1], [0, 0, 1, 1], [], []>, transpose_lhs_hint = false} : vector<512x64xf32>, vector<64x64xf32>, vector<512x64xf32> -> vector<512x64xf32>
    %get3A_71 = arith.constant 0 : index
    %get3A_72 = arith.constant 0 : index
    %get3A_73 = vector.load %arg9[%get3A_71, %get3A_72] : memref<64x64xf32, #tpu.memory_space<vmem>>, vector<64x64xf32>
    %dot_general3A_74 = arith.constant dense<0.000000e+00> : vector<512x64xf32>
    %dot_general3A_75 = tpu.matmul %max3A_65, %get3A_73, %dot_general3A_74 {dimension_numbers = #tpu.dot_dimension_numbers<[1], [0], [0], [1], [0, 0, 1, 1], [], []>, transpose_lhs_hint = false} : vector<512x64xf32>, vector<64x64xf32>, vector<512x64xf32> -> vector<512x64xf32>
    %add3A_76 = arith.addf %dot_general3A_70, %dot_general3A_75 : vector<512x64xf32>
    %mul3A_77 = vector.broadcast %get3A_28 : vector<1x64xf32> to vector<512x64xf32>
    %mul3A_78 = arith.mulf %add3A_76, %mul3A_77 : vector<512x64xf32>
    %add3A_79 = vector.broadcast %get3A_31 : vector<1x64xf32> to vector<512x64xf32>
    %add3A_80 = arith.addf %mul3A_78, %add3A_79 : vector<512x64xf32>
    %max3A_81 = arith.constant 0.000000e+00 : f32
    %max3A_82 = vector.broadcast %max3A_81 : f32 to vector<512x64xf32>
    %max3A_83 = arith.maximumf %add3A_80, %max3A_82 : vector<512x64xf32>
    %max3A_84 = arith.maximumf %broadcast_in_dim3A_32, %max3A_83 : vector<512x64xf32>
    %get3A_85 = arith.constant 1 : index
    %get3A_86 = arith.constant 0 : index
    %get3A_87 = arith.constant 0 : index
    %get3A_88 = vector.load %arg1[%get3A_85, %get3A_86, %get3A_87] : memref<16x512x48xf32, #tpu.memory_space<vmem>>, vector<1x512x32xf32>
    %get3A_89 = vector.shape_cast %get3A_88 : vector<1x512x32xf32> to vector<512x32xf32>
    %get3A_90 = arith.constant 1 : index
    %get3A_91 = arith.constant 0 : index
    %get3A_92 = arith.constant 32 : index
    %get3A_93 = vector.load %arg1[%get3A_90, %get3A_91, %get3A_92] : memref<16x512x48xf32, #tpu.memory_space<vmem>>, vector<1x512x3xf32>
    %get3A_94 = vector.shape_cast %get3A_93 : vector<1x512x3xf32> to vector<512x3xf32>
    %get3A_95 = arith.constant 0 : index
    %get3A_96 = arith.constant 0 : index
    %get3A_97 = vector.load %arg4[%get3A_95, %get3A_96] : memref<3x64xf32, #tpu.memory_space<vmem>>, vector<3x64xf32>
    %dot_general3A_98 = arith.constant dense<0.000000e+00> : vector<512x64xf32>
    %dot_general3A_99 = tpu.matmul %get3A_94, %get3A_97, %dot_general3A_98 {dimension_numbers = #tpu.dot_dimension_numbers<[1], [0], [0], [1], [0, 0, 1, 1], [], []>, transpose_lhs_hint = false} : vector<512x3xf32>, vector<3x64xf32>, vector<512x64xf32> -> vector<512x64xf32>
    %add3A_100 = arith.addf %dot_general3A_99, %dot_general3A_5 : vector<512x64xf32>
    %get3A_101 = arith.constant 0 : index
    %get3A_102 = arith.constant 0 : index
    %get3A_103 = vector.load %arg6[%get3A_101, %get3A_102] : memref<32x64xf32, #tpu.memory_space<vmem>>, vector<32x64xf32>
    %dot_general3A_104 = arith.constant dense<0.000000e+00> : vector<512x64xf32>
    %dot_general3A_105 = tpu.matmul %get3A_89, %get3A_103, %dot_general3A_104 {dimension_numbers = #tpu.dot_dimension_numbers<[1], [0], [0], [1], [0, 0, 1, 1], [], []>, transpose_lhs_hint = false} : vector<512x32xf32>, vector<32x64xf32>, vector<512x64xf32> -> vector<512x64xf32>
    %add3A_106 = arith.addf %dot_general3A_105, %dot_general3A_13 : vector<512x64xf32>
    %mul3A_107 = vector.broadcast %get3A_16 : vector<1x64xf32> to vector<512x64xf32>
    %mul3A_108 = arith.mulf %add3A_100, %mul3A_107 : vector<512x64xf32>
    %add3A_109 = vector.broadcast %get3A_19 : vector<1x64xf32> to vector<512x64xf32>
    %add3A_110 = arith.addf %mul3A_108, %add3A_109 : vector<512x64xf32>
    %max3A_111 = arith.constant 0.000000e+00 : f32
    %max3A_112 = vector.broadcast %max3A_111 : f32 to vector<512x64xf32>
    %max3A_113 = arith.maximumf %add3A_110, %max3A_112 : vector<512x64xf32>
    %mul3A_114 = vector.broadcast %get3A_22 : vector<1x64xf32> to vector<512x64xf32>
    %mul3A_115 = arith.mulf %add3A_106, %mul3A_114 : vector<512x64xf32>
    %add3A_116 = vector.broadcast %get3A_25 : vector<1x64xf32> to vector<512x64xf32>
    %add3A_117 = arith.addf %mul3A_115, %add3A_116 : vector<512x64xf32>
    %max3A_118 = arith.constant 0.000000e+00 : f32
    %max3A_119 = vector.broadcast %max3A_118 : f32 to vector<512x64xf32>
    %max3A_120 = arith.maximumf %add3A_117, %max3A_119 : vector<512x64xf32>
    %get3A_121 = arith.constant 0 : index
    %get3A_122 = arith.constant 0 : index
    %get3A_123 = vector.load %arg8[%get3A_121, %get3A_122] : memref<64x64xf32, #tpu.memory_space<vmem>>, vector<64x64xf32>
    %dot_general3A_124 = arith.constant dense<0.000000e+00> : vector<512x64xf32>
    %dot_general3A_125 = tpu.matmul %max3A_113, %get3A_123, %dot_general3A_124 {dimension_numbers = #tpu.dot_dimension_numbers<[1], [0], [0], [1], [0, 0, 1, 1], [], []>, transpose_lhs_hint = false} : vector<512x64xf32>, vector<64x64xf32>, vector<512x64xf32> -> vector<512x64xf32>
    %get3A_126 = arith.constant 0 : index
    %get3A_127 = arith.constant 0 : index
    %get3A_128 = vector.load %arg9[%get3A_126, %get3A_127] : memref<64x64xf32, #tpu.memory_space<vmem>>, vector<64x64xf32>
    %dot_general3A_129 = arith.constant dense<0.000000e+00> : vector<512x64xf32>
    %dot_general3A_130 = tpu.matmul %max3A_120, %get3A_128, %dot_general3A_129 {dimension_numbers = #tpu.dot_dimension_numbers<[1], [0], [0], [1], [0, 0, 1, 1], [], []>, transpose_lhs_hint = false} : vector<512x64xf32>, vector<64x64xf32>, vector<512x64xf32> -> vector<512x64xf32>
    %add3A_131 = arith.addf %dot_general3A_125, %dot_general3A_130 : vector<512x64xf32>
    %mul3A_132 = vector.broadcast %get3A_28 : vector<1x64xf32> to vector<512x64xf32>
    %mul3A_133 = arith.mulf %add3A_131, %mul3A_132 : vector<512x64xf32>
    %add3A_134 = vector.broadcast %get3A_31 : vector<1x64xf32> to vector<512x64xf32>
    %add3A_135 = arith.addf %mul3A_133, %add3A_134 : vector<512x64xf32>
    %max3A_136 = arith.constant 0.000000e+00 : f32
    %max3A_137 = vector.broadcast %max3A_136 : f32 to vector<512x64xf32>
    %max3A_138 = arith.maximumf %add3A_135, %max3A_137 : vector<512x64xf32>
    %max3A_139 = arith.maximumf %max3A_84, %max3A_138 : vector<512x64xf32>
    %get3A_140 = arith.constant 2 : index
    %get3A_141 = arith.constant 0 : index
    %get3A_142 = arith.constant 0 : index
    %get3A_143 = vector.load %arg1[%get3A_140, %get3A_141, %get3A_142] : memref<16x512x48xf32, #tpu.memory_space<vmem>>, vector<1x512x32xf32>
    %get3A_144 = vector.shape_cast %get3A_143 : vector<1x512x32xf32> to vector<512x32xf32>
    %get3A_145 = arith.constant 2 : index
    %get3A_146 = arith.constant 0 : index
    %get3A_147 = arith.constant 32 : index
    %get3A_148 = vector.load %arg1[%get3A_145, %get3A_146, %get3A_147] : memref<16x512x48xf32, #tpu.memory_space<vmem>>, vector<1x512x3xf32>
    %get3A_149 = vector.shape_cast %get3A_148 : vector<1x512x3xf32> to vector<512x3xf32>
    %get3A_150 = arith.constant 0 : index
    %get3A_151 = arith.constant 0 : index
    %get3A_152 = vector.load %arg4[%get3A_150, %get3A_151] : memref<3x64xf32, #tpu.memory_space<vmem>>, vector<3x64xf32>
    %dot_general3A_153 = arith.constant dense<0.000000e+00> : vector<512x64xf32>
    %dot_general3A_154 = tpu.matmul %get3A_149, %get3A_152, %dot_general3A_153 {dimension_numbers = #tpu.dot_dimension_numbers<[1], [0], [0], [1], [0, 0, 1, 1], [], []>, transpose_lhs_hint = false} : vector<512x3xf32>, vector<3x64xf32>, vector<512x64xf32> -> vector<512x64xf32>
    %add3A_155 = arith.addf %dot_general3A_154, %dot_general3A_5 : vector<512x64xf32>
    %get3A_156 = arith.constant 0 : index
    %get3A_157 = arith.constant 0 : index
    %get3A_158 = vector.load %arg6[%get3A_156, %get3A_157] : memref<32x64xf32, #tpu.memory_space<vmem>>, vector<32x64xf32>
    %dot_general3A_159 = arith.constant dense<0.000000e+00> : vector<512x64xf32>
    %dot_general3A_160 = tpu.matmul %get3A_144, %get3A_158, %dot_general3A_159 {dimension_numbers = #tpu.dot_dimension_numbers<[1], [0], [0], [1], [0, 0, 1, 1], [], []>, transpose_lhs_hint = false} : vector<512x32xf32>, vector<32x64xf32>, vector<512x64xf32> -> vector<512x64xf32>
    %add3A_161 = arith.addf %dot_general3A_160, %dot_general3A_13 : vector<512x64xf32>
    %mul3A_162 = vector.broadcast %get3A_16 : vector<1x64xf32> to vector<512x64xf32>
    %mul3A_163 = arith.mulf %add3A_155, %mul3A_162 : vector<512x64xf32>
    %add3A_164 = vector.broadcast %get3A_19 : vector<1x64xf32> to vector<512x64xf32>
    %add3A_165 = arith.addf %mul3A_163, %add3A_164 : vector<512x64xf32>
    %max3A_166 = arith.constant 0.000000e+00 : f32
    %max3A_167 = vector.broadcast %max3A_166 : f32 to vector<512x64xf32>
    %max3A_168 = arith.maximumf %add3A_165, %max3A_167 : vector<512x64xf32>
    %mul3A_169 = vector.broadcast %get3A_22 : vector<1x64xf32> to vector<512x64xf32>
    %mul3A_170 = arith.mulf %add3A_161, %mul3A_169 : vector<512x64xf32>
    %add3A_171 = vector.broadcast %get3A_25 : vector<1x64xf32> to vector<512x64xf32>
    %add3A_172 = arith.addf %mul3A_170, %add3A_171 : vector<512x64xf32>
    %max3A_173 = arith.constant 0.000000e+00 : f32
    %max3A_174 = vector.broadcast %max3A_173 : f32 to vector<512x64xf32>
    %max3A_175 = arith.maximumf %add3A_172, %max3A_174 : vector<512x64xf32>
    %get3A_176 = arith.constant 0 : index
    %get3A_177 = arith.constant 0 : index
    %get3A_178 = vector.load %arg8[%get3A_176, %get3A_177] : memref<64x64xf32, #tpu.memory_space<vmem>>, vector<64x64xf32>
    %dot_general3A_179 = arith.constant dense<0.000000e+00> : vector<512x64xf32>
    %dot_general3A_180 = tpu.matmul %max3A_168, %get3A_178, %dot_general3A_179 {dimension_numbers = #tpu.dot_dimension_numbers<[1], [0], [0], [1], [0, 0, 1, 1], [], []>, transpose_lhs_hint = false} : vector<512x64xf32>, vector<64x64xf32>, vector<512x64xf32> -> vector<512x64xf32>
    %get3A_181 = arith.constant 0 : index
    %get3A_182 = arith.constant 0 : index
    %get3A_183 = vector.load %arg9[%get3A_181, %get3A_182] : memref<64x64xf32, #tpu.memory_space<vmem>>, vector<64x64xf32>
    %dot_general3A_184 = arith.constant dense<0.000000e+00> : vector<512x64xf32>
    %dot_general3A_185 = tpu.matmul %max3A_175, %get3A_183, %dot_general3A_184 {dimension_numbers = #tpu.dot_dimension_numbers<[1], [0], [0], [1], [0, 0, 1, 1], [], []>, transpose_lhs_hint = false} : vector<512x64xf32>, vector<64x64xf32>, vector<512x64xf32> -> vector<512x64xf32>
    %add3A_186 = arith.addf %dot_general3A_180, %dot_general3A_185 : vector<512x64xf32>
    %mul3A_187 = vector.broadcast %get3A_28 : vector<1x64xf32> to vector<512x64xf32>
    %mul3A_188 = arith.mulf %add3A_186, %mul3A_187 : vector<512x64xf32>
    %add3A_189 = vector.broadcast %get3A_31 : vector<1x64xf32> to vector<512x64xf32>
    %add3A_190 = arith.addf %mul3A_188, %add3A_189 : vector<512x64xf32>
    %max3A_191 = arith.constant 0.000000e+00 : f32
    %max3A_192 = vector.broadcast %max3A_191 : f32 to vector<512x64xf32>
    %max3A_193 = arith.maximumf %add3A_190, %max3A_192 : vector<512x64xf32>
    %max3A_194 = arith.maximumf %max3A_139, %max3A_193 : vector<512x64xf32>
    %get3A_195 = arith.constant 3 : index
    %get3A_196 = arith.constant 0 : index
    %get3A_197 = arith.constant 0 : index
    %get3A_198 = vector.load %arg1[%get3A_195, %get3A_196, %get3A_197] : memref<16x512x48xf32, #tpu.memory_space<vmem>>, vector<1x512x32xf32>
    %get3A_199 = vector.shape_cast %get3A_198 : vector<1x512x32xf32> to vector<512x32xf32>
    %get3A_200 = arith.constant 3 : index
    %get3A_201 = arith.constant 0 : index
    %get3A_202 = arith.constant 32 : index
    %get3A_203 = vector.load %arg1[%get3A_200, %get3A_201, %get3A_202] : memref<16x512x48xf32, #tpu.memory_space<vmem>>, vector<1x512x3xf32>
    %get3A_204 = vector.shape_cast %get3A_203 : vector<1x512x3xf32> to vector<512x3xf32>
    %get3A_205 = arith.constant 0 : index
    %get3A_206 = arith.constant 0 : index
    %get3A_207 = vector.load %arg4[%get3A_205, %get3A_206] : memref<3x64xf32, #tpu.memory_space<vmem>>, vector<3x64xf32>
    %dot_general3A_208 = arith.constant dense<0.000000e+00> : vector<512x64xf32>
    %dot_general3A_209 = tpu.matmul %get3A_204, %get3A_207, %dot_general3A_208 {dimension_numbers = #tpu.dot_dimension_numbers<[1], [0], [0], [1], [0, 0, 1, 1], [], []>, transpose_lhs_hint = false} : vector<512x3xf32>, vector<3x64xf32>, vector<512x64xf32> -> vector<512x64xf32>
    %add3A_210 = arith.addf %dot_general3A_209, %dot_general3A_5 : vector<512x64xf32>
    %get3A_211 = arith.constant 0 : index
    %get3A_212 = arith.constant 0 : index
    %get3A_213 = vector.load %arg6[%get3A_211, %get3A_212] : memref<32x64xf32, #tpu.memory_space<vmem>>, vector<32x64xf32>
    %dot_general3A_214 = arith.constant dense<0.000000e+00> : vector<512x64xf32>
    %dot_general3A_215 = tpu.matmul %get3A_199, %get3A_213, %dot_general3A_214 {dimension_numbers = #tpu.dot_dimension_numbers<[1], [0], [0], [1], [0, 0, 1, 1], [], []>, transpose_lhs_hint = false} : vector<512x32xf32>, vector<32x64xf32>, vector<512x64xf32> -> vector<512x64xf32>
    %add3A_216 = arith.addf %dot_general3A_215, %dot_general3A_13 : vector<512x64xf32>
    %mul3A_217 = vector.broadcast %get3A_16 : vector<1x64xf32> to vector<512x64xf32>
    %mul3A_218 = arith.mulf %add3A_210, %mul3A_217 : vector<512x64xf32>
    %add3A_219 = vector.broadcast %get3A_19 : vector<1x64xf32> to vector<512x64xf32>
    %add3A_220 = arith.addf %mul3A_218, %add3A_219 : vector<512x64xf32>
    %max3A_221 = arith.constant 0.000000e+00 : f32
    %max3A_222 = vector.broadcast %max3A_221 : f32 to vector<512x64xf32>
    %max3A_223 = arith.maximumf %add3A_220, %max3A_222 : vector<512x64xf32>
    %mul3A_224 = vector.broadcast %get3A_22 : vector<1x64xf32> to vector<512x64xf32>
    %mul3A_225 = arith.mulf %add3A_216, %mul3A_224 : vector<512x64xf32>
    %add3A_226 = vector.broadcast %get3A_25 : vector<1x64xf32> to vector<512x64xf32>
    %add3A_227 = arith.addf %mul3A_225, %add3A_226 : vector<512x64xf32>
    %max3A_228 = arith.constant 0.000000e+00 : f32
    %max3A_229 = vector.broadcast %max3A_228 : f32 to vector<512x64xf32>
    %max3A_230 = arith.maximumf %add3A_227, %max3A_229 : vector<512x64xf32>
    %get3A_231 = arith.constant 0 : index
    %get3A_232 = arith.constant 0 : index
    %get3A_233 = vector.load %arg8[%get3A_231, %get3A_232] : memref<64x64xf32, #tpu.memory_space<vmem>>, vector<64x64xf32>
    %dot_general3A_234 = arith.constant dense<0.000000e+00> : vector<512x64xf32>
    %dot_general3A_235 = tpu.matmul %max3A_223, %get3A_233, %dot_general3A_234 {dimension_numbers = #tpu.dot_dimension_numbers<[1], [0], [0], [1], [0, 0, 1, 1], [], []>, transpose_lhs_hint = false} : vector<512x64xf32>, vector<64x64xf32>, vector<512x64xf32> -> vector<512x64xf32>
    %get3A_236 = arith.constant 0 : index
    %get3A_237 = arith.constant 0 : index
    %get3A_238 = vector.load %arg9[%get3A_236, %get3A_237] : memref<64x64xf32, #tpu.memory_space<vmem>>, vector<64x64xf32>
    %dot_general3A_239 = arith.constant dense<0.000000e+00> : vector<512x64xf32>
    %dot_general3A_240 = tpu.matmul %max3A_230, %get3A_238, %dot_general3A_239 {dimension_numbers = #tpu.dot_dimension_numbers<[1], [0], [0], [1], [0, 0, 1, 1], [], []>, transpose_lhs_hint = false} : vector<512x64xf32>, vector<64x64xf32>, vector<512x64xf32> -> vector<512x64xf32>
    %add3A_241 = arith.addf %dot_general3A_235, %dot_general3A_240 : vector<512x64xf32>
    %mul3A_242 = vector.broadcast %get3A_28 : vector<1x64xf32> to vector<512x64xf32>
    %mul3A_243 = arith.mulf %add3A_241, %mul3A_242 : vector<512x64xf32>
    %add3A_244 = vector.broadcast %get3A_31 : vector<1x64xf32> to vector<512x64xf32>
    %add3A_245 = arith.addf %mul3A_243, %add3A_244 : vector<512x64xf32>
    %max3A_246 = arith.constant 0.000000e+00 : f32
    %max3A_247 = vector.broadcast %max3A_246 : f32 to vector<512x64xf32>
    %max3A_248 = arith.maximumf %add3A_245, %max3A_247 : vector<512x64xf32>
    %max3A_249 = arith.maximumf %max3A_194, %max3A_248 : vector<512x64xf32>
    %get3A_250 = arith.constant 4 : index
    %get3A_251 = arith.constant 0 : index
    %get3A_252 = arith.constant 0 : index
    %get3A_253 = vector.load %arg1[%get3A_250, %get3A_251, %get3A_252] : memref<16x512x48xf32, #tpu.memory_space<vmem>>, vector<1x512x32xf32>
    %get3A_254 = vector.shape_cast %get3A_253 : vector<1x512x32xf32> to vector<512x32xf32>
    %get3A_255 = arith.constant 4 : index
    %get3A_256 = arith.constant 0 : index
    %get3A_257 = arith.constant 32 : index
    %get3A_258 = vector.load %arg1[%get3A_255, %get3A_256, %get3A_257] : memref<16x512x48xf32, #tpu.memory_space<vmem>>, vector<1x512x3xf32>
    %get3A_259 = vector.shape_cast %get3A_258 : vector<1x512x3xf32> to vector<512x3xf32>
    %get3A_260 = arith.constant 0 : index
    %get3A_261 = arith.constant 0 : index
    %get3A_262 = vector.load %arg4[%get3A_260, %get3A_261] : memref<3x64xf32, #tpu.memory_space<vmem>>, vector<3x64xf32>
    %dot_general3A_263 = arith.constant dense<0.000000e+00> : vector<512x64xf32>
    %dot_general3A_264 = tpu.matmul %get3A_259, %get3A_262, %dot_general3A_263 {dimension_numbers = #tpu.dot_dimension_numbers<[1], [0], [0], [1], [0, 0, 1, 1], [], []>, transpose_lhs_hint = false} : vector<512x3xf32>, vector<3x64xf32>, vector<512x64xf32> -> vector<512x64xf32>
    %add3A_265 = arith.addf %dot_general3A_264, %dot_general3A_5 : vector<512x64xf32>
    %get3A_266 = arith.constant 0 : index
    %get3A_267 = arith.constant 0 : index
    %get3A_268 = vector.load %arg6[%get3A_266, %get3A_267] : memref<32x64xf32, #tpu.memory_space<vmem>>, vector<32x64xf32>
    %dot_general3A_269 = arith.constant dense<0.000000e+00> : vector<512x64xf32>
    %dot_general3A_270 = tpu.matmul %get3A_254, %get3A_268, %dot_general3A_269 {dimension_numbers = #tpu.dot_dimension_numbers<[1], [0], [0], [1], [0, 0, 1, 1], [], []>, transpose_lhs_hint = false} : vector<512x32xf32>, vector<32x64xf32>, vector<512x64xf32> -> vector<512x64xf32>
    %add3A_271 = arith.addf %dot_general3A_270, %dot_general3A_13 : vector<512x64xf32>
    %mul3A_272 = vector.broadcast %get3A_16 : vector<1x64xf32> to vector<512x64xf32>
    %mul3A_273 = arith.mulf %add3A_265, %mul3A_272 : vector<512x64xf32>
    %add3A_274 = vector.broadcast %get3A_19 : vector<1x64xf32> to vector<512x64xf32>
    %add3A_275 = arith.addf %mul3A_273, %add3A_274 : vector<512x64xf32>
    %max3A_276 = arith.constant 0.000000e+00 : f32
    %max3A_277 = vector.broadcast %max3A_276 : f32 to vector<512x64xf32>
    %max3A_278 = arith.maximumf %add3A_275, %max3A_277 : vector<512x64xf32>
    %mul3A_279 = vector.broadcast %get3A_22 : vector<1x64xf32> to vector<512x64xf32>
    %mul3A_280 = arith.mulf %add3A_271, %mul3A_279 : vector<512x64xf32>
    %add3A_281 = vector.broadcast %get3A_25 : vector<1x64xf32> to vector<512x64xf32>
    %add3A_282 = arith.addf %mul3A_280, %add3A_281 : vector<512x64xf32>
    %max3A_283 = arith.constant 0.000000e+00 : f32
    %max3A_284 = vector.broadcast %max3A_283 : f32 to vector<512x64xf32>
    %max3A_285 = arith.maximumf %add3A_282, %max3A_284 : vector<512x64xf32>
    %get3A_286 = arith.constant 0 : index
    %get3A_287 = arith.constant 0 : index
    %get3A_288 = vector.load %arg8[%get3A_286, %get3A_287] : memref<64x64xf32, #tpu.memory_space<vmem>>, vector<64x64xf32>
    %dot_general3A_289 = arith.constant dense<0.000000e+00> : vector<512x64xf32>
    %dot_general3A_290 = tpu.matmul %max3A_278, %get3A_288, %dot_general3A_289 {dimension_numbers = #tpu.dot_dimension_numbers<[1], [0], [0], [1], [0, 0, 1, 1], [], []>, transpose_lhs_hint = false} : vector<512x64xf32>, vector<64x64xf32>, vector<512x64xf32> -> vector<512x64xf32>
    %get3A_291 = arith.constant 0 : index
    %get3A_292 = arith.constant 0 : index
    %get3A_293 = vector.load %arg9[%get3A_291, %get3A_292] : memref<64x64xf32, #tpu.memory_space<vmem>>, vector<64x64xf32>
    %dot_general3A_294 = arith.constant dense<0.000000e+00> : vector<512x64xf32>
    %dot_general3A_295 = tpu.matmul %max3A_285, %get3A_293, %dot_general3A_294 {dimension_numbers = #tpu.dot_dimension_numbers<[1], [0], [0], [1], [0, 0, 1, 1], [], []>, transpose_lhs_hint = false} : vector<512x64xf32>, vector<64x64xf32>, vector<512x64xf32> -> vector<512x64xf32>
    %add3A_296 = arith.addf %dot_general3A_290, %dot_general3A_295 : vector<512x64xf32>
    %mul3A_297 = vector.broadcast %get3A_28 : vector<1x64xf32> to vector<512x64xf32>
    %mul3A_298 = arith.mulf %add3A_296, %mul3A_297 : vector<512x64xf32>
    %add3A_299 = vector.broadcast %get3A_31 : vector<1x64xf32> to vector<512x64xf32>
    %add3A_300 = arith.addf %mul3A_298, %add3A_299 : vector<512x64xf32>
    %max3A_301 = arith.constant 0.000000e+00 : f32
    %max3A_302 = vector.broadcast %max3A_301 : f32 to vector<512x64xf32>
    %max3A_303 = arith.maximumf %add3A_300, %max3A_302 : vector<512x64xf32>
    %max3A_304 = arith.maximumf %max3A_249, %max3A_303 : vector<512x64xf32>
    %get3A_305 = arith.constant 5 : index
    %get3A_306 = arith.constant 0 : index
    %get3A_307 = arith.constant 0 : index
    %get3A_308 = vector.load %arg1[%get3A_305, %get3A_306, %get3A_307] : memref<16x512x48xf32, #tpu.memory_space<vmem>>, vector<1x512x32xf32>
    %get3A_309 = vector.shape_cast %get3A_308 : vector<1x512x32xf32> to vector<512x32xf32>
    %get3A_310 = arith.constant 5 : index
    %get3A_311 = arith.constant 0 : index
    %get3A_312 = arith.constant 32 : index
    %get3A_313 = vector.load %arg1[%get3A_310, %get3A_311, %get3A_312] : memref<16x512x48xf32, #tpu.memory_space<vmem>>, vector<1x512x3xf32>
    %get3A_314 = vector.shape_cast %get3A_313 : vector<1x512x3xf32> to vector<512x3xf32>
    %get3A_315 = arith.constant 0 : index
    %get3A_316 = arith.constant 0 : index
    %get3A_317 = vector.load %arg4[%get3A_315, %get3A_316] : memref<3x64xf32, #tpu.memory_space<vmem>>, vector<3x64xf32>
    %dot_general3A_318 = arith.constant dense<0.000000e+00> : vector<512x64xf32>
    %dot_general3A_319 = tpu.matmul %get3A_314, %get3A_317, %dot_general3A_318 {dimension_numbers = #tpu.dot_dimension_numbers<[1], [0], [0], [1], [0, 0, 1, 1], [], []>, transpose_lhs_hint = false} : vector<512x3xf32>, vector<3x64xf32>, vector<512x64xf32> -> vector<512x64xf32>
    %add3A_320 = arith.addf %dot_general3A_319, %dot_general3A_5 : vector<512x64xf32>
    %get3A_321 = arith.constant 0 : index
    %get3A_322 = arith.constant 0 : index
    %get3A_323 = vector.load %arg6[%get3A_321, %get3A_322] : memref<32x64xf32, #tpu.memory_space<vmem>>, vector<32x64xf32>
    %dot_general3A_324 = arith.constant dense<0.000000e+00> : vector<512x64xf32>
    %dot_general3A_325 = tpu.matmul %get3A_309, %get3A_323, %dot_general3A_324 {dimension_numbers = #tpu.dot_dimension_numbers<[1], [0], [0], [1], [0, 0, 1, 1], [], []>, transpose_lhs_hint = false} : vector<512x32xf32>, vector<32x64xf32>, vector<512x64xf32> -> vector<512x64xf32>
    %add3A_326 = arith.addf %dot_general3A_325, %dot_general3A_13 : vector<512x64xf32>
    %mul3A_327 = vector.broadcast %get3A_16 : vector<1x64xf32> to vector<512x64xf32>
    %mul3A_328 = arith.mulf %add3A_320, %mul3A_327 : vector<512x64xf32>
    %add3A_329 = vector.broadcast %get3A_19 : vector<1x64xf32> to vector<512x64xf32>
    %add3A_330 = arith.addf %mul3A_328, %add3A_329 : vector<512x64xf32>
    %max3A_331 = arith.constant 0.000000e+00 : f32
    %max3A_332 = vector.broadcast %max3A_331 : f32 to vector<512x64xf32>
    %max3A_333 = arith.maximumf %add3A_330, %max3A_332 : vector<512x64xf32>
    %mul3A_334 = vector.broadcast %get3A_22 : vector<1x64xf32> to vector<512x64xf32>
    %mul3A_335 = arith.mulf %add3A_326, %mul3A_334 : vector<512x64xf32>
    %add3A_336 = vector.broadcast %get3A_25 : vector<1x64xf32> to vector<512x64xf32>
    %add3A_337 = arith.addf %mul3A_335, %add3A_336 : vector<512x64xf32>
    %max3A_338 = arith.constant 0.000000e+00 : f32
    %max3A_339 = vector.broadcast %max3A_338 : f32 to vector<512x64xf32>
    %max3A_340 = arith.maximumf %add3A_337, %max3A_339 : vector<512x64xf32>
    %get3A_341 = arith.constant 0 : index
    %get3A_342 = arith.constant 0 : index
    %get3A_343 = vector.load %arg8[%get3A_341, %get3A_342] : memref<64x64xf32, #tpu.memory_space<vmem>>, vector<64x64xf32>
    %dot_general3A_344 = arith.constant dense<0.000000e+00> : vector<512x64xf32>
    %dot_general3A_345 = tpu.matmul %max3A_333, %get3A_343, %dot_general3A_344 {dimension_numbers = #tpu.dot_dimension_numbers<[1], [0], [0], [1], [0, 0, 1, 1], [], []>, transpose_lhs_hint = false} : vector<512x64xf32>, vector<64x64xf32>, vector<512x64xf32> -> vector<512x64xf32>
    %get3A_346 = arith.constant 0 : index
    %get3A_347 = arith.constant 0 : index
    %get3A_348 = vector.load %arg9[%get3A_346, %get3A_347] : memref<64x64xf32, #tpu.memory_space<vmem>>, vector<64x64xf32>
    %dot_general3A_349 = arith.constant dense<0.000000e+00> : vector<512x64xf32>
    %dot_general3A_350 = tpu.matmul %max3A_340, %get3A_348, %dot_general3A_349 {dimension_numbers = #tpu.dot_dimension_numbers<[1], [0], [0], [1], [0, 0, 1, 1], [], []>, transpose_lhs_hint = false} : vector<512x64xf32>, vector<64x64xf32>, vector<512x64xf32> -> vector<512x64xf32>
    %add3A_351 = arith.addf %dot_general3A_345, %dot_general3A_350 : vector<512x64xf32>
    %mul3A_352 = vector.broadcast %get3A_28 : vector<1x64xf32> to vector<512x64xf32>
    %mul3A_353 = arith.mulf %add3A_351, %mul3A_352 : vector<512x64xf32>
    %add3A_354 = vector.broadcast %get3A_31 : vector<1x64xf32> to vector<512x64xf32>
    %add3A_355 = arith.addf %mul3A_353, %add3A_354 : vector<512x64xf32>
    %max3A_356 = arith.constant 0.000000e+00 : f32
    %max3A_357 = vector.broadcast %max3A_356 : f32 to vector<512x64xf32>
    %max3A_358 = arith.maximumf %add3A_355, %max3A_357 : vector<512x64xf32>
    %max3A_359 = arith.maximumf %max3A_304, %max3A_358 : vector<512x64xf32>
    %get3A_360 = arith.constant 6 : index
    %get3A_361 = arith.constant 0 : index
    %get3A_362 = arith.constant 0 : index
    %get3A_363 = vector.load %arg1[%get3A_360, %get3A_361, %get3A_362] : memref<16x512x48xf32, #tpu.memory_space<vmem>>, vector<1x512x32xf32>
    %get3A_364 = vector.shape_cast %get3A_363 : vector<1x512x32xf32> to vector<512x32xf32>
    %get3A_365 = arith.constant 6 : index
    %get3A_366 = arith.constant 0 : index
    %get3A_367 = arith.constant 32 : index
    %get3A_368 = vector.load %arg1[%get3A_365, %get3A_366, %get3A_367] : memref<16x512x48xf32, #tpu.memory_space<vmem>>, vector<1x512x3xf32>
    %get3A_369 = vector.shape_cast %get3A_368 : vector<1x512x3xf32> to vector<512x3xf32>
    %get3A_370 = arith.constant 0 : index
    %get3A_371 = arith.constant 0 : index
    %get3A_372 = vector.load %arg4[%get3A_370, %get3A_371] : memref<3x64xf32, #tpu.memory_space<vmem>>, vector<3x64xf32>
    %dot_general3A_373 = arith.constant dense<0.000000e+00> : vector<512x64xf32>
    %dot_general3A_374 = tpu.matmul %get3A_369, %get3A_372, %dot_general3A_373 {dimension_numbers = #tpu.dot_dimension_numbers<[1], [0], [0], [1], [0, 0, 1, 1], [], []>, transpose_lhs_hint = false} : vector<512x3xf32>, vector<3x64xf32>, vector<512x64xf32> -> vector<512x64xf32>
    %add3A_375 = arith.addf %dot_general3A_374, %dot_general3A_5 : vector<512x64xf32>
    %get3A_376 = arith.constant 0 : index
    %get3A_377 = arith.constant 0 : index
    %get3A_378 = vector.load %arg6[%get3A_376, %get3A_377] : memref<32x64xf32, #tpu.memory_space<vmem>>, vector<32x64xf32>
    %dot_general3A_379 = arith.constant dense<0.000000e+00> : vector<512x64xf32>
    %dot_general3A_380 = tpu.matmul %get3A_364, %get3A_378, %dot_general3A_379 {dimension_numbers = #tpu.dot_dimension_numbers<[1], [0], [0], [1], [0, 0, 1, 1], [], []>, transpose_lhs_hint = false} : vector<512x32xf32>, vector<32x64xf32>, vector<512x64xf32> -> vector<512x64xf32>
    %add3A_381 = arith.addf %dot_general3A_380, %dot_general3A_13 : vector<512x64xf32>
    %mul3A_382 = vector.broadcast %get3A_16 : vector<1x64xf32> to vector<512x64xf32>
    %mul3A_383 = arith.mulf %add3A_375, %mul3A_382 : vector<512x64xf32>
    %add3A_384 = vector.broadcast %get3A_19 : vector<1x64xf32> to vector<512x64xf32>
    %add3A_385 = arith.addf %mul3A_383, %add3A_384 : vector<512x64xf32>
    %max3A_386 = arith.constant 0.000000e+00 : f32
    %max3A_387 = vector.broadcast %max3A_386 : f32 to vector<512x64xf32>
    %max3A_388 = arith.maximumf %add3A_385, %max3A_387 : vector<512x64xf32>
    %mul3A_389 = vector.broadcast %get3A_22 : vector<1x64xf32> to vector<512x64xf32>
    %mul3A_390 = arith.mulf %add3A_381, %mul3A_389 : vector<512x64xf32>
    %add3A_391 = vector.broadcast %get3A_25 : vector<1x64xf32> to vector<512x64xf32>
    %add3A_392 = arith.addf %mul3A_390, %add3A_391 : vector<512x64xf32>
    %max3A_393 = arith.constant 0.000000e+00 : f32
    %max3A_394 = vector.broadcast %max3A_393 : f32 to vector<512x64xf32>
    %max3A_395 = arith.maximumf %add3A_392, %max3A_394 : vector<512x64xf32>
    %get3A_396 = arith.constant 0 : index
    %get3A_397 = arith.constant 0 : index
    %get3A_398 = vector.load %arg8[%get3A_396, %get3A_397] : memref<64x64xf32, #tpu.memory_space<vmem>>, vector<64x64xf32>
    %dot_general3A_399 = arith.constant dense<0.000000e+00> : vector<512x64xf32>
    %dot_general3A_400 = tpu.matmul %max3A_388, %get3A_398, %dot_general3A_399 {dimension_numbers = #tpu.dot_dimension_numbers<[1], [0], [0], [1], [0, 0, 1, 1], [], []>, transpose_lhs_hint = false} : vector<512x64xf32>, vector<64x64xf32>, vector<512x64xf32> -> vector<512x64xf32>
    %get3A_401 = arith.constant 0 : index
    %get3A_402 = arith.constant 0 : index
    %get3A_403 = vector.load %arg9[%get3A_401, %get3A_402] : memref<64x64xf32, #tpu.memory_space<vmem>>, vector<64x64xf32>
    %dot_general3A_404 = arith.constant dense<0.000000e+00> : vector<512x64xf32>
    %dot_general3A_405 = tpu.matmul %max3A_395, %get3A_403, %dot_general3A_404 {dimension_numbers = #tpu.dot_dimension_numbers<[1], [0], [0], [1], [0, 0, 1, 1], [], []>, transpose_lhs_hint = false} : vector<512x64xf32>, vector<64x64xf32>, vector<512x64xf32> -> vector<512x64xf32>
    %add3A_406 = arith.addf %dot_general3A_400, %dot_general3A_405 : vector<512x64xf32>
    %mul3A_407 = vector.broadcast %get3A_28 : vector<1x64xf32> to vector<512x64xf32>
    %mul3A_408 = arith.mulf %add3A_406, %mul3A_407 : vector<512x64xf32>
    %add3A_409 = vector.broadcast %get3A_31 : vector<1x64xf32> to vector<512x64xf32>
    %add3A_410 = arith.addf %mul3A_408, %add3A_409 : vector<512x64xf32>
    %max3A_411 = arith.constant 0.000000e+00 : f32
    %max3A_412 = vector.broadcast %max3A_411 : f32 to vector<512x64xf32>
    %max3A_413 = arith.maximumf %add3A_410, %max3A_412 : vector<512x64xf32>
    %max3A_414 = arith.maximumf %max3A_359, %max3A_413 : vector<512x64xf32>
    %get3A_415 = arith.constant 7 : index
    %get3A_416 = arith.constant 0 : index
    %get3A_417 = arith.constant 0 : index
    %get3A_418 = vector.load %arg1[%get3A_415, %get3A_416, %get3A_417] : memref<16x512x48xf32, #tpu.memory_space<vmem>>, vector<1x512x32xf32>
    %get3A_419 = vector.shape_cast %get3A_418 : vector<1x512x32xf32> to vector<512x32xf32>
    %get3A_420 = arith.constant 7 : index
    %get3A_421 = arith.constant 0 : index
    %get3A_422 = arith.constant 32 : index
    %get3A_423 = vector.load %arg1[%get3A_420, %get3A_421, %get3A_422] : memref<16x512x48xf32, #tpu.memory_space<vmem>>, vector<1x512x3xf32>
    %get3A_424 = vector.shape_cast %get3A_423 : vector<1x512x3xf32> to vector<512x3xf32>
    %get3A_425 = arith.constant 0 : index
    %get3A_426 = arith.constant 0 : index
    %get3A_427 = vector.load %arg4[%get3A_425, %get3A_426] : memref<3x64xf32, #tpu.memory_space<vmem>>, vector<3x64xf32>
    %dot_general3A_428 = arith.constant dense<0.000000e+00> : vector<512x64xf32>
    %dot_general3A_429 = tpu.matmul %get3A_424, %get3A_427, %dot_general3A_428 {dimension_numbers = #tpu.dot_dimension_numbers<[1], [0], [0], [1], [0, 0, 1, 1], [], []>, transpose_lhs_hint = false} : vector<512x3xf32>, vector<3x64xf32>, vector<512x64xf32> -> vector<512x64xf32>
    %add3A_430 = arith.addf %dot_general3A_429, %dot_general3A_5 : vector<512x64xf32>
    %get3A_431 = arith.constant 0 : index
    %get3A_432 = arith.constant 0 : index
    %get3A_433 = vector.load %arg6[%get3A_431, %get3A_432] : memref<32x64xf32, #tpu.memory_space<vmem>>, vector<32x64xf32>
    %dot_general3A_434 = arith.constant dense<0.000000e+00> : vector<512x64xf32>
    %dot_general3A_435 = tpu.matmul %get3A_419, %get3A_433, %dot_general3A_434 {dimension_numbers = #tpu.dot_dimension_numbers<[1], [0], [0], [1], [0, 0, 1, 1], [], []>, transpose_lhs_hint = false} : vector<512x32xf32>, vector<32x64xf32>, vector<512x64xf32> -> vector<512x64xf32>
    %add3A_436 = arith.addf %dot_general3A_435, %dot_general3A_13 : vector<512x64xf32>
    %mul3A_437 = vector.broadcast %get3A_16 : vector<1x64xf32> to vector<512x64xf32>
    %mul3A_438 = arith.mulf %add3A_430, %mul3A_437 : vector<512x64xf32>
    %add3A_439 = vector.broadcast %get3A_19 : vector<1x64xf32> to vector<512x64xf32>
    %add3A_440 = arith.addf %mul3A_438, %add3A_439 : vector<512x64xf32>
    %max3A_441 = arith.constant 0.000000e+00 : f32
    %max3A_442 = vector.broadcast %max3A_441 : f32 to vector<512x64xf32>
    %max3A_443 = arith.maximumf %add3A_440, %max3A_442 : vector<512x64xf32>
    %mul3A_444 = vector.broadcast %get3A_22 : vector<1x64xf32> to vector<512x64xf32>
    %mul3A_445 = arith.mulf %add3A_436, %mul3A_444 : vector<512x64xf32>
    %add3A_446 = vector.broadcast %get3A_25 : vector<1x64xf32> to vector<512x64xf32>
    %add3A_447 = arith.addf %mul3A_445, %add3A_446 : vector<512x64xf32>
    %max3A_448 = arith.constant 0.000000e+00 : f32
    %max3A_449 = vector.broadcast %max3A_448 : f32 to vector<512x64xf32>
    %max3A_450 = arith.maximumf %add3A_447, %max3A_449 : vector<512x64xf32>
    %get3A_451 = arith.constant 0 : index
    %get3A_452 = arith.constant 0 : index
    %get3A_453 = vector.load %arg8[%get3A_451, %get3A_452] : memref<64x64xf32, #tpu.memory_space<vmem>>, vector<64x64xf32>
    %dot_general3A_454 = arith.constant dense<0.000000e+00> : vector<512x64xf32>
    %dot_general3A_455 = tpu.matmul %max3A_443, %get3A_453, %dot_general3A_454 {dimension_numbers = #tpu.dot_dimension_numbers<[1], [0], [0], [1], [0, 0, 1, 1], [], []>, transpose_lhs_hint = false} : vector<512x64xf32>, vector<64x64xf32>, vector<512x64xf32> -> vector<512x64xf32>
    %get3A_456 = arith.constant 0 : index
    %get3A_457 = arith.constant 0 : index
    %get3A_458 = vector.load %arg9[%get3A_456, %get3A_457] : memref<64x64xf32, #tpu.memory_space<vmem>>, vector<64x64xf32>
    %dot_general3A_459 = arith.constant dense<0.000000e+00> : vector<512x64xf32>
    %dot_general3A_460 = tpu.matmul %max3A_450, %get3A_458, %dot_general3A_459 {dimension_numbers = #tpu.dot_dimension_numbers<[1], [0], [0], [1], [0, 0, 1, 1], [], []>, transpose_lhs_hint = false} : vector<512x64xf32>, vector<64x64xf32>, vector<512x64xf32> -> vector<512x64xf32>
    %add3A_461 = arith.addf %dot_general3A_455, %dot_general3A_460 : vector<512x64xf32>
    %mul3A_462 = vector.broadcast %get3A_28 : vector<1x64xf32> to vector<512x64xf32>
    %mul3A_463 = arith.mulf %add3A_461, %mul3A_462 : vector<512x64xf32>
    %add3A_464 = vector.broadcast %get3A_31 : vector<1x64xf32> to vector<512x64xf32>
    %add3A_465 = arith.addf %mul3A_463, %add3A_464 : vector<512x64xf32>
    %max3A_466 = arith.constant 0.000000e+00 : f32
    %max3A_467 = vector.broadcast %max3A_466 : f32 to vector<512x64xf32>
    %max3A_468 = arith.maximumf %add3A_465, %max3A_467 : vector<512x64xf32>
    %max3A_469 = arith.maximumf %max3A_414, %max3A_468 : vector<512x64xf32>
    %get3A_470 = arith.constant 8 : index
    %get3A_471 = arith.constant 0 : index
    %get3A_472 = arith.constant 0 : index
    %get3A_473 = vector.load %arg1[%get3A_470, %get3A_471, %get3A_472] : memref<16x512x48xf32, #tpu.memory_space<vmem>>, vector<1x512x32xf32>
    %get3A_474 = vector.shape_cast %get3A_473 : vector<1x512x32xf32> to vector<512x32xf32>
    %get3A_475 = arith.constant 8 : index
    %get3A_476 = arith.constant 0 : index
    %get3A_477 = arith.constant 32 : index
    %get3A_478 = vector.load %arg1[%get3A_475, %get3A_476, %get3A_477] : memref<16x512x48xf32, #tpu.memory_space<vmem>>, vector<1x512x3xf32>
    %get3A_479 = vector.shape_cast %get3A_478 : vector<1x512x3xf32> to vector<512x3xf32>
    %get3A_480 = arith.constant 0 : index
    %get3A_481 = arith.constant 0 : index
    %get3A_482 = vector.load %arg4[%get3A_480, %get3A_481] : memref<3x64xf32, #tpu.memory_space<vmem>>, vector<3x64xf32>
    %dot_general3A_483 = arith.constant dense<0.000000e+00> : vector<512x64xf32>
    %dot_general3A_484 = tpu.matmul %get3A_479, %get3A_482, %dot_general3A_483 {dimension_numbers = #tpu.dot_dimension_numbers<[1], [0], [0], [1], [0, 0, 1, 1], [], []>, transpose_lhs_hint = false} : vector<512x3xf32>, vector<3x64xf32>, vector<512x64xf32> -> vector<512x64xf32>
    %add3A_485 = arith.addf %dot_general3A_484, %dot_general3A_5 : vector<512x64xf32>
    %get3A_486 = arith.constant 0 : index
    %get3A_487 = arith.constant 0 : index
    %get3A_488 = vector.load %arg6[%get3A_486, %get3A_487] : memref<32x64xf32, #tpu.memory_space<vmem>>, vector<32x64xf32>
    %dot_general3A_489 = arith.constant dense<0.000000e+00> : vector<512x64xf32>
    %dot_general3A_490 = tpu.matmul %get3A_474, %get3A_488, %dot_general3A_489 {dimension_numbers = #tpu.dot_dimension_numbers<[1], [0], [0], [1], [0, 0, 1, 1], [], []>, transpose_lhs_hint = false} : vector<512x32xf32>, vector<32x64xf32>, vector<512x64xf32> -> vector<512x64xf32>
    %add3A_491 = arith.addf %dot_general3A_490, %dot_general3A_13 : vector<512x64xf32>
    %mul3A_492 = vector.broadcast %get3A_16 : vector<1x64xf32> to vector<512x64xf32>
    %mul3A_493 = arith.mulf %add3A_485, %mul3A_492 : vector<512x64xf32>
    %add3A_494 = vector.broadcast %get3A_19 : vector<1x64xf32> to vector<512x64xf32>
    %add3A_495 = arith.addf %mul3A_493, %add3A_494 : vector<512x64xf32>
    %max3A_496 = arith.constant 0.000000e+00 : f32
    %max3A_497 = vector.broadcast %max3A_496 : f32 to vector<512x64xf32>
    %max3A_498 = arith.maximumf %add3A_495, %max3A_497 : vector<512x64xf32>
    %mul3A_499 = vector.broadcast %get3A_22 : vector<1x64xf32> to vector<512x64xf32>
    %mul3A_500 = arith.mulf %add3A_491, %mul3A_499 : vector<512x64xf32>
    %add3A_501 = vector.broadcast %get3A_25 : vector<1x64xf32> to vector<512x64xf32>
    %add3A_502 = arith.addf %mul3A_500, %add3A_501 : vector<512x64xf32>
    %max3A_503 = arith.constant 0.000000e+00 : f32
    %max3A_504 = vector.broadcast %max3A_503 : f32 to vector<512x64xf32>
    %max3A_505 = arith.maximumf %add3A_502, %max3A_504 : vector<512x64xf32>
    %get3A_506 = arith.constant 0 : index
    %get3A_507 = arith.constant 0 : index
    %get3A_508 = vector.load %arg8[%get3A_506, %get3A_507] : memref<64x64xf32, #tpu.memory_space<vmem>>, vector<64x64xf32>
    %dot_general3A_509 = arith.constant dense<0.000000e+00> : vector<512x64xf32>
    %dot_general3A_510 = tpu.matmul %max3A_498, %get3A_508, %dot_general3A_509 {dimension_numbers = #tpu.dot_dimension_numbers<[1], [0], [0], [1], [0, 0, 1, 1], [], []>, transpose_lhs_hint = false} : vector<512x64xf32>, vector<64x64xf32>, vector<512x64xf32> -> vector<512x64xf32>
    %get3A_511 = arith.constant 0 : index
    %get3A_512 = arith.constant 0 : index
    %get3A_513 = vector.load %arg9[%get3A_511, %get3A_512] : memref<64x64xf32, #tpu.memory_space<vmem>>, vector<64x64xf32>
    %dot_general3A_514 = arith.constant dense<0.000000e+00> : vector<512x64xf32>
    %dot_general3A_515 = tpu.matmul %max3A_505, %get3A_513, %dot_general3A_514 {dimension_numbers = #tpu.dot_dimension_numbers<[1], [0], [0], [1], [0, 0, 1, 1], [], []>, transpose_lhs_hint = false} : vector<512x64xf32>, vector<64x64xf32>, vector<512x64xf32> -> vector<512x64xf32>
    %add3A_516 = arith.addf %dot_general3A_510, %dot_general3A_515 : vector<512x64xf32>
    %mul3A_517 = vector.broadcast %get3A_28 : vector<1x64xf32> to vector<512x64xf32>
    %mul3A_518 = arith.mulf %add3A_516, %mul3A_517 : vector<512x64xf32>
    %add3A_519 = vector.broadcast %get3A_31 : vector<1x64xf32> to vector<512x64xf32>
    %add3A_520 = arith.addf %mul3A_518, %add3A_519 : vector<512x64xf32>
    %max3A_521 = arith.constant 0.000000e+00 : f32
    %max3A_522 = vector.broadcast %max3A_521 : f32 to vector<512x64xf32>
    %max3A_523 = arith.maximumf %add3A_520, %max3A_522 : vector<512x64xf32>
    %max3A_524 = arith.maximumf %max3A_469, %max3A_523 : vector<512x64xf32>
    %get3A_525 = arith.constant 9 : index
    %get3A_526 = arith.constant 0 : index
    %get3A_527 = arith.constant 0 : index
    %get3A_528 = vector.load %arg1[%get3A_525, %get3A_526, %get3A_527] : memref<16x512x48xf32, #tpu.memory_space<vmem>>, vector<1x512x32xf32>
    %get3A_529 = vector.shape_cast %get3A_528 : vector<1x512x32xf32> to vector<512x32xf32>
    %get3A_530 = arith.constant 9 : index
    %get3A_531 = arith.constant 0 : index
    %get3A_532 = arith.constant 32 : index
    %get3A_533 = vector.load %arg1[%get3A_530, %get3A_531, %get3A_532] : memref<16x512x48xf32, #tpu.memory_space<vmem>>, vector<1x512x3xf32>
    %get3A_534 = vector.shape_cast %get3A_533 : vector<1x512x3xf32> to vector<512x3xf32>
    %get3A_535 = arith.constant 0 : index
    %get3A_536 = arith.constant 0 : index
    %get3A_537 = vector.load %arg4[%get3A_535, %get3A_536] : memref<3x64xf32, #tpu.memory_space<vmem>>, vector<3x64xf32>
    %dot_general3A_538 = arith.constant dense<0.000000e+00> : vector<512x64xf32>
    %dot_general3A_539 = tpu.matmul %get3A_534, %get3A_537, %dot_general3A_538 {dimension_numbers = #tpu.dot_dimension_numbers<[1], [0], [0], [1], [0, 0, 1, 1], [], []>, transpose_lhs_hint = false} : vector<512x3xf32>, vector<3x64xf32>, vector<512x64xf32> -> vector<512x64xf32>
    %add3A_540 = arith.addf %dot_general3A_539, %dot_general3A_5 : vector<512x64xf32>
    %get3A_541 = arith.constant 0 : index
    %get3A_542 = arith.constant 0 : index
    %get3A_543 = vector.load %arg6[%get3A_541, %get3A_542] : memref<32x64xf32, #tpu.memory_space<vmem>>, vector<32x64xf32>
    %dot_general3A_544 = arith.constant dense<0.000000e+00> : vector<512x64xf32>
    %dot_general3A_545 = tpu.matmul %get3A_529, %get3A_543, %dot_general3A_544 {dimension_numbers = #tpu.dot_dimension_numbers<[1], [0], [0], [1], [0, 0, 1, 1], [], []>, transpose_lhs_hint = false} : vector<512x32xf32>, vector<32x64xf32>, vector<512x64xf32> -> vector<512x64xf32>
    %add3A_546 = arith.addf %dot_general3A_545, %dot_general3A_13 : vector<512x64xf32>
    %mul3A_547 = vector.broadcast %get3A_16 : vector<1x64xf32> to vector<512x64xf32>
    %mul3A_548 = arith.mulf %add3A_540, %mul3A_547 : vector<512x64xf32>
    %add3A_549 = vector.broadcast %get3A_19 : vector<1x64xf32> to vector<512x64xf32>
    %add3A_550 = arith.addf %mul3A_548, %add3A_549 : vector<512x64xf32>
    %max3A_551 = arith.constant 0.000000e+00 : f32
    %max3A_552 = vector.broadcast %max3A_551 : f32 to vector<512x64xf32>
    %max3A_553 = arith.maximumf %add3A_550, %max3A_552 : vector<512x64xf32>
    %mul3A_554 = vector.broadcast %get3A_22 : vector<1x64xf32> to vector<512x64xf32>
    %mul3A_555 = arith.mulf %add3A_546, %mul3A_554 : vector<512x64xf32>
    %add3A_556 = vector.broadcast %get3A_25 : vector<1x64xf32> to vector<512x64xf32>
    %add3A_557 = arith.addf %mul3A_555, %add3A_556 : vector<512x64xf32>
    %max3A_558 = arith.constant 0.000000e+00 : f32
    %max3A_559 = vector.broadcast %max3A_558 : f32 to vector<512x64xf32>
    %max3A_560 = arith.maximumf %add3A_557, %max3A_559 : vector<512x64xf32>
    %get3A_561 = arith.constant 0 : index
    %get3A_562 = arith.constant 0 : index
    %get3A_563 = vector.load %arg8[%get3A_561, %get3A_562] : memref<64x64xf32, #tpu.memory_space<vmem>>, vector<64x64xf32>
    %dot_general3A_564 = arith.constant dense<0.000000e+00> : vector<512x64xf32>
    %dot_general3A_565 = tpu.matmul %max3A_553, %get3A_563, %dot_general3A_564 {dimension_numbers = #tpu.dot_dimension_numbers<[1], [0], [0], [1], [0, 0, 1, 1], [], []>, transpose_lhs_hint = false} : vector<512x64xf32>, vector<64x64xf32>, vector<512x64xf32> -> vector<512x64xf32>
    %get3A_566 = arith.constant 0 : index
    %get3A_567 = arith.constant 0 : index
    %get3A_568 = vector.load %arg9[%get3A_566, %get3A_567] : memref<64x64xf32, #tpu.memory_space<vmem>>, vector<64x64xf32>
    %dot_general3A_569 = arith.constant dense<0.000000e+00> : vector<512x64xf32>
    %dot_general3A_570 = tpu.matmul %max3A_560, %get3A_568, %dot_general3A_569 {dimension_numbers = #tpu.dot_dimension_numbers<[1], [0], [0], [1], [0, 0, 1, 1], [], []>, transpose_lhs_hint = false} : vector<512x64xf32>, vector<64x64xf32>, vector<512x64xf32> -> vector<512x64xf32>
    %add3A_571 = arith.addf %dot_general3A_565, %dot_general3A_570 : vector<512x64xf32>
    %mul3A_572 = vector.broadcast %get3A_28 : vector<1x64xf32> to vector<512x64xf32>
    %mul3A_573 = arith.mulf %add3A_571, %mul3A_572 : vector<512x64xf32>
    %add3A_574 = vector.broadcast %get3A_31 : vector<1x64xf32> to vector<512x64xf32>
    %add3A_575 = arith.addf %mul3A_573, %add3A_574 : vector<512x64xf32>
    %max3A_576 = arith.constant 0.000000e+00 : f32
    %max3A_577 = vector.broadcast %max3A_576 : f32 to vector<512x64xf32>
    %max3A_578 = arith.maximumf %add3A_575, %max3A_577 : vector<512x64xf32>
    %max3A_579 = arith.maximumf %max3A_524, %max3A_578 : vector<512x64xf32>
    %get3A_580 = arith.constant 10 : index
    %get3A_581 = arith.constant 0 : index
    %get3A_582 = arith.constant 0 : index
    %get3A_583 = vector.load %arg1[%get3A_580, %get3A_581, %get3A_582] : memref<16x512x48xf32, #tpu.memory_space<vmem>>, vector<1x512x32xf32>
    %get3A_584 = vector.shape_cast %get3A_583 : vector<1x512x32xf32> to vector<512x32xf32>
    %get3A_585 = arith.constant 10 : index
    %get3A_586 = arith.constant 0 : index
    %get3A_587 = arith.constant 32 : index
    %get3A_588 = vector.load %arg1[%get3A_585, %get3A_586, %get3A_587] : memref<16x512x48xf32, #tpu.memory_space<vmem>>, vector<1x512x3xf32>
    %get3A_589 = vector.shape_cast %get3A_588 : vector<1x512x3xf32> to vector<512x3xf32>
    %get3A_590 = arith.constant 0 : index
    %get3A_591 = arith.constant 0 : index
    %get3A_592 = vector.load %arg4[%get3A_590, %get3A_591] : memref<3x64xf32, #tpu.memory_space<vmem>>, vector<3x64xf32>
    %dot_general3A_593 = arith.constant dense<0.000000e+00> : vector<512x64xf32>
    %dot_general3A_594 = tpu.matmul %get3A_589, %get3A_592, %dot_general3A_593 {dimension_numbers = #tpu.dot_dimension_numbers<[1], [0], [0], [1], [0, 0, 1, 1], [], []>, transpose_lhs_hint = false} : vector<512x3xf32>, vector<3x64xf32>, vector<512x64xf32> -> vector<512x64xf32>
    %add3A_595 = arith.addf %dot_general3A_594, %dot_general3A_5 : vector<512x64xf32>
    %get3A_596 = arith.constant 0 : index
    %get3A_597 = arith.constant 0 : index
    %get3A_598 = vector.load %arg6[%get3A_596, %get3A_597] : memref<32x64xf32, #tpu.memory_space<vmem>>, vector<32x64xf32>
    %dot_general3A_599 = arith.constant dense<0.000000e+00> : vector<512x64xf32>
    %dot_general3A_600 = tpu.matmul %get3A_584, %get3A_598, %dot_general3A_599 {dimension_numbers = #tpu.dot_dimension_numbers<[1], [0], [0], [1], [0, 0, 1, 1], [], []>, transpose_lhs_hint = false} : vector<512x32xf32>, vector<32x64xf32>, vector<512x64xf32> -> vector<512x64xf32>
    %add3A_601 = arith.addf %dot_general3A_600, %dot_general3A_13 : vector<512x64xf32>
    %mul3A_602 = vector.broadcast %get3A_16 : vector<1x64xf32> to vector<512x64xf32>
    %mul3A_603 = arith.mulf %add3A_595, %mul3A_602 : vector<512x64xf32>
    %add3A_604 = vector.broadcast %get3A_19 : vector<1x64xf32> to vector<512x64xf32>
    %add3A_605 = arith.addf %mul3A_603, %add3A_604 : vector<512x64xf32>
    %max3A_606 = arith.constant 0.000000e+00 : f32
    %max3A_607 = vector.broadcast %max3A_606 : f32 to vector<512x64xf32>
    %max3A_608 = arith.maximumf %add3A_605, %max3A_607 : vector<512x64xf32>
    %mul3A_609 = vector.broadcast %get3A_22 : vector<1x64xf32> to vector<512x64xf32>
    %mul3A_610 = arith.mulf %add3A_601, %mul3A_609 : vector<512x64xf32>
    %add3A_611 = vector.broadcast %get3A_25 : vector<1x64xf32> to vector<512x64xf32>
    %add3A_612 = arith.addf %mul3A_610, %add3A_611 : vector<512x64xf32>
    %max3A_613 = arith.constant 0.000000e+00 : f32
    %max3A_614 = vector.broadcast %max3A_613 : f32 to vector<512x64xf32>
    %max3A_615 = arith.maximumf %add3A_612, %max3A_614 : vector<512x64xf32>
    %get3A_616 = arith.constant 0 : index
    %get3A_617 = arith.constant 0 : index
    %get3A_618 = vector.load %arg8[%get3A_616, %get3A_617] : memref<64x64xf32, #tpu.memory_space<vmem>>, vector<64x64xf32>
    %dot_general3A_619 = arith.constant dense<0.000000e+00> : vector<512x64xf32>
    %dot_general3A_620 = tpu.matmul %max3A_608, %get3A_618, %dot_general3A_619 {dimension_numbers = #tpu.dot_dimension_numbers<[1], [0], [0], [1], [0, 0, 1, 1], [], []>, transpose_lhs_hint = false} : vector<512x64xf32>, vector<64x64xf32>, vector<512x64xf32> -> vector<512x64xf32>
    %get3A_621 = arith.constant 0 : index
    %get3A_622 = arith.constant 0 : index
    %get3A_623 = vector.load %arg9[%get3A_621, %get3A_622] : memref<64x64xf32, #tpu.memory_space<vmem>>, vector<64x64xf32>
    %dot_general3A_624 = arith.constant dense<0.000000e+00> : vector<512x64xf32>
    %dot_general3A_625 = tpu.matmul %max3A_615, %get3A_623, %dot_general3A_624 {dimension_numbers = #tpu.dot_dimension_numbers<[1], [0], [0], [1], [0, 0, 1, 1], [], []>, transpose_lhs_hint = false} : vector<512x64xf32>, vector<64x64xf32>, vector<512x64xf32> -> vector<512x64xf32>
    %add3A_626 = arith.addf %dot_general3A_620, %dot_general3A_625 : vector<512x64xf32>
    %mul3A_627 = vector.broadcast %get3A_28 : vector<1x64xf32> to vector<512x64xf32>
    %mul3A_628 = arith.mulf %add3A_626, %mul3A_627 : vector<512x64xf32>
    %add3A_629 = vector.broadcast %get3A_31 : vector<1x64xf32> to vector<512x64xf32>
    %add3A_630 = arith.addf %mul3A_628, %add3A_629 : vector<512x64xf32>
    %max3A_631 = arith.constant 0.000000e+00 : f32
    %max3A_632 = vector.broadcast %max3A_631 : f32 to vector<512x64xf32>
    %max3A_633 = arith.maximumf %add3A_630, %max3A_632 : vector<512x64xf32>
    %max3A_634 = arith.maximumf %max3A_579, %max3A_633 : vector<512x64xf32>
    %get3A_635 = arith.constant 11 : index
    %get3A_636 = arith.constant 0 : index
    %get3A_637 = arith.constant 0 : index
    %get3A_638 = vector.load %arg1[%get3A_635, %get3A_636, %get3A_637] : memref<16x512x48xf32, #tpu.memory_space<vmem>>, vector<1x512x32xf32>
    %get3A_639 = vector.shape_cast %get3A_638 : vector<1x512x32xf32> to vector<512x32xf32>
    %get3A_640 = arith.constant 11 : index
    %get3A_641 = arith.constant 0 : index
    %get3A_642 = arith.constant 32 : index
    %get3A_643 = vector.load %arg1[%get3A_640, %get3A_641, %get3A_642] : memref<16x512x48xf32, #tpu.memory_space<vmem>>, vector<1x512x3xf32>
    %get3A_644 = vector.shape_cast %get3A_643 : vector<1x512x3xf32> to vector<512x3xf32>
    %get3A_645 = arith.constant 0 : index
    %get3A_646 = arith.constant 0 : index
    %get3A_647 = vector.load %arg4[%get3A_645, %get3A_646] : memref<3x64xf32, #tpu.memory_space<vmem>>, vector<3x64xf32>
    %dot_general3A_648 = arith.constant dense<0.000000e+00> : vector<512x64xf32>
    %dot_general3A_649 = tpu.matmul %get3A_644, %get3A_647, %dot_general3A_648 {dimension_numbers = #tpu.dot_dimension_numbers<[1], [0], [0], [1], [0, 0, 1, 1], [], []>, transpose_lhs_hint = false} : vector<512x3xf32>, vector<3x64xf32>, vector<512x64xf32> -> vector<512x64xf32>
    %add3A_650 = arith.addf %dot_general3A_649, %dot_general3A_5 : vector<512x64xf32>
    %get3A_651 = arith.constant 0 : index
    %get3A_652 = arith.constant 0 : index
    %get3A_653 = vector.load %arg6[%get3A_651, %get3A_652] : memref<32x64xf32, #tpu.memory_space<vmem>>, vector<32x64xf32>
    %dot_general3A_654 = arith.constant dense<0.000000e+00> : vector<512x64xf32>
    %dot_general3A_655 = tpu.matmul %get3A_639, %get3A_653, %dot_general3A_654 {dimension_numbers = #tpu.dot_dimension_numbers<[1], [0], [0], [1], [0, 0, 1, 1], [], []>, transpose_lhs_hint = false} : vector<512x32xf32>, vector<32x64xf32>, vector<512x64xf32> -> vector<512x64xf32>
    %add3A_656 = arith.addf %dot_general3A_655, %dot_general3A_13 : vector<512x64xf32>
    %mul3A_657 = vector.broadcast %get3A_16 : vector<1x64xf32> to vector<512x64xf32>
    %mul3A_658 = arith.mulf %add3A_650, %mul3A_657 : vector<512x64xf32>
    %add3A_659 = vector.broadcast %get3A_19 : vector<1x64xf32> to vector<512x64xf32>
    %add3A_660 = arith.addf %mul3A_658, %add3A_659 : vector<512x64xf32>
    %max3A_661 = arith.constant 0.000000e+00 : f32
    %max3A_662 = vector.broadcast %max3A_661 : f32 to vector<512x64xf32>
    %max3A_663 = arith.maximumf %add3A_660, %max3A_662 : vector<512x64xf32>
    %mul3A_664 = vector.broadcast %get3A_22 : vector<1x64xf32> to vector<512x64xf32>
    %mul3A_665 = arith.mulf %add3A_656, %mul3A_664 : vector<512x64xf32>
    %add3A_666 = vector.broadcast %get3A_25 : vector<1x64xf32> to vector<512x64xf32>
    %add3A_667 = arith.addf %mul3A_665, %add3A_666 : vector<512x64xf32>
    %max3A_668 = arith.constant 0.000000e+00 : f32
    %max3A_669 = vector.broadcast %max3A_668 : f32 to vector<512x64xf32>
    %max3A_670 = arith.maximumf %add3A_667, %max3A_669 : vector<512x64xf32>
    %get3A_671 = arith.constant 0 : index
    %get3A_672 = arith.constant 0 : index
    %get3A_673 = vector.load %arg8[%get3A_671, %get3A_672] : memref<64x64xf32, #tpu.memory_space<vmem>>, vector<64x64xf32>
    %dot_general3A_674 = arith.constant dense<0.000000e+00> : vector<512x64xf32>
    %dot_general3A_675 = tpu.matmul %max3A_663, %get3A_673, %dot_general3A_674 {dimension_numbers = #tpu.dot_dimension_numbers<[1], [0], [0], [1], [0, 0, 1, 1], [], []>, transpose_lhs_hint = false} : vector<512x64xf32>, vector<64x64xf32>, vector<512x64xf32> -> vector<512x64xf32>
    %get3A_676 = arith.constant 0 : index
    %get3A_677 = arith.constant 0 : index
    %get3A_678 = vector.load %arg9[%get3A_676, %get3A_677] : memref<64x64xf32, #tpu.memory_space<vmem>>, vector<64x64xf32>
    %dot_general3A_679 = arith.constant dense<0.000000e+00> : vector<512x64xf32>
    %dot_general3A_680 = tpu.matmul %max3A_670, %get3A_678, %dot_general3A_679 {dimension_numbers = #tpu.dot_dimension_numbers<[1], [0], [0], [1], [0, 0, 1, 1], [], []>, transpose_lhs_hint = false} : vector<512x64xf32>, vector<64x64xf32>, vector<512x64xf32> -> vector<512x64xf32>
    %add3A_681 = arith.addf %dot_general3A_675, %dot_general3A_680 : vector<512x64xf32>
    %mul3A_682 = vector.broadcast %get3A_28 : vector<1x64xf32> to vector<512x64xf32>
    %mul3A_683 = arith.mulf %add3A_681, %mul3A_682 : vector<512x64xf32>
    %add3A_684 = vector.broadcast %get3A_31 : vector<1x64xf32> to vector<512x64xf32>
    %add3A_685 = arith.addf %mul3A_683, %add3A_684 : vector<512x64xf32>
    %max3A_686 = arith.constant 0.000000e+00 : f32
    %max3A_687 = vector.broadcast %max3A_686 : f32 to vector<512x64xf32>
    %max3A_688 = arith.maximumf %add3A_685, %max3A_687 : vector<512x64xf32>
    %max3A_689 = arith.maximumf %max3A_634, %max3A_688 : vector<512x64xf32>
    %get3A_690 = arith.constant 12 : index
    %get3A_691 = arith.constant 0 : index
    %get3A_692 = arith.constant 0 : index
    %get3A_693 = vector.load %arg1[%get3A_690, %get3A_691, %get3A_692] : memref<16x512x48xf32, #tpu.memory_space<vmem>>, vector<1x512x32xf32>
    %get3A_694 = vector.shape_cast %get3A_693 : vector<1x512x32xf32> to vector<512x32xf32>
    %get3A_695 = arith.constant 12 : index
    %get3A_696 = arith.constant 0 : index
    %get3A_697 = arith.constant 32 : index
    %get3A_698 = vector.load %arg1[%get3A_695, %get3A_696, %get3A_697] : memref<16x512x48xf32, #tpu.memory_space<vmem>>, vector<1x512x3xf32>
    %get3A_699 = vector.shape_cast %get3A_698 : vector<1x512x3xf32> to vector<512x3xf32>
    %get3A_700 = arith.constant 0 : index
    %get3A_701 = arith.constant 0 : index
    %get3A_702 = vector.load %arg4[%get3A_700, %get3A_701] : memref<3x64xf32, #tpu.memory_space<vmem>>, vector<3x64xf32>
    %dot_general3A_703 = arith.constant dense<0.000000e+00> : vector<512x64xf32>
    %dot_general3A_704 = tpu.matmul %get3A_699, %get3A_702, %dot_general3A_703 {dimension_numbers = #tpu.dot_dimension_numbers<[1], [0], [0], [1], [0, 0, 1, 1], [], []>, transpose_lhs_hint = false} : vector<512x3xf32>, vector<3x64xf32>, vector<512x64xf32> -> vector<512x64xf32>
    %add3A_705 = arith.addf %dot_general3A_704, %dot_general3A_5 : vector<512x64xf32>
    %get3A_706 = arith.constant 0 : index
    %get3A_707 = arith.constant 0 : index
    %get3A_708 = vector.load %arg6[%get3A_706, %get3A_707] : memref<32x64xf32, #tpu.memory_space<vmem>>, vector<32x64xf32>
    %dot_general3A_709 = arith.constant dense<0.000000e+00> : vector<512x64xf32>
    %dot_general3A_710 = tpu.matmul %get3A_694, %get3A_708, %dot_general3A_709 {dimension_numbers = #tpu.dot_dimension_numbers<[1], [0], [0], [1], [0, 0, 1, 1], [], []>, transpose_lhs_hint = false} : vector<512x32xf32>, vector<32x64xf32>, vector<512x64xf32> -> vector<512x64xf32>
    %add3A_711 = arith.addf %dot_general3A_710, %dot_general3A_13 : vector<512x64xf32>
    %mul3A_712 = vector.broadcast %get3A_16 : vector<1x64xf32> to vector<512x64xf32>
    %mul3A_713 = arith.mulf %add3A_705, %mul3A_712 : vector<512x64xf32>
    %add3A_714 = vector.broadcast %get3A_19 : vector<1x64xf32> to vector<512x64xf32>
    %add3A_715 = arith.addf %mul3A_713, %add3A_714 : vector<512x64xf32>
    %max3A_716 = arith.constant 0.000000e+00 : f32
    %max3A_717 = vector.broadcast %max3A_716 : f32 to vector<512x64xf32>
    %max3A_718 = arith.maximumf %add3A_715, %max3A_717 : vector<512x64xf32>
    %mul3A_719 = vector.broadcast %get3A_22 : vector<1x64xf32> to vector<512x64xf32>
    %mul3A_720 = arith.mulf %add3A_711, %mul3A_719 : vector<512x64xf32>
    %add3A_721 = vector.broadcast %get3A_25 : vector<1x64xf32> to vector<512x64xf32>
    %add3A_722 = arith.addf %mul3A_720, %add3A_721 : vector<512x64xf32>
    %max3A_723 = arith.constant 0.000000e+00 : f32
    %max3A_724 = vector.broadcast %max3A_723 : f32 to vector<512x64xf32>
    %max3A_725 = arith.maximumf %add3A_722, %max3A_724 : vector<512x64xf32>
    %get3A_726 = arith.constant 0 : index
    %get3A_727 = arith.constant 0 : index
    %get3A_728 = vector.load %arg8[%get3A_726, %get3A_727] : memref<64x64xf32, #tpu.memory_space<vmem>>, vector<64x64xf32>
    %dot_general3A_729 = arith.constant dense<0.000000e+00> : vector<512x64xf32>
    %dot_general3A_730 = tpu.matmul %max3A_718, %get3A_728, %dot_general3A_729 {dimension_numbers = #tpu.dot_dimension_numbers<[1], [0], [0], [1], [0, 0, 1, 1], [], []>, transpose_lhs_hint = false} : vector<512x64xf32>, vector<64x64xf32>, vector<512x64xf32> -> vector<512x64xf32>
    %get3A_731 = arith.constant 0 : index
    %get3A_732 = arith.constant 0 : index
    %get3A_733 = vector.load %arg9[%get3A_731, %get3A_732] : memref<64x64xf32, #tpu.memory_space<vmem>>, vector<64x64xf32>
    %dot_general3A_734 = arith.constant dense<0.000000e+00> : vector<512x64xf32>
    %dot_general3A_735 = tpu.matmul %max3A_725, %get3A_733, %dot_general3A_734 {dimension_numbers = #tpu.dot_dimension_numbers<[1], [0], [0], [1], [0, 0, 1, 1], [], []>, transpose_lhs_hint = false} : vector<512x64xf32>, vector<64x64xf32>, vector<512x64xf32> -> vector<512x64xf32>
    %add3A_736 = arith.addf %dot_general3A_730, %dot_general3A_735 : vector<512x64xf32>
    %mul3A_737 = vector.broadcast %get3A_28 : vector<1x64xf32> to vector<512x64xf32>
    %mul3A_738 = arith.mulf %add3A_736, %mul3A_737 : vector<512x64xf32>
    %add3A_739 = vector.broadcast %get3A_31 : vector<1x64xf32> to vector<512x64xf32>
    %add3A_740 = arith.addf %mul3A_738, %add3A_739 : vector<512x64xf32>
    %max3A_741 = arith.constant 0.000000e+00 : f32
    %max3A_742 = vector.broadcast %max3A_741 : f32 to vector<512x64xf32>
    %max3A_743 = arith.maximumf %add3A_740, %max3A_742 : vector<512x64xf32>
    %max3A_744 = arith.maximumf %max3A_689, %max3A_743 : vector<512x64xf32>
    %get3A_745 = arith.constant 13 : index
    %get3A_746 = arith.constant 0 : index
    %get3A_747 = arith.constant 0 : index
    %get3A_748 = vector.load %arg1[%get3A_745, %get3A_746, %get3A_747] : memref<16x512x48xf32, #tpu.memory_space<vmem>>, vector<1x512x32xf32>
    %get3A_749 = vector.shape_cast %get3A_748 : vector<1x512x32xf32> to vector<512x32xf32>
    %get3A_750 = arith.constant 13 : index
    %get3A_751 = arith.constant 0 : index
    %get3A_752 = arith.constant 32 : index
    %get3A_753 = vector.load %arg1[%get3A_750, %get3A_751, %get3A_752] : memref<16x512x48xf32, #tpu.memory_space<vmem>>, vector<1x512x3xf32>
    %get3A_754 = vector.shape_cast %get3A_753 : vector<1x512x3xf32> to vector<512x3xf32>
    %get3A_755 = arith.constant 0 : index
    %get3A_756 = arith.constant 0 : index
    %get3A_757 = vector.load %arg4[%get3A_755, %get3A_756] : memref<3x64xf32, #tpu.memory_space<vmem>>, vector<3x64xf32>
    %dot_general3A_758 = arith.constant dense<0.000000e+00> : vector<512x64xf32>
    %dot_general3A_759 = tpu.matmul %get3A_754, %get3A_757, %dot_general3A_758 {dimension_numbers = #tpu.dot_dimension_numbers<[1], [0], [0], [1], [0, 0, 1, 1], [], []>, transpose_lhs_hint = false} : vector<512x3xf32>, vector<3x64xf32>, vector<512x64xf32> -> vector<512x64xf32>
    %add3A_760 = arith.addf %dot_general3A_759, %dot_general3A_5 : vector<512x64xf32>
    %get3A_761 = arith.constant 0 : index
    %get3A_762 = arith.constant 0 : index
    %get3A_763 = vector.load %arg6[%get3A_761, %get3A_762] : memref<32x64xf32, #tpu.memory_space<vmem>>, vector<32x64xf32>
    %dot_general3A_764 = arith.constant dense<0.000000e+00> : vector<512x64xf32>
    %dot_general3A_765 = tpu.matmul %get3A_749, %get3A_763, %dot_general3A_764 {dimension_numbers = #tpu.dot_dimension_numbers<[1], [0], [0], [1], [0, 0, 1, 1], [], []>, transpose_lhs_hint = false} : vector<512x32xf32>, vector<32x64xf32>, vector<512x64xf32> -> vector<512x64xf32>
    %add3A_766 = arith.addf %dot_general3A_765, %dot_general3A_13 : vector<512x64xf32>
    %mul3A_767 = vector.broadcast %get3A_16 : vector<1x64xf32> to vector<512x64xf32>
    %mul3A_768 = arith.mulf %add3A_760, %mul3A_767 : vector<512x64xf32>
    %add3A_769 = vector.broadcast %get3A_19 : vector<1x64xf32> to vector<512x64xf32>
    %add3A_770 = arith.addf %mul3A_768, %add3A_769 : vector<512x64xf32>
    %max3A_771 = arith.constant 0.000000e+00 : f32
    %max3A_772 = vector.broadcast %max3A_771 : f32 to vector<512x64xf32>
    %max3A_773 = arith.maximumf %add3A_770, %max3A_772 : vector<512x64xf32>
    %mul3A_774 = vector.broadcast %get3A_22 : vector<1x64xf32> to vector<512x64xf32>
    %mul3A_775 = arith.mulf %add3A_766, %mul3A_774 : vector<512x64xf32>
    %add3A_776 = vector.broadcast %get3A_25 : vector<1x64xf32> to vector<512x64xf32>
    %add3A_777 = arith.addf %mul3A_775, %add3A_776 : vector<512x64xf32>
    %max3A_778 = arith.constant 0.000000e+00 : f32
    %max3A_779 = vector.broadcast %max3A_778 : f32 to vector<512x64xf32>
    %max3A_780 = arith.maximumf %add3A_777, %max3A_779 : vector<512x64xf32>
    %get3A_781 = arith.constant 0 : index
    %get3A_782 = arith.constant 0 : index
    %get3A_783 = vector.load %arg8[%get3A_781, %get3A_782] : memref<64x64xf32, #tpu.memory_space<vmem>>, vector<64x64xf32>
    %dot_general3A_784 = arith.constant dense<0.000000e+00> : vector<512x64xf32>
    %dot_general3A_785 = tpu.matmul %max3A_773, %get3A_783, %dot_general3A_784 {dimension_numbers = #tpu.dot_dimension_numbers<[1], [0], [0], [1], [0, 0, 1, 1], [], []>, transpose_lhs_hint = false} : vector<512x64xf32>, vector<64x64xf32>, vector<512x64xf32> -> vector<512x64xf32>
    %get3A_786 = arith.constant 0 : index
    %get3A_787 = arith.constant 0 : index
    %get3A_788 = vector.load %arg9[%get3A_786, %get3A_787] : memref<64x64xf32, #tpu.memory_space<vmem>>, vector<64x64xf32>
    %dot_general3A_789 = arith.constant dense<0.000000e+00> : vector<512x64xf32>
    %dot_general3A_790 = tpu.matmul %max3A_780, %get3A_788, %dot_general3A_789 {dimension_numbers = #tpu.dot_dimension_numbers<[1], [0], [0], [1], [0, 0, 1, 1], [], []>, transpose_lhs_hint = false} : vector<512x64xf32>, vector<64x64xf32>, vector<512x64xf32> -> vector<512x64xf32>
    %add3A_791 = arith.addf %dot_general3A_785, %dot_general3A_790 : vector<512x64xf32>
    %mul3A_792 = vector.broadcast %get3A_28 : vector<1x64xf32> to vector<512x64xf32>
    %mul3A_793 = arith.mulf %add3A_791, %mul3A_792 : vector<512x64xf32>
    %add3A_794 = vector.broadcast %get3A_31 : vector<1x64xf32> to vector<512x64xf32>
    %add3A_795 = arith.addf %mul3A_793, %add3A_794 : vector<512x64xf32>
    %max3A_796 = arith.constant 0.000000e+00 : f32
    %max3A_797 = vector.broadcast %max3A_796 : f32 to vector<512x64xf32>
    %max3A_798 = arith.maximumf %add3A_795, %max3A_797 : vector<512x64xf32>
    %max3A_799 = arith.maximumf %max3A_744, %max3A_798 : vector<512x64xf32>
    %get3A_800 = arith.constant 14 : index
    %get3A_801 = arith.constant 0 : index
    %get3A_802 = arith.constant 0 : index
    %get3A_803 = vector.load %arg1[%get3A_800, %get3A_801, %get3A_802] : memref<16x512x48xf32, #tpu.memory_space<vmem>>, vector<1x512x32xf32>
    %get3A_804 = vector.shape_cast %get3A_803 : vector<1x512x32xf32> to vector<512x32xf32>
    %get3A_805 = arith.constant 14 : index
    %get3A_806 = arith.constant 0 : index
    %get3A_807 = arith.constant 32 : index
    %get3A_808 = vector.load %arg1[%get3A_805, %get3A_806, %get3A_807] : memref<16x512x48xf32, #tpu.memory_space<vmem>>, vector<1x512x3xf32>
    %get3A_809 = vector.shape_cast %get3A_808 : vector<1x512x3xf32> to vector<512x3xf32>
    %get3A_810 = arith.constant 0 : index
    %get3A_811 = arith.constant 0 : index
    %get3A_812 = vector.load %arg4[%get3A_810, %get3A_811] : memref<3x64xf32, #tpu.memory_space<vmem>>, vector<3x64xf32>
    %dot_general3A_813 = arith.constant dense<0.000000e+00> : vector<512x64xf32>
    %dot_general3A_814 = tpu.matmul %get3A_809, %get3A_812, %dot_general3A_813 {dimension_numbers = #tpu.dot_dimension_numbers<[1], [0], [0], [1], [0, 0, 1, 1], [], []>, transpose_lhs_hint = false} : vector<512x3xf32>, vector<3x64xf32>, vector<512x64xf32> -> vector<512x64xf32>
    %add3A_815 = arith.addf %dot_general3A_814, %dot_general3A_5 : vector<512x64xf32>
    %get3A_816 = arith.constant 0 : index
    %get3A_817 = arith.constant 0 : index
    %get3A_818 = vector.load %arg6[%get3A_816, %get3A_817] : memref<32x64xf32, #tpu.memory_space<vmem>>, vector<32x64xf32>
    %dot_general3A_819 = arith.constant dense<0.000000e+00> : vector<512x64xf32>
    %dot_general3A_820 = tpu.matmul %get3A_804, %get3A_818, %dot_general3A_819 {dimension_numbers = #tpu.dot_dimension_numbers<[1], [0], [0], [1], [0, 0, 1, 1], [], []>, transpose_lhs_hint = false} : vector<512x32xf32>, vector<32x64xf32>, vector<512x64xf32> -> vector<512x64xf32>
    %add3A_821 = arith.addf %dot_general3A_820, %dot_general3A_13 : vector<512x64xf32>
    %mul3A_822 = vector.broadcast %get3A_16 : vector<1x64xf32> to vector<512x64xf32>
    %mul3A_823 = arith.mulf %add3A_815, %mul3A_822 : vector<512x64xf32>
    %add3A_824 = vector.broadcast %get3A_19 : vector<1x64xf32> to vector<512x64xf32>
    %add3A_825 = arith.addf %mul3A_823, %add3A_824 : vector<512x64xf32>
    %max3A_826 = arith.constant 0.000000e+00 : f32
    %max3A_827 = vector.broadcast %max3A_826 : f32 to vector<512x64xf32>
    %max3A_828 = arith.maximumf %add3A_825, %max3A_827 : vector<512x64xf32>
    %mul3A_829 = vector.broadcast %get3A_22 : vector<1x64xf32> to vector<512x64xf32>
    %mul3A_830 = arith.mulf %add3A_821, %mul3A_829 : vector<512x64xf32>
    %add3A_831 = vector.broadcast %get3A_25 : vector<1x64xf32> to vector<512x64xf32>
    %add3A_832 = arith.addf %mul3A_830, %add3A_831 : vector<512x64xf32>
    %max3A_833 = arith.constant 0.000000e+00 : f32
    %max3A_834 = vector.broadcast %max3A_833 : f32 to vector<512x64xf32>
    %max3A_835 = arith.maximumf %add3A_832, %max3A_834 : vector<512x64xf32>
    %get3A_836 = arith.constant 0 : index
    %get3A_837 = arith.constant 0 : index
    %get3A_838 = vector.load %arg8[%get3A_836, %get3A_837] : memref<64x64xf32, #tpu.memory_space<vmem>>, vector<64x64xf32>
    %dot_general3A_839 = arith.constant dense<0.000000e+00> : vector<512x64xf32>
    %dot_general3A_840 = tpu.matmul %max3A_828, %get3A_838, %dot_general3A_839 {dimension_numbers = #tpu.dot_dimension_numbers<[1], [0], [0], [1], [0, 0, 1, 1], [], []>, transpose_lhs_hint = false} : vector<512x64xf32>, vector<64x64xf32>, vector<512x64xf32> -> vector<512x64xf32>
    %get3A_841 = arith.constant 0 : index
    %get3A_842 = arith.constant 0 : index
    %get3A_843 = vector.load %arg9[%get3A_841, %get3A_842] : memref<64x64xf32, #tpu.memory_space<vmem>>, vector<64x64xf32>
    %dot_general3A_844 = arith.constant dense<0.000000e+00> : vector<512x64xf32>
    %dot_general3A_845 = tpu.matmul %max3A_835, %get3A_843, %dot_general3A_844 {dimension_numbers = #tpu.dot_dimension_numbers<[1], [0], [0], [1], [0, 0, 1, 1], [], []>, transpose_lhs_hint = false} : vector<512x64xf32>, vector<64x64xf32>, vector<512x64xf32> -> vector<512x64xf32>
    %add3A_846 = arith.addf %dot_general3A_840, %dot_general3A_845 : vector<512x64xf32>
    %mul3A_847 = vector.broadcast %get3A_28 : vector<1x64xf32> to vector<512x64xf32>
    %mul3A_848 = arith.mulf %add3A_846, %mul3A_847 : vector<512x64xf32>
    %add3A_849 = vector.broadcast %get3A_31 : vector<1x64xf32> to vector<512x64xf32>
    %add3A_850 = arith.addf %mul3A_848, %add3A_849 : vector<512x64xf32>
    %max3A_851 = arith.constant 0.000000e+00 : f32
    %max3A_852 = vector.broadcast %max3A_851 : f32 to vector<512x64xf32>
    %max3A_853 = arith.maximumf %add3A_850, %max3A_852 : vector<512x64xf32>
    %max3A_854 = arith.maximumf %max3A_799, %max3A_853 : vector<512x64xf32>
    %get3A_855 = arith.constant 15 : index
    %get3A_856 = arith.constant 0 : index
    %get3A_857 = arith.constant 0 : index
    %get3A_858 = vector.load %arg1[%get3A_855, %get3A_856, %get3A_857] : memref<16x512x48xf32, #tpu.memory_space<vmem>>, vector<1x512x32xf32>
    %get3A_859 = vector.shape_cast %get3A_858 : vector<1x512x32xf32> to vector<512x32xf32>
    %get3A_860 = arith.constant 15 : index
    %get3A_861 = arith.constant 0 : index
    %get3A_862 = arith.constant 32 : index
    %get3A_863 = vector.load %arg1[%get3A_860, %get3A_861, %get3A_862] : memref<16x512x48xf32, #tpu.memory_space<vmem>>, vector<1x512x3xf32>
    %get3A_864 = vector.shape_cast %get3A_863 : vector<1x512x3xf32> to vector<512x3xf32>
    %get3A_865 = arith.constant 0 : index
    %get3A_866 = arith.constant 0 : index
    %get3A_867 = vector.load %arg4[%get3A_865, %get3A_866] : memref<3x64xf32, #tpu.memory_space<vmem>>, vector<3x64xf32>
    %dot_general3A_868 = arith.constant dense<0.000000e+00> : vector<512x64xf32>
    %dot_general3A_869 = tpu.matmul %get3A_864, %get3A_867, %dot_general3A_868 {dimension_numbers = #tpu.dot_dimension_numbers<[1], [0], [0], [1], [0, 0, 1, 1], [], []>, transpose_lhs_hint = false} : vector<512x3xf32>, vector<3x64xf32>, vector<512x64xf32> -> vector<512x64xf32>
    %add3A_870 = arith.addf %dot_general3A_869, %dot_general3A_5 : vector<512x64xf32>
    %get3A_871 = arith.constant 0 : index
    %get3A_872 = arith.constant 0 : index
    %get3A_873 = vector.load %arg6[%get3A_871, %get3A_872] : memref<32x64xf32, #tpu.memory_space<vmem>>, vector<32x64xf32>
    %dot_general3A_874 = arith.constant dense<0.000000e+00> : vector<512x64xf32>
    %dot_general3A_875 = tpu.matmul %get3A_859, %get3A_873, %dot_general3A_874 {dimension_numbers = #tpu.dot_dimension_numbers<[1], [0], [0], [1], [0, 0, 1, 1], [], []>, transpose_lhs_hint = false} : vector<512x32xf32>, vector<32x64xf32>, vector<512x64xf32> -> vector<512x64xf32>
    %add3A_876 = arith.addf %dot_general3A_875, %dot_general3A_13 : vector<512x64xf32>
    %mul3A_877 = vector.broadcast %get3A_16 : vector<1x64xf32> to vector<512x64xf32>
    %mul3A_878 = arith.mulf %add3A_870, %mul3A_877 : vector<512x64xf32>
    %add3A_879 = vector.broadcast %get3A_19 : vector<1x64xf32> to vector<512x64xf32>
    %add3A_880 = arith.addf %mul3A_878, %add3A_879 : vector<512x64xf32>
    %max3A_881 = arith.constant 0.000000e+00 : f32
    %max3A_882 = vector.broadcast %max3A_881 : f32 to vector<512x64xf32>
    %max3A_883 = arith.maximumf %add3A_880, %max3A_882 : vector<512x64xf32>
    %mul3A_884 = vector.broadcast %get3A_22 : vector<1x64xf32> to vector<512x64xf32>
    %mul3A_885 = arith.mulf %add3A_876, %mul3A_884 : vector<512x64xf32>
    %add3A_886 = vector.broadcast %get3A_25 : vector<1x64xf32> to vector<512x64xf32>
    %add3A_887 = arith.addf %mul3A_885, %add3A_886 : vector<512x64xf32>
    %max3A_888 = arith.constant 0.000000e+00 : f32
    %max3A_889 = vector.broadcast %max3A_888 : f32 to vector<512x64xf32>
    %max3A_890 = arith.maximumf %add3A_887, %max3A_889 : vector<512x64xf32>
    %get3A_891 = arith.constant 0 : index
    %get3A_892 = arith.constant 0 : index
    %get3A_893 = vector.load %arg8[%get3A_891, %get3A_892] : memref<64x64xf32, #tpu.memory_space<vmem>>, vector<64x64xf32>
    %dot_general3A_894 = arith.constant dense<0.000000e+00> : vector<512x64xf32>
    %dot_general3A_895 = tpu.matmul %max3A_883, %get3A_893, %dot_general3A_894 {dimension_numbers = #tpu.dot_dimension_numbers<[1], [0], [0], [1], [0, 0, 1, 1], [], []>, transpose_lhs_hint = false} : vector<512x64xf32>, vector<64x64xf32>, vector<512x64xf32> -> vector<512x64xf32>
    %get3A_896 = arith.constant 0 : index
    %get3A_897 = arith.constant 0 : index
    %get3A_898 = vector.load %arg9[%get3A_896, %get3A_897] : memref<64x64xf32, #tpu.memory_space<vmem>>, vector<64x64xf32>
    %dot_general3A_899 = arith.constant dense<0.000000e+00> : vector<512x64xf32>
    %dot_general3A_900 = tpu.matmul %max3A_890, %get3A_898, %dot_general3A_899 {dimension_numbers = #tpu.dot_dimension_numbers<[1], [0], [0], [1], [0, 0, 1, 1], [], []>, transpose_lhs_hint = false} : vector<512x64xf32>, vector<64x64xf32>, vector<512x64xf32> -> vector<512x64xf32>
    %add3A_901 = arith.addf %dot_general3A_895, %dot_general3A_900 : vector<512x64xf32>
    %mul3A_902 = vector.broadcast %get3A_28 : vector<1x64xf32> to vector<512x64xf32>
    %mul3A_903 = arith.mulf %add3A_901, %mul3A_902 : vector<512x64xf32>
    %add3A_904 = vector.broadcast %get3A_31 : vector<1x64xf32> to vector<512x64xf32>
    %add3A_905 = arith.addf %mul3A_903, %add3A_904 : vector<512x64xf32>
    %max3A_906 = arith.constant 0.000000e+00 : f32
    %max3A_907 = vector.broadcast %max3A_906 : f32 to vector<512x64xf32>
    %max3A_908 = arith.maximumf %add3A_905, %max3A_907 : vector<512x64xf32>
    %max3A_909 = arith.maximumf %max3A_854, %max3A_908 : vector<512x64xf32>
    %swap3A = arith.constant 0 : index
    %swap3A_910 = arith.constant 0 : index
    %swap3A_911 = vector.load %arg11[%swap3A, %swap3A_910] : memref<512x64xf32, #tpu.memory_space<vmem>>, vector<512x64xf32>
    tpu.vector_store %arg11[%swap3A, %swap3A_910], %max3A_909 {strides = array<i32>} : memref<512x64xf32, #tpu.memory_space<vmem>>, vector<512x64xf32>,
    return
  }
  func.func @transform_0(%arg0: i32) -> (i32, i32, i32) {
    %c0_i32 = arith.constant 0 : i32
    %c0_i32_0 = arith.constant 0 : i32
    %c0_i32_1 = arith.constant 0 : i32
    return %c0_i32, %arg0, %c0_i32_0 : i32, i32, i32
  }
  func.func @transform_1(%arg0: i32) -> (i32, i32) {
    %c0_i32 = arith.constant 0 : i32
    %c0_i32_0 = arith.constant 0 : i32
    return %arg0, %c0_i32 : i32, i32
  }
  func.func @transform_2(%arg0: i32) -> (i32, i32) {
    %c0_i32 = arith.constant 0 : i32
    %c0_i32_0 = arith.constant 0 : i32
    return %arg0, %c0_i32 : i32, i32
  }
  func.func @transform_3(%arg0: i32) -> (i32, i32) {
    %c0_i32 = arith.constant 0 : i32
    %c0_i32_0 = arith.constant 0 : i32
    %c0_i32_1 = arith.constant 0 : i32
    return %c0_i32, %c0_i32_0 : i32, i32
  }
  func.func @transform_4(%arg0: i32) -> (i32, i32) {
    %c0_i32 = arith.constant 0 : i32
    %c0_i32_0 = arith.constant 0 : i32
    %c0_i32_1 = arith.constant 0 : i32
    return %c0_i32, %c0_i32_0 : i32, i32
  }
  func.func @transform_5(%arg0: i32) -> (i32, i32) {
    %c0_i32 = arith.constant 0 : i32
    %c0_i32_0 = arith.constant 0 : i32
    %c0_i32_1 = arith.constant 0 : i32
    return %c0_i32, %c0_i32_0 : i32, i32
  }
  func.func @transform_6(%arg0: i32) -> (i32, i32) {
    %c0_i32 = arith.constant 0 : i32
    %c0_i32_0 = arith.constant 0 : i32
    %c0_i32_1 = arith.constant 0 : i32
    return %c0_i32, %c0_i32_0 : i32, i32
  }
  func.func @transform_7(%arg0: i32) -> (i32, i32) {
    %c0_i32 = arith.constant 0 : i32
    %c0_i32_0 = arith.constant 0 : i32
    %c0_i32_1 = arith.constant 0 : i32
    return %c0_i32, %c0_i32_0 : i32, i32
  }
  func.func @transform_8(%arg0: i32) -> (i32, i32) {
    %c0_i32 = arith.constant 0 : i32
    %c0_i32_0 = arith.constant 0 : i32
    %c0_i32_1 = arith.constant 0 : i32
    return %c0_i32, %c0_i32_0 : i32, i32
  }
  func.func @transform_9(%arg0: i32) -> (i32, i32) {
    %c0_i32 = arith.constant 0 : i32
    %c0_i32_0 = arith.constant 0 : i32
    %c0_i32_1 = arith.constant 0 : i32
    return %c0_i32, %c0_i32_0 : i32, i32
  }
  func.func @transform_10(%arg0: i32) -> (i32, i32) {
    %c0_i32 = arith.constant 0 : i32
    %c0_i32_0 = arith.constant 0 : i32
    return %arg0, %c0_i32 : i32, i32
  }
}

</mosaic_0001>

<sc_bundles>
// kernel: kernel.7.cloned.1.call-start
scs
__scs_entry_jumppad:
0x0: {  	(pc) =	sbr.rel $0x88, $3  }
0x1: {  	(tag) =	ssettag $0x0;
	lr =	simm.s32 $0x1  }
0x2: {  	[smem:$0x3F96] =	sst lr;
	_ =	strace $0xD0000000  }
0x3: {  	_ = 	snop  }
0x4: {  	_ = 	snop  }
0x5: {  	_ = 	snop  }
0x6: {  	_ = 	snop  }
0x7: {  	_ = 	snop  }
__scs_overlays_trampoline_lowered:
0x8: {  	[smem:$0x3FA5] =	sst s0  }
0x9: {  	[smem:$0x3FA6] =	sst s1  }
0xa: {  	[smem:$0x3FA7] =	sst s2  }
0xb: {  	[smem:$0x3FA8] =	sst s3  }
0xc: {  	[smem:$0x3FA9] =	sst s4  }
0xd: {  	[smem:$0x3FAA] =	sst s5  }
0xe: {  	[smem:$0x3FAB] =	sst s6  }
0xf: {  	[smem:$0x3FAC] =	sst s7  }
0x10: {  	[smem:$0x3FAD] =	sst s8  }
0x11: {  	[smem:$0x3FAE] =	sst s9;
	s0 =	simm.s32 @!p0 $0x0  }
0x12: {  	s1 =	sld [smem:$0x3F94];
	s0 =	simm.s32 @p0 $0x1  }
0x13: {  	[smem:$0x3FAF] =	sst s0;
	s0 =	simm.s32 @!p1 $0x0  }
0x14: {  	s2 =	sld [smem:$0x3F93];
	s0 =	simm.s32 @p1 $0x1  }
0x15: {  	[smem:$0x3FB0] =	sst s0;
	s0 =	simm.s32 @!p2 $0x0  }
0x16: {  	s3 =	sld [smem:$0x3FDB];
	s0 =	simm.s32 @p2 $0x1  }
0x17: {  	s4 =	simm.s32 $0x1BF5;
	[smem:$0x3FB2] =	sst s0  }
0x18: {  	s0 =	sld [smem:$0x3F95];
	_ =	swait.ge [sflag:s4], $0x0  }
0x19: {  	s7 =	sld [smem:$0x3F96]  }
0x1a: {  	s8 =	sadd.s32 $0xFFFFE003, lr  }
0x1b: {  	s9 =	sadd.s32 $0xFFFFFEF7, lr;
	s5 =	simm.s32 $0xFFFFFFFF;
	p2 =	slt.u32 s8, $0xFFFFF086  }
0x1c: {  	p1 =	slt.u32 s9, $0xF7A;
	s5 =	simm.s32 @!p2 $0x0  }
0x1d: {  	s5 =	simm.s32 @p1 $0x1;
	p0 =	seq.s32 s7, s2  }
0x1e: {  	s7 =	smul.u32 @!p0 $0xF7A, s2;
	p2 =	seq.s32 @!p0 s5, $0x0  }
0x1f: {  	s9 =	smul.u32 $0xF7A, s1;
	s8 =	simm.s32 @!p0 $0x1BF5;
	p2 =	por !p2, p0  }
0x20: {  	[sflag:s8] =	ssyncset.s32 @!p0 $0xFFFFF086;
	s6 =	sadd.s32 @!p0 s3, s7;
	s7 =	simm.s32 @!p0 $0x108  }
0x21: {  	s3 =	sadd.s32 s3, s9;
	s6 =	sadd.s32 @!p0 $0x88, s6;
	s7 =	simm.s32 @p2 $0x1082  }
0x22: {  	[simem:s7], [sflag:s8] =	dma.local @!p0 [hbm:s6], $0xF7A  }
0x23: {  	s9 =	sor.u32 $0xD0000000, s2;
	s6 =	simm.s32 $0x108;
	_ =	swait.ge @!p0 [sflag:s8], $0x0  }
0x24: {  	s3 =	sadd.s32 $0x88, s3;
	s6 =	simm.s32 @!p1 $0x1082;
	[sflag:s4] =	ssyncset.s32 $0xFFFFF086  }
0x25: {  	[simem:s6], [sflag:s4] =	dma.local [hbm:s3], $0xF7A  }
0x26: {  	[smem:$0x3F96] =	sst s1;
	(tag) =	ssettag s2;
	_ =	strace s9  }
0x27: {  	s1 =	sld [smem:$0x3FA6]  }
0x28: {  	s2 =	sld [smem:$0x3FA7]  }
0x29: {  	s4 =	sld [smem:$0x3FA9]  }
0x2a: {  	p0 =	seq.s32 s5, $0x0;
	s5 =	sld [smem:$0x3FAA]  }
0x2b: {  	s6 =	sld [smem:$0x3FAB]  }
0x2c: {  	s7 =	sld [smem:$0x3FAC]  }
0x2d: {  	s3 =	simm.s32 $0x108;
	s8 =	sld [smem:$0x3FAD]  }
0x2e: {  	s3 =	simm.s32 @!p0 $0x1082;
	s9 =	sld [smem:$0x3FAE]  }
0x2f: {  	lr =	sadd.s32 s0, s3;
	s0 =	sld [smem:$0x3FA5]  }
0x30: {  	s3 =	sld [smem:$0x3FA8]  }
0x31: {  	[smem:$0x3FB1] =	sst s10  }
0x32: {  	s10 =	sld [smem:$0x3FAF];
	_ =	sdelay $0x3  }
0x33: {  	p0 =	seq.s32 s10, $0x1;
	s10 =	sld [smem:$0x3FB1];
	_ =	sdelay $0x3  }
0x34: {  	[smem:$0x3FB1] =	sst s10  }
0x35: {  	s10 =	sld [smem:$0x3FB0];
	_ =	sdelay $0x3  }
0x36: {  	p1 =	seq.s32 s10, $0x1;
	s10 =	sld [smem:$0x3FB1];
	_ =	sdelay $0x3  }
0x37: {  	[smem:$0x3FB1] =	sst s10  }
0x38: {  	s10 =	sld [smem:$0x3FB2]  }
0x39: {  	_ = 	snop;
	(pc) =	sbr.ind lr, $3  }
0x3a: {  	_ = 	snop  }
0x3b: {  	_ = 	snop  }
0x3c: {  	p2 =	seq.s32 s10, $0x1;
	s10 =	sld [smem:$0x3FB1]  }
0x3d: {  	_ =	shalt  }
0x3e: {  	_ =	shalt  }
0x3f: {  	_ =	shalt  }
0x40: {  	_ =	shalt  }
0x41: {  	_ =	shalt  }
0x42: {  	_ =	shalt  }
0x43: {  	_ =	shalt  }
0x44: {  	_ =	shalt  }
0x45: {  	_ =	shalt  }
0x46: {  	_ =	shalt  }
0x47: {  	_ =	shalt  }
0x48: {  	_ =	shalt  }
0x49: {  	_ =	shalt  }
0x4a: {  	_ =	shalt  }
0x4b: {  	_ =	shalt  }
0x4c: {  	_ =	shalt  }
0x4d: {  	_ =	shalt  }
0x4e: {  	_ =	shalt  }
0x4f: {  	_ =	shalt  }
0x50: {  	_ =	shalt  }
0x51: {  	_ =	shalt  }
0x52: {  	_ =	shalt  }
0x53: {  	_ =	shalt  }
0x54: {  	_ =	shalt  }
0x55: {  	_ =	shalt  }
0x56: {  	_ =	shalt  }
0x57: {  	_ =	shalt  }
0x58: {  	_ =	shalt  }
0x59: {  	_ =	shalt  }
0x5a: {  	_ =	shalt  }
0x5b: {  	_ =	shalt  }
0x5c: {  	_ =	shalt  }
0x5d: {  	_ =	shalt  }
0x5e: {  	_ =	shalt  }
0x5f: {  	_ =	shalt  }
0x60: {  	_ =	shalt  }
0x61: {  	_ =	shalt  }
0x62: {  	_ =	shalt  }
0x63: {  	_ =	shalt  }
0x64: {  	_ =	shalt  }
0x65: {  	_ =	shalt  }
0x66: {  	_ =	shalt  }
0x67: {  	_ =	shalt  }
0x68: {  	_ =	shalt  }
0x69: {  	_ =	shalt  }
0x6a: {  	_ =	shalt  }
0x6b: {  	_ =	shalt  }
0x6c: {  	_ =	shalt  }
0x6d: {  	_ =	shalt  }
0x6e: {  	_ =	shalt  }
0x6f: {  	_ =	shalt  }
0x70: {  	_ =	shalt  }
0x71: {  	_ =	shalt  }
0x72: {  	_ =	shalt  }
0x73: {  	_ =	shalt  }
0x74: {  	_ =	shalt  }
0x75: {  	_ =	shalt  }
0x76: {  	_ =	shalt  }
0x77: {  	_ =	shalt  }
0x78: {  	_ =	shalt  }
0x79: {  	_ =	shalt  }
0x7a: {  	_ =	shalt  }
0x7b: {  	_ =	shalt  }
0x7c: {  	_ =	shalt  }
0x7d: {  	_ =	shalt  }
0x7e: {  	_ =	shalt  }
0x7f: {  	_ =	shalt  }
0x80: {  	_ =	shalt  }
0x81: {  	_ =	shalt  }
0x82: {  	_ =	shalt  }
0x83: {  	_ =	shalt  }
0x84: {  	_ =	shalt  }
0x85: {  	_ =	shalt  }
0x86: {  	_ =	shalt  }
0x87: {  	_ =	shalt  }
.Lfunc_end0:
.L_simem_size_0:
called_computation_lowered:
.L_overlay_start_0:
0x88: {  	s2 =	sld [smem:$0x3FD9]  }
0x89: {  	s3 =	sld [smem:$0x3FFE];
	_ =	sdelay $0x1  }
0x8a: {  	s1 =	srdreg.scid  }
0x8b: {  	s0 =	sand.u32 $0x1, s1  }
0x8c: {  	s17 =	sshll.u32 s0, $0xA;
	s2 =	sadd.s32 s3, s2  }
0x8d: {  	s2 =	sadd.s32 s2, s17  }
0x8e: {  	[smem:$0x3FBD] =	sst s2  }
0x8f: {  	_ = 	snop  }
0x90: {  	s2 =	sld [smem:$0x3FD0];
	(tm) =	ssettm $0x1  }
0x91: {  	s18 =	sld [smem:$0x3FFB];
	_ =	sdelay $0x3  }
0x92: {  	_ =	strace s18  }
0x93: {  	s3 =	sld [smem:$0x3FFC];
	_ =	sdelay $0x3  }
0x94: {  	_ =	strace s3  }
0x95: {  	s3 =	sld [smem:$0x3FFD];
	_ =	sdelay $0x3  }
0x96: {  	_ =	strace s3  }
0x97: {  	_ =	strace $0x8FFFFFFF  }
0x98: {  	s19 =	sld [smem:$0x3FDB];
	_ =	sdelay $0x1  }
0x99: {  	s4 =	simm.s32 $_scs_section_size  }
0x9a: {  	s5 =	simm.s32 $_size__tile_overlayer_lowered;
	s6 =	simm.s32 $_tile_overlayer_lowered  }
0x9b: {  	s22 =	simm.s32 $0x1BFF;
	s21 =	sshll.u32 s6, $0x1;
	s3 =	sadd.s32 s4, s19  }
0x9c: {  	s7 =	simm.s32 $0x0;
	s20 =	sshll.u32 s5, $0x1;
	s5 =	sadd.s32 s21, s3  }
0x9d: {  	[timem:s7], [sflag:s22] =	dma.local [hbm:s5], s20  }
0x9e: {  	_ =	swait.ge [sflag:s22], s20  }
0x9f: {  	s4 =	ssub.s32 $0x0, s20;
	[sflag:s22] =	ssyncset.done $0x0  }
0xa0: {  	[sflag:s22] =	ssyncadd.s32 s4;
	_ =	sdelay $0x1  }
0xa1: {  	s23 =	simm.s32 $0x1B8B  }
0xa2: {  	_ =	swait.ge [sflag:s23], $0x1  }
0xa3: {  	[sflag:s23] =	ssyncset.done $0x0  }
0xa4: {  	s25 =	simm.s32 $0x1B8E;
	s24 =	sld [smem:$0x3FFE];
	[sflag:s23] =	ssyncadd.s32 $0xFFFFFFFF  }
0xa5: {  	s26 =	simm.s32 $execute0_lowered;
	[smem:$0x3FD2] =	sst s25  }
0xa6: {  	s5 =	sshll.u32 s26, $0x1;
	_ =	strace $0x80000046;
	[dreg:$0x1] =	wrdreg $0xFFFFFFFF  }
0xa7: {  	s28 =	simm.s32 $_size_execute0_lowered;
	s3 =	sadd.s32 s3, s5;
	[dreg:$0x0] =	wrdreg $0x0  }
0xa8: {  	s5 =	sshll.u32 s28, $0x1;
	[dreg:$0x2] =	wrdreg s3  }
0xa9: {  	[dreg:$0x3] =	wrdreg s5  }
0xaa: {  	[dreg:$0x4] =	wrdreg $0xC0  }
0xab: {  	_ =	task [dreg:s7], $0x5FFFF  }
0xac: {  	[dreg:$0x1] =	wrdreg $0xFFFFFFFF  }
0xad: {  	[dreg:$0x0] =	wrdreg $0x60  }
0xae: {  	[dreg:$0x2] =	wrdreg s2  }
0xaf: {  	[dreg:$0x3] =	wrdreg s24  }
0xb0: {  	[dreg:$0x4] =	wrdreg $0x9  }
0xb1: {  	_ =	task.clear_ibuf [dreg:s7], $0x5FFFF;
	_ =	strace $0x90000046  }
0xb2: {  	s29 =	simm.s32 $0x9;
	_ =	strace $0x80000048  }
0xb3: {  	_ =	swait.ge [sflag:s29], $0x1  }
0xb4: {  	[sflag:s29] =	ssyncadd.s32 $0xFFFFFFFF  }
0xb5: {  	_ =	strace $0x90000048  }
0xb6: {  	_ =	sfence  }
0xb7: {  	s30 =	sld [smem:$0x0];
	_ =	sdelay $0x2  }
0xb8: {  	s31 =	sshll.u32 s1, $0xD;
	s1 =	sshrl.u32 s1, $0x2  }
0xb9: {  	s3 =	sand.u32 $0x4000, s31;
	s1 =	sadd.s32 s1, s30  }
0xba: {  	s0 =	sor.u32 s3, s0;
	s1 =	sshll.u32 s1, $0x11  }
0xbb: {  	s0 =	sor.u32 s1, s0  }
0xbc: {  	s0 =	sadd.s32 $0x8F2B, s0  }
0xbd: {  	[sflag:s0] =	ssyncadd.remote.s32 $0x1  }
0xbe: {  	_ =	sfence.sel $0xFFFF  }
0xbf: {  	[dreg:$0x0] =	wrdreg $0xFFFFFFFF;
	(pc) =	sbr.abs _section_cstart, $3  }
0xc0: {  	[dreg:$0x1] =	wrdreg $0xFFFFFFFF  }
0xc1: {  	_ =	task.clear_ibuf [dreg:s7], $0x2FFFF;
	_ =	strace $0x9FFFFFFF  }
0xc2: {  	(tm) =	ssettm $0x7FFFFFFF  }
0xc3: {  	_ =	shalt  }
tec
execute0_lowered:
.L_overlay_start_1:
0x0: {  	(tag) =	ssettag $0x1  }
0x1: {  	s2 =	rddreg [dreg:$0x0]  }
0x2: {  	s0 =	rddreg [dreg:$0x1];
	s1 =	srdreg.scid  }
0x3: {  	s17 =	stileid.u32;
	s3 =	simm.s32 $0x0;
	s18 =	simm.s32 $0x5  }
0x4: {  	s19 =	simm.s32 $0x80;
	s20 =	simm.s32 $0x200;
	s21 =	simm.s32 $0x1A00  }
0x5: {  	s22 =	simm.s32 $0x100;
	s23 =	simm.s32 $0x3200;
	s24 =	simm.s32 $0x180  }
0x6: {  	s28 =	simm.s32 $0x2;
	s29 =	simm.s32 $0x3;
	s30 =	simm.s32 $0x4  }
0x7: {  	s31 =	simm.s32 $0x0;
	s1 =	sand.u32 $0x1, s1;
	s4 =	sshll.u32 s17, $0xE  }
0x8: {  	[smem:$0x7FF] =	sst s3;
	s16 =	sadd.s32 $0x83600, s0;
	s0 =	sadd.s32 $0x8B600, s0  }
0x9: {  	s17 =	smul.u32 $0x18000, s17;
	s5 =	sshll.u32 s1, $0xD;
	_ =	strace $0x80000047  }
0xa: {  	s7 =	ssub.s32 $0x2, s1;
	s1 =	smul.u32 $0xC000, s1;
	s5 =	sor.u32 s5, s4  }
0xb: {  	s8 =	sshrl.u32 s7, $0x1;
	s6 =	smul.u32 $0x30, s5;
	s4 =	sshrl.u32 s5, $0x3  }
0xc: {  	s12 =	ssub.s32 s7, s8;
	s13 =	sor.u32 $0x380, s5;
	s14 =	sor.u32 $0x300, s5  }
0xd: {  	s15 =	sor.u32 $0x280, s5;
	s5 =	sor.u32 $0x200, s5;
	s4 =	sadd.s32 s16, s4  }
0xe: {  	s13 =	sshrl.u32 s13, $0x3;
	s12 =	smax.u32 s12, $0x1;
	s14 =	sshrl.u32 s14, $0x3  }
0xf: {  	s15 =	sshrl.u32 s15, $0x3;
	s5 =	sshrl.u32 s5, $0x3;
	s6 =	sshrl.u32 s6, $0x3  }
0x10: {  	s25 =	sadd.s32 $0x10, s4;
	s26 =	sadd.s32 $0x20, s4;
	s7 =	sadd.s32 $0x30, s4  }
0x11: {  	s13 =	sadd.s32 s13, s16;
	s14 =	sadd.s32 s14, s16;
	s15 =	sadd.s32 s15, s16  }
0x12: {  	s16 =	sadd.s32 s5, s16;
	[dreg:$0x3] =	wrdreg s25;
	s11 =	sadd.s32 s0, s6  }
0x13: {  	[dreg:$0x4] =	wrdreg s26;
	s0 =	sadd.s32 s17, s0;
	s25 =	simm.s32 $0x4A00  }
0x14: {  	s26 =	simm.s32 $0x1;
	s8 =	sadd.s32 $0xB400, s11;
	s9 =	sadd.s32 $0xB700, s11  }
0x15: {  	s10 =	sadd.s32 $0xBA00, s11;
	s11 =	sadd.s32 $0xBD00, s11;
	s17 =	sadd.s32 s1, s0  }
.LBB2_1:
0x16: {  	[tilespmem:s3], [sflag:$0x5] =	stream.linear.gather [hbm4b:s4+s3], $0x80, $0x38;
	[tilespmem:$0x6200] =	vst v63  }
0x17: {  	_ =	swait.ge [sflag:s18], $0x80  }
0x18: {  	[sflag:s18] =	ssyncset.done $0x0  }
0x19: {  	[sflag:s18] =	ssyncadd.s32 $0xFFFFFF80  }
0x1a: {  	[tilespmem:s20], [sflag:$0x1] =	stream.indirect.gather [hbm4b:s2+s19], $0x30, s3, s19, $0xb8;
	[tilespmem:$0x6200] =	vst v63  }
0x1b: {  	s0 =	rddreg [dreg:$0x3]  }
0x1c: {  	[tilespmem:s19], [sflag:$0x5] =	stream.linear.gather [hbm4b:s0+s3], $0x80, $0x38;
	[tilespmem:$0x6200] =	vst v63  }
0x1d: {  	_ =	swait.ge [sflag:s18], $0x80  }
0x1e: {  	[sflag:s18] =	ssyncset.done $0x0  }
0x1f: {  	[sflag:s18] =	ssyncadd.s32 $0xFFFFFF80  }
0x20: {  	[tilespmem:s21], [sflag:$0x2] =	stream.indirect.gather [hbm4b:s2+s19], $0x30, s19, s19, $0xb8;
	[tilespmem:$0x6200] =	vst v63  }
0x21: {  	s5 =	rddreg [dreg:$0x4]  }
0x22: {  	[tilespmem:s22], [sflag:$0x5] =	stream.linear.gather [hbm4b:s5+s3], $0x80, $0x38;
	[tilespmem:$0x6200] =	vst v63  }
0x23: {  	_ =	swait.ge [sflag:s18], $0x80  }
0x24: {  	[sflag:s18] =	ssyncset.done $0x0  }
0x25: {  	[sflag:s18] =	ssyncadd.s32 $0xFFFFFF80  }
0x26: {  	[tilespmem:s23], [sflag:$0x3] =	stream.indirect.gather [hbm4b:s2+s19], $0x30, s22, s19, $0xb8;
	[tilespmem:$0x6200] =	vst v63  }
0x27: {  	_ = 	snop  }
0x28: {  	[tilespmem:s24], [sflag:$0x5] =	stream.linear.gather [hbm4b:s7+s3], $0x80, $0x38;
	[tilespmem:$0x6200] =	vst v63  }
0x29: {  	_ =	swait.ge [sflag:s18], $0x80  }
0x2a: {  	[sflag:s18] =	ssyncset.done $0x0  }
0x2b: {  	[sflag:s18] =	ssyncadd.s32 $0xFFFFFF80  }
0x2c: {  	[tilespmem:s25], [sflag:$0x4] =	stream.indirect.gather [hbm4b:s2+s19], $0x30, s24, s19, $0xb8;
	[tilespmem:$0x6200] =	vst v63  }
0x2d: {  	_ =	swait.ge [sflag:s26], $0x1800  }
0x2e: {  	[sflag:s26] =	ssyncset.done $0x0  }
0x2f: {  	[sflag:s26] =	ssyncadd.s32 $0xFFFFE800  }
0x30: {  	[hbm4b:s17+s3] =	stream.linear.scatter [tilespmem:s20], [sflag:$0x5], $0x1800, $0x38;
	[tilespmem:$0x6200] =	vst v63  }
0x31: {  	_ =	swait.ge [sflag:s18], $0x1800  }
0x32: {  	[sflag:s18] =	ssyncset.done $0x0  }
0x33: {  	s6 =	sadd.s32 $0x0, s16;
	[sflag:s18] =	ssyncadd.s32 $0xFFFFE800  }
0x34: {  	[tilespmem:s3], [sflag:$0x5] =	stream.linear.gather [hbm4b:s6+s3], $0x80, $0x38;
	[tilespmem:$0x6200] =	vst v63  }
0x35: {  	_ =	swait.ge [sflag:s18], $0x80  }
0x36: {  	[sflag:s18] =	ssyncset.done $0x0  }
0x37: {  	[sflag:s18] =	ssyncadd.s32 $0xFFFFFF80  }
0x38: {  	[tilespmem:s20], [sflag:$0x1] =	stream.indirect.gather [hbm4b:s2+s19], $0x30, s3, s19, $0xb8;
	[tilespmem:$0x6200] =	vst v63  }
0x39: {  	_ =	swait.ge [sflag:s28], $0x1800  }
0x3a: {  	[sflag:s28] =	ssyncset.done $0x0  }
0x3b: {  	s1 =	sadd.s32 $0x300, s17;
	[sflag:s28] =	ssyncadd.s32 $0xFFFFE800  }
0x3c: {  	[hbm4b:s1+s3] =	stream.linear.scatter [tilespmem:s21], [sflag:$0x5], $0x1800, $0x38;
	[tilespmem:$0x6200] =	vst v63  }
0x3d: {  	_ =	swait.ge [sflag:s18], $0x1800  }
0x3e: {  	[sflag:s18] =	ssyncset.done $0x0  }
0x3f: {  	s5 =	sadd.s32 $0x0, s15;
	[sflag:s18] =	ssyncadd.s32 $0xFFFFE800  }
0x40: {  	[tilespmem:s19], [sflag:$0x5] =	stream.linear.gather [hbm4b:s5+s3], $0x80, $0x38;
	[tilespmem:$0x6200] =	vst v63  }
0x41: {  	_ =	swait.ge [sflag:s18], $0x80  }
0x42: {  	[sflag:s18] =	ssyncset.done $0x0  }
0x43: {  	[sflag:s18] =	ssyncadd.s32 $0xFFFFFF80  }
0x44: {  	[tilespmem:s21], [sflag:$0x2] =	stream.indirect.gather [hbm4b:s2+s19], $0x30, s19, s19, $0xb8;
	[tilespmem:$0x6200] =	vst v63  }
0x45: {  	_ =	swait.ge [sflag:s29], $0x1800  }
0x46: {  	[sflag:s29] =	ssyncset.done $0x0  }
0x47: {  	s6 =	sadd.s32 $0x600, s17;
	[sflag:s29] =	ssyncadd.s32 $0xFFFFE800  }
0x48: {  	[hbm4b:s6+s3] =	stream.linear.scatter [tilespmem:s23], [sflag:$0x5], $0x1800, $0x38;
	[tilespmem:$0x6200] =	vst v63  }
0x49: {  	_ =	swait.ge [sflag:s18], $0x1800  }
0x4a: {  	[sflag:s18] =	ssyncset.done $0x0  }
0x4b: {  	s1 =	sadd.s32 $0x0, s14;
	[sflag:s18] =	ssyncadd.s32 $0xFFFFE800  }
0x4c: {  	[tilespmem:s22], [sflag:$0x5] =	stream.linear.gather [hbm4b:s1+s3], $0x80, $0x38;
	[tilespmem:$0x6200] =	vst v63  }
0x4d: {  	_ =	swait.ge [sflag:s18], $0x80  }
0x4e: {  	[sflag:s18] =	ssyncset.done $0x0  }
0x4f: {  	[sflag:s18] =	ssyncadd.s32 $0xFFFFFF80  }
0x50: {  	[tilespmem:s23], [sflag:$0x3] =	stream.indirect.gather [hbm4b:s2+s19], $0x30, s22, s19, $0xb8;
	[tilespmem:$0x6200] =	vst v63  }
0x51: {  	_ =	swait.ge [sflag:s30], $0x1800  }
0x52: {  	[sflag:s30] =	ssyncset.done $0x0  }
0x53: {  	s5 =	sadd.s32 $0x900, s17;
	[sflag:s30] =	ssyncadd.s32 $0xFFFFE800  }
0x54: {  	[hbm4b:s5+s3] =	stream.linear.scatter [tilespmem:s25], [sflag:$0x5], $0x1800, $0x38;
	[tilespmem:$0x6200] =	vst v63  }
0x55: {  	_ =	swait.ge [sflag:s18], $0x1800  }
0x56: {  	[sflag:s18] =	ssyncset.done $0x0  }
0x57: {  	s6 =	sadd.s32 $0x0, s13;
	[sflag:s18] =	ssyncadd.s32 $0xFFFFE800  }
0x58: {  	[tilespmem:s24], [sflag:$0x5] =	stream.linear.gather [hbm4b:s6+s3], $0x80, $0x38;
	[tilespmem:$0x6200] =	vst v63  }
0x59: {  	_ =	swait.ge [sflag:s18], $0x80  }
0x5a: {  	[sflag:s18] =	ssyncset.done $0x0  }
0x5b: {  	s0 =	simm.s32 $0x40;
	s1 =	sadd.s32 $0xC00, s17;
	[sflag:s18] =	ssyncadd.s32 $0xFFFFFF80  }
.LBB2_2:
0x5c: {  	[tilespmem:s25], [sflag:$0x4] =	stream.indirect.gather [hbm4b:s2+s19], $0x30, s24, s19, $0xb8;
	[tilespmem:$0x6200] =	vst v63  }
0x5d: {  	s5 =	smov.u32 s0  }
0x5e: {  	p0 =	sne.s32 s0, $0x380;
	s0 =	sadd.s32 $0x40, s0;
	_ =	swait.ge [sflag:s26], $0x1800  }
0x5f: {  	[sflag:s26] =	ssyncset.done $0x0  }
0x60: {  	[sflag:s26] =	ssyncadd.s32 $0xFFFFE800  }
0x61: {  	[hbm4b:s1+s3] =	stream.linear.scatter [tilespmem:s20], [sflag:$0x5], $0x1800, $0x38;
	[tilespmem:$0x6200] =	vst v63  }
0x62: {  	_ =	swait.ge [sflag:s18], $0x1800  }
0x63: {  	[sflag:s18] =	ssyncset.done $0x0  }
0x64: {  	s6 =	sadd.s32 s5, s16;
	[sflag:s18] =	ssyncadd.s32 $0xFFFFE800  }
0x65: {  	[tilespmem:s3], [sflag:$0x5] =	stream.linear.gather [hbm4b:s6+s3], $0x80, $0x38;
	[tilespmem:$0x6200] =	vst v63  }
0x66: {  	_ =	swait.ge [sflag:s18], $0x80  }
0x67: {  	[sflag:s18] =	ssyncset.done $0x0  }
0x68: {  	[sflag:s18] =	ssyncadd.s32 $0xFFFFFF80  }
0x69: {  	[tilespmem:s20], [sflag:$0x1] =	stream.indirect.gather [hbm4b:s2+s19], $0x30, s3, s19, $0xb8;
	[tilespmem:$0x6200] =	vst v63  }
0x6a: {  	_ =	swait.ge [sflag:s28], $0x1800  }
0x6b: {  	[sflag:s28] =	ssyncset.done $0x0  }
0x6c: {  	s6 =	sadd.s32 $0x300, s1;
	[sflag:s28] =	ssyncadd.s32 $0xFFFFE800  }
0x6d: {  	[hbm4b:s6+s3] =	stream.linear.scatter [tilespmem:s21], [sflag:$0x5], $0x1800, $0x38;
	[tilespmem:$0x6200] =	vst v63  }
0x6e: {  	_ =	swait.ge [sflag:s18], $0x1800  }
0x6f: {  	[sflag:s18] =	ssyncset.done $0x0  }
0x70: {  	s6 =	sadd.s32 s5, s15;
	[sflag:s18] =	ssyncadd.s32 $0xFFFFE800  }
0x71: {  	[tilespmem:s19], [sflag:$0x5] =	stream.linear.gather [hbm4b:s6+s3], $0x80, $0x38;
	[tilespmem:$0x6200] =	vst v63  }
0x72: {  	_ =	swait.ge [sflag:s18], $0x80  }
0x73: {  	[sflag:s18] =	ssyncset.done $0x0  }
0x74: {  	[sflag:s18] =	ssyncadd.s32 $0xFFFFFF80  }
0x75: {  	[tilespmem:s21], [sflag:$0x2] =	stream.indirect.gather [hbm4b:s2+s19], $0x30, s19, s19, $0xb8;
	[tilespmem:$0x6200] =	vst v63  }
0x76: {  	_ =	swait.ge [sflag:s29], $0x1800  }
0x77: {  	[sflag:s29] =	ssyncset.done $0x0  }
0x78: {  	s6 =	sadd.s32 $0x600, s1;
	[sflag:s29] =	ssyncadd.s32 $0xFFFFE800  }
0x79: {  	[hbm4b:s6+s3] =	stream.linear.scatter [tilespmem:s23], [sflag:$0x5], $0x1800, $0x38;
	[tilespmem:$0x6200] =	vst v63  }
0x7a: {  	_ =	swait.ge [sflag:s18], $0x1800  }
0x7b: {  	[sflag:s18] =	ssyncset.done $0x0  }
0x7c: {  	s6 =	sadd.s32 s5, s14;
	[sflag:s18] =	ssyncadd.s32 $0xFFFFE800  }
0x7d: {  	[tilespmem:s22], [sflag:$0x5] =	stream.linear.gather [hbm4b:s6+s3], $0x80, $0x38;
	[tilespmem:$0x6200] =	vst v63  }
0x7e: {  	_ =	swait.ge [sflag:s18], $0x80  }
0x7f: {  	[sflag:s18] =	ssyncset.done $0x0  }
0x80: {  	[sflag:s18] =	ssyncadd.s32 $0xFFFFFF80  }
0x81: {  	[tilespmem:s23], [sflag:$0x3] =	stream.indirect.gather [hbm4b:s2+s19], $0x30, s22, s19, $0xb8;
	[tilespmem:$0x6200] =	vst v63  }
0x82: {  	_ =	swait.ge [sflag:s30], $0x1800  }
0x83: {  	[sflag:s30] =	ssyncset.done $0x0  }
0x84: {  	s6 =	sadd.s32 $0x900, s1;
	[sflag:s30] =	ssyncadd.s32 $0xFFFFE800  }
0x85: {  	[hbm4b:s6+s3] =	stream.linear.scatter [tilespmem:s25], [sflag:$0x5], $0x1800, $0x38;
	[tilespmem:$0x6200] =	vst v63  }
0x86: {  	_ =	swait.ge [sflag:s18], $0x1800  }
0x87: {  	[sflag:s18] =	ssyncset.done $0x0  }
.Ltmp0:
0x88: {  	s5 =	sadd.s32 s5, s13;
	[sflag:s18] =	ssyncadd.s32 $0xFFFFE800;
	(pc) =	sbr.rel @p0 .LBB2_2-.Ltmp0, $4  }
0x89: {  	[tilespmem:s24], [sflag:$0x5] =	stream.linear.gather [hbm4b:s5+s3], $0x80, $0x38;
	[tilespmem:$0x6200] =	vst v63  }
0x8a: {  	_ =	swait.ge [sflag:s18], $0x80  }
0x8b: {  	[sflag:s18] =	ssyncset.done $0x0  }
0x8c: {  	s1 =	sadd.s32 $0xC00, s1;
	[sflag:s18] =	ssyncadd.s32 $0xFFFFFF80  }
0x8d: {  	[tilespmem:s25], [sflag:$0x4] =	stream.indirect.gather [hbm4b:s2+s19], $0x30, s24, s19, $0xb8;
	[tilespmem:$0x6200] =	vst v63  }
0x8e: {  	_ =	swait.ge [sflag:s26], $0x1800  }
0x8f: {  	[sflag:s26] =	ssyncset.done $0x0  }
0x90: {  	[sflag:s26] =	ssyncadd.s32 $0xFFFFE800  }
0x91: {  	[hbm4b:s8+s3] =	stream.linear.scatter [tilespmem:s20], [sflag:$0x5], $0x1800, $0x38;
	[tilespmem:$0x6200] =	vst v63  }
0x92: {  	_ =	swait.ge [sflag:s18], $0x1800  }
0x93: {  	[sflag:s18] =	ssyncset.done $0x0  }
0x94: {  	[sflag:s18] =	ssyncadd.s32 $0xFFFFE800  }
0x95: {  	_ =	swait.ge [sflag:s28], $0x1800  }
0x96: {  	[sflag:s28] =	ssyncset.done $0x0  }
0x97: {  	[sflag:s28] =	ssyncadd.s32 $0xFFFFE800  }
0x98: {  	[hbm4b:s9+s3] =	stream.linear.scatter [tilespmem:s21], [sflag:$0x5], $0x1800, $0x38;
	[tilespmem:$0x6200] =	vst v63  }
0x99: {  	_ =	swait.ge [sflag:s18], $0x1800  }
0x9a: {  	[sflag:s18] =	ssyncset.done $0x0  }
0x9b: {  	[sflag:s18] =	ssyncadd.s32 $0xFFFFE800  }
0x9c: {  	_ =	swait.ge [sflag:s29], $0x1800  }
0x9d: {  	[sflag:s29] =	ssyncset.done $0x0  }
0x9e: {  	[sflag:s29] =	ssyncadd.s32 $0xFFFFE800  }
0x9f: {  	[hbm4b:s10+s3] =	stream.linear.scatter [tilespmem:s23], [sflag:$0x5], $0x1800, $0x38;
	[tilespmem:$0x6200] =	vst v63  }
0xa0: {  	_ =	swait.ge [sflag:s18], $0x1800  }
0xa1: {  	[sflag:s18] =	ssyncset.done $0x0  }
0xa2: {  	[sflag:s18] =	ssyncadd.s32 $0xFFFFE800  }
0xa3: {  	s31 =	sadd.s32 $0x1, s31;
	_ =	swait.ge [sflag:s30], $0x1800  }
0xa4: {  	p0 =	sne.s32 s31, s12;
	[sflag:s30] =	ssyncset.done $0x0  }
.Ltmp1:
0xa5: {  	[sflag:s30] =	ssyncadd.s32 $0xFFFFE800;
	(pc) =	sbr.rel @p0 .LBB2_1-.Ltmp1, $4  }
0xa6: {  	[hbm4b:s11+s3] =	stream.linear.scatter [tilespmem:s25], [sflag:$0x5], $0x1800, $0x38;
	[tilespmem:$0x6200] =	vst v63  }
0xa7: {  	_ =	swait.ge [sflag:s18], $0x1800  }
0xa8: {  	[sflag:s18] =	ssyncset.done $0x0  }
0xa9: {  	[sflag:s18] =	ssyncadd.s32 $0xFFFFE800  }
0xaa: {  	_ =	sfence.sel $0x180000  }
0xab: {  	[bflag:$0x0] =	sbarrier.arrive $0xFFFF  }
0xac: {  	_ =	strace $0x90000047  }
0xad: {  	s0 =	stileid.u32;
	[bflag:$0x2] =	sbarrier.arrive $0xFFFF  }
0xae: {  	p0 =	sne.s32 s0, $0x0;
	s0 =	rddreg [dreg:$0x2]  }
0xaf: {  	s0 =	sadd.s32 @!p0 $0x100000, s0  }
0xb0: {  	[sflag:s0] =	ssyncadd.tile.s32 @!p0 $0x1;
	_ =	shalt  }
.Lfunc_end2:
_tile_overlayer_lowered:
.L_overlay_start_2:
0xb1: {  	(tag) =	ssettag $0x2  }
0xb2: {  	s0 =	rddreg [dreg:$0x0];
	s2 =	stileid.u32  }
0xb3: {  	s1 =	rddreg [dreg:$0x1];
	p0 =	sne.s32 s2, $0x0  }
0xb4: {  	s3 =	rddreg [dreg:$0x2];
	[bflag:$0x3] =	sbarrier.arrive $0xFFFF;
	s2 =	simm.s32 @!p0 $0x1C05  }
0xb5: {  	[timem:s3], [sflag:s2] =	dma.local @!p0 [hbm:s0], s1  }
0xb6: {  	s0 =	simm.s32 @!p0 $0x5  }
0xb7: {  	_ =	swait.ge @!p0 [sflag:s0], s1  }
0xb8: {  	s1 =	ssub.s32 @!p0 $0x0, s1;
	[sflag:s0] =	ssyncset.done @!p0 $0x0  }
0xb9: {  	[sflag:s0] =	ssyncadd.s32 @!p0 s1  }
0xba: {  	[bflag:$0x3] =	sbarrier.arrive $0xFFFF  }
0xbb: {  	_ =	shalt  }

</sc_bundles>
